<compile_context>
chip_gen: v7x
topology: tpu7x:2x2x1
jax: 0.10.2.dev20260603
libtpu: 0.0.44.dev20260713+nightly
codegen_flags: <defaults>
</compile_context>

<pallas_src>
import functools

import jax
import jax.numpy as jnp
from jax.experimental import pallas as pl
from jax.experimental.pallas import tpu as pltpu

B, N, G, K, ED = 32, 2048, 128, 32, 384
RT = 2048
NROW = B * G * K
NT = NROW // RT
NG = B * G
PR = NROW // 16
PT = 512
NT1 = PR // PT


def _fps_body(xt_ref, cen_ref, dists_ref):
    xx = xt_ref[0]
    yy = xt_ref[1]
    zz = xt_ref[2]
    cen_ref[...] = jnp.zeros((B, G, 8), jnp.float32)
    dists_ref[...] = jnp.full((B, N), 1e10, jnp.float32)
    iota = jax.lax.broadcasted_iota(jnp.int32, (B, N), 1)

    def body(i, far):
        m = iota == far
        cx = jnp.sum(jnp.where(m, xx, 0.0), axis=1, keepdims=True)
        cy = jnp.sum(jnp.where(m, yy, 0.0), axis=1, keepdims=True)
        cz = jnp.sum(jnp.where(m, zz, 0.0), axis=1, keepdims=True)
        cen_ref[:, pl.ds(i, 1), pl.ds(0, 1)] = cx[:, :, None]
        cen_ref[:, pl.ds(i, 1), pl.ds(1, 1)] = cy[:, :, None]
        cen_ref[:, pl.ds(i, 1), pl.ds(2, 1)] = cz[:, :, None]
        d = (xx - cx) ** 2 + (yy - cy) ** 2 + (zz - cz) ** 2
        nd = jnp.minimum(dists_ref[...], d)
        dists_ref[...] = nd
        mx = jnp.max(nd, axis=1, keepdims=True)
        far2 = jnp.min(jnp.where(nd == mx, iota, N), axis=1, keepdims=True)
        return far2

    jax.lax.fori_loop(0, G, body, jnp.zeros((B, 1), jnp.int32))


def _run_fps(xt):
    return pl.pallas_call(
        _fps_body,
        out_shape=jax.ShapeDtypeStruct((B, G, 8), jnp.float32),
        scratch_shapes=[pltpu.VMEM((B, N), jnp.float32)],
    )(xt)


def _knn_body(xt_ref, cen_ref, oidx_ref, d_ref):
    b = pl.program_id(0)
    x0 = xt_ref[0, pl.ds(0, 1), :]
    x1 = xt_ref[0, pl.ds(1, 1), :]
    x2 = xt_ref[0, pl.ds(2, 1), :]
    cen = cen_ref[0]
    c0 = cen[:, 0:1]
    c1 = cen[:, 1:2]
    c2 = cen[:, 2:3]
    d_ref[...] = (c0 - x0) ** 2 + (c1 - x1) ** 2 + (c2 - x2) ** 2
    iota = jax.lax.broadcasted_iota(jnp.int32, (G, N), 1)
    base = b * N
    for k in range(K):
        dd = d_ref[...]
        mn = jnp.min(dd, axis=1, keepdims=True)
        idx = jnp.min(jnp.where(dd == mn, iota, N), axis=1, keepdims=True)
        oidx_ref[0, :, pl.ds(k, 1)] = idx + base
        d_ref[...] = jnp.where(iota == idx, jnp.float32(1e30), dd)


def _run_knn(xbt, cen8):
    return pl.pallas_call(
        _knn_body,
        grid=(B,),
        in_specs=[
            pl.BlockSpec((1, 3, N), lambda b: (b, 0, 0)),
            pl.BlockSpec((1, G, 8), lambda b: (b, 0, 0)),
        ],
        out_specs=pl.BlockSpec((1, G, K), lambda b: (b, 0, 0)),
        out_shape=jax.ShapeDtypeStruct((B, G, K), jnp.int32),
        scratch_shapes=[pltpu.VMEM((G, N), jnp.float32)],
    )(xbt, cen8)


def _morton_body(ccol_ref, crow_ref, sidx_ref):
    b = pl.program_id(0)
    ccol = ccol_ref[0]
    crow = crow_ref[0]
    icol = jax.lax.broadcasted_iota(jnp.int32, (G, G), 0)
    jrow = jax.lax.broadcasted_iota(jnp.int32, (G, G), 1)
    cmp = (crow < ccol) | ((crow == ccol) & (jrow < icol))
    rank = jnp.sum(cmp.astype(jnp.int32), axis=1, keepdims=True)
    eq = (rank == jrow).astype(jnp.int32)
    ordv = jnp.sum(eq * icol, axis=0, keepdims=True)
    sidx_ref[0] = ordv + b * G


def _run_morton(cen8):
    center = cen8[:, :, :3]
    mn = center.min(axis=1, keepdims=True)
    mx = center.max(axis=1, keepdims=True)
    q = jnp.clip((center - mn) / (mx - mn + 1e-9) * 1023.0, 0, 1023)
    q = q.astype(jnp.int32)
    code = jnp.zeros((B, G), jnp.int32)
    for bit in range(10):
        for a in range(3):
            code = code | (((q[..., a] >> bit) & 1) << (3 * bit + a))
    return pl.pallas_call(
        _morton_body,
        grid=(B,),
        in_specs=[
            pl.BlockSpec((1, G, 1), lambda b: (b, 0, 0)),
            pl.BlockSpec((1, 1, G), lambda b: (b, 0, 0)),
        ],
        out_specs=pl.BlockSpec((1, 1, G), lambda b: (b, 0, 0)),
        out_shape=jax.ShapeDtypeStruct((B, 1, G), jnp.int32),
    )(code[:, :, None], code[:, None, :])




_SC_NC, _SC_NS = 2, 16
_SC_NW = _SC_NC * _SC_NS


def _sc_mesh():
    from jax.experimental.pallas import tpu_sc as plsc
    return plsc.VectorSubcoreMesh(core_axis_name="c", subcore_axis_name="s")


def _gather_rows8(table, idx2d):
    bw = NROW // _SC_NW
    nj = bw // 128
    ch = 4

    @functools.partial(
        pl.kernel,
        out_type=jax.ShapeDtypeStruct((NROW, 128), jnp.float32),
        mesh=_sc_mesh(),
        scratch_types=[
            pltpu.VMEM((nj, 128), jnp.int32),
            pltpu.VMEM((ch * 128, 128), jnp.float32),
            pltpu.SemaphoreType.DMA,
        ],
    )
    def k(table_hbm, idx_hbm, out_hbm, idx_v, rows_v, sem):
        wid = jax.lax.axis_index("s") * _SC_NC + jax.lax.axis_index("c")
        pltpu.sync_copy(idx_hbm.at[pl.ds(wid * nj, nj)], idx_v)
        for j0 in range(0, nj, ch):
            cps = []
            for u in range(ch):
                cps.append(pltpu.async_copy(
                    table_hbm.at[idx_v.at[j0 + u]],
                    rows_v.at[pl.ds(u * 128, 128)], sem))
            for cp in cps:
                cp.wait()
            pltpu.sync_copy(
                rows_v,
                out_hbm.at[pl.ds(wid * bw + j0 * 128, ch * 128)])

    return k(table, idx2d)


def _permute_rows(src, idx2d):
    bw = NG // _SC_NW

    @functools.partial(
        pl.kernel,
        out_type=jax.ShapeDtypeStruct((NG, ED), jnp.float32),
        mesh=_sc_mesh(),
        scratch_types=[
            pltpu.VMEM((1, 128), jnp.int32),
            pltpu.VMEM((bw, ED), jnp.float32),
            pltpu.SemaphoreType.DMA,
        ],
    )
    def k(src_hbm, idx_hbm, out_hbm, idx_v, rows_v, sem):
        wid = jax.lax.axis_index("s") * _SC_NC + jax.lax.axis_index("c")
        pltpu.sync_copy(idx_hbm.at[pl.ds(wid, 1)], idx_v)
        pltpu.async_copy(src_hbm.at[idx_v.at[0]], rows_v, sem).wait()
        pltpu.sync_copy(rows_v, out_hbm.at[pl.ds(wid * bw, bw)])

    return k(src, idx2d)



def _dot(a, b):
    return jax.lax.dot_general(
        a, b, (((1,), (1,)), ((), ())), preferred_element_type=jnp.float32)


def _l1a_body(nb_ref, cc_ref, w1_ref, b1_ref, s_ref, ss_ref):
    @pl.when(pl.program_id(0) == 0)
    def _():
        s_ref[...] = jnp.zeros((1, 256), jnp.float32)
        ss_ref[...] = jnp.zeros((1, 256), jnp.float32)

    cc = cc_ref[...]
    cce = jnp.broadcast_to(cc[:, None, :], (RT // K, K, 128))
    pg = (nb_ref[...] + cce.reshape(RT, 128)).astype(jnp.bfloat16)
    z1 = _dot(pg, w1_ref[...]) + b1_ref[...]
    s_ref[...] += jnp.sum(z1, axis=0, keepdims=True)
    ss_ref[...] += jnp.sum(z1 * z1, axis=0, keepdims=True)


def _run_l1a(nb, cc128, w1, b1):
    return pl.pallas_call(
        _l1a_body,
        grid=(NT,),
        in_specs=[
            pl.BlockSpec((RT, 128), lambda i: (i, 0)),
            pl.BlockSpec((RT // K, 128), lambda i: (i, 0)),
            pl.BlockSpec((256, 128), lambda i: (0, 0)),
            pl.BlockSpec((1, 256), lambda i: (0, 0)),
        ],
        out_specs=[
            pl.BlockSpec((1, 256), lambda i: (0, 0)),
            pl.BlockSpec((1, 256), lambda i: (0, 0)),
        ],
        out_shape=[
            jax.ShapeDtypeStruct((1, 256), jnp.float32),
            jax.ShapeDtypeStruct((1, 256), jnp.float32),
        ],
    )(nb, cc128, w1, b1)


def _l1_body(nb_ref, cc_ref, w1_ref, b1_ref, s1_ref, t1_ref, h1_ref):
    cc = cc_ref[...]
    cce = jnp.broadcast_to(cc[:, None, :], (RT // K, K, 128))
    pg = (nb_ref[...] + cce.reshape(RT, 128)).astype(jnp.bfloat16)
    z1 = _dot(pg, w1_ref[...]) + b1_ref[...]
    h1 = jnp.maximum(z1 * s1_ref[...] + t1_ref[...], 0.0)
    h1_ref[...] = h1.astype(jnp.bfloat16)


def _run_l1(nb, cc128, w1, b1, s1, t1):
    return pl.pallas_call(
        _l1_body,
        grid=(NT,),
        in_specs=[
            pl.BlockSpec((RT, 128), lambda i: (i, 0)),
            pl.BlockSpec((RT // K, 128), lambda i: (i, 0)),
            pl.BlockSpec((256, 128), lambda i: (0, 0)),
            pl.BlockSpec((1, 256), lambda i: (0, 0)),
            pl.BlockSpec((1, 256), lambda i: (0, 0)),
            pl.BlockSpec((1, 256), lambda i: (0, 0)),
        ],
        out_specs=pl.BlockSpec((RT, 256), lambda i: (i, 0)),
        out_shape=jax.ShapeDtypeStruct((NROW, 256), jnp.bfloat16),
    )(nb, cc128, w1, b1, s1, t1)


def _sb_body(h1_ref, w2_ref, b2_ref, s_ref, ss_ref):
    @pl.when(pl.program_id(0) == 0)
    def _():
        s_ref[...] = jnp.zeros((1, 512), jnp.float32)
        ss_ref[...] = jnp.zeros((1, 512), jnp.float32)

    z2 = _dot(h1_ref[...], w2_ref[...]) + b2_ref[...]
    s_ref[...] += jnp.sum(z2, axis=0, keepdims=True)
    ss_ref[...] += jnp.sum(z2 * z2, axis=0, keepdims=True)


def _run_sb(h1v, w2, b2):
    return pl.pallas_call(
        _sb_body,
        grid=(NT,),
        in_specs=[
            pl.BlockSpec((RT, 256), lambda i: (i, 0)),
            pl.BlockSpec((512, 256), lambda i: (0, 0)),
            pl.BlockSpec((1, 512), lambda i: (0, 0)),
        ],
        out_specs=[
            pl.BlockSpec((1, 512), lambda i: (0, 0)),
            pl.BlockSpec((1, 512), lambda i: (0, 0)),
        ],
        out_shape=[
            jax.ShapeDtypeStruct((1, 512), jnp.float32),
            jax.ShapeDtypeStruct((1, 512), jnp.float32),
        ],
    )(h1v, w2, b2)


def _mid_body(h1_ref, w2_ref, b2_ref, s2_ref, t2_ref, w3_ref, b3_ref,
              wf_ref, wh_ref, b4_ref, h3_ref, fg_ref, s_ref, ss_ref):
    @pl.when(pl.program_id(0) == 0)
    def _():
        s_ref[...] = jnp.zeros((1, 2 * ED), jnp.float32)
        ss_ref[...] = jnp.zeros((1, 2 * ED), jnp.float32)

    z2 = _dot(h1_ref[...], w2_ref[...]) + b2_ref[...]
    h2 = (jnp.maximum(z2 * s2_ref[...] + t2_ref[...], 0.0)
          ).astype(jnp.bfloat16)
    h3 = _dot(h2, w3_ref[...]) + b3_ref[...]
    h3b = h3.astype(jnp.bfloat16)
    h3_ref[...] = h3b
    fgb = jnp.max(h3b.reshape(RT // K, K, ED), axis=1)
    fg_ref[...] = fgb
    zf = _dot(fgb, wf_ref[...])
    zfe = jnp.broadcast_to(zf[:, None, :], (RT // K, K, 2 * ED))
    z4 = zfe.reshape(RT, 2 * ED) + _dot(h3b, wh_ref[...]) + b4_ref[...]
    s_ref[...] += jnp.sum(z4, axis=0, keepdims=True)
    ss_ref[...] += jnp.sum(z4 * z4, axis=0, keepdims=True)


def _run_mid(h1v, w2, b2, s2, t2, w3, b3, wf, wh, b4):
    return pl.pallas_call(
        _mid_body,
        grid=(NT,),
        in_specs=[
            pl.BlockSpec((RT, 256), lambda i: (i, 0)),
            pl.BlockSpec((512, 256), lambda i: (0, 0)),
            pl.BlockSpec((1, 512), lambda i: (0, 0)),
            pl.BlockSpec((1, 512), lambda i: (0, 0)),
            pl.BlockSpec((1, 512), lambda i: (0, 0)),
            pl.BlockSpec((ED, 512), lambda i: (0, 0)),
            pl.BlockSpec((1, ED), lambda i: (0, 0)),
            pl.BlockSpec((2 * ED, ED), lambda i: (0, 0)),
            pl.BlockSpec((2 * ED, ED), lambda i: (0, 0)),
            pl.BlockSpec((1, 2 * ED), lambda i: (0, 0)),
        ],
        out_specs=[
            pl.BlockSpec((RT, ED), lambda i: (i, 0)),
            pl.BlockSpec((RT // K, ED), lambda i: (i, 0)),
            pl.BlockSpec((1, 2 * ED), lambda i: (0, 0)),
            pl.BlockSpec((1, 2 * ED), lambda i: (0, 0)),
        ],
        out_shape=[
            jax.ShapeDtypeStruct((NROW, ED), jnp.bfloat16),
            jax.ShapeDtypeStruct((NG, ED), jnp.bfloat16),
            jax.ShapeDtypeStruct((1, 2 * ED), jnp.float32),
            jax.ShapeDtypeStruct((1, 2 * ED), jnp.float32),
        ],
    )(h1v, w2, b2, s2, t2, w3, b3, wf, wh, b4)


def _fin_body(h3_ref, fg_ref, wf_ref, wh_ref, b4_ref, s4_ref, t4_ref,
              w5_ref, b5_ref, o_ref):
    zf = _dot(fg_ref[...], wf_ref[...])
    zfe = jnp.broadcast_to(zf[:, None, :], (RT // K, K, 2 * ED))
    z4 = (zfe.reshape(RT, 2 * ED) + _dot(h3_ref[...], wh_ref[...])
          + b4_ref[...])
    h4 = (jnp.maximum(z4 * s4_ref[...] + t4_ref[...], 0.0)
          ).astype(jnp.bfloat16)
    z5 = _dot(h4, w5_ref[...]) + b5_ref[...]
    o_ref[...] = jnp.max(z5.reshape(RT // K, K, ED), axis=1)


def _run_fin(h3, fg, wf, wh, b4, s4, t4, w5, b5):
    return pl.pallas_call(
        _fin_body,
        grid=(NT,),
        in_specs=[
            pl.BlockSpec((RT, ED), lambda i: (i, 0)),
            pl.BlockSpec((RT // K, ED), lambda i: (i, 0)),
            pl.BlockSpec((2 * ED, ED), lambda i: (0, 0)),
            pl.BlockSpec((2 * ED, ED), lambda i: (0, 0)),
            pl.BlockSpec((1, 2 * ED), lambda i: (0, 0)),
            pl.BlockSpec((1, 2 * ED), lambda i: (0, 0)),
            pl.BlockSpec((1, 2 * ED), lambda i: (0, 0)),
            pl.BlockSpec((ED, 2 * ED), lambda i: (0, 0)),
            pl.BlockSpec((1, ED), lambda i: (0, 0)),
        ],
        out_specs=pl.BlockSpec((RT // K, ED), lambda i: (i, 0)),
        out_shape=jax.ShapeDtypeStruct((NG, ED), jnp.float32),
    )(h3, fg, wf, wh, b4, s4, t4, w5, b5)


def kernel(x, W1a, b1a, g1a, be1a, W1b, b1b, g1b, be1b, W1c, b1c,
           W2a, b2a, g2a, be2a, W2b, b2b):
    nrow = jnp.float32(NROW)
    xt = jnp.transpose(x, (2, 0, 1))
    xbt = jnp.transpose(x, (0, 2, 1))
    cen8 = _run_fps(xt)
    flatidx = _run_knn(xbt, cen8)
    sidx = _run_morton(cen8)

    x128 = jnp.pad(x.reshape(B * N, 3), ((0, 0), (0, 125)))
    nb = _gather_rows8(x128, flatidx.reshape(NROW // 128, 128))

    cenf = cen8.reshape(NG, 8)[:, :3]
    cc128 = jnp.concatenate(
        [-cenf, cenf, jnp.zeros((NG, 122), jnp.float32)], axis=1)

    w1a128 = jnp.pad(
        jnp.concatenate([W1a[:, :3], W1a[:, 3:]], axis=1),
        ((0, 0), (0, 122))).astype(jnp.bfloat16)

    def fold(s, ss, g, be):
        m = s[0] / nrow
        v = ss[0] / nrow - m * m
        sc = g / jnp.sqrt(v + 1e-5)
        return sc[None, :], (be - m * sc)[None, :]

    sA, ssA = _run_l1a(nb, cc128, w1a128, b1a[None, :])
    m1 = sA[0] / nrow
    v1 = ssA[0] / nrow - m1 * m1
    s1 = g1a / jnp.sqrt(v1 + 1e-5)
    t1 = be1a + (0.0 - m1) * s1

    h1v = _run_l1(nb, cc128, w1a128, b1a[None, :],
                  s1[None, :], t1[None, :])

    w1bb = W1b.astype(jnp.bfloat16)
    w1cb = W1c.astype(jnp.bfloat16)
    w2bb = W2b.astype(jnp.bfloat16)
    sum2, sumsq2 = _run_sb(h1v, w1bb, b1b[None, :])
    s2, t2 = fold(sum2, sumsq2, g1b, be1b)

    w2af = W2a[:, :ED].astype(jnp.bfloat16)
    w2ah = W2a[:, ED:].astype(jnp.bfloat16)
    h3, fg, sum4, sumsq4 = _run_mid(
        h1v, w1bb, b1b[None, :], s2, t2,
        w1cb, b1c[None, :], w2af, w2ah, b2a[None, :])
    s4, t4 = fold(sum4, sumsq4, g2a, be2a)

    mlp_out = _run_fin(h3, fg, w2af, w2ah, b2a[None, :], s4, t4,
                       w2bb, b2b[None, :])

    out = _permute_rows(mlp_out, sidx.reshape(NG // 128, 128))
    return out.reshape(B, G, ED)

# --- scband reference (transcript-rebuilt; emitter-appended) ---
"""Pipeline reference for scband-adapt-point-former-6828998001455 (READ-ONLY COPY).

The authoritative reference and input builder live on the scoring server;
editing this copy changes nothing except your own understanding.
"""

import jax, jax.numpy as jnp
import numpy as np

B, N, CIN = 32, 2048, 3
G, K, ED = 128, 32, 384


def _fps(xyz, S):
    Bb, Nn, _ = xyz.shape
    idxs = jnp.zeros((Bb, S), dtype=jnp.int32)
    dists = jnp.full((Bb, Nn), 1e10, dtype=xyz.dtype)
    far = jnp.zeros((Bb,), dtype=jnp.int32)
    def body(i, st):
        dists, far, idxs = st
        idxs = idxs.at[:, i].set(far)
        cen = jnp.take_along_axis(xyz, far[:, None, None], axis=1)
        d = jnp.sum((xyz - cen) ** 2, axis=-1)
        dists = jnp.minimum(dists, d)
        far = jnp.argmax(dists, axis=-1).astype(jnp.int32)
        return (dists, far, idxs)
    _, _, idxs = jax.lax.fori_loop(0, S, body, (dists, far, idxs))
    return idxs


def _knn(k, xyz, center):
    d = jnp.sum((center[:, :, None, :] - xyz[:, None, :, :]) ** 2, axis=-1)
    _, idx = jax.lax.top_k(-d, k)
    return idx


def _morton_order(center):
    mn = center.min(axis=1, keepdims=True)
    mx = center.max(axis=1, keepdims=True)
    q = jnp.clip((center - mn) / (mx - mn + 1e-9) * 1023.0, 0, 1023).astype(jnp.int32)
    code = jnp.zeros(q.shape[:2], dtype=jnp.int32)
    for b in range(10):
        for a in range(3):
            code = code | (((q[..., a] >> b) & 1) << (3 * b + a))
    return jnp.argsort(code, axis=-1)


def _bn(h, g, b):
    m = h.mean(axis=(0, 1))
    v = h.var(axis=(0, 1))
    return (h - m) / jnp.sqrt(v + 1e-5) * g + b


def setup_inputs(seed: int = 0):
    key = jax.random.key(seed)
    ks = jax.random.split(key, 8)
    def w(k, shape, fan):
        return jax.random.normal(k, shape, dtype=jnp.float32) * (1.0 / np.sqrt(fan))
    x = jax.random.uniform(ks[0], (B, N, CIN), dtype=jnp.float32)
    return {
        'x': x,
        'W1a': w(ks[1], (256, 2 * CIN), 2 * CIN), 'b1a': jnp.zeros((256,), jnp.float32),
        'g1a': jnp.ones((256,), jnp.float32), 'be1a': jnp.zeros((256,), jnp.float32),
        'W1b': w(ks[2], (512, 256), 256), 'b1b': jnp.zeros((512,), jnp.float32),
        'g1b': jnp.ones((512,), jnp.float32), 'be1b': jnp.zeros((512,), jnp.float32),
        'W1c': w(ks[3], (ED, 512), 512), 'b1c': jnp.zeros((ED,), jnp.float32),
        'W2a': w(ks[4], (2 * ED, 2 * ED), 2 * ED), 'b2a': jnp.zeros((2 * ED,), jnp.float32),
        'g2a': jnp.ones((2 * ED,), jnp.float32), 'be2a': jnp.zeros((2 * ED,), jnp.float32),
        'W2b': w(ks[5], (ED, 2 * ED), 2 * ED), 'b2b': jnp.zeros((ED,), jnp.float32),
    }


def reference(x, W1a, b1a, g1a, be1a, W1b, b1b, g1b, be1b, W1c, b1c, W2a, b2a, g2a, be2a, W2b, b2b):
    Bb, Nn, C = x.shape
    xyz = x[:, :, :3]
    fidx = _fps(jax.lax.stop_gradient(xyz), G)
    center = jnp.take_along_axis(xyz, fidx[:, :, None], axis=1)
    new_pts = jnp.take_along_axis(x, fidx[:, :, None], axis=1)
    idx = _knn(K, xyz, center)
    base = jnp.arange(Bb, dtype=jnp.int32)[:, None, None] * Nn
    flat = x.reshape(Bb * Nn, C)
    nb = flat[(idx + base).reshape(-1)].reshape(Bb, G, K, C)
    nb = nb - new_pts[:, :, None, :]
    nb = jnp.concatenate([nb, jnp.broadcast_to(new_pts[:, :, None, :], (Bb, G, K, C))], axis=-1)
    order = _morton_order(center)
    sidx = (order + jnp.arange(Bb, dtype=jnp.int32)[:, None] * G).reshape(-1)
    nb = nb.reshape(Bb * G, K, 2 * C)[sidx].reshape(Bb, G, K, 2 * C)
    center = center.reshape(Bb * G, 3)[sidx].reshape(Bb, G, 3)
    pg = nb.reshape(Bb * G, K, 2 * C)
    h = jax.nn.relu(_bn(pg @ W1a.T + b1a, g1a, be1a))
    h = jax.nn.relu(_bn(h @ W1b.T + b1b, g1b, be1b))
    h = h @ W1c.T + b1c
    fg = jnp.max(h, axis=1, keepdims=True)
    h = jnp.concatenate([jnp.broadcast_to(fg, h.shape), h], axis=-1)
    h = jax.nn.relu(_bn(h @ W2a.T + b2a, g2a, be2a))
    h = h @ W2b.T + b2b
    out = jnp.max(h, axis=1)
    return out.reshape(Bb, G, ED)

if __name__ == "__main__":
    import jax
    _d = setup_inputs()
    print(jax.jit(kernel)(*tuple(_d.values())))

</pallas_src>

<mosaic_0001>
#map = affine_map<(d0, d1) -> (0, 0)>
module attributes {stable_mosaic.version = 14 : i64} {
  func.func @k(%arg0: i32, %arg1: i32, %arg2: memref<65536x128xf32, #tpu.memory_space<hbm>>, %arg3: memref<1024x128xi32, #tpu.memory_space<hbm>>, %arg4: memref<131072x128xf32, #tpu.memory_space<hbm>>, %arg5: memref<32x128xi32, #tpu.memory_space<vmem>>, %arg6: memref<512x128xf32, #tpu.memory_space<vmem>>, %arg7: memref<!tpu.dma_semaphore, #tpu.memory_space<semaphore_mem>>) attributes {dimension_semantics = [#tpu.dimension_semantics<core_parallel>, #tpu.dimension_semantics<subcore_parallel>], iteration_bounds = array<i64: 2, 16>, scalar_prefetch = 0 : i64, scratch_operands = 3 : i64, tpu.core_type = #tpu.core_type<sc_vector_subcore>, window_params = [{transform_indices = #map}, {transform_indices = #map}, {transform_indices = #map}]} {
    %mul3A = arith.constant 2 : i32
    %mul3A_0 = arith.muli %arg1, %mul3A : i32
    %add3A = arith.addi %mul3A_0, %arg0 : i32
    %mul3A_1 = arith.constant 32 : i32
    %mul3A_2 = arith.muli %add3A, %mul3A_1 : i32
    "tpu.region"() ({
      %run_scoped3A = tpu.sem_alloc : memref<!tpu.dma_semaphore, #tpu.memory_space<semaphore_mem>>
      %dma_start3A_673 = arith.constant 0 : i32
      %dma_start3A_674 = tpu.memref_slice %arg3[%mul3A_2, %dma_start3A_673] : memref<1024x128xi32, #tpu.memory_space<hbm>> -> memref<32x128xi32, #tpu.memory_space<hbm>>
      %dma_start3A_675 = arith.constant 0 : i32
      %dma_start3A_676 = tpu.memref_slice %arg3[%mul3A_2, %dma_start3A_675] : memref<1024x128xi32, #tpu.memory_space<hbm>> -> memref<32x128xi32, #tpu.memory_space<hbm>>
      tpu.enqueue_dma source(%dma_start3A_676 : memref<32x128xi32, #tpu.memory_space<hbm>>) target(%arg5 : memref<32x128xi32, #tpu.memory_space<vmem>>) target_semaphore(%run_scoped3A : memref<!tpu.dma_semaphore, #tpu.memory_space<semaphore_mem>>)
      %dma_wait3A_677 = arith.constant 0 : i32
      %dma_wait3A_678 = tpu.memref_slice %arg3[%mul3A_2, %dma_wait3A_677] : memref<1024x128xi32, #tpu.memory_space<hbm>> -> memref<32x128xi32, #tpu.memory_space<hbm>>
      %dma_wait3A_679 = arith.constant 0 : i32
      %dma_wait3A_680 = tpu.memref_slice %arg3[%mul3A_2, %dma_wait3A_679] : memref<1024x128xi32, #tpu.memory_space<hbm>> -> memref<32x128xi32, #tpu.memory_space<hbm>>
      tpu.wait_dma2 semaphore(%run_scoped3A : memref<!tpu.dma_semaphore, #tpu.memory_space<semaphore_mem>>) src(%dma_wait3A_680 : memref<32x128xi32, #tpu.memory_space<hbm>>) dst(%arg5 : memref<32x128xi32, #tpu.memory_space<vmem>>)
      tpu.yield
    }) : () -> ()
    %dma_start3A = arith.constant 0 : i32
    %dma_start3A_3 = arith.constant 0 : i32
    %dma_start3A_4 = arith.constant 0 : i32
    %dma_start3A_5 = tpu.memref_slice %arg6[%dma_start3A_3, %dma_start3A_4] : memref<512x128xf32, #tpu.memory_space<vmem>> -> memref<128x128xf32, #tpu.memory_space<vmem>>
    %dma_start3A_6 = arith.constant 0 : i32
    %dma_start3A_7 = tpu.memref_slice %arg5[%dma_start3A, %dma_start3A_6] : memref<32x128xi32, #tpu.memory_space<vmem>> -> memref<1x128xi32, #tpu.memory_space<vmem>>
    %dma_start3A_8 = tpu.memref_squeeze %dma_start3A_7 : memref<1x128xi32, #tpu.memory_space<vmem>> -> memref<128xi32, #tpu.memory_space<vmem>>
    %dma_start3A_9 = arith.constant 0 : i32
    %dma_start3A_10 = arith.constant 0 : i32
    %dma_start3A_11 = tpu.memref_slice %arg2[%dma_start3A_9, %dma_start3A_10] : memref<65536x128xf32, #tpu.memory_space<hbm>> -> memref<65536x128xf32, #tpu.memory_space<hbm>>
    tpu.enqueue_indirect_dma source(%dma_start3A_11 : memref<65536x128xf32, #tpu.memory_space<hbm>>) target(%dma_start3A_5 : memref<128x128xf32, #tpu.memory_space<vmem>>) offsets(%dma_start3A_8 : memref<128xi32, #tpu.memory_space<vmem>>) semaphore(%arg7 : memref<!tpu.dma_semaphore, #tpu.memory_space<semaphore_mem>>)
    %dma_start3A_12 = arith.constant 1 : i32
    %dma_start3A_13 = arith.constant 128 : i32
    %dma_start3A_14 = arith.constant 0 : i32
    %dma_start3A_15 = tpu.memref_slice %arg6[%dma_start3A_13, %dma_start3A_14] : memref<512x128xf32, #tpu.memory_space<vmem>> -> memref<128x128xf32, #tpu.memory_space<vmem>>
    %dma_start3A_16 = arith.constant 0 : i32
    %dma_start3A_17 = tpu.memref_slice %arg5[%dma_start3A_12, %dma_start3A_16] : memref<32x128xi32, #tpu.memory_space<vmem>> -> memref<1x128xi32, #tpu.memory_space<vmem>>
    %dma_start3A_18 = tpu.memref_squeeze %dma_start3A_17 : memref<1x128xi32, #tpu.memory_space<vmem>> -> memref<128xi32, #tpu.memory_space<vmem>>
    %dma_start3A_19 = arith.constant 0 : i32
    %dma_start3A_20 = arith.constant 0 : i32
    %dma_start3A_21 = tpu.memref_slice %arg2[%dma_start3A_19, %dma_start3A_20] : memref<65536x128xf32, #tpu.memory_space<hbm>> -> memref<65536x128xf32, #tpu.memory_space<hbm>>
    tpu.enqueue_indirect_dma source(%dma_start3A_21 : memref<65536x128xf32, #tpu.memory_space<hbm>>) target(%dma_start3A_15 : memref<128x128xf32, #tpu.memory_space<vmem>>) offsets(%dma_start3A_18 : memref<128xi32, #tpu.memory_space<vmem>>) semaphore(%arg7 : memref<!tpu.dma_semaphore, #tpu.memory_space<semaphore_mem>>)
    %dma_start3A_22 = arith.constant 2 : i32
    %dma_start3A_23 = arith.constant 256 : i32
    %dma_start3A_24 = arith.constant 0 : i32
    %dma_start3A_25 = tpu.memref_slice %arg6[%dma_start3A_23, %dma_start3A_24] : memref<512x128xf32, #tpu.memory_space<vmem>> -> memref<128x128xf32, #tpu.memory_space<vmem>>
    %dma_start3A_26 = arith.constant 0 : i32
    %dma_start3A_27 = tpu.memref_slice %arg5[%dma_start3A_22, %dma_start3A_26] : memref<32x128xi32, #tpu.memory_space<vmem>> -> memref<1x128xi32, #tpu.memory_space<vmem>>
    %dma_start3A_28 = tpu.memref_squeeze %dma_start3A_27 : memref<1x128xi32, #tpu.memory_space<vmem>> -> memref<128xi32, #tpu.memory_space<vmem>>
    %dma_start3A_29 = arith.constant 0 : i32
    %dma_start3A_30 = arith.constant 0 : i32
    %dma_start3A_31 = tpu.memref_slice %arg2[%dma_start3A_29, %dma_start3A_30] : memref<65536x128xf32, #tpu.memory_space<hbm>> -> memref<65536x128xf32, #tpu.memory_space<hbm>>
    tpu.enqueue_indirect_dma source(%dma_start3A_31 : memref<65536x128xf32, #tpu.memory_space<hbm>>) target(%dma_start3A_25 : memref<128x128xf32, #tpu.memory_space<vmem>>) offsets(%dma_start3A_28 : memref<128xi32, #tpu.memory_space<vmem>>) semaphore(%arg7 : memref<!tpu.dma_semaphore, #tpu.memory_space<semaphore_mem>>)
    %dma_start3A_32 = arith.constant 3 : i32
    %dma_start3A_33 = arith.constant 384 : i32
    %dma_start3A_34 = arith.constant 0 : i32
    %dma_start3A_35 = tpu.memref_slice %arg6[%dma_start3A_33, %dma_start3A_34] : memref<512x128xf32, #tpu.memory_space<vmem>> -> memref<128x128xf32, #tpu.memory_space<vmem>>
    %dma_start3A_36 = arith.constant 0 : i32
    %dma_start3A_37 = tpu.memref_slice %arg5[%dma_start3A_32, %dma_start3A_36] : memref<32x128xi32, #tpu.memory_space<vmem>> -> memref<1x128xi32, #tpu.memory_space<vmem>>
    %dma_start3A_38 = tpu.memref_squeeze %dma_start3A_37 : memref<1x128xi32, #tpu.memory_space<vmem>> -> memref<128xi32, #tpu.memory_space<vmem>>
    %dma_start3A_39 = arith.constant 0 : i32
    %dma_start3A_40 = arith.constant 0 : i32
    %dma_start3A_41 = tpu.memref_slice %arg2[%dma_start3A_39, %dma_start3A_40] : memref<65536x128xf32, #tpu.memory_space<hbm>> -> memref<65536x128xf32, #tpu.memory_space<hbm>>
    tpu.enqueue_indirect_dma source(%dma_start3A_41 : memref<65536x128xf32, #tpu.memory_space<hbm>>) target(%dma_start3A_35 : memref<128x128xf32, #tpu.memory_space<vmem>>) offsets(%dma_start3A_38 : memref<128xi32, #tpu.memory_space<vmem>>) semaphore(%arg7 : memref<!tpu.dma_semaphore, #tpu.memory_space<semaphore_mem>>)
    %dma_wait3A = arith.constant 0 : i32
    %dma_wait3A_42 = arith.constant 0 : i32
    %dma_wait3A_43 = arith.constant 0 : i32
    %dma_wait3A_44 = tpu.memref_slice %arg6[%dma_wait3A_42, %dma_wait3A_43] : memref<512x128xf32, #tpu.memory_space<vmem>> -> memref<128x128xf32, #tpu.memory_space<vmem>>
    %dma_wait3A_45 = arith.constant 0 : i32
    %dma_wait3A_46 = tpu.memref_slice %arg5[%dma_wait3A, %dma_wait3A_45] : memref<32x128xi32, #tpu.memory_space<vmem>> -> memref<1x128xi32, #tpu.memory_space<vmem>>
    %dma_wait3A_47 = tpu.memref_squeeze %dma_wait3A_46 : memref<1x128xi32, #tpu.memory_space<vmem>> -> memref<128xi32, #tpu.memory_space<vmem>>
    %dma_wait3A_48 = arith.constant 0 : i32
    %dma_wait3A_49 = arith.constant 0 : i32
    %dma_wait3A_50 = tpu.memref_slice %arg2[%dma_wait3A_48, %dma_wait3A_49] : memref<65536x128xf32, #tpu.memory_space<hbm>> -> memref<65536x128xf32, #tpu.memory_space<hbm>>
    tpu.wait_indirect_dma semaphore(%arg7 : memref<!tpu.dma_semaphore, #tpu.memory_space<semaphore_mem>>) src(%dma_wait3A_50 : memref<65536x128xf32, #tpu.memory_space<hbm>>) dst(%dma_wait3A_44 : memref<128x128xf32, #tpu.memory_space<vmem>>)
    %dma_wait3A_51 = arith.constant 1 : i32
    %dma_wait3A_52 = arith.constant 128 : i32
    %dma_wait3A_53 = arith.constant 0 : i32
    %dma_wait3A_54 = tpu.memref_slice %arg6[%dma_wait3A_52, %dma_wait3A_53] : memref<512x128xf32, #tpu.memory_space<vmem>> -> memref<128x128xf32, #tpu.memory_space<vmem>>
    %dma_wait3A_55 = arith.constant 0 : i32
    %dma_wait3A_56 = tpu.memref_slice %arg5[%dma_wait3A_51, %dma_wait3A_55] : memref<32x128xi32, #tpu.memory_space<vmem>> -> memref<1x128xi32, #tpu.memory_space<vmem>>
    %dma_wait3A_57 = tpu.memref_squeeze %dma_wait3A_56 : memref<1x128xi32, #tpu.memory_space<vmem>> -> memref<128xi32, #tpu.memory_space<vmem>>
    %dma_wait3A_58 = arith.constant 0 : i32
    %dma_wait3A_59 = arith.constant 0 : i32
    %dma_wait3A_60 = tpu.memref_slice %arg2[%dma_wait3A_58, %dma_wait3A_59] : memref<65536x128xf32, #tpu.memory_space<hbm>> -> memref<65536x128xf32, #tpu.memory_space<hbm>>
    tpu.wait_indirect_dma semaphore(%arg7 : memref<!tpu.dma_semaphore, #tpu.memory_space<semaphore_mem>>) src(%dma_wait3A_60 : memref<65536x128xf32, #tpu.memory_space<hbm>>) dst(%dma_wait3A_54 : memref<128x128xf32, #tpu.memory_space<vmem>>)
    %dma_wait3A_61 = arith.constant 2 : i32
    %dma_wait3A_62 = arith.constant 256 : i32
    %dma_wait3A_63 = arith.constant 0 : i32
    %dma_wait3A_64 = tpu.memref_slice %arg6[%dma_wait3A_62, %dma_wait3A_63] : memref<512x128xf32, #tpu.memory_space<vmem>> -> memref<128x128xf32, #tpu.memory_space<vmem>>
    %dma_wait3A_65 = arith.constant 0 : i32
    %dma_wait3A_66 = tpu.memref_slice %arg5[%dma_wait3A_61, %dma_wait3A_65] : memref<32x128xi32, #tpu.memory_space<vmem>> -> memref<1x128xi32, #tpu.memory_space<vmem>>
    %dma_wait3A_67 = tpu.memref_squeeze %dma_wait3A_66 : memref<1x128xi32, #tpu.memory_space<vmem>> -> memref<128xi32, #tpu.memory_space<vmem>>
    %dma_wait3A_68 = arith.constant 0 : i32
    %dma_wait3A_69 = arith.constant 0 : i32
    %dma_wait3A_70 = tpu.memref_slice %arg2[%dma_wait3A_68, %dma_wait3A_69] : memref<65536x128xf32, #tpu.memory_space<hbm>> -> memref<65536x128xf32, #tpu.memory_space<hbm>>
    tpu.wait_indirect_dma semaphore(%arg7 : memref<!tpu.dma_semaphore, #tpu.memory_space<semaphore_mem>>) src(%dma_wait3A_70 : memref<65536x128xf32, #tpu.memory_space<hbm>>) dst(%dma_wait3A_64 : memref<128x128xf32, #tpu.memory_space<vmem>>)
    %dma_wait3A_71 = arith.constant 3 : i32
    %dma_wait3A_72 = arith.constant 384 : i32
    %dma_wait3A_73 = arith.constant 0 : i32
    %dma_wait3A_74 = tpu.memref_slice %arg6[%dma_wait3A_72, %dma_wait3A_73] : memref<512x128xf32, #tpu.memory_space<vmem>> -> memref<128x128xf32, #tpu.memory_space<vmem>>
    %dma_wait3A_75 = arith.constant 0 : i32
    %dma_wait3A_76 = tpu.memref_slice %arg5[%dma_wait3A_71, %dma_wait3A_75] : memref<32x128xi32, #tpu.memory_space<vmem>> -> memref<1x128xi32, #tpu.memory_space<vmem>>
    %dma_wait3A_77 = tpu.memref_squeeze %dma_wait3A_76 : memref<1x128xi32, #tpu.memory_space<vmem>> -> memref<128xi32, #tpu.memory_space<vmem>>
    %dma_wait3A_78 = arith.constant 0 : i32
    %dma_wait3A_79 = arith.constant 0 : i32
    %dma_wait3A_80 = tpu.memref_slice %arg2[%dma_wait3A_78, %dma_wait3A_79] : memref<65536x128xf32, #tpu.memory_space<hbm>> -> memref<65536x128xf32, #tpu.memory_space<hbm>>
    tpu.wait_indirect_dma semaphore(%arg7 : memref<!tpu.dma_semaphore, #tpu.memory_space<semaphore_mem>>) src(%dma_wait3A_80 : memref<65536x128xf32, #tpu.memory_space<hbm>>) dst(%dma_wait3A_74 : memref<128x128xf32, #tpu.memory_space<vmem>>)
    %mul3A_81 = arith.constant 4096 : i32
    %mul3A_82 = arith.muli %add3A, %mul3A_81 : i32
    %add3A_83 = arith.constant 0 : i32
    %add3A_84 = arith.addi %mul3A_82, %add3A_83 : i32
    "tpu.region"() ({
      %run_scoped3A = tpu.sem_alloc : memref<!tpu.dma_semaphore, #tpu.memory_space<semaphore_mem>>
      %dma_start3A_673 = arith.constant 0 : i32
      %dma_start3A_674 = tpu.memref_slice %arg4[%add3A_84, %dma_start3A_673] : memref<131072x128xf32, #tpu.memory_space<hbm>> -> memref<512x128xf32, #tpu.memory_space<hbm>>
      %dma_start3A_675 = arith.constant 0 : i32
      %dma_start3A_676 = tpu.memref_slice %arg4[%add3A_84, %dma_start3A_675] : memref<131072x128xf32, #tpu.memory_space<hbm>> -> memref<512x128xf32, #tpu.memory_space<hbm>>
      tpu.enqueue_dma source(%arg6 : memref<512x128xf32, #tpu.memory_space<vmem>>) target(%dma_start3A_676 : memref<512x128xf32, #tpu.memory_space<hbm>>) target_semaphore(%run_scoped3A : memref<!tpu.dma_semaphore, #tpu.memory_space<semaphore_mem>>)
      %dma_wait3A_677 = arith.constant 0 : i32
      %dma_wait3A_678 = tpu.memref_slice %arg4[%add3A_84, %dma_wait3A_677] : memref<131072x128xf32, #tpu.memory_space<hbm>> -> memref<512x128xf32, #tpu.memory_space<hbm>>
      %dma_wait3A_679 = arith.constant 0 : i32
      %dma_wait3A_680 = tpu.memref_slice %arg4[%add3A_84, %dma_wait3A_679] : memref<131072x128xf32, #tpu.memory_space<hbm>> -> memref<512x128xf32, #tpu.memory_space<hbm>>
      tpu.wait_dma2 semaphore(%run_scoped3A : memref<!tpu.dma_semaphore, #tpu.memory_space<semaphore_mem>>) src(%arg6 : memref<512x128xf32, #tpu.memory_space<vmem>>) dst(%dma_wait3A_680 : memref<512x128xf32, #tpu.memory_space<hbm>>)
      tpu.yield
    }) : () -> ()
    %dma_start3A_85 = arith.constant 4 : i32
    %dma_start3A_86 = arith.constant 0 : i32
    %dma_start3A_87 = arith.constant 0 : i32
    %dma_start3A_88 = tpu.memref_slice %arg6[%dma_start3A_86, %dma_start3A_87] : memref<512x128xf32, #tpu.memory_space<vmem>> -> memref<128x128xf32, #tpu.memory_space<vmem>>
    %dma_start3A_89 = arith.constant 0 : i32
    %dma_start3A_90 = tpu.memref_slice %arg5[%dma_start3A_85, %dma_start3A_89] : memref<32x128xi32, #tpu.memory_space<vmem>> -> memref<1x128xi32, #tpu.memory_space<vmem>>
    %dma_start3A_91 = tpu.memref_squeeze %dma_start3A_90 : memref<1x128xi32, #tpu.memory_space<vmem>> -> memref<128xi32, #tpu.memory_space<vmem>>
    %dma_start3A_92 = arith.constant 0 : i32
    %dma_start3A_93 = arith.constant 0 : i32
    %dma_start3A_94 = tpu.memref_slice %arg2[%dma_start3A_92, %dma_start3A_93] : memref<65536x128xf32, #tpu.memory_space<hbm>> -> memref<65536x128xf32, #tpu.memory_space<hbm>>
    tpu.enqueue_indirect_dma source(%dma_start3A_94 : memref<65536x128xf32, #tpu.memory_space<hbm>>) target(%dma_start3A_88 : memref<128x128xf32, #tpu.memory_space<vmem>>) offsets(%dma_start3A_91 : memref<128xi32, #tpu.memory_space<vmem>>) semaphore(%arg7 : memref<!tpu.dma_semaphore, #tpu.memory_space<semaphore_mem>>)
    %dma_start3A_95 = arith.constant 5 : i32
    %dma_start3A_96 = arith.constant 128 : i32
    %dma_start3A_97 = arith.constant 0 : i32
    %dma_start3A_98 = tpu.memref_slice %arg6[%dma_start3A_96, %dma_start3A_97] : memref<512x128xf32, #tpu.memory_space<vmem>> -> memref<128x128xf32, #tpu.memory_space<vmem>>
    %dma_start3A_99 = arith.constant 0 : i32
    %dma_start3A_100 = tpu.memref_slice %arg5[%dma_start3A_95, %dma_start3A_99] : memref<32x128xi32, #tpu.memory_space<vmem>> -> memref<1x128xi32, #tpu.memory_space<vmem>>
    %dma_start3A_101 = tpu.memref_squeeze %dma_start3A_100 : memref<1x128xi32, #tpu.memory_space<vmem>> -> memref<128xi32, #tpu.memory_space<vmem>>
    %dma_start3A_102 = arith.constant 0 : i32
    %dma_start3A_103 = arith.constant 0 : i32
    %dma_start3A_104 = tpu.memref_slice %arg2[%dma_start3A_102, %dma_start3A_103] : memref<65536x128xf32, #tpu.memory_space<hbm>> -> memref<65536x128xf32, #tpu.memory_space<hbm>>
    tpu.enqueue_indirect_dma source(%dma_start3A_104 : memref<65536x128xf32, #tpu.memory_space<hbm>>) target(%dma_start3A_98 : memref<128x128xf32, #tpu.memory_space<vmem>>) offsets(%dma_start3A_101 : memref<128xi32, #tpu.memory_space<vmem>>) semaphore(%arg7 : memref<!tpu.dma_semaphore, #tpu.memory_space<semaphore_mem>>)
    %dma_start3A_105 = arith.constant 6 : i32
    %dma_start3A_106 = arith.constant 256 : i32
    %dma_start3A_107 = arith.constant 0 : i32
    %dma_start3A_108 = tpu.memref_slice %arg6[%dma_start3A_106, %dma_start3A_107] : memref<512x128xf32, #tpu.memory_space<vmem>> -> memref<128x128xf32, #tpu.memory_space<vmem>>
    %dma_start3A_109 = arith.constant 0 : i32
    %dma_start3A_110 = tpu.memref_slice %arg5[%dma_start3A_105, %dma_start3A_109] : memref<32x128xi32, #tpu.memory_space<vmem>> -> memref<1x128xi32, #tpu.memory_space<vmem>>
    %dma_start3A_111 = tpu.memref_squeeze %dma_start3A_110 : memref<1x128xi32, #tpu.memory_space<vmem>> -> memref<128xi32, #tpu.memory_space<vmem>>
    %dma_start3A_112 = arith.constant 0 : i32
    %dma_start3A_113 = arith.constant 0 : i32
    %dma_start3A_114 = tpu.memref_slice %arg2[%dma_start3A_112, %dma_start3A_113] : memref<65536x128xf32, #tpu.memory_space<hbm>> -> memref<65536x128xf32, #tpu.memory_space<hbm>>
    tpu.enqueue_indirect_dma source(%dma_start3A_114 : memref<65536x128xf32, #tpu.memory_space<hbm>>) target(%dma_start3A_108 : memref<128x128xf32, #tpu.memory_space<vmem>>) offsets(%dma_start3A_111 : memref<128xi32, #tpu.memory_space<vmem>>) semaphore(%arg7 : memref<!tpu.dma_semaphore, #tpu.memory_space<semaphore_mem>>)
    %dma_start3A_115 = arith.constant 7 : i32
    %dma_start3A_116 = arith.constant 384 : i32
    %dma_start3A_117 = arith.constant 0 : i32
    %dma_start3A_118 = tpu.memref_slice %arg6[%dma_start3A_116, %dma_start3A_117] : memref<512x128xf32, #tpu.memory_space<vmem>> -> memref<128x128xf32, #tpu.memory_space<vmem>>
    %dma_start3A_119 = arith.constant 0 : i32
    %dma_start3A_120 = tpu.memref_slice %arg5[%dma_start3A_115, %dma_start3A_119] : memref<32x128xi32, #tpu.memory_space<vmem>> -> memref<1x128xi32, #tpu.memory_space<vmem>>
    %dma_start3A_121 = tpu.memref_squeeze %dma_start3A_120 : memref<1x128xi32, #tpu.memory_space<vmem>> -> memref<128xi32, #tpu.memory_space<vmem>>
    %dma_start3A_122 = arith.constant 0 : i32
    %dma_start3A_123 = arith.constant 0 : i32
    %dma_start3A_124 = tpu.memref_slice %arg2[%dma_start3A_122, %dma_start3A_123] : memref<65536x128xf32, #tpu.memory_space<hbm>> -> memref<65536x128xf32, #tpu.memory_space<hbm>>
    tpu.enqueue_indirect_dma source(%dma_start3A_124 : memref<65536x128xf32, #tpu.memory_space<hbm>>) target(%dma_start3A_118 : memref<128x128xf32, #tpu.memory_space<vmem>>) offsets(%dma_start3A_121 : memref<128xi32, #tpu.memory_space<vmem>>) semaphore(%arg7 : memref<!tpu.dma_semaphore, #tpu.memory_space<semaphore_mem>>)
    %dma_wait3A_125 = arith.constant 4 : i32
    %dma_wait3A_126 = arith.constant 0 : i32
    %dma_wait3A_127 = arith.constant 0 : i32
    %dma_wait3A_128 = tpu.memref_slice %arg6[%dma_wait3A_126, %dma_wait3A_127] : memref<512x128xf32, #tpu.memory_space<vmem>> -> memref<128x128xf32, #tpu.memory_space<vmem>>
    %dma_wait3A_129 = arith.constant 0 : i32
    %dma_wait3A_130 = tpu.memref_slice %arg5[%dma_wait3A_125, %dma_wait3A_129] : memref<32x128xi32, #tpu.memory_space<vmem>> -> memref<1x128xi32, #tpu.memory_space<vmem>>
    %dma_wait3A_131 = tpu.memref_squeeze %dma_wait3A_130 : memref<1x128xi32, #tpu.memory_space<vmem>> -> memref<128xi32, #tpu.memory_space<vmem>>
    %dma_wait3A_132 = arith.constant 0 : i32
    %dma_wait3A_133 = arith.constant 0 : i32
    %dma_wait3A_134 = tpu.memref_slice %arg2[%dma_wait3A_132, %dma_wait3A_133] : memref<65536x128xf32, #tpu.memory_space<hbm>> -> memref<65536x128xf32, #tpu.memory_space<hbm>>
    tpu.wait_indirect_dma semaphore(%arg7 : memref<!tpu.dma_semaphore, #tpu.memory_space<semaphore_mem>>) src(%dma_wait3A_134 : memref<65536x128xf32, #tpu.memory_space<hbm>>) dst(%dma_wait3A_128 : memref<128x128xf32, #tpu.memory_space<vmem>>)
    %dma_wait3A_135 = arith.constant 5 : i32
    %dma_wait3A_136 = arith.constant 128 : i32
    %dma_wait3A_137 = arith.constant 0 : i32
    %dma_wait3A_138 = tpu.memref_slice %arg6[%dma_wait3A_136, %dma_wait3A_137] : memref<512x128xf32, #tpu.memory_space<vmem>> -> memref<128x128xf32, #tpu.memory_space<vmem>>
    %dma_wait3A_139 = arith.constant 0 : i32
    %dma_wait3A_140 = tpu.memref_slice %arg5[%dma_wait3A_135, %dma_wait3A_139] : memref<32x128xi32, #tpu.memory_space<vmem>> -> memref<1x128xi32, #tpu.memory_space<vmem>>
    %dma_wait3A_141 = tpu.memref_squeeze %dma_wait3A_140 : memref<1x128xi32, #tpu.memory_space<vmem>> -> memref<128xi32, #tpu.memory_space<vmem>>
    %dma_wait3A_142 = arith.constant 0 : i32
    %dma_wait3A_143 = arith.constant 0 : i32
    %dma_wait3A_144 = tpu.memref_slice %arg2[%dma_wait3A_142, %dma_wait3A_143] : memref<65536x128xf32, #tpu.memory_space<hbm>> -> memref<65536x128xf32, #tpu.memory_space<hbm>>
    tpu.wait_indirect_dma semaphore(%arg7 : memref<!tpu.dma_semaphore, #tpu.memory_space<semaphore_mem>>) src(%dma_wait3A_144 : memref<65536x128xf32, #tpu.memory_space<hbm>>) dst(%dma_wait3A_138 : memref<128x128xf32, #tpu.memory_space<vmem>>)
    %dma_wait3A_145 = arith.constant 6 : i32
    %dma_wait3A_146 = arith.constant 256 : i32
    %dma_wait3A_147 = arith.constant 0 : i32
    %dma_wait3A_148 = tpu.memref_slice %arg6[%dma_wait3A_146, %dma_wait3A_147] : memref<512x128xf32, #tpu.memory_space<vmem>> -> memref<128x128xf32, #tpu.memory_space<vmem>>
    %dma_wait3A_149 = arith.constant 0 : i32
    %dma_wait3A_150 = tpu.memref_slice %arg5[%dma_wait3A_145, %dma_wait3A_149] : memref<32x128xi32, #tpu.memory_space<vmem>> -> memref<1x128xi32, #tpu.memory_space<vmem>>
    %dma_wait3A_151 = tpu.memref_squeeze %dma_wait3A_150 : memref<1x128xi32, #tpu.memory_space<vmem>> -> memref<128xi32, #tpu.memory_space<vmem>>
    %dma_wait3A_152 = arith.constant 0 : i32
    %dma_wait3A_153 = arith.constant 0 : i32
    %dma_wait3A_154 = tpu.memref_slice %arg2[%dma_wait3A_152, %dma_wait3A_153] : memref<65536x128xf32, #tpu.memory_space<hbm>> -> memref<65536x128xf32, #tpu.memory_space<hbm>>
    tpu.wait_indirect_dma semaphore(%arg7 : memref<!tpu.dma_semaphore, #tpu.memory_space<semaphore_mem>>) src(%dma_wait3A_154 : memref<65536x128xf32, #tpu.memory_space<hbm>>) dst(%dma_wait3A_148 : memref<128x128xf32, #tpu.memory_space<vmem>>)
    %dma_wait3A_155 = arith.constant 7 : i32
    %dma_wait3A_156 = arith.constant 384 : i32
    %dma_wait3A_157 = arith.constant 0 : i32
    %dma_wait3A_158 = tpu.memref_slice %arg6[%dma_wait3A_156, %dma_wait3A_157] : memref<512x128xf32, #tpu.memory_space<vmem>> -> memref<128x128xf32, #tpu.memory_space<vmem>>
    %dma_wait3A_159 = arith.constant 0 : i32
    %dma_wait3A_160 = tpu.memref_slice %arg5[%dma_wait3A_155, %dma_wait3A_159] : memref<32x128xi32, #tpu.memory_space<vmem>> -> memref<1x128xi32, #tpu.memory_space<vmem>>
    %dma_wait3A_161 = tpu.memref_squeeze %dma_wait3A_160 : memref<1x128xi32, #tpu.memory_space<vmem>> -> memref<128xi32, #tpu.memory_space<vmem>>
    %dma_wait3A_162 = arith.constant 0 : i32
    %dma_wait3A_163 = arith.constant 0 : i32
    %dma_wait3A_164 = tpu.memref_slice %arg2[%dma_wait3A_162, %dma_wait3A_163] : memref<65536x128xf32, #tpu.memory_space<hbm>> -> memref<65536x128xf32, #tpu.memory_space<hbm>>
    tpu.wait_indirect_dma semaphore(%arg7 : memref<!tpu.dma_semaphore, #tpu.memory_space<semaphore_mem>>) src(%dma_wait3A_164 : memref<65536x128xf32, #tpu.memory_space<hbm>>) dst(%dma_wait3A_158 : memref<128x128xf32, #tpu.memory_space<vmem>>)
    %mul3A_165 = arith.constant 4096 : i32
    %mul3A_166 = arith.muli %add3A, %mul3A_165 : i32
    %add3A_167 = arith.constant 512 : i32
    %add3A_168 = arith.addi %mul3A_166, %add3A_167 : i32
    "tpu.region"() ({
      %run_scoped3A = tpu.sem_alloc : memref<!tpu.dma_semaphore, #tpu.memory_space<semaphore_mem>>
      %dma_start3A_673 = arith.constant 0 : i32
      %dma_start3A_674 = tpu.memref_slice %arg4[%add3A_168, %dma_start3A_673] : memref<131072x128xf32, #tpu.memory_space<hbm>> -> memref<512x128xf32, #tpu.memory_space<hbm>>
      %dma_start3A_675 = arith.constant 0 : i32
      %dma_start3A_676 = tpu.memref_slice %arg4[%add3A_168, %dma_start3A_675] : memref<131072x128xf32, #tpu.memory_space<hbm>> -> memref<512x128xf32, #tpu.memory_space<hbm>>
      tpu.enqueue_dma source(%arg6 : memref<512x128xf32, #tpu.memory_space<vmem>>) target(%dma_start3A_676 : memref<512x128xf32, #tpu.memory_space<hbm>>) target_semaphore(%run_scoped3A : memref<!tpu.dma_semaphore, #tpu.memory_space<semaphore_mem>>)
      %dma_wait3A_677 = arith.constant 0 : i32
      %dma_wait3A_678 = tpu.memref_slice %arg4[%add3A_168, %dma_wait3A_677] : memref<131072x128xf32, #tpu.memory_space<hbm>> -> memref<512x128xf32, #tpu.memory_space<hbm>>
      %dma_wait3A_679 = arith.constant 0 : i32
      %dma_wait3A_680 = tpu.memref_slice %arg4[%add3A_168, %dma_wait3A_679] : memref<131072x128xf32, #tpu.memory_space<hbm>> -> memref<512x128xf32, #tpu.memory_space<hbm>>
      tpu.wait_dma2 semaphore(%run_scoped3A : memref<!tpu.dma_semaphore, #tpu.memory_space<semaphore_mem>>) src(%arg6 : memref<512x128xf32, #tpu.memory_space<vmem>>) dst(%dma_wait3A_680 : memref<512x128xf32, #tpu.memory_space<hbm>>)
      tpu.yield
    }) : () -> ()
    %dma_start3A_169 = arith.constant 8 : i32
    %dma_start3A_170 = arith.constant 0 : i32
    %dma_start3A_171 = arith.constant 0 : i32
    %dma_start3A_172 = tpu.memref_slice %arg6[%dma_start3A_170, %dma_start3A_171] : memref<512x128xf32, #tpu.memory_space<vmem>> -> memref<128x128xf32, #tpu.memory_space<vmem>>
    %dma_start3A_173 = arith.constant 0 : i32
    %dma_start3A_174 = tpu.memref_slice %arg5[%dma_start3A_169, %dma_start3A_173] : memref<32x128xi32, #tpu.memory_space<vmem>> -> memref<1x128xi32, #tpu.memory_space<vmem>>
    %dma_start3A_175 = tpu.memref_squeeze %dma_start3A_174 : memref<1x128xi32, #tpu.memory_space<vmem>> -> memref<128xi32, #tpu.memory_space<vmem>>
    %dma_start3A_176 = arith.constant 0 : i32
    %dma_start3A_177 = arith.constant 0 : i32
    %dma_start3A_178 = tpu.memref_slice %arg2[%dma_start3A_176, %dma_start3A_177] : memref<65536x128xf32, #tpu.memory_space<hbm>> -> memref<65536x128xf32, #tpu.memory_space<hbm>>
    tpu.enqueue_indirect_dma source(%dma_start3A_178 : memref<65536x128xf32, #tpu.memory_space<hbm>>) target(%dma_start3A_172 : memref<128x128xf32, #tpu.memory_space<vmem>>) offsets(%dma_start3A_175 : memref<128xi32, #tpu.memory_space<vmem>>) semaphore(%arg7 : memref<!tpu.dma_semaphore, #tpu.memory_space<semaphore_mem>>)
    %dma_start3A_179 = arith.constant 9 : i32
    %dma_start3A_180 = arith.constant 128 : i32
    %dma_start3A_181 = arith.constant 0 : i32
    %dma_start3A_182 = tpu.memref_slice %arg6[%dma_start3A_180, %dma_start3A_181] : memref<512x128xf32, #tpu.memory_space<vmem>> -> memref<128x128xf32, #tpu.memory_space<vmem>>
    %dma_start3A_183 = arith.constant 0 : i32
    %dma_start3A_184 = tpu.memref_slice %arg5[%dma_start3A_179, %dma_start3A_183] : memref<32x128xi32, #tpu.memory_space<vmem>> -> memref<1x128xi32, #tpu.memory_space<vmem>>
    %dma_start3A_185 = tpu.memref_squeeze %dma_start3A_184 : memref<1x128xi32, #tpu.memory_space<vmem>> -> memref<128xi32, #tpu.memory_space<vmem>>
    %dma_start3A_186 = arith.constant 0 : i32
    %dma_start3A_187 = arith.constant 0 : i32
    %dma_start3A_188 = tpu.memref_slice %arg2[%dma_start3A_186, %dma_start3A_187] : memref<65536x128xf32, #tpu.memory_space<hbm>> -> memref<65536x128xf32, #tpu.memory_space<hbm>>
    tpu.enqueue_indirect_dma source(%dma_start3A_188 : memref<65536x128xf32, #tpu.memory_space<hbm>>) target(%dma_start3A_182 : memref<128x128xf32, #tpu.memory_space<vmem>>) offsets(%dma_start3A_185 : memref<128xi32, #tpu.memory_space<vmem>>) semaphore(%arg7 : memref<!tpu.dma_semaphore, #tpu.memory_space<semaphore_mem>>)
    %dma_start3A_189 = arith.constant 10 : i32
    %dma_start3A_190 = arith.constant 256 : i32
    %dma_start3A_191 = arith.constant 0 : i32
    %dma_start3A_192 = tpu.memref_slice %arg6[%dma_start3A_190, %dma_start3A_191] : memref<512x128xf32, #tpu.memory_space<vmem>> -> memref<128x128xf32, #tpu.memory_space<vmem>>
    %dma_start3A_193 = arith.constant 0 : i32
    %dma_start3A_194 = tpu.memref_slice %arg5[%dma_start3A_189, %dma_start3A_193] : memref<32x128xi32, #tpu.memory_space<vmem>> -> memref<1x128xi32, #tpu.memory_space<vmem>>
    %dma_start3A_195 = tpu.memref_squeeze %dma_start3A_194 : memref<1x128xi32, #tpu.memory_space<vmem>> -> memref<128xi32, #tpu.memory_space<vmem>>
    %dma_start3A_196 = arith.constant 0 : i32
    %dma_start3A_197 = arith.constant 0 : i32
    %dma_start3A_198 = tpu.memref_slice %arg2[%dma_start3A_196, %dma_start3A_197] : memref<65536x128xf32, #tpu.memory_space<hbm>> -> memref<65536x128xf32, #tpu.memory_space<hbm>>
    tpu.enqueue_indirect_dma source(%dma_start3A_198 : memref<65536x128xf32, #tpu.memory_space<hbm>>) target(%dma_start3A_192 : memref<128x128xf32, #tpu.memory_space<vmem>>) offsets(%dma_start3A_195 : memref<128xi32, #tpu.memory_space<vmem>>) semaphore(%arg7 : memref<!tpu.dma_semaphore, #tpu.memory_space<semaphore_mem>>)
    %dma_start3A_199 = arith.constant 11 : i32
    %dma_start3A_200 = arith.constant 384 : i32
    %dma_start3A_201 = arith.constant 0 : i32
    %dma_start3A_202 = tpu.memref_slice %arg6[%dma_start3A_200, %dma_start3A_201] : memref<512x128xf32, #tpu.memory_space<vmem>> -> memref<128x128xf32, #tpu.memory_space<vmem>>
    %dma_start3A_203 = arith.constant 0 : i32
    %dma_start3A_204 = tpu.memref_slice %arg5[%dma_start3A_199, %dma_start3A_203] : memref<32x128xi32, #tpu.memory_space<vmem>> -> memref<1x128xi32, #tpu.memory_space<vmem>>
    %dma_start3A_205 = tpu.memref_squeeze %dma_start3A_204 : memref<1x128xi32, #tpu.memory_space<vmem>> -> memref<128xi32, #tpu.memory_space<vmem>>
    %dma_start3A_206 = arith.constant 0 : i32
    %dma_start3A_207 = arith.constant 0 : i32
    %dma_start3A_208 = tpu.memref_slice %arg2[%dma_start3A_206, %dma_start3A_207] : memref<65536x128xf32, #tpu.memory_space<hbm>> -> memref<65536x128xf32, #tpu.memory_space<hbm>>
    tpu.enqueue_indirect_dma source(%dma_start3A_208 : memref<65536x128xf32, #tpu.memory_space<hbm>>) target(%dma_start3A_202 : memref<128x128xf32, #tpu.memory_space<vmem>>) offsets(%dma_start3A_205 : memref<128xi32, #tpu.memory_space<vmem>>) semaphore(%arg7 : memref<!tpu.dma_semaphore, #tpu.memory_space<semaphore_mem>>)
    %dma_wait3A_209 = arith.constant 8 : i32
    %dma_wait3A_210 = arith.constant 0 : i32
    %dma_wait3A_211 = arith.constant 0 : i32
    %dma_wait3A_212 = tpu.memref_slice %arg6[%dma_wait3A_210, %dma_wait3A_211] : memref<512x128xf32, #tpu.memory_space<vmem>> -> memref<128x128xf32, #tpu.memory_space<vmem>>
    %dma_wait3A_213 = arith.constant 0 : i32
    %dma_wait3A_214 = tpu.memref_slice %arg5[%dma_wait3A_209, %dma_wait3A_213] : memref<32x128xi32, #tpu.memory_space<vmem>> -> memref<1x128xi32, #tpu.memory_space<vmem>>
    %dma_wait3A_215 = tpu.memref_squeeze %dma_wait3A_214 : memref<1x128xi32, #tpu.memory_space<vmem>> -> memref<128xi32, #tpu.memory_space<vmem>>
    %dma_wait3A_216 = arith.constant 0 : i32
    %dma_wait3A_217 = arith.constant 0 : i32
    %dma_wait3A_218 = tpu.memref_slice %arg2[%dma_wait3A_216, %dma_wait3A_217] : memref<65536x128xf32, #tpu.memory_space<hbm>> -> memref<65536x128xf32, #tpu.memory_space<hbm>>
    tpu.wait_indirect_dma semaphore(%arg7 : memref<!tpu.dma_semaphore, #tpu.memory_space<semaphore_mem>>) src(%dma_wait3A_218 : memref<65536x128xf32, #tpu.memory_space<hbm>>) dst(%dma_wait3A_212 : memref<128x128xf32, #tpu.memory_space<vmem>>)
    %dma_wait3A_219 = arith.constant 9 : i32
    %dma_wait3A_220 = arith.constant 128 : i32
    %dma_wait3A_221 = arith.constant 0 : i32
    %dma_wait3A_222 = tpu.memref_slice %arg6[%dma_wait3A_220, %dma_wait3A_221] : memref<512x128xf32, #tpu.memory_space<vmem>> -> memref<128x128xf32, #tpu.memory_space<vmem>>
    %dma_wait3A_223 = arith.constant 0 : i32
    %dma_wait3A_224 = tpu.memref_slice %arg5[%dma_wait3A_219, %dma_wait3A_223] : memref<32x128xi32, #tpu.memory_space<vmem>> -> memref<1x128xi32, #tpu.memory_space<vmem>>
    %dma_wait3A_225 = tpu.memref_squeeze %dma_wait3A_224 : memref<1x128xi32, #tpu.memory_space<vmem>> -> memref<128xi32, #tpu.memory_space<vmem>>
    %dma_wait3A_226 = arith.constant 0 : i32
    %dma_wait3A_227 = arith.constant 0 : i32
    %dma_wait3A_228 = tpu.memref_slice %arg2[%dma_wait3A_226, %dma_wait3A_227] : memref<65536x128xf32, #tpu.memory_space<hbm>> -> memref<65536x128xf32, #tpu.memory_space<hbm>>
    tpu.wait_indirect_dma semaphore(%arg7 : memref<!tpu.dma_semaphore, #tpu.memory_space<semaphore_mem>>) src(%dma_wait3A_228 : memref<65536x128xf32, #tpu.memory_space<hbm>>) dst(%dma_wait3A_222 : memref<128x128xf32, #tpu.memory_space<vmem>>)
    %dma_wait3A_229 = arith.constant 10 : i32
    %dma_wait3A_230 = arith.constant 256 : i32
    %dma_wait3A_231 = arith.constant 0 : i32
    %dma_wait3A_232 = tpu.memref_slice %arg6[%dma_wait3A_230, %dma_wait3A_231] : memref<512x128xf32, #tpu.memory_space<vmem>> -> memref<128x128xf32, #tpu.memory_space<vmem>>
    %dma_wait3A_233 = arith.constant 0 : i32
    %dma_wait3A_234 = tpu.memref_slice %arg5[%dma_wait3A_229, %dma_wait3A_233] : memref<32x128xi32, #tpu.memory_space<vmem>> -> memref<1x128xi32, #tpu.memory_space<vmem>>
    %dma_wait3A_235 = tpu.memref_squeeze %dma_wait3A_234 : memref<1x128xi32, #tpu.memory_space<vmem>> -> memref<128xi32, #tpu.memory_space<vmem>>
    %dma_wait3A_236 = arith.constant 0 : i32
    %dma_wait3A_237 = arith.constant 0 : i32
    %dma_wait3A_238 = tpu.memref_slice %arg2[%dma_wait3A_236, %dma_wait3A_237] : memref<65536x128xf32, #tpu.memory_space<hbm>> -> memref<65536x128xf32, #tpu.memory_space<hbm>>
    tpu.wait_indirect_dma semaphore(%arg7 : memref<!tpu.dma_semaphore, #tpu.memory_space<semaphore_mem>>) src(%dma_wait3A_238 : memref<65536x128xf32, #tpu.memory_space<hbm>>) dst(%dma_wait3A_232 : memref<128x128xf32, #tpu.memory_space<vmem>>)
    %dma_wait3A_239 = arith.constant 11 : i32
    %dma_wait3A_240 = arith.constant 384 : i32
    %dma_wait3A_241 = arith.constant 0 : i32
    %dma_wait3A_242 = tpu.memref_slice %arg6[%dma_wait3A_240, %dma_wait3A_241] : memref<512x128xf32, #tpu.memory_space<vmem>> -> memref<128x128xf32, #tpu.memory_space<vmem>>
    %dma_wait3A_243 = arith.constant 0 : i32
    %dma_wait3A_244 = tpu.memref_slice %arg5[%dma_wait3A_239, %dma_wait3A_243] : memref<32x128xi32, #tpu.memory_space<vmem>> -> memref<1x128xi32, #tpu.memory_space<vmem>>
    %dma_wait3A_245 = tpu.memref_squeeze %dma_wait3A_244 : memref<1x128xi32, #tpu.memory_space<vmem>> -> memref<128xi32, #tpu.memory_space<vmem>>
    %dma_wait3A_246 = arith.constant 0 : i32
    %dma_wait3A_247 = arith.constant 0 : i32
    %dma_wait3A_248 = tpu.memref_slice %arg2[%dma_wait3A_246, %dma_wait3A_247] : memref<65536x128xf32, #tpu.memory_space<hbm>> -> memref<65536x128xf32, #tpu.memory_space<hbm>>
    tpu.wait_indirect_dma semaphore(%arg7 : memref<!tpu.dma_semaphore, #tpu.memory_space<semaphore_mem>>) src(%dma_wait3A_248 : memref<65536x128xf32, #tpu.memory_space<hbm>>) dst(%dma_wait3A_242 : memref<128x128xf32, #tpu.memory_space<vmem>>)
    %mul3A_249 = arith.constant 4096 : i32
    %mul3A_250 = arith.muli %add3A, %mul3A_249 : i32
    %add3A_251 = arith.constant 1024 : i32
    %add3A_252 = arith.addi %mul3A_250, %add3A_251 : i32
    "tpu.region"() ({
      %run_scoped3A = tpu.sem_alloc : memref<!tpu.dma_semaphore, #tpu.memory_space<semaphore_mem>>
      %dma_start3A_673 = arith.constant 0 : i32
      %dma_start3A_674 = tpu.memref_slice %arg4[%add3A_252, %dma_start3A_673] : memref<131072x128xf32, #tpu.memory_space<hbm>> -> memref<512x128xf32, #tpu.memory_space<hbm>>
      %dma_start3A_675 = arith.constant 0 : i32
      %dma_start3A_676 = tpu.memref_slice %arg4[%add3A_252, %dma_start3A_675] : memref<131072x128xf32, #tpu.memory_space<hbm>> -> memref<512x128xf32, #tpu.memory_space<hbm>>
      tpu.enqueue_dma source(%arg6 : memref<512x128xf32, #tpu.memory_space<vmem>>) target(%dma_start3A_676 : memref<512x128xf32, #tpu.memory_space<hbm>>) target_semaphore(%run_scoped3A : memref<!tpu.dma_semaphore, #tpu.memory_space<semaphore_mem>>)
      %dma_wait3A_677 = arith.constant 0 : i32
      %dma_wait3A_678 = tpu.memref_slice %arg4[%add3A_252, %dma_wait3A_677] : memref<131072x128xf32, #tpu.memory_space<hbm>> -> memref<512x128xf32, #tpu.memory_space<hbm>>
      %dma_wait3A_679 = arith.constant 0 : i32
      %dma_wait3A_680 = tpu.memref_slice %arg4[%add3A_252, %dma_wait3A_679] : memref<131072x128xf32, #tpu.memory_space<hbm>> -> memref<512x128xf32, #tpu.memory_space<hbm>>
      tpu.wait_dma2 semaphore(%run_scoped3A : memref<!tpu.dma_semaphore, #tpu.memory_space<semaphore_mem>>) src(%arg6 : memref<512x128xf32, #tpu.memory_space<vmem>>) dst(%dma_wait3A_680 : memref<512x128xf32, #tpu.memory_space<hbm>>)
      tpu.yield
    }) : () -> ()
    %dma_start3A_253 = arith.constant 12 : i32
    %dma_start3A_254 = arith.constant 0 : i32
    %dma_start3A_255 = arith.constant 0 : i32
    %dma_start3A_256 = tpu.memref_slice %arg6[%dma_start3A_254, %dma_start3A_255] : memref<512x128xf32, #tpu.memory_space<vmem>> -> memref<128x128xf32, #tpu.memory_space<vmem>>
    %dma_start3A_257 = arith.constant 0 : i32
    %dma_start3A_258 = tpu.memref_slice %arg5[%dma_start3A_253, %dma_start3A_257] : memref<32x128xi32, #tpu.memory_space<vmem>> -> memref<1x128xi32, #tpu.memory_space<vmem>>
    %dma_start3A_259 = tpu.memref_squeeze %dma_start3A_258 : memref<1x128xi32, #tpu.memory_space<vmem>> -> memref<128xi32, #tpu.memory_space<vmem>>
    %dma_start3A_260 = arith.constant 0 : i32
    %dma_start3A_261 = arith.constant 0 : i32
    %dma_start3A_262 = tpu.memref_slice %arg2[%dma_start3A_260, %dma_start3A_261] : memref<65536x128xf32, #tpu.memory_space<hbm>> -> memref<65536x128xf32, #tpu.memory_space<hbm>>
    tpu.enqueue_indirect_dma source(%dma_start3A_262 : memref<65536x128xf32, #tpu.memory_space<hbm>>) target(%dma_start3A_256 : memref<128x128xf32, #tpu.memory_space<vmem>>) offsets(%dma_start3A_259 : memref<128xi32, #tpu.memory_space<vmem>>) semaphore(%arg7 : memref<!tpu.dma_semaphore, #tpu.memory_space<semaphore_mem>>)
    %dma_start3A_263 = arith.constant 13 : i32
    %dma_start3A_264 = arith.constant 128 : i32
    %dma_start3A_265 = arith.constant 0 : i32
    %dma_start3A_266 = tpu.memref_slice %arg6[%dma_start3A_264, %dma_start3A_265] : memref<512x128xf32, #tpu.memory_space<vmem>> -> memref<128x128xf32, #tpu.memory_space<vmem>>
    %dma_start3A_267 = arith.constant 0 : i32
    %dma_start3A_268 = tpu.memref_slice %arg5[%dma_start3A_263, %dma_start3A_267] : memref<32x128xi32, #tpu.memory_space<vmem>> -> memref<1x128xi32, #tpu.memory_space<vmem>>
    %dma_start3A_269 = tpu.memref_squeeze %dma_start3A_268 : memref<1x128xi32, #tpu.memory_space<vmem>> -> memref<128xi32, #tpu.memory_space<vmem>>
    %dma_start3A_270 = arith.constant 0 : i32
    %dma_start3A_271 = arith.constant 0 : i32
    %dma_start3A_272 = tpu.memref_slice %arg2[%dma_start3A_270, %dma_start3A_271] : memref<65536x128xf32, #tpu.memory_space<hbm>> -> memref<65536x128xf32, #tpu.memory_space<hbm>>
    tpu.enqueue_indirect_dma source(%dma_start3A_272 : memref<65536x128xf32, #tpu.memory_space<hbm>>) target(%dma_start3A_266 : memref<128x128xf32, #tpu.memory_space<vmem>>) offsets(%dma_start3A_269 : memref<128xi32, #tpu.memory_space<vmem>>) semaphore(%arg7 : memref<!tpu.dma_semaphore, #tpu.memory_space<semaphore_mem>>)
    %dma_start3A_273 = arith.constant 14 : i32
    %dma_start3A_274 = arith.constant 256 : i32
    %dma_start3A_275 = arith.constant 0 : i32
    %dma_start3A_276 = tpu.memref_slice %arg6[%dma_start3A_274, %dma_start3A_275] : memref<512x128xf32, #tpu.memory_space<vmem>> -> memref<128x128xf32, #tpu.memory_space<vmem>>
    %dma_start3A_277 = arith.constant 0 : i32
    %dma_start3A_278 = tpu.memref_slice %arg5[%dma_start3A_273, %dma_start3A_277] : memref<32x128xi32, #tpu.memory_space<vmem>> -> memref<1x128xi32, #tpu.memory_space<vmem>>
    %dma_start3A_279 = tpu.memref_squeeze %dma_start3A_278 : memref<1x128xi32, #tpu.memory_space<vmem>> -> memref<128xi32, #tpu.memory_space<vmem>>
    %dma_start3A_280 = arith.constant 0 : i32
    %dma_start3A_281 = arith.constant 0 : i32
    %dma_start3A_282 = tpu.memref_slice %arg2[%dma_start3A_280, %dma_start3A_281] : memref<65536x128xf32, #tpu.memory_space<hbm>> -> memref<65536x128xf32, #tpu.memory_space<hbm>>
    tpu.enqueue_indirect_dma source(%dma_start3A_282 : memref<65536x128xf32, #tpu.memory_space<hbm>>) target(%dma_start3A_276 : memref<128x128xf32, #tpu.memory_space<vmem>>) offsets(%dma_start3A_279 : memref<128xi32, #tpu.memory_space<vmem>>) semaphore(%arg7 : memref<!tpu.dma_semaphore, #tpu.memory_space<semaphore_mem>>)
    %dma_start3A_283 = arith.constant 15 : i32
    %dma_start3A_284 = arith.constant 384 : i32
    %dma_start3A_285 = arith.constant 0 : i32
    %dma_start3A_286 = tpu.memref_slice %arg6[%dma_start3A_284, %dma_start3A_285] : memref<512x128xf32, #tpu.memory_space<vmem>> -> memref<128x128xf32, #tpu.memory_space<vmem>>
    %dma_start3A_287 = arith.constant 0 : i32
    %dma_start3A_288 = tpu.memref_slice %arg5[%dma_start3A_283, %dma_start3A_287] : memref<32x128xi32, #tpu.memory_space<vmem>> -> memref<1x128xi32, #tpu.memory_space<vmem>>
    %dma_start3A_289 = tpu.memref_squeeze %dma_start3A_288 : memref<1x128xi32, #tpu.memory_space<vmem>> -> memref<128xi32, #tpu.memory_space<vmem>>
    %dma_start3A_290 = arith.constant 0 : i32
    %dma_start3A_291 = arith.constant 0 : i32
    %dma_start3A_292 = tpu.memref_slice %arg2[%dma_start3A_290, %dma_start3A_291] : memref<65536x128xf32, #tpu.memory_space<hbm>> -> memref<65536x128xf32, #tpu.memory_space<hbm>>
    tpu.enqueue_indirect_dma source(%dma_start3A_292 : memref<65536x128xf32, #tpu.memory_space<hbm>>) target(%dma_start3A_286 : memref<128x128xf32, #tpu.memory_space<vmem>>) offsets(%dma_start3A_289 : memref<128xi32, #tpu.memory_space<vmem>>) semaphore(%arg7 : memref<!tpu.dma_semaphore, #tpu.memory_space<semaphore_mem>>)
    %dma_wait3A_293 = arith.constant 12 : i32
    %dma_wait3A_294 = arith.constant 0 : i32
    %dma_wait3A_295 = arith.constant 0 : i32
    %dma_wait3A_296 = tpu.memref_slice %arg6[%dma_wait3A_294, %dma_wait3A_295] : memref<512x128xf32, #tpu.memory_space<vmem>> -> memref<128x128xf32, #tpu.memory_space<vmem>>
    %dma_wait3A_297 = arith.constant 0 : i32
    %dma_wait3A_298 = tpu.memref_slice %arg5[%dma_wait3A_293, %dma_wait3A_297] : memref<32x128xi32, #tpu.memory_space<vmem>> -> memref<1x128xi32, #tpu.memory_space<vmem>>
    %dma_wait3A_299 = tpu.memref_squeeze %dma_wait3A_298 : memref<1x128xi32, #tpu.memory_space<vmem>> -> memref<128xi32, #tpu.memory_space<vmem>>
    %dma_wait3A_300 = arith.constant 0 : i32
    %dma_wait3A_301 = arith.constant 0 : i32
    %dma_wait3A_302 = tpu.memref_slice %arg2[%dma_wait3A_300, %dma_wait3A_301] : memref<65536x128xf32, #tpu.memory_space<hbm>> -> memref<65536x128xf32, #tpu.memory_space<hbm>>
    tpu.wait_indirect_dma semaphore(%arg7 : memref<!tpu.dma_semaphore, #tpu.memory_space<semaphore_mem>>) src(%dma_wait3A_302 : memref<65536x128xf32, #tpu.memory_space<hbm>>) dst(%dma_wait3A_296 : memref<128x128xf32, #tpu.memory_space<vmem>>)
    %dma_wait3A_303 = arith.constant 13 : i32
    %dma_wait3A_304 = arith.constant 128 : i32
    %dma_wait3A_305 = arith.constant 0 : i32
    %dma_wait3A_306 = tpu.memref_slice %arg6[%dma_wait3A_304, %dma_wait3A_305] : memref<512x128xf32, #tpu.memory_space<vmem>> -> memref<128x128xf32, #tpu.memory_space<vmem>>
    %dma_wait3A_307 = arith.constant 0 : i32
    %dma_wait3A_308 = tpu.memref_slice %arg5[%dma_wait3A_303, %dma_wait3A_307] : memref<32x128xi32, #tpu.memory_space<vmem>> -> memref<1x128xi32, #tpu.memory_space<vmem>>
    %dma_wait3A_309 = tpu.memref_squeeze %dma_wait3A_308 : memref<1x128xi32, #tpu.memory_space<vmem>> -> memref<128xi32, #tpu.memory_space<vmem>>
    %dma_wait3A_310 = arith.constant 0 : i32
    %dma_wait3A_311 = arith.constant 0 : i32
    %dma_wait3A_312 = tpu.memref_slice %arg2[%dma_wait3A_310, %dma_wait3A_311] : memref<65536x128xf32, #tpu.memory_space<hbm>> -> memref<65536x128xf32, #tpu.memory_space<hbm>>
    tpu.wait_indirect_dma semaphore(%arg7 : memref<!tpu.dma_semaphore, #tpu.memory_space<semaphore_mem>>) src(%dma_wait3A_312 : memref<65536x128xf32, #tpu.memory_space<hbm>>) dst(%dma_wait3A_306 : memref<128x128xf32, #tpu.memory_space<vmem>>)
    %dma_wait3A_313 = arith.constant 14 : i32
    %dma_wait3A_314 = arith.constant 256 : i32
    %dma_wait3A_315 = arith.constant 0 : i32
    %dma_wait3A_316 = tpu.memref_slice %arg6[%dma_wait3A_314, %dma_wait3A_315] : memref<512x128xf32, #tpu.memory_space<vmem>> -> memref<128x128xf32, #tpu.memory_space<vmem>>
    %dma_wait3A_317 = arith.constant 0 : i32
    %dma_wait3A_318 = tpu.memref_slice %arg5[%dma_wait3A_313, %dma_wait3A_317] : memref<32x128xi32, #tpu.memory_space<vmem>> -> memref<1x128xi32, #tpu.memory_space<vmem>>
    %dma_wait3A_319 = tpu.memref_squeeze %dma_wait3A_318 : memref<1x128xi32, #tpu.memory_space<vmem>> -> memref<128xi32, #tpu.memory_space<vmem>>
    %dma_wait3A_320 = arith.constant 0 : i32
    %dma_wait3A_321 = arith.constant 0 : i32
    %dma_wait3A_322 = tpu.memref_slice %arg2[%dma_wait3A_320, %dma_wait3A_321] : memref<65536x128xf32, #tpu.memory_space<hbm>> -> memref<65536x128xf32, #tpu.memory_space<hbm>>
    tpu.wait_indirect_dma semaphore(%arg7 : memref<!tpu.dma_semaphore, #tpu.memory_space<semaphore_mem>>) src(%dma_wait3A_322 : memref<65536x128xf32, #tpu.memory_space<hbm>>) dst(%dma_wait3A_316 : memref<128x128xf32, #tpu.memory_space<vmem>>)
    %dma_wait3A_323 = arith.constant 15 : i32
    %dma_wait3A_324 = arith.constant 384 : i32
    %dma_wait3A_325 = arith.constant 0 : i32
    %dma_wait3A_326 = tpu.memref_slice %arg6[%dma_wait3A_324, %dma_wait3A_325] : memref<512x128xf32, #tpu.memory_space<vmem>> -> memref<128x128xf32, #tpu.memory_space<vmem>>
    %dma_wait3A_327 = arith.constant 0 : i32
    %dma_wait3A_328 = tpu.memref_slice %arg5[%dma_wait3A_323, %dma_wait3A_327] : memref<32x128xi32, #tpu.memory_space<vmem>> -> memref<1x128xi32, #tpu.memory_space<vmem>>
    %dma_wait3A_329 = tpu.memref_squeeze %dma_wait3A_328 : memref<1x128xi32, #tpu.memory_space<vmem>> -> memref<128xi32, #tpu.memory_space<vmem>>
    %dma_wait3A_330 = arith.constant 0 : i32
    %dma_wait3A_331 = arith.constant 0 : i32
    %dma_wait3A_332 = tpu.memref_slice %arg2[%dma_wait3A_330, %dma_wait3A_331] : memref<65536x128xf32, #tpu.memory_space<hbm>> -> memref<65536x128xf32, #tpu.memory_space<hbm>>
    tpu.wait_indirect_dma semaphore(%arg7 : memref<!tpu.dma_semaphore, #tpu.memory_space<semaphore_mem>>) src(%dma_wait3A_332 : memref<65536x128xf32, #tpu.memory_space<hbm>>) dst(%dma_wait3A_326 : memref<128x128xf32, #tpu.memory_space<vmem>>)
    %mul3A_333 = arith.constant 4096 : i32
    %mul3A_334 = arith.muli %add3A, %mul3A_333 : i32
    %add3A_335 = arith.constant 1536 : i32
    %add3A_336 = arith.addi %mul3A_334, %add3A_335 : i32
    "tpu.region"() ({
      %run_scoped3A = tpu.sem_alloc : memref<!tpu.dma_semaphore, #tpu.memory_space<semaphore_mem>>
      %dma_start3A_673 = arith.constant 0 : i32
      %dma_start3A_674 = tpu.memref_slice %arg4[%add3A_336, %dma_start3A_673] : memref<131072x128xf32, #tpu.memory_space<hbm>> -> memref<512x128xf32, #tpu.memory_space<hbm>>
      %dma_start3A_675 = arith.constant 0 : i32
      %dma_start3A_676 = tpu.memref_slice %arg4[%add3A_336, %dma_start3A_675] : memref<131072x128xf32, #tpu.memory_space<hbm>> -> memref<512x128xf32, #tpu.memory_space<hbm>>
      tpu.enqueue_dma source(%arg6 : memref<512x128xf32, #tpu.memory_space<vmem>>) target(%dma_start3A_676 : memref<512x128xf32, #tpu.memory_space<hbm>>) target_semaphore(%run_scoped3A : memref<!tpu.dma_semaphore, #tpu.memory_space<semaphore_mem>>)
      %dma_wait3A_677 = arith.constant 0 : i32
      %dma_wait3A_678 = tpu.memref_slice %arg4[%add3A_336, %dma_wait3A_677] : memref<131072x128xf32, #tpu.memory_space<hbm>> -> memref<512x128xf32, #tpu.memory_space<hbm>>
      %dma_wait3A_679 = arith.constant 0 : i32
      %dma_wait3A_680 = tpu.memref_slice %arg4[%add3A_336, %dma_wait3A_679] : memref<131072x128xf32, #tpu.memory_space<hbm>> -> memref<512x128xf32, #tpu.memory_space<hbm>>
      tpu.wait_dma2 semaphore(%run_scoped3A : memref<!tpu.dma_semaphore, #tpu.memory_space<semaphore_mem>>) src(%arg6 : memref<512x128xf32, #tpu.memory_space<vmem>>) dst(%dma_wait3A_680 : memref<512x128xf32, #tpu.memory_space<hbm>>)
      tpu.yield
    }) : () -> ()
    %dma_start3A_337 = arith.constant 16 : i32
    %dma_start3A_338 = arith.constant 0 : i32
    %dma_start3A_339 = arith.constant 0 : i32
    %dma_start3A_340 = tpu.memref_slice %arg6[%dma_start3A_338, %dma_start3A_339] : memref<512x128xf32, #tpu.memory_space<vmem>> -> memref<128x128xf32, #tpu.memory_space<vmem>>
    %dma_start3A_341 = arith.constant 0 : i32
    %dma_start3A_342 = tpu.memref_slice %arg5[%dma_start3A_337, %dma_start3A_341] : memref<32x128xi32, #tpu.memory_space<vmem>> -> memref<1x128xi32, #tpu.memory_space<vmem>>
    %dma_start3A_343 = tpu.memref_squeeze %dma_start3A_342 : memref<1x128xi32, #tpu.memory_space<vmem>> -> memref<128xi32, #tpu.memory_space<vmem>>
    %dma_start3A_344 = arith.constant 0 : i32
    %dma_start3A_345 = arith.constant 0 : i32
    %dma_start3A_346 = tpu.memref_slice %arg2[%dma_start3A_344, %dma_start3A_345] : memref<65536x128xf32, #tpu.memory_space<hbm>> -> memref<65536x128xf32, #tpu.memory_space<hbm>>
    tpu.enqueue_indirect_dma source(%dma_start3A_346 : memref<65536x128xf32, #tpu.memory_space<hbm>>) target(%dma_start3A_340 : memref<128x128xf32, #tpu.memory_space<vmem>>) offsets(%dma_start3A_343 : memref<128xi32, #tpu.memory_space<vmem>>) semaphore(%arg7 : memref<!tpu.dma_semaphore, #tpu.memory_space<semaphore_mem>>)
    %dma_start3A_347 = arith.constant 17 : i32
    %dma_start3A_348 = arith.constant 128 : i32
    %dma_start3A_349 = arith.constant 0 : i32
    %dma_start3A_350 = tpu.memref_slice %arg6[%dma_start3A_348, %dma_start3A_349] : memref<512x128xf32, #tpu.memory_space<vmem>> -> memref<128x128xf32, #tpu.memory_space<vmem>>
    %dma_start3A_351 = arith.constant 0 : i32
    %dma_start3A_352 = tpu.memref_slice %arg5[%dma_start3A_347, %dma_start3A_351] : memref<32x128xi32, #tpu.memory_space<vmem>> -> memref<1x128xi32, #tpu.memory_space<vmem>>
    %dma_start3A_353 = tpu.memref_squeeze %dma_start3A_352 : memref<1x128xi32, #tpu.memory_space<vmem>> -> memref<128xi32, #tpu.memory_space<vmem>>
    %dma_start3A_354 = arith.constant 0 : i32
    %dma_start3A_355 = arith.constant 0 : i32
    %dma_start3A_356 = tpu.memref_slice %arg2[%dma_start3A_354, %dma_start3A_355] : memref<65536x128xf32, #tpu.memory_space<hbm>> -> memref<65536x128xf32, #tpu.memory_space<hbm>>
    tpu.enqueue_indirect_dma source(%dma_start3A_356 : memref<65536x128xf32, #tpu.memory_space<hbm>>) target(%dma_start3A_350 : memref<128x128xf32, #tpu.memory_space<vmem>>) offsets(%dma_start3A_353 : memref<128xi32, #tpu.memory_space<vmem>>) semaphore(%arg7 : memref<!tpu.dma_semaphore, #tpu.memory_space<semaphore_mem>>)
    %dma_start3A_357 = arith.constant 18 : i32
    %dma_start3A_358 = arith.constant 256 : i32
    %dma_start3A_359 = arith.constant 0 : i32
    %dma_start3A_360 = tpu.memref_slice %arg6[%dma_start3A_358, %dma_start3A_359] : memref<512x128xf32, #tpu.memory_space<vmem>> -> memref<128x128xf32, #tpu.memory_space<vmem>>
    %dma_start3A_361 = arith.constant 0 : i32
    %dma_start3A_362 = tpu.memref_slice %arg5[%dma_start3A_357, %dma_start3A_361] : memref<32x128xi32, #tpu.memory_space<vmem>> -> memref<1x128xi32, #tpu.memory_space<vmem>>
    %dma_start3A_363 = tpu.memref_squeeze %dma_start3A_362 : memref<1x128xi32, #tpu.memory_space<vmem>> -> memref<128xi32, #tpu.memory_space<vmem>>
    %dma_start3A_364 = arith.constant 0 : i32
    %dma_start3A_365 = arith.constant 0 : i32
    %dma_start3A_366 = tpu.memref_slice %arg2[%dma_start3A_364, %dma_start3A_365] : memref<65536x128xf32, #tpu.memory_space<hbm>> -> memref<65536x128xf32, #tpu.memory_space<hbm>>
    tpu.enqueue_indirect_dma source(%dma_start3A_366 : memref<65536x128xf32, #tpu.memory_space<hbm>>) target(%dma_start3A_360 : memref<128x128xf32, #tpu.memory_space<vmem>>) offsets(%dma_start3A_363 : memref<128xi32, #tpu.memory_space<vmem>>) semaphore(%arg7 : memref<!tpu.dma_semaphore, #tpu.memory_space<semaphore_mem>>)
    %dma_start3A_367 = arith.constant 19 : i32
    %dma_start3A_368 = arith.constant 384 : i32
    %dma_start3A_369 = arith.constant 0 : i32
    %dma_start3A_370 = tpu.memref_slice %arg6[%dma_start3A_368, %dma_start3A_369] : memref<512x128xf32, #tpu.memory_space<vmem>> -> memref<128x128xf32, #tpu.memory_space<vmem>>
    %dma_start3A_371 = arith.constant 0 : i32
    %dma_start3A_372 = tpu.memref_slice %arg5[%dma_start3A_367, %dma_start3A_371] : memref<32x128xi32, #tpu.memory_space<vmem>> -> memref<1x128xi32, #tpu.memory_space<vmem>>
    %dma_start3A_373 = tpu.memref_squeeze %dma_start3A_372 : memref<1x128xi32, #tpu.memory_space<vmem>> -> memref<128xi32, #tpu.memory_space<vmem>>
    %dma_start3A_374 = arith.constant 0 : i32
    %dma_start3A_375 = arith.constant 0 : i32
    %dma_start3A_376 = tpu.memref_slice %arg2[%dma_start3A_374, %dma_start3A_375] : memref<65536x128xf32, #tpu.memory_space<hbm>> -> memref<65536x128xf32, #tpu.memory_space<hbm>>
    tpu.enqueue_indirect_dma source(%dma_start3A_376 : memref<65536x128xf32, #tpu.memory_space<hbm>>) target(%dma_start3A_370 : memref<128x128xf32, #tpu.memory_space<vmem>>) offsets(%dma_start3A_373 : memref<128xi32, #tpu.memory_space<vmem>>) semaphore(%arg7 : memref<!tpu.dma_semaphore, #tpu.memory_space<semaphore_mem>>)
    %dma_wait3A_377 = arith.constant 16 : i32
    %dma_wait3A_378 = arith.constant 0 : i32
    %dma_wait3A_379 = arith.constant 0 : i32
    %dma_wait3A_380 = tpu.memref_slice %arg6[%dma_wait3A_378, %dma_wait3A_379] : memref<512x128xf32, #tpu.memory_space<vmem>> -> memref<128x128xf32, #tpu.memory_space<vmem>>
    %dma_wait3A_381 = arith.constant 0 : i32
    %dma_wait3A_382 = tpu.memref_slice %arg5[%dma_wait3A_377, %dma_wait3A_381] : memref<32x128xi32, #tpu.memory_space<vmem>> -> memref<1x128xi32, #tpu.memory_space<vmem>>
    %dma_wait3A_383 = tpu.memref_squeeze %dma_wait3A_382 : memref<1x128xi32, #tpu.memory_space<vmem>> -> memref<128xi32, #tpu.memory_space<vmem>>
    %dma_wait3A_384 = arith.constant 0 : i32
    %dma_wait3A_385 = arith.constant 0 : i32
    %dma_wait3A_386 = tpu.memref_slice %arg2[%dma_wait3A_384, %dma_wait3A_385] : memref<65536x128xf32, #tpu.memory_space<hbm>> -> memref<65536x128xf32, #tpu.memory_space<hbm>>
    tpu.wait_indirect_dma semaphore(%arg7 : memref<!tpu.dma_semaphore, #tpu.memory_space<semaphore_mem>>) src(%dma_wait3A_386 : memref<65536x128xf32, #tpu.memory_space<hbm>>) dst(%dma_wait3A_380 : memref<128x128xf32, #tpu.memory_space<vmem>>)
    %dma_wait3A_387 = arith.constant 17 : i32
    %dma_wait3A_388 = arith.constant 128 : i32
    %dma_wait3A_389 = arith.constant 0 : i32
    %dma_wait3A_390 = tpu.memref_slice %arg6[%dma_wait3A_388, %dma_wait3A_389] : memref<512x128xf32, #tpu.memory_space<vmem>> -> memref<128x128xf32, #tpu.memory_space<vmem>>
    %dma_wait3A_391 = arith.constant 0 : i32
    %dma_wait3A_392 = tpu.memref_slice %arg5[%dma_wait3A_387, %dma_wait3A_391] : memref<32x128xi32, #tpu.memory_space<vmem>> -> memref<1x128xi32, #tpu.memory_space<vmem>>
    %dma_wait3A_393 = tpu.memref_squeeze %dma_wait3A_392 : memref<1x128xi32, #tpu.memory_space<vmem>> -> memref<128xi32, #tpu.memory_space<vmem>>
    %dma_wait3A_394 = arith.constant 0 : i32
    %dma_wait3A_395 = arith.constant 0 : i32
    %dma_wait3A_396 = tpu.memref_slice %arg2[%dma_wait3A_394, %dma_wait3A_395] : memref<65536x128xf32, #tpu.memory_space<hbm>> -> memref<65536x128xf32, #tpu.memory_space<hbm>>
    tpu.wait_indirect_dma semaphore(%arg7 : memref<!tpu.dma_semaphore, #tpu.memory_space<semaphore_mem>>) src(%dma_wait3A_396 : memref<65536x128xf32, #tpu.memory_space<hbm>>) dst(%dma_wait3A_390 : memref<128x128xf32, #tpu.memory_space<vmem>>)
    %dma_wait3A_397 = arith.constant 18 : i32
    %dma_wait3A_398 = arith.constant 256 : i32
    %dma_wait3A_399 = arith.constant 0 : i32
    %dma_wait3A_400 = tpu.memref_slice %arg6[%dma_wait3A_398, %dma_wait3A_399] : memref<512x128xf32, #tpu.memory_space<vmem>> -> memref<128x128xf32, #tpu.memory_space<vmem>>
    %dma_wait3A_401 = arith.constant 0 : i32
    %dma_wait3A_402 = tpu.memref_slice %arg5[%dma_wait3A_397, %dma_wait3A_401] : memref<32x128xi32, #tpu.memory_space<vmem>> -> memref<1x128xi32, #tpu.memory_space<vmem>>
    %dma_wait3A_403 = tpu.memref_squeeze %dma_wait3A_402 : memref<1x128xi32, #tpu.memory_space<vmem>> -> memref<128xi32, #tpu.memory_space<vmem>>
    %dma_wait3A_404 = arith.constant 0 : i32
    %dma_wait3A_405 = arith.constant 0 : i32
    %dma_wait3A_406 = tpu.memref_slice %arg2[%dma_wait3A_404, %dma_wait3A_405] : memref<65536x128xf32, #tpu.memory_space<hbm>> -> memref<65536x128xf32, #tpu.memory_space<hbm>>
    tpu.wait_indirect_dma semaphore(%arg7 : memref<!tpu.dma_semaphore, #tpu.memory_space<semaphore_mem>>) src(%dma_wait3A_406 : memref<65536x128xf32, #tpu.memory_space<hbm>>) dst(%dma_wait3A_400 : memref<128x128xf32, #tpu.memory_space<vmem>>)
    %dma_wait3A_407 = arith.constant 19 : i32
    %dma_wait3A_408 = arith.constant 384 : i32
    %dma_wait3A_409 = arith.constant 0 : i32
    %dma_wait3A_410 = tpu.memref_slice %arg6[%dma_wait3A_408, %dma_wait3A_409] : memref<512x128xf32, #tpu.memory_space<vmem>> -> memref<128x128xf32, #tpu.memory_space<vmem>>
    %dma_wait3A_411 = arith.constant 0 : i32
    %dma_wait3A_412 = tpu.memref_slice %arg5[%dma_wait3A_407, %dma_wait3A_411] : memref<32x128xi32, #tpu.memory_space<vmem>> -> memref<1x128xi32, #tpu.memory_space<vmem>>
    %dma_wait3A_413 = tpu.memref_squeeze %dma_wait3A_412 : memref<1x128xi32, #tpu.memory_space<vmem>> -> memref<128xi32, #tpu.memory_space<vmem>>
    %dma_wait3A_414 = arith.constant 0 : i32
    %dma_wait3A_415 = arith.constant 0 : i32
    %dma_wait3A_416 = tpu.memref_slice %arg2[%dma_wait3A_414, %dma_wait3A_415] : memref<65536x128xf32, #tpu.memory_space<hbm>> -> memref<65536x128xf32, #tpu.memory_space<hbm>>
    tpu.wait_indirect_dma semaphore(%arg7 : memref<!tpu.dma_semaphore, #tpu.memory_space<semaphore_mem>>) src(%dma_wait3A_416 : memref<65536x128xf32, #tpu.memory_space<hbm>>) dst(%dma_wait3A_410 : memref<128x128xf32, #tpu.memory_space<vmem>>)
    %mul3A_417 = arith.constant 4096 : i32
    %mul3A_418 = arith.muli %add3A, %mul3A_417 : i32
    %add3A_419 = arith.constant 2048 : i32
    %add3A_420 = arith.addi %mul3A_418, %add3A_419 : i32
    "tpu.region"() ({
      %run_scoped3A = tpu.sem_alloc : memref<!tpu.dma_semaphore, #tpu.memory_space<semaphore_mem>>
      %dma_start3A_673 = arith.constant 0 : i32
      %dma_start3A_674 = tpu.memref_slice %arg4[%add3A_420, %dma_start3A_673] : memref<131072x128xf32, #tpu.memory_space<hbm>> -> memref<512x128xf32, #tpu.memory_space<hbm>>
      %dma_start3A_675 = arith.constant 0 : i32
      %dma_start3A_676 = tpu.memref_slice %arg4[%add3A_420, %dma_start3A_675] : memref<131072x128xf32, #tpu.memory_space<hbm>> -> memref<512x128xf32, #tpu.memory_space<hbm>>
      tpu.enqueue_dma source(%arg6 : memref<512x128xf32, #tpu.memory_space<vmem>>) target(%dma_start3A_676 : memref<512x128xf32, #tpu.memory_space<hbm>>) target_semaphore(%run_scoped3A : memref<!tpu.dma_semaphore, #tpu.memory_space<semaphore_mem>>)
      %dma_wait3A_677 = arith.constant 0 : i32
      %dma_wait3A_678 = tpu.memref_slice %arg4[%add3A_420, %dma_wait3A_677] : memref<131072x128xf32, #tpu.memory_space<hbm>> -> memref<512x128xf32, #tpu.memory_space<hbm>>
      %dma_wait3A_679 = arith.constant 0 : i32
      %dma_wait3A_680 = tpu.memref_slice %arg4[%add3A_420, %dma_wait3A_679] : memref<131072x128xf32, #tpu.memory_space<hbm>> -> memref<512x128xf32, #tpu.memory_space<hbm>>
      tpu.wait_dma2 semaphore(%run_scoped3A : memref<!tpu.dma_semaphore, #tpu.memory_space<semaphore_mem>>) src(%arg6 : memref<512x128xf32, #tpu.memory_space<vmem>>) dst(%dma_wait3A_680 : memref<512x128xf32, #tpu.memory_space<hbm>>)
      tpu.yield
    }) : () -> ()
    %dma_start3A_421 = arith.constant 20 : i32
    %dma_start3A_422 = arith.constant 0 : i32
    %dma_start3A_423 = arith.constant 0 : i32
    %dma_start3A_424 = tpu.memref_slice %arg6[%dma_start3A_422, %dma_start3A_423] : memref<512x128xf32, #tpu.memory_space<vmem>> -> memref<128x128xf32, #tpu.memory_space<vmem>>
    %dma_start3A_425 = arith.constant 0 : i32
    %dma_start3A_426 = tpu.memref_slice %arg5[%dma_start3A_421, %dma_start3A_425] : memref<32x128xi32, #tpu.memory_space<vmem>> -> memref<1x128xi32, #tpu.memory_space<vmem>>
    %dma_start3A_427 = tpu.memref_squeeze %dma_start3A_426 : memref<1x128xi32, #tpu.memory_space<vmem>> -> memref<128xi32, #tpu.memory_space<vmem>>
    %dma_start3A_428 = arith.constant 0 : i32
    %dma_start3A_429 = arith.constant 0 : i32
    %dma_start3A_430 = tpu.memref_slice %arg2[%dma_start3A_428, %dma_start3A_429] : memref<65536x128xf32, #tpu.memory_space<hbm>> -> memref<65536x128xf32, #tpu.memory_space<hbm>>
    tpu.enqueue_indirect_dma source(%dma_start3A_430 : memref<65536x128xf32, #tpu.memory_space<hbm>>) target(%dma_start3A_424 : memref<128x128xf32, #tpu.memory_space<vmem>>) offsets(%dma_start3A_427 : memref<128xi32, #tpu.memory_space<vmem>>) semaphore(%arg7 : memref<!tpu.dma_semaphore, #tpu.memory_space<semaphore_mem>>)
    %dma_start3A_431 = arith.constant 21 : i32
    %dma_start3A_432 = arith.constant 128 : i32
    %dma_start3A_433 = arith.constant 0 : i32
    %dma_start3A_434 = tpu.memref_slice %arg6[%dma_start3A_432, %dma_start3A_433] : memref<512x128xf32, #tpu.memory_space<vmem>> -> memref<128x128xf32, #tpu.memory_space<vmem>>
    %dma_start3A_435 = arith.constant 0 : i32
    %dma_start3A_436 = tpu.memref_slice %arg5[%dma_start3A_431, %dma_start3A_435] : memref<32x128xi32, #tpu.memory_space<vmem>> -> memref<1x128xi32, #tpu.memory_space<vmem>>
    %dma_start3A_437 = tpu.memref_squeeze %dma_start3A_436 : memref<1x128xi32, #tpu.memory_space<vmem>> -> memref<128xi32, #tpu.memory_space<vmem>>
    %dma_start3A_438 = arith.constant 0 : i32
    %dma_start3A_439 = arith.constant 0 : i32
    %dma_start3A_440 = tpu.memref_slice %arg2[%dma_start3A_438, %dma_start3A_439] : memref<65536x128xf32, #tpu.memory_space<hbm>> -> memref<65536x128xf32, #tpu.memory_space<hbm>>
    tpu.enqueue_indirect_dma source(%dma_start3A_440 : memref<65536x128xf32, #tpu.memory_space<hbm>>) target(%dma_start3A_434 : memref<128x128xf32, #tpu.memory_space<vmem>>) offsets(%dma_start3A_437 : memref<128xi32, #tpu.memory_space<vmem>>) semaphore(%arg7 : memref<!tpu.dma_semaphore, #tpu.memory_space<semaphore_mem>>)
    %dma_start3A_441 = arith.constant 22 : i32
    %dma_start3A_442 = arith.constant 256 : i32
    %dma_start3A_443 = arith.constant 0 : i32
    %dma_start3A_444 = tpu.memref_slice %arg6[%dma_start3A_442, %dma_start3A_443] : memref<512x128xf32, #tpu.memory_space<vmem>> -> memref<128x128xf32, #tpu.memory_space<vmem>>
    %dma_start3A_445 = arith.constant 0 : i32
    %dma_start3A_446 = tpu.memref_slice %arg5[%dma_start3A_441, %dma_start3A_445] : memref<32x128xi32, #tpu.memory_space<vmem>> -> memref<1x128xi32, #tpu.memory_space<vmem>>
    %dma_start3A_447 = tpu.memref_squeeze %dma_start3A_446 : memref<1x128xi32, #tpu.memory_space<vmem>> -> memref<128xi32, #tpu.memory_space<vmem>>
    %dma_start3A_448 = arith.constant 0 : i32
    %dma_start3A_449 = arith.constant 0 : i32
    %dma_start3A_450 = tpu.memref_slice %arg2[%dma_start3A_448, %dma_start3A_449] : memref<65536x128xf32, #tpu.memory_space<hbm>> -> memref<65536x128xf32, #tpu.memory_space<hbm>>
    tpu.enqueue_indirect_dma source(%dma_start3A_450 : memref<65536x128xf32, #tpu.memory_space<hbm>>) target(%dma_start3A_444 : memref<128x128xf32, #tpu.memory_space<vmem>>) offsets(%dma_start3A_447 : memref<128xi32, #tpu.memory_space<vmem>>) semaphore(%arg7 : memref<!tpu.dma_semaphore, #tpu.memory_space<semaphore_mem>>)
    %dma_start3A_451 = arith.constant 23 : i32
    %dma_start3A_452 = arith.constant 384 : i32
    %dma_start3A_453 = arith.constant 0 : i32
    %dma_start3A_454 = tpu.memref_slice %arg6[%dma_start3A_452, %dma_start3A_453] : memref<512x128xf32, #tpu.memory_space<vmem>> -> memref<128x128xf32, #tpu.memory_space<vmem>>
    %dma_start3A_455 = arith.constant 0 : i32
    %dma_start3A_456 = tpu.memref_slice %arg5[%dma_start3A_451, %dma_start3A_455] : memref<32x128xi32, #tpu.memory_space<vmem>> -> memref<1x128xi32, #tpu.memory_space<vmem>>
    %dma_start3A_457 = tpu.memref_squeeze %dma_start3A_456 : memref<1x128xi32, #tpu.memory_space<vmem>> -> memref<128xi32, #tpu.memory_space<vmem>>
    %dma_start3A_458 = arith.constant 0 : i32
    %dma_start3A_459 = arith.constant 0 : i32
    %dma_start3A_460 = tpu.memref_slice %arg2[%dma_start3A_458, %dma_start3A_459] : memref<65536x128xf32, #tpu.memory_space<hbm>> -> memref<65536x128xf32, #tpu.memory_space<hbm>>
    tpu.enqueue_indirect_dma source(%dma_start3A_460 : memref<65536x128xf32, #tpu.memory_space<hbm>>) target(%dma_start3A_454 : memref<128x128xf32, #tpu.memory_space<vmem>>) offsets(%dma_start3A_457 : memref<128xi32, #tpu.memory_space<vmem>>) semaphore(%arg7 : memref<!tpu.dma_semaphore, #tpu.memory_space<semaphore_mem>>)
    %dma_wait3A_461 = arith.constant 20 : i32
    %dma_wait3A_462 = arith.constant 0 : i32
    %dma_wait3A_463 = arith.constant 0 : i32
    %dma_wait3A_464 = tpu.memref_slice %arg6[%dma_wait3A_462, %dma_wait3A_463] : memref<512x128xf32, #tpu.memory_space<vmem>> -> memref<128x128xf32, #tpu.memory_space<vmem>>
    %dma_wait3A_465 = arith.constant 0 : i32
    %dma_wait3A_466 = tpu.memref_slice %arg5[%dma_wait3A_461, %dma_wait3A_465] : memref<32x128xi32, #tpu.memory_space<vmem>> -> memref<1x128xi32, #tpu.memory_space<vmem>>
    %dma_wait3A_467 = tpu.memref_squeeze %dma_wait3A_466 : memref<1x128xi32, #tpu.memory_space<vmem>> -> memref<128xi32, #tpu.memory_space<vmem>>
    %dma_wait3A_468 = arith.constant 0 : i32
    %dma_wait3A_469 = arith.constant 0 : i32
    %dma_wait3A_470 = tpu.memref_slice %arg2[%dma_wait3A_468, %dma_wait3A_469] : memref<65536x128xf32, #tpu.memory_space<hbm>> -> memref<65536x128xf32, #tpu.memory_space<hbm>>
    tpu.wait_indirect_dma semaphore(%arg7 : memref<!tpu.dma_semaphore, #tpu.memory_space<semaphore_mem>>) src(%dma_wait3A_470 : memref<65536x128xf32, #tpu.memory_space<hbm>>) dst(%dma_wait3A_464 : memref<128x128xf32, #tpu.memory_space<vmem>>)
    %dma_wait3A_471 = arith.constant 21 : i32
    %dma_wait3A_472 = arith.constant 128 : i32
    %dma_wait3A_473 = arith.constant 0 : i32
    %dma_wait3A_474 = tpu.memref_slice %arg6[%dma_wait3A_472, %dma_wait3A_473] : memref<512x128xf32, #tpu.memory_space<vmem>> -> memref<128x128xf32, #tpu.memory_space<vmem>>
    %dma_wait3A_475 = arith.constant 0 : i32
    %dma_wait3A_476 = tpu.memref_slice %arg5[%dma_wait3A_471, %dma_wait3A_475] : memref<32x128xi32, #tpu.memory_space<vmem>> -> memref<1x128xi32, #tpu.memory_space<vmem>>
    %dma_wait3A_477 = tpu.memref_squeeze %dma_wait3A_476 : memref<1x128xi32, #tpu.memory_space<vmem>> -> memref<128xi32, #tpu.memory_space<vmem>>
    %dma_wait3A_478 = arith.constant 0 : i32
    %dma_wait3A_479 = arith.constant 0 : i32
    %dma_wait3A_480 = tpu.memref_slice %arg2[%dma_wait3A_478, %dma_wait3A_479] : memref<65536x128xf32, #tpu.memory_space<hbm>> -> memref<65536x128xf32, #tpu.memory_space<hbm>>
    tpu.wait_indirect_dma semaphore(%arg7 : memref<!tpu.dma_semaphore, #tpu.memory_space<semaphore_mem>>) src(%dma_wait3A_480 : memref<65536x128xf32, #tpu.memory_space<hbm>>) dst(%dma_wait3A_474 : memref<128x128xf32, #tpu.memory_space<vmem>>)
    %dma_wait3A_481 = arith.constant 22 : i32
    %dma_wait3A_482 = arith.constant 256 : i32
    %dma_wait3A_483 = arith.constant 0 : i32
    %dma_wait3A_484 = tpu.memref_slice %arg6[%dma_wait3A_482, %dma_wait3A_483] : memref<512x128xf32, #tpu.memory_space<vmem>> -> memref<128x128xf32, #tpu.memory_space<vmem>>
    %dma_wait3A_485 = arith.constant 0 : i32
    %dma_wait3A_486 = tpu.memref_slice %arg5[%dma_wait3A_481, %dma_wait3A_485] : memref<32x128xi32, #tpu.memory_space<vmem>> -> memref<1x128xi32, #tpu.memory_space<vmem>>
    %dma_wait3A_487 = tpu.memref_squeeze %dma_wait3A_486 : memref<1x128xi32, #tpu.memory_space<vmem>> -> memref<128xi32, #tpu.memory_space<vmem>>
    %dma_wait3A_488 = arith.constant 0 : i32
    %dma_wait3A_489 = arith.constant 0 : i32
    %dma_wait3A_490 = tpu.memref_slice %arg2[%dma_wait3A_488, %dma_wait3A_489] : memref<65536x128xf32, #tpu.memory_space<hbm>> -> memref<65536x128xf32, #tpu.memory_space<hbm>>
    tpu.wait_indirect_dma semaphore(%arg7 : memref<!tpu.dma_semaphore, #tpu.memory_space<semaphore_mem>>) src(%dma_wait3A_490 : memref<65536x128xf32, #tpu.memory_space<hbm>>) dst(%dma_wait3A_484 : memref<128x128xf32, #tpu.memory_space<vmem>>)
    %dma_wait3A_491 = arith.constant 23 : i32
    %dma_wait3A_492 = arith.constant 384 : i32
    %dma_wait3A_493 = arith.constant 0 : i32
    %dma_wait3A_494 = tpu.memref_slice %arg6[%dma_wait3A_492, %dma_wait3A_493] : memref<512x128xf32, #tpu.memory_space<vmem>> -> memref<128x128xf32, #tpu.memory_space<vmem>>
    %dma_wait3A_495 = arith.constant 0 : i32
    %dma_wait3A_496 = tpu.memref_slice %arg5[%dma_wait3A_491, %dma_wait3A_495] : memref<32x128xi32, #tpu.memory_space<vmem>> -> memref<1x128xi32, #tpu.memory_space<vmem>>
    %dma_wait3A_497 = tpu.memref_squeeze %dma_wait3A_496 : memref<1x128xi32, #tpu.memory_space<vmem>> -> memref<128xi32, #tpu.memory_space<vmem>>
    %dma_wait3A_498 = arith.constant 0 : i32
    %dma_wait3A_499 = arith.constant 0 : i32
    %dma_wait3A_500 = tpu.memref_slice %arg2[%dma_wait3A_498, %dma_wait3A_499] : memref<65536x128xf32, #tpu.memory_space<hbm>> -> memref<65536x128xf32, #tpu.memory_space<hbm>>
    tpu.wait_indirect_dma semaphore(%arg7 : memref<!tpu.dma_semaphore, #tpu.memory_space<semaphore_mem>>) src(%dma_wait3A_500 : memref<65536x128xf32, #tpu.memory_space<hbm>>) dst(%dma_wait3A_494 : memref<128x128xf32, #tpu.memory_space<vmem>>)
    %mul3A_501 = arith.constant 4096 : i32
    %mul3A_502 = arith.muli %add3A, %mul3A_501 : i32
    %add3A_503 = arith.constant 2560 : i32
    %add3A_504 = arith.addi %mul3A_502, %add3A_503 : i32
    "tpu.region"() ({
      %run_scoped3A = tpu.sem_alloc : memref<!tpu.dma_semaphore, #tpu.memory_space<semaphore_mem>>
      %dma_start3A_673 = arith.constant 0 : i32
      %dma_start3A_674 = tpu.memref_slice %arg4[%add3A_504, %dma_start3A_673] : memref<131072x128xf32, #tpu.memory_space<hbm>> -> memref<512x128xf32, #tpu.memory_space<hbm>>
      %dma_start3A_675 = arith.constant 0 : i32
      %dma_start3A_676 = tpu.memref_slice %arg4[%add3A_504, %dma_start3A_675] : memref<131072x128xf32, #tpu.memory_space<hbm>> -> memref<512x128xf32, #tpu.memory_space<hbm>>
      tpu.enqueue_dma source(%arg6 : memref<512x128xf32, #tpu.memory_space<vmem>>) target(%dma_start3A_676 : memref<512x128xf32, #tpu.memory_space<hbm>>) target_semaphore(%run_scoped3A : memref<!tpu.dma_semaphore, #tpu.memory_space<semaphore_mem>>)
      %dma_wait3A_677 = arith.constant 0 : i32
      %dma_wait3A_678 = tpu.memref_slice %arg4[%add3A_504, %dma_wait3A_677] : memref<131072x128xf32, #tpu.memory_space<hbm>> -> memref<512x128xf32, #tpu.memory_space<hbm>>
      %dma_wait3A_679 = arith.constant 0 : i32
      %dma_wait3A_680 = tpu.memref_slice %arg4[%add3A_504, %dma_wait3A_679] : memref<131072x128xf32, #tpu.memory_space<hbm>> -> memref<512x128xf32, #tpu.memory_space<hbm>>
      tpu.wait_dma2 semaphore(%run_scoped3A : memref<!tpu.dma_semaphore, #tpu.memory_space<semaphore_mem>>) src(%arg6 : memref<512x128xf32, #tpu.memory_space<vmem>>) dst(%dma_wait3A_680 : memref<512x128xf32, #tpu.memory_space<hbm>>)
      tpu.yield
    }) : () -> ()
    %dma_start3A_505 = arith.constant 24 : i32
    %dma_start3A_506 = arith.constant 0 : i32
    %dma_start3A_507 = arith.constant 0 : i32
    %dma_start3A_508 = tpu.memref_slice %arg6[%dma_start3A_506, %dma_start3A_507] : memref<512x128xf32, #tpu.memory_space<vmem>> -> memref<128x128xf32, #tpu.memory_space<vmem>>
    %dma_start3A_509 = arith.constant 0 : i32
    %dma_start3A_510 = tpu.memref_slice %arg5[%dma_start3A_505, %dma_start3A_509] : memref<32x128xi32, #tpu.memory_space<vmem>> -> memref<1x128xi32, #tpu.memory_space<vmem>>
    %dma_start3A_511 = tpu.memref_squeeze %dma_start3A_510 : memref<1x128xi32, #tpu.memory_space<vmem>> -> memref<128xi32, #tpu.memory_space<vmem>>
    %dma_start3A_512 = arith.constant 0 : i32
    %dma_start3A_513 = arith.constant 0 : i32
    %dma_start3A_514 = tpu.memref_slice %arg2[%dma_start3A_512, %dma_start3A_513] : memref<65536x128xf32, #tpu.memory_space<hbm>> -> memref<65536x128xf32, #tpu.memory_space<hbm>>
    tpu.enqueue_indirect_dma source(%dma_start3A_514 : memref<65536x128xf32, #tpu.memory_space<hbm>>) target(%dma_start3A_508 : memref<128x128xf32, #tpu.memory_space<vmem>>) offsets(%dma_start3A_511 : memref<128xi32, #tpu.memory_space<vmem>>) semaphore(%arg7 : memref<!tpu.dma_semaphore, #tpu.memory_space<semaphore_mem>>)
    %dma_start3A_515 = arith.constant 25 : i32
    %dma_start3A_516 = arith.constant 128 : i32
    %dma_start3A_517 = arith.constant 0 : i32
    %dma_start3A_518 = tpu.memref_slice %arg6[%dma_start3A_516, %dma_start3A_517] : memref<512x128xf32, #tpu.memory_space<vmem>> -> memref<128x128xf32, #tpu.memory_space<vmem>>
    %dma_start3A_519 = arith.constant 0 : i32
    %dma_start3A_520 = tpu.memref_slice %arg5[%dma_start3A_515, %dma_start3A_519] : memref<32x128xi32, #tpu.memory_space<vmem>> -> memref<1x128xi32, #tpu.memory_space<vmem>>
    %dma_start3A_521 = tpu.memref_squeeze %dma_start3A_520 : memref<1x128xi32, #tpu.memory_space<vmem>> -> memref<128xi32, #tpu.memory_space<vmem>>
    %dma_start3A_522 = arith.constant 0 : i32
    %dma_start3A_523 = arith.constant 0 : i32
    %dma_start3A_524 = tpu.memref_slice %arg2[%dma_start3A_522, %dma_start3A_523] : memref<65536x128xf32, #tpu.memory_space<hbm>> -> memref<65536x128xf32, #tpu.memory_space<hbm>>
    tpu.enqueue_indirect_dma source(%dma_start3A_524 : memref<65536x128xf32, #tpu.memory_space<hbm>>) target(%dma_start3A_518 : memref<128x128xf32, #tpu.memory_space<vmem>>) offsets(%dma_start3A_521 : memref<128xi32, #tpu.memory_space<vmem>>) semaphore(%arg7 : memref<!tpu.dma_semaphore, #tpu.memory_space<semaphore_mem>>)
    %dma_start3A_525 = arith.constant 26 : i32
    %dma_start3A_526 = arith.constant 256 : i32
    %dma_start3A_527 = arith.constant 0 : i32
    %dma_start3A_528 = tpu.memref_slice %arg6[%dma_start3A_526, %dma_start3A_527] : memref<512x128xf32, #tpu.memory_space<vmem>> -> memref<128x128xf32, #tpu.memory_space<vmem>>
    %dma_start3A_529 = arith.constant 0 : i32
    %dma_start3A_530 = tpu.memref_slice %arg5[%dma_start3A_525, %dma_start3A_529] : memref<32x128xi32, #tpu.memory_space<vmem>> -> memref<1x128xi32, #tpu.memory_space<vmem>>
    %dma_start3A_531 = tpu.memref_squeeze %dma_start3A_530 : memref<1x128xi32, #tpu.memory_space<vmem>> -> memref<128xi32, #tpu.memory_space<vmem>>
    %dma_start3A_532 = arith.constant 0 : i32
    %dma_start3A_533 = arith.constant 0 : i32
    %dma_start3A_534 = tpu.memref_slice %arg2[%dma_start3A_532, %dma_start3A_533] : memref<65536x128xf32, #tpu.memory_space<hbm>> -> memref<65536x128xf32, #tpu.memory_space<hbm>>
    tpu.enqueue_indirect_dma source(%dma_start3A_534 : memref<65536x128xf32, #tpu.memory_space<hbm>>) target(%dma_start3A_528 : memref<128x128xf32, #tpu.memory_space<vmem>>) offsets(%dma_start3A_531 : memref<128xi32, #tpu.memory_space<vmem>>) semaphore(%arg7 : memref<!tpu.dma_semaphore, #tpu.memory_space<semaphore_mem>>)
    %dma_start3A_535 = arith.constant 27 : i32
    %dma_start3A_536 = arith.constant 384 : i32
    %dma_start3A_537 = arith.constant 0 : i32
    %dma_start3A_538 = tpu.memref_slice %arg6[%dma_start3A_536, %dma_start3A_537] : memref<512x128xf32, #tpu.memory_space<vmem>> -> memref<128x128xf32, #tpu.memory_space<vmem>>
    %dma_start3A_539 = arith.constant 0 : i32
    %dma_start3A_540 = tpu.memref_slice %arg5[%dma_start3A_535, %dma_start3A_539] : memref<32x128xi32, #tpu.memory_space<vmem>> -> memref<1x128xi32, #tpu.memory_space<vmem>>
    %dma_start3A_541 = tpu.memref_squeeze %dma_start3A_540 : memref<1x128xi32, #tpu.memory_space<vmem>> -> memref<128xi32, #tpu.memory_space<vmem>>
    %dma_start3A_542 = arith.constant 0 : i32
    %dma_start3A_543 = arith.constant 0 : i32
    %dma_start3A_544 = tpu.memref_slice %arg2[%dma_start3A_542, %dma_start3A_543] : memref<65536x128xf32, #tpu.memory_space<hbm>> -> memref<65536x128xf32, #tpu.memory_space<hbm>>
    tpu.enqueue_indirect_dma source(%dma_start3A_544 : memref<65536x128xf32, #tpu.memory_space<hbm>>) target(%dma_start3A_538 : memref<128x128xf32, #tpu.memory_space<vmem>>) offsets(%dma_start3A_541 : memref<128xi32, #tpu.memory_space<vmem>>) semaphore(%arg7 : memref<!tpu.dma_semaphore, #tpu.memory_space<semaphore_mem>>)
    %dma_wait3A_545 = arith.constant 24 : i32
    %dma_wait3A_546 = arith.constant 0 : i32
    %dma_wait3A_547 = arith.constant 0 : i32
    %dma_wait3A_548 = tpu.memref_slice %arg6[%dma_wait3A_546, %dma_wait3A_547] : memref<512x128xf32, #tpu.memory_space<vmem>> -> memref<128x128xf32, #tpu.memory_space<vmem>>
    %dma_wait3A_549 = arith.constant 0 : i32
    %dma_wait3A_550 = tpu.memref_slice %arg5[%dma_wait3A_545, %dma_wait3A_549] : memref<32x128xi32, #tpu.memory_space<vmem>> -> memref<1x128xi32, #tpu.memory_space<vmem>>
    %dma_wait3A_551 = tpu.memref_squeeze %dma_wait3A_550 : memref<1x128xi32, #tpu.memory_space<vmem>> -> memref<128xi32, #tpu.memory_space<vmem>>
    %dma_wait3A_552 = arith.constant 0 : i32
    %dma_wait3A_553 = arith.constant 0 : i32
    %dma_wait3A_554 = tpu.memref_slice %arg2[%dma_wait3A_552, %dma_wait3A_553] : memref<65536x128xf32, #tpu.memory_space<hbm>> -> memref<65536x128xf32, #tpu.memory_space<hbm>>
    tpu.wait_indirect_dma semaphore(%arg7 : memref<!tpu.dma_semaphore, #tpu.memory_space<semaphore_mem>>) src(%dma_wait3A_554 : memref<65536x128xf32, #tpu.memory_space<hbm>>) dst(%dma_wait3A_548 : memref<128x128xf32, #tpu.memory_space<vmem>>)
    %dma_wait3A_555 = arith.constant 25 : i32
    %dma_wait3A_556 = arith.constant 128 : i32
    %dma_wait3A_557 = arith.constant 0 : i32
    %dma_wait3A_558 = tpu.memref_slice %arg6[%dma_wait3A_556, %dma_wait3A_557] : memref<512x128xf32, #tpu.memory_space<vmem>> -> memref<128x128xf32, #tpu.memory_space<vmem>>
    %dma_wait3A_559 = arith.constant 0 : i32
    %dma_wait3A_560 = tpu.memref_slice %arg5[%dma_wait3A_555, %dma_wait3A_559] : memref<32x128xi32, #tpu.memory_space<vmem>> -> memref<1x128xi32, #tpu.memory_space<vmem>>
    %dma_wait3A_561 = tpu.memref_squeeze %dma_wait3A_560 : memref<1x128xi32, #tpu.memory_space<vmem>> -> memref<128xi32, #tpu.memory_space<vmem>>
    %dma_wait3A_562 = arith.constant 0 : i32
    %dma_wait3A_563 = arith.constant 0 : i32
    %dma_wait3A_564 = tpu.memref_slice %arg2[%dma_wait3A_562, %dma_wait3A_563] : memref<65536x128xf32, #tpu.memory_space<hbm>> -> memref<65536x128xf32, #tpu.memory_space<hbm>>
    tpu.wait_indirect_dma semaphore(%arg7 : memref<!tpu.dma_semaphore, #tpu.memory_space<semaphore_mem>>) src(%dma_wait3A_564 : memref<65536x128xf32, #tpu.memory_space<hbm>>) dst(%dma_wait3A_558 : memref<128x128xf32, #tpu.memory_space<vmem>>)
    %dma_wait3A_565 = arith.constant 26 : i32
    %dma_wait3A_566 = arith.constant 256 : i32
    %dma_wait3A_567 = arith.constant 0 : i32
    %dma_wait3A_568 = tpu.memref_slice %arg6[%dma_wait3A_566, %dma_wait3A_567] : memref<512x128xf32, #tpu.memory_space<vmem>> -> memref<128x128xf32, #tpu.memory_space<vmem>>
    %dma_wait3A_569 = arith.constant 0 : i32
    %dma_wait3A_570 = tpu.memref_slice %arg5[%dma_wait3A_565, %dma_wait3A_569] : memref<32x128xi32, #tpu.memory_space<vmem>> -> memref<1x128xi32, #tpu.memory_space<vmem>>
    %dma_wait3A_571 = tpu.memref_squeeze %dma_wait3A_570 : memref<1x128xi32, #tpu.memory_space<vmem>> -> memref<128xi32, #tpu.memory_space<vmem>>
    %dma_wait3A_572 = arith.constant 0 : i32
    %dma_wait3A_573 = arith.constant 0 : i32
    %dma_wait3A_574 = tpu.memref_slice %arg2[%dma_wait3A_572, %dma_wait3A_573] : memref<65536x128xf32, #tpu.memory_space<hbm>> -> memref<65536x128xf32, #tpu.memory_space<hbm>>
    tpu.wait_indirect_dma semaphore(%arg7 : memref<!tpu.dma_semaphore, #tpu.memory_space<semaphore_mem>>) src(%dma_wait3A_574 : memref<65536x128xf32, #tpu.memory_space<hbm>>) dst(%dma_wait3A_568 : memref<128x128xf32, #tpu.memory_space<vmem>>)
    %dma_wait3A_575 = arith.constant 27 : i32
    %dma_wait3A_576 = arith.constant 384 : i32
    %dma_wait3A_577 = arith.constant 0 : i32
    %dma_wait3A_578 = tpu.memref_slice %arg6[%dma_wait3A_576, %dma_wait3A_577] : memref<512x128xf32, #tpu.memory_space<vmem>> -> memref<128x128xf32, #tpu.memory_space<vmem>>
    %dma_wait3A_579 = arith.constant 0 : i32
    %dma_wait3A_580 = tpu.memref_slice %arg5[%dma_wait3A_575, %dma_wait3A_579] : memref<32x128xi32, #tpu.memory_space<vmem>> -> memref<1x128xi32, #tpu.memory_space<vmem>>
    %dma_wait3A_581 = tpu.memref_squeeze %dma_wait3A_580 : memref<1x128xi32, #tpu.memory_space<vmem>> -> memref<128xi32, #tpu.memory_space<vmem>>
    %dma_wait3A_582 = arith.constant 0 : i32
    %dma_wait3A_583 = arith.constant 0 : i32
    %dma_wait3A_584 = tpu.memref_slice %arg2[%dma_wait3A_582, %dma_wait3A_583] : memref<65536x128xf32, #tpu.memory_space<hbm>> -> memref<65536x128xf32, #tpu.memory_space<hbm>>
    tpu.wait_indirect_dma semaphore(%arg7 : memref<!tpu.dma_semaphore, #tpu.memory_space<semaphore_mem>>) src(%dma_wait3A_584 : memref<65536x128xf32, #tpu.memory_space<hbm>>) dst(%dma_wait3A_578 : memref<128x128xf32, #tpu.memory_space<vmem>>)
    %mul3A_585 = arith.constant 4096 : i32
    %mul3A_586 = arith.muli %add3A, %mul3A_585 : i32
    %add3A_587 = arith.constant 3072 : i32
    %add3A_588 = arith.addi %mul3A_586, %add3A_587 : i32
    "tpu.region"() ({
      %run_scoped3A = tpu.sem_alloc : memref<!tpu.dma_semaphore, #tpu.memory_space<semaphore_mem>>
      %dma_start3A_673 = arith.constant 0 : i32
      %dma_start3A_674 = tpu.memref_slice %arg4[%add3A_588, %dma_start3A_673] : memref<131072x128xf32, #tpu.memory_space<hbm>> -> memref<512x128xf32, #tpu.memory_space<hbm>>
      %dma_start3A_675 = arith.constant 0 : i32
      %dma_start3A_676 = tpu.memref_slice %arg4[%add3A_588, %dma_start3A_675] : memref<131072x128xf32, #tpu.memory_space<hbm>> -> memref<512x128xf32, #tpu.memory_space<hbm>>
      tpu.enqueue_dma source(%arg6 : memref<512x128xf32, #tpu.memory_space<vmem>>) target(%dma_start3A_676 : memref<512x128xf32, #tpu.memory_space<hbm>>) target_semaphore(%run_scoped3A : memref<!tpu.dma_semaphore, #tpu.memory_space<semaphore_mem>>)
      %dma_wait3A_677 = arith.constant 0 : i32
      %dma_wait3A_678 = tpu.memref_slice %arg4[%add3A_588, %dma_wait3A_677] : memref<131072x128xf32, #tpu.memory_space<hbm>> -> memref<512x128xf32, #tpu.memory_space<hbm>>
      %dma_wait3A_679 = arith.constant 0 : i32
      %dma_wait3A_680 = tpu.memref_slice %arg4[%add3A_588, %dma_wait3A_679] : memref<131072x128xf32, #tpu.memory_space<hbm>> -> memref<512x128xf32, #tpu.memory_space<hbm>>
      tpu.wait_dma2 semaphore(%run_scoped3A : memref<!tpu.dma_semaphore, #tpu.memory_space<semaphore_mem>>) src(%arg6 : memref<512x128xf32, #tpu.memory_space<vmem>>) dst(%dma_wait3A_680 : memref<512x128xf32, #tpu.memory_space<hbm>>)
      tpu.yield
    }) : () -> ()
    %dma_start3A_589 = arith.constant 28 : i32
    %dma_start3A_590 = arith.constant 0 : i32
    %dma_start3A_591 = arith.constant 0 : i32
    %dma_start3A_592 = tpu.memref_slice %arg6[%dma_start3A_590, %dma_start3A_591] : memref<512x128xf32, #tpu.memory_space<vmem>> -> memref<128x128xf32, #tpu.memory_space<vmem>>
    %dma_start3A_593 = arith.constant 0 : i32
    %dma_start3A_594 = tpu.memref_slice %arg5[%dma_start3A_589, %dma_start3A_593] : memref<32x128xi32, #tpu.memory_space<vmem>> -> memref<1x128xi32, #tpu.memory_space<vmem>>
    %dma_start3A_595 = tpu.memref_squeeze %dma_start3A_594 : memref<1x128xi32, #tpu.memory_space<vmem>> -> memref<128xi32, #tpu.memory_space<vmem>>
    %dma_start3A_596 = arith.constant 0 : i32
    %dma_start3A_597 = arith.constant 0 : i32
    %dma_start3A_598 = tpu.memref_slice %arg2[%dma_start3A_596, %dma_start3A_597] : memref<65536x128xf32, #tpu.memory_space<hbm>> -> memref<65536x128xf32, #tpu.memory_space<hbm>>
    tpu.enqueue_indirect_dma source(%dma_start3A_598 : memref<65536x128xf32, #tpu.memory_space<hbm>>) target(%dma_start3A_592 : memref<128x128xf32, #tpu.memory_space<vmem>>) offsets(%dma_start3A_595 : memref<128xi32, #tpu.memory_space<vmem>>) semaphore(%arg7 : memref<!tpu.dma_semaphore, #tpu.memory_space<semaphore_mem>>)
    %dma_start3A_599 = arith.constant 29 : i32
    %dma_start3A_600 = arith.constant 128 : i32
    %dma_start3A_601 = arith.constant 0 : i32
    %dma_start3A_602 = tpu.memref_slice %arg6[%dma_start3A_600, %dma_start3A_601] : memref<512x128xf32, #tpu.memory_space<vmem>> -> memref<128x128xf32, #tpu.memory_space<vmem>>
    %dma_start3A_603 = arith.constant 0 : i32
    %dma_start3A_604 = tpu.memref_slice %arg5[%dma_start3A_599, %dma_start3A_603] : memref<32x128xi32, #tpu.memory_space<vmem>> -> memref<1x128xi32, #tpu.memory_space<vmem>>
    %dma_start3A_605 = tpu.memref_squeeze %dma_start3A_604 : memref<1x128xi32, #tpu.memory_space<vmem>> -> memref<128xi32, #tpu.memory_space<vmem>>
    %dma_start3A_606 = arith.constant 0 : i32
    %dma_start3A_607 = arith.constant 0 : i32
    %dma_start3A_608 = tpu.memref_slice %arg2[%dma_start3A_606, %dma_start3A_607] : memref<65536x128xf32, #tpu.memory_space<hbm>> -> memref<65536x128xf32, #tpu.memory_space<hbm>>
    tpu.enqueue_indirect_dma source(%dma_start3A_608 : memref<65536x128xf32, #tpu.memory_space<hbm>>) target(%dma_start3A_602 : memref<128x128xf32, #tpu.memory_space<vmem>>) offsets(%dma_start3A_605 : memref<128xi32, #tpu.memory_space<vmem>>) semaphore(%arg7 : memref<!tpu.dma_semaphore, #tpu.memory_space<semaphore_mem>>)
    %dma_start3A_609 = arith.constant 30 : i32
    %dma_start3A_610 = arith.constant 256 : i32
    %dma_start3A_611 = arith.constant 0 : i32
    %dma_start3A_612 = tpu.memref_slice %arg6[%dma_start3A_610, %dma_start3A_611] : memref<512x128xf32, #tpu.memory_space<vmem>> -> memref<128x128xf32, #tpu.memory_space<vmem>>
    %dma_start3A_613 = arith.constant 0 : i32
    %dma_start3A_614 = tpu.memref_slice %arg5[%dma_start3A_609, %dma_start3A_613] : memref<32x128xi32, #tpu.memory_space<vmem>> -> memref<1x128xi32, #tpu.memory_space<vmem>>
    %dma_start3A_615 = tpu.memref_squeeze %dma_start3A_614 : memref<1x128xi32, #tpu.memory_space<vmem>> -> memref<128xi32, #tpu.memory_space<vmem>>
    %dma_start3A_616 = arith.constant 0 : i32
    %dma_start3A_617 = arith.constant 0 : i32
    %dma_start3A_618 = tpu.memref_slice %arg2[%dma_start3A_616, %dma_start3A_617] : memref<65536x128xf32, #tpu.memory_space<hbm>> -> memref<65536x128xf32, #tpu.memory_space<hbm>>
    tpu.enqueue_indirect_dma source(%dma_start3A_618 : memref<65536x128xf32, #tpu.memory_space<hbm>>) target(%dma_start3A_612 : memref<128x128xf32, #tpu.memory_space<vmem>>) offsets(%dma_start3A_615 : memref<128xi32, #tpu.memory_space<vmem>>) semaphore(%arg7 : memref<!tpu.dma_semaphore, #tpu.memory_space<semaphore_mem>>)
    %dma_start3A_619 = arith.constant 31 : i32
    %dma_start3A_620 = arith.constant 384 : i32
    %dma_start3A_621 = arith.constant 0 : i32
    %dma_start3A_622 = tpu.memref_slice %arg6[%dma_start3A_620, %dma_start3A_621] : memref<512x128xf32, #tpu.memory_space<vmem>> -> memref<128x128xf32, #tpu.memory_space<vmem>>
    %dma_start3A_623 = arith.constant 0 : i32
    %dma_start3A_624 = tpu.memref_slice %arg5[%dma_start3A_619, %dma_start3A_623] : memref<32x128xi32, #tpu.memory_space<vmem>> -> memref<1x128xi32, #tpu.memory_space<vmem>>
    %dma_start3A_625 = tpu.memref_squeeze %dma_start3A_624 : memref<1x128xi32, #tpu.memory_space<vmem>> -> memref<128xi32, #tpu.memory_space<vmem>>
    %dma_start3A_626 = arith.constant 0 : i32
    %dma_start3A_627 = arith.constant 0 : i32
    %dma_start3A_628 = tpu.memref_slice %arg2[%dma_start3A_626, %dma_start3A_627] : memref<65536x128xf32, #tpu.memory_space<hbm>> -> memref<65536x128xf32, #tpu.memory_space<hbm>>
    tpu.enqueue_indirect_dma source(%dma_start3A_628 : memref<65536x128xf32, #tpu.memory_space<hbm>>) target(%dma_start3A_622 : memref<128x128xf32, #tpu.memory_space<vmem>>) offsets(%dma_start3A_625 : memref<128xi32, #tpu.memory_space<vmem>>) semaphore(%arg7 : memref<!tpu.dma_semaphore, #tpu.memory_space<semaphore_mem>>)
    %dma_wait3A_629 = arith.constant 28 : i32
    %dma_wait3A_630 = arith.constant 0 : i32
    %dma_wait3A_631 = arith.constant 0 : i32
    %dma_wait3A_632 = tpu.memref_slice %arg6[%dma_wait3A_630, %dma_wait3A_631] : memref<512x128xf32, #tpu.memory_space<vmem>> -> memref<128x128xf32, #tpu.memory_space<vmem>>
    %dma_wait3A_633 = arith.constant 0 : i32
    %dma_wait3A_634 = tpu.memref_slice %arg5[%dma_wait3A_629, %dma_wait3A_633] : memref<32x128xi32, #tpu.memory_space<vmem>> -> memref<1x128xi32, #tpu.memory_space<vmem>>
    %dma_wait3A_635 = tpu.memref_squeeze %dma_wait3A_634 : memref<1x128xi32, #tpu.memory_space<vmem>> -> memref<128xi32, #tpu.memory_space<vmem>>
    %dma_wait3A_636 = arith.constant 0 : i32
    %dma_wait3A_637 = arith.constant 0 : i32
    %dma_wait3A_638 = tpu.memref_slice %arg2[%dma_wait3A_636, %dma_wait3A_637] : memref<65536x128xf32, #tpu.memory_space<hbm>> -> memref<65536x128xf32, #tpu.memory_space<hbm>>
    tpu.wait_indirect_dma semaphore(%arg7 : memref<!tpu.dma_semaphore, #tpu.memory_space<semaphore_mem>>) src(%dma_wait3A_638 : memref<65536x128xf32, #tpu.memory_space<hbm>>) dst(%dma_wait3A_632 : memref<128x128xf32, #tpu.memory_space<vmem>>)
    %dma_wait3A_639 = arith.constant 29 : i32
    %dma_wait3A_640 = arith.constant 128 : i32
    %dma_wait3A_641 = arith.constant 0 : i32
    %dma_wait3A_642 = tpu.memref_slice %arg6[%dma_wait3A_640, %dma_wait3A_641] : memref<512x128xf32, #tpu.memory_space<vmem>> -> memref<128x128xf32, #tpu.memory_space<vmem>>
    %dma_wait3A_643 = arith.constant 0 : i32
    %dma_wait3A_644 = tpu.memref_slice %arg5[%dma_wait3A_639, %dma_wait3A_643] : memref<32x128xi32, #tpu.memory_space<vmem>> -> memref<1x128xi32, #tpu.memory_space<vmem>>
    %dma_wait3A_645 = tpu.memref_squeeze %dma_wait3A_644 : memref<1x128xi32, #tpu.memory_space<vmem>> -> memref<128xi32, #tpu.memory_space<vmem>>
    %dma_wait3A_646 = arith.constant 0 : i32
    %dma_wait3A_647 = arith.constant 0 : i32
    %dma_wait3A_648 = tpu.memref_slice %arg2[%dma_wait3A_646, %dma_wait3A_647] : memref<65536x128xf32, #tpu.memory_space<hbm>> -> memref<65536x128xf32, #tpu.memory_space<hbm>>
    tpu.wait_indirect_dma semaphore(%arg7 : memref<!tpu.dma_semaphore, #tpu.memory_space<semaphore_mem>>) src(%dma_wait3A_648 : memref<65536x128xf32, #tpu.memory_space<hbm>>) dst(%dma_wait3A_642 : memref<128x128xf32, #tpu.memory_space<vmem>>)
    %dma_wait3A_649 = arith.constant 30 : i32
    %dma_wait3A_650 = arith.constant 256 : i32
    %dma_wait3A_651 = arith.constant 0 : i32
    %dma_wait3A_652 = tpu.memref_slice %arg6[%dma_wait3A_650, %dma_wait3A_651] : memref<512x128xf32, #tpu.memory_space<vmem>> -> memref<128x128xf32, #tpu.memory_space<vmem>>
    %dma_wait3A_653 = arith.constant 0 : i32
    %dma_wait3A_654 = tpu.memref_slice %arg5[%dma_wait3A_649, %dma_wait3A_653] : memref<32x128xi32, #tpu.memory_space<vmem>> -> memref<1x128xi32, #tpu.memory_space<vmem>>
    %dma_wait3A_655 = tpu.memref_squeeze %dma_wait3A_654 : memref<1x128xi32, #tpu.memory_space<vmem>> -> memref<128xi32, #tpu.memory_space<vmem>>
    %dma_wait3A_656 = arith.constant 0 : i32
    %dma_wait3A_657 = arith.constant 0 : i32
    %dma_wait3A_658 = tpu.memref_slice %arg2[%dma_wait3A_656, %dma_wait3A_657] : memref<65536x128xf32, #tpu.memory_space<hbm>> -> memref<65536x128xf32, #tpu.memory_space<hbm>>
    tpu.wait_indirect_dma semaphore(%arg7 : memref<!tpu.dma_semaphore, #tpu.memory_space<semaphore_mem>>) src(%dma_wait3A_658 : memref<65536x128xf32, #tpu.memory_space<hbm>>) dst(%dma_wait3A_652 : memref<128x128xf32, #tpu.memory_space<vmem>>)
    %dma_wait3A_659 = arith.constant 31 : i32
    %dma_wait3A_660 = arith.constant 384 : i32
    %dma_wait3A_661 = arith.constant 0 : i32
    %dma_wait3A_662 = tpu.memref_slice %arg6[%dma_wait3A_660, %dma_wait3A_661] : memref<512x128xf32, #tpu.memory_space<vmem>> -> memref<128x128xf32, #tpu.memory_space<vmem>>
    %dma_wait3A_663 = arith.constant 0 : i32
    %dma_wait3A_664 = tpu.memref_slice %arg5[%dma_wait3A_659, %dma_wait3A_663] : memref<32x128xi32, #tpu.memory_space<vmem>> -> memref<1x128xi32, #tpu.memory_space<vmem>>
    %dma_wait3A_665 = tpu.memref_squeeze %dma_wait3A_664 : memref<1x128xi32, #tpu.memory_space<vmem>> -> memref<128xi32, #tpu.memory_space<vmem>>
    %dma_wait3A_666 = arith.constant 0 : i32
    %dma_wait3A_667 = arith.constant 0 : i32
    %dma_wait3A_668 = tpu.memref_slice %arg2[%dma_wait3A_666, %dma_wait3A_667] : memref<65536x128xf32, #tpu.memory_space<hbm>> -> memref<65536x128xf32, #tpu.memory_space<hbm>>
    tpu.wait_indirect_dma semaphore(%arg7 : memref<!tpu.dma_semaphore, #tpu.memory_space<semaphore_mem>>) src(%dma_wait3A_668 : memref<65536x128xf32, #tpu.memory_space<hbm>>) dst(%dma_wait3A_662 : memref<128x128xf32, #tpu.memory_space<vmem>>)
    %mul3A_669 = arith.constant 4096 : i32
    %mul3A_670 = arith.muli %add3A, %mul3A_669 : i32
    %add3A_671 = arith.constant 3584 : i32
    %add3A_672 = arith.addi %mul3A_670, %add3A_671 : i32
    "tpu.region"() ({
      %run_scoped3A = tpu.sem_alloc : memref<!tpu.dma_semaphore, #tpu.memory_space<semaphore_mem>>
      %dma_start3A_673 = arith.constant 0 : i32
      %dma_start3A_674 = tpu.memref_slice %arg4[%add3A_672, %dma_start3A_673] : memref<131072x128xf32, #tpu.memory_space<hbm>> -> memref<512x128xf32, #tpu.memory_space<hbm>>
      %dma_start3A_675 = arith.constant 0 : i32
      %dma_start3A_676 = tpu.memref_slice %arg4[%add3A_672, %dma_start3A_675] : memref<131072x128xf32, #tpu.memory_space<hbm>> -> memref<512x128xf32, #tpu.memory_space<hbm>>
      tpu.enqueue_dma source(%arg6 : memref<512x128xf32, #tpu.memory_space<vmem>>) target(%dma_start3A_676 : memref<512x128xf32, #tpu.memory_space<hbm>>) target_semaphore(%run_scoped3A : memref<!tpu.dma_semaphore, #tpu.memory_space<semaphore_mem>>)
      %dma_wait3A_677 = arith.constant 0 : i32
      %dma_wait3A_678 = tpu.memref_slice %arg4[%add3A_672, %dma_wait3A_677] : memref<131072x128xf32, #tpu.memory_space<hbm>> -> memref<512x128xf32, #tpu.memory_space<hbm>>
      %dma_wait3A_679 = arith.constant 0 : i32
      %dma_wait3A_680 = tpu.memref_slice %arg4[%add3A_672, %dma_wait3A_679] : memref<131072x128xf32, #tpu.memory_space<hbm>> -> memref<512x128xf32, #tpu.memory_space<hbm>>
      tpu.wait_dma2 semaphore(%run_scoped3A : memref<!tpu.dma_semaphore, #tpu.memory_space<semaphore_mem>>) src(%arg6 : memref<512x128xf32, #tpu.memory_space<vmem>>) dst(%dma_wait3A_680 : memref<512x128xf32, #tpu.memory_space<hbm>>)
      tpu.yield
    }) : () -> ()
    return
  }
}

#map = affine_map<(d0, d1) -> (0, 0)>
module attributes {stable_mosaic.version = 14 : i64} {
  func.func @k(%arg0: i32, %arg1: i32, %arg2: memref<4096x384xf32, #tpu.memory_space<hbm>>, %arg3: memref<32x128xi32, #tpu.memory_space<hbm>>, %arg4: memref<4096x384xf32, #tpu.memory_space<hbm>>, %arg5: memref<1x128xi32, #tpu.memory_space<vmem>>, %arg6: memref<128x384xf32, #tpu.memory_space<vmem>>, %arg7: memref<!tpu.dma_semaphore, #tpu.memory_space<semaphore_mem>>) attributes {dimension_semantics = [#tpu.dimension_semantics<core_parallel>, #tpu.dimension_semantics<subcore_parallel>], iteration_bounds = array<i64: 2, 16>, scalar_prefetch = 0 : i64, scratch_operands = 3 : i64, tpu.core_type = #tpu.core_type<sc_vector_subcore>, window_params = [{transform_indices = #map}, {transform_indices = #map}, {transform_indices = #map}]} {
    %mul3A = arith.constant 2 : i32
    %mul3A_0 = arith.muli %arg1, %mul3A : i32
    %add3A = arith.addi %mul3A_0, %arg0 : i32
    "tpu.region"() ({
      %run_scoped3A = tpu.sem_alloc : memref<!tpu.dma_semaphore, #tpu.memory_space<semaphore_mem>>
      %dma_start3A_15 = arith.constant 0 : i32
      %dma_start3A_16 = tpu.memref_slice %arg3[%add3A, %dma_start3A_15] : memref<32x128xi32, #tpu.memory_space<hbm>> -> memref<1x128xi32, #tpu.memory_space<hbm>>
      %dma_start3A_17 = arith.constant 0 : i32
      %dma_start3A_18 = tpu.memref_slice %arg3[%add3A, %dma_start3A_17] : memref<32x128xi32, #tpu.memory_space<hbm>> -> memref<1x128xi32, #tpu.memory_space<hbm>>
      tpu.enqueue_dma source(%dma_start3A_18 : memref<1x128xi32, #tpu.memory_space<hbm>>) target(%arg5 : memref<1x128xi32, #tpu.memory_space<vmem>>) target_semaphore(%run_scoped3A : memref<!tpu.dma_semaphore, #tpu.memory_space<semaphore_mem>>)
      %dma_wait3A_19 = arith.constant 0 : i32
      %dma_wait3A_20 = tpu.memref_slice %arg3[%add3A, %dma_wait3A_19] : memref<32x128xi32, #tpu.memory_space<hbm>> -> memref<1x128xi32, #tpu.memory_space<hbm>>
      %dma_wait3A_21 = arith.constant 0 : i32
      %dma_wait3A_22 = tpu.memref_slice %arg3[%add3A, %dma_wait3A_21] : memref<32x128xi32, #tpu.memory_space<hbm>> -> memref<1x128xi32, #tpu.memory_space<hbm>>
      tpu.wait_dma2 semaphore(%run_scoped3A : memref<!tpu.dma_semaphore, #tpu.memory_space<semaphore_mem>>) src(%dma_wait3A_22 : memref<1x128xi32, #tpu.memory_space<hbm>>) dst(%arg5 : memref<1x128xi32, #tpu.memory_space<vmem>>)
      tpu.yield
    }) : () -> ()
    %dma_start3A = arith.constant 0 : i32
    %dma_start3A_1 = arith.constant 0 : i32
    %dma_start3A_2 = tpu.memref_slice %arg5[%dma_start3A, %dma_start3A_1] : memref<1x128xi32, #tpu.memory_space<vmem>> -> memref<1x128xi32, #tpu.memory_space<vmem>>
    %dma_start3A_3 = tpu.memref_squeeze %dma_start3A_2 : memref<1x128xi32, #tpu.memory_space<vmem>> -> memref<128xi32, #tpu.memory_space<vmem>>
    %dma_start3A_4 = arith.constant 0 : i32
    %dma_start3A_5 = arith.constant 0 : i32
    %dma_start3A_6 = tpu.memref_slice %arg2[%dma_start3A_4, %dma_start3A_5] : memref<4096x384xf32, #tpu.memory_space<hbm>> -> memref<4096x384xf32, #tpu.memory_space<hbm>>
    tpu.enqueue_indirect_dma source(%dma_start3A_6 : memref<4096x384xf32, #tpu.memory_space<hbm>>) target(%arg6 : memref<128x384xf32, #tpu.memory_space<vmem>>) offsets(%dma_start3A_3 : memref<128xi32, #tpu.memory_space<vmem>>) semaphore(%arg7 : memref<!tpu.dma_semaphore, #tpu.memory_space<semaphore_mem>>)
    %dma_wait3A = arith.constant 0 : i32
    %dma_wait3A_7 = arith.constant 0 : i32
    %dma_wait3A_8 = tpu.memref_slice %arg5[%dma_wait3A, %dma_wait3A_7] : memref<1x128xi32, #tpu.memory_space<vmem>> -> memref<1x128xi32, #tpu.memory_space<vmem>>
    %dma_wait3A_9 = tpu.memref_squeeze %dma_wait3A_8 : memref<1x128xi32, #tpu.memory_space<vmem>> -> memref<128xi32, #tpu.memory_space<vmem>>
    %dma_wait3A_10 = arith.constant 0 : i32
    %dma_wait3A_11 = arith.constant 0 : i32
    %dma_wait3A_12 = tpu.memref_slice %arg2[%dma_wait3A_10, %dma_wait3A_11] : memref<4096x384xf32, #tpu.memory_space<hbm>> -> memref<4096x384xf32, #tpu.memory_space<hbm>>
    tpu.wait_indirect_dma semaphore(%arg7 : memref<!tpu.dma_semaphore, #tpu.memory_space<semaphore_mem>>) src(%dma_wait3A_12 : memref<4096x384xf32, #tpu.memory_space<hbm>>) dst(%arg6 : memref<128x384xf32, #tpu.memory_space<vmem>>)
    %mul3A_13 = arith.constant 128 : i32
    %mul3A_14 = arith.muli %add3A, %mul3A_13 : i32
    "tpu.region"() ({
      %run_scoped3A = tpu.sem_alloc : memref<!tpu.dma_semaphore, #tpu.memory_space<semaphore_mem>>
      %dma_start3A_15 = arith.constant 0 : i32
      %dma_start3A_16 = tpu.memref_slice %arg4[%mul3A_14, %dma_start3A_15] : memref<4096x384xf32, #tpu.memory_space<hbm>> -> memref<128x384xf32, #tpu.memory_space<hbm>>
      %dma_start3A_17 = arith.constant 0 : i32
      %dma_start3A_18 = tpu.memref_slice %arg4[%mul3A_14, %dma_start3A_17] : memref<4096x384xf32, #tpu.memory_space<hbm>> -> memref<128x384xf32, #tpu.memory_space<hbm>>
      tpu.enqueue_dma source(%arg6 : memref<128x384xf32, #tpu.memory_space<vmem>>) target(%dma_start3A_18 : memref<128x384xf32, #tpu.memory_space<hbm>>) target_semaphore(%run_scoped3A : memref<!tpu.dma_semaphore, #tpu.memory_space<semaphore_mem>>)
      %dma_wait3A_19 = arith.constant 0 : i32
      %dma_wait3A_20 = tpu.memref_slice %arg4[%mul3A_14, %dma_wait3A_19] : memref<4096x384xf32, #tpu.memory_space<hbm>> -> memref<128x384xf32, #tpu.memory_space<hbm>>
      %dma_wait3A_21 = arith.constant 0 : i32
      %dma_wait3A_22 = tpu.memref_slice %arg4[%mul3A_14, %dma_wait3A_21] : memref<4096x384xf32, #tpu.memory_space<hbm>> -> memref<128x384xf32, #tpu.memory_space<hbm>>
      tpu.wait_dma2 semaphore(%run_scoped3A : memref<!tpu.dma_semaphore, #tpu.memory_space<semaphore_mem>>) src(%arg6 : memref<128x384xf32, #tpu.memory_space<vmem>>) dst(%dma_wait3A_22 : memref<128x384xf32, #tpu.memory_space<hbm>>)
      tpu.yield
    }) : () -> ()
    return
  }
}

module attributes {stable_mosaic.version = 14 : i64} {
  func.func @_knn_body(%arg0: i32, %arg1: memref<1x3x2048xf32, #tpu.memory_space<vmem>>, %arg2: memref<1x128x8xf32, #tpu.memory_space<vmem>>, %arg3: memref<1x128x32xi32, #tpu.memory_space<vmem>>, %arg4: memref<128x2048xf32, #tpu.memory_space<vmem>>) attributes {dimension_semantics = [#tpu.dimension_semantics<arbitrary>], iteration_bounds = array<i64: 32>, scalar_prefetch = 0 : i64, scratch_operands = 1 : i64, tpu.core_type = #tpu.core_type<tc>, window_params = [{transform_indices = @transform_0, window_bounds = array<i64: 1, 3, 2048>}, {transform_indices = @transform_1, window_bounds = array<i64: 1, 128, 8>}, {transform_indices = @transform_2, window_bounds = array<i64: 1, 128, 32>}]} {
    %get3A = arith.constant 0 : index
    %get3A_0 = arith.constant 0 : index
    %get3A_1 = arith.constant 0 : index
    %get3A_2 = vector.load %arg1[%get3A, %get3A_0, %get3A_1] : memref<1x3x2048xf32, #tpu.memory_space<vmem>>, vector<1x1x2048xf32>
    %get3A_3 = vector.shape_cast %get3A_2 : vector<1x1x2048xf32> to vector<1x2048xf32>
    %get3A_4 = arith.constant 0 : index
    %get3A_5 = arith.constant 1 : index
    %get3A_6 = arith.constant 0 : index
    %get3A_7 = vector.load %arg1[%get3A_4, %get3A_5, %get3A_6] : memref<1x3x2048xf32, #tpu.memory_space<vmem>>, vector<1x1x2048xf32>
    %get3A_8 = vector.shape_cast %get3A_7 : vector<1x1x2048xf32> to vector<1x2048xf32>
    %get3A_9 = arith.constant 0 : index
    %get3A_10 = arith.constant 2 : index
    %get3A_11 = arith.constant 0 : index
    %get3A_12 = vector.load %arg1[%get3A_9, %get3A_10, %get3A_11] : memref<1x3x2048xf32, #tpu.memory_space<vmem>>, vector<1x1x2048xf32>
    %get3A_13 = vector.shape_cast %get3A_12 : vector<1x1x2048xf32> to vector<1x2048xf32>
    %get3A_14 = arith.constant 0 : index
    %get3A_15 = arith.constant 0 : index
    %get3A_16 = arith.constant 0 : index
    %get3A_17 = vector.load %arg2[%get3A_14, %get3A_15, %get3A_16] : memref<1x128x8xf32, #tpu.memory_space<vmem>>, vector<1x128x8xf32>
    %get3A_18 = vector.shape_cast %get3A_17 : vector<1x128x8xf32> to vector<128x8xf32>
    %slice3A = vector.extract_strided_slice %get3A_18 {offsets = [0, 0], sizes = [128, 1], strides = [1, 1]} : vector<128x8xf32> to vector<128x1xf32>
    %slice3A_19 = vector.extract_strided_slice %get3A_18 {offsets = [0, 1], sizes = [128, 1], strides = [1, 1]} : vector<128x8xf32> to vector<128x1xf32>
    %slice3A_20 = vector.extract_strided_slice %get3A_18 {offsets = [0, 2], sizes = [128, 1], strides = [1, 1]} : vector<128x8xf32> to vector<128x1xf32>
    %sub3A = vector.broadcast %slice3A : vector<128x1xf32> to vector<128x2048xf32>
    %sub3A_21 = vector.broadcast %get3A_3 : vector<1x2048xf32> to vector<128x2048xf32>
    %sub3A_22 = arith.subf %sub3A, %sub3A_21 : vector<128x2048xf32>
    %integer_pow3A = arith.mulf %sub3A_22, %sub3A_22 : vector<128x2048xf32>
    %sub3A_23 = vector.broadcast %slice3A_19 : vector<128x1xf32> to vector<128x2048xf32>
    %sub3A_24 = vector.broadcast %get3A_8 : vector<1x2048xf32> to vector<128x2048xf32>
    %sub3A_25 = arith.subf %sub3A_23, %sub3A_24 : vector<128x2048xf32>
    %integer_pow3A_26 = arith.mulf %sub3A_25, %sub3A_25 : vector<128x2048xf32>
    %add3A = arith.addf %integer_pow3A, %integer_pow3A_26 : vector<128x2048xf32>
    %sub3A_27 = vector.broadcast %slice3A_20 : vector<128x1xf32> to vector<128x2048xf32>
    %sub3A_28 = vector.broadcast %get3A_13 : vector<1x2048xf32> to vector<128x2048xf32>
    %sub3A_29 = arith.subf %sub3A_27, %sub3A_28 : vector<128x2048xf32>
    %integer_pow3A_30 = arith.mulf %sub3A_29, %sub3A_29 : vector<128x2048xf32>
    %add3A_31 = arith.addf %add3A, %integer_pow3A_30 : vector<128x2048xf32>
    %swap3A = arith.constant 0 : index
    %swap3A_32 = arith.constant 0 : index
    %swap3A_33 = vector.load %arg4[%swap3A, %swap3A_32] : memref<128x2048xf32, #tpu.memory_space<vmem>>, vector<128x2048xf32>
    tpu.vector_store %arg4[%swap3A, %swap3A_32], %add3A_31 {strides = array<i32>} : memref<128x2048xf32, #tpu.memory_space<vmem>>, vector<128x2048xf32>,
    %iota3A = tpu.iota {dimensions = array<i32: 1>} : vector<128x2048xi32>
    %mul3A = arith.constant 2048 : i32
    %mul3A_34 = arith.muli %arg0, %mul3A : i32
    %get3A_35 = arith.constant 0 : index
    %get3A_36 = arith.constant 0 : index
    %get3A_37 = vector.load %arg4[%get3A_35, %get3A_36] : memref<128x2048xf32, #tpu.memory_space<vmem>>, vector<128x2048xf32>
    %reduce_min3A = arith.constant dense<0x7F800000> : vector<128xf32>
    %reduce_min3A_38 = vector.multi_reduction <minimumf>, %get3A_37, %reduce_min3A [1] : vector<128x2048xf32> to vector<128xf32>
    %broadcast_in_dim3A = vector.shape_cast %reduce_min3A_38 : vector<128xf32> to vector<128x1xf32>
    %eq3A = vector.broadcast %broadcast_in_dim3A : vector<128x1xf32> to vector<128x2048xf32>
    %eq3A_39 = arith.cmpf oeq, %get3A_37, %eq3A : vector<128x2048xf32>
    %jit3A = arith.constant 2048 : i32
    %broadcast_in_dim3A_40 = vector.broadcast %jit3A : i32 to vector<128x2048xi32>
    %select_n3A = arith.select %eq3A_39, %iota3A, %broadcast_in_dim3A_40 : vector<128x2048xi1>, vector<128x2048xi32>
    %reduce_min3A_41 = arith.constant dense<2147483647> : vector<128xi32>
    %reduce_min3A_42 = vector.multi_reduction <minsi>, %select_n3A, %reduce_min3A_41 [1] : vector<128x2048xi32> to vector<128xi32>
    %broadcast_in_dim3A_43 = vector.shape_cast %reduce_min3A_42 : vector<128xi32> to vector<128x1xi32>
    %add3A_44 = vector.broadcast %mul3A_34 : i32 to vector<128x1xi32>
    %add3A_45 = arith.addi %broadcast_in_dim3A_43, %add3A_44 : vector<128x1xi32>
    %swap3A_46 = arith.constant 0 : index
    %swap3A_47 = arith.constant 0 : index
    %swap3A_48 = arith.constant 0 : index
    %swap3A_49 = vector.load %arg3[%swap3A_46, %swap3A_47, %swap3A_48] : memref<1x128x32xi32, #tpu.memory_space<vmem>>, vector<1x128x1xi32>
    %swap3A_50 = vector.shape_cast %swap3A_49 : vector<1x128x1xi32> to vector<128x1xi32>
    %swap3A_51 = vector.shape_cast %add3A_45 : vector<128x1xi32> to vector<1x128x1xi32>
    tpu.vector_store %arg3[%swap3A_46, %swap3A_47, %swap3A_48], %swap3A_51 {strides = array<i32>} : memref<1x128x32xi32, #tpu.memory_space<vmem>>, vector<1x128x1xi32>,
    %eq3A_52 = vector.broadcast %broadcast_in_dim3A_43 : vector<128x1xi32> to vector<128x2048xi32>
    %eq3A_53 = arith.cmpi eq, %iota3A, %eq3A_52 : vector<128x2048xi32>
    %jit3A_54 = arith.constant 1.000000e+30 : f32
    %broadcast_in_dim3A_55 = vector.broadcast %jit3A_54 : f32 to vector<128x2048xf32>
    %select_n3A_56 = arith.select %eq3A_53, %broadcast_in_dim3A_55, %get3A_37 : vector<128x2048xi1>, vector<128x2048xf32>
    %swap3A_57 = arith.constant 0 : index
    %swap3A_58 = arith.constant 0 : index
    %swap3A_59 = vector.load %arg4[%swap3A_57, %swap3A_58] : memref<128x2048xf32, #tpu.memory_space<vmem>>, vector<128x2048xf32>
    tpu.vector_store %arg4[%swap3A_57, %swap3A_58], %select_n3A_56 {strides = array<i32>} : memref<128x2048xf32, #tpu.memory_space<vmem>>, vector<128x2048xf32>,
    %get3A_60 = arith.constant 0 : index
    %get3A_61 = arith.constant 0 : index
    %get3A_62 = vector.load %arg4[%get3A_60, %get3A_61] : memref<128x2048xf32, #tpu.memory_space<vmem>>, vector<128x2048xf32>
    %reduce_min3A_63 = arith.constant dense<0x7F800000> : vector<128xf32>
    %reduce_min3A_64 = vector.multi_reduction <minimumf>, %get3A_62, %reduce_min3A_63 [1] : vector<128x2048xf32> to vector<128xf32>
    %broadcast_in_dim3A_65 = vector.shape_cast %reduce_min3A_64 : vector<128xf32> to vector<128x1xf32>
    %eq3A_66 = vector.broadcast %broadcast_in_dim3A_65 : vector<128x1xf32> to vector<128x2048xf32>
    %eq3A_67 = arith.cmpf oeq, %get3A_62, %eq3A_66 : vector<128x2048xf32>
    %jit3A_68 = arith.constant 2048 : i32
    %broadcast_in_dim3A_69 = vector.broadcast %jit3A_68 : i32 to vector<128x2048xi32>
    %select_n3A_70 = arith.select %eq3A_67, %iota3A, %broadcast_in_dim3A_69 : vector<128x2048xi1>, vector<128x2048xi32>
    %reduce_min3A_71 = arith.constant dense<2147483647> : vector<128xi32>
    %reduce_min3A_72 = vector.multi_reduction <minsi>, %select_n3A_70, %reduce_min3A_71 [1] : vector<128x2048xi32> to vector<128xi32>
    %broadcast_in_dim3A_73 = vector.shape_cast %reduce_min3A_72 : vector<128xi32> to vector<128x1xi32>
    %add3A_74 = vector.broadcast %mul3A_34 : i32 to vector<128x1xi32>
    %add3A_75 = arith.addi %broadcast_in_dim3A_73, %add3A_74 : vector<128x1xi32>
    %swap3A_76 = arith.constant 0 : index
    %swap3A_77 = arith.constant 0 : index
    %swap3A_78 = arith.constant 1 : index
    %swap3A_79 = vector.load %arg3[%swap3A_76, %swap3A_77, %swap3A_78] : memref<1x128x32xi32, #tpu.memory_space<vmem>>, vector<1x128x1xi32>
    %swap3A_80 = vector.shape_cast %swap3A_79 : vector<1x128x1xi32> to vector<128x1xi32>
    %swap3A_81 = vector.shape_cast %add3A_75 : vector<128x1xi32> to vector<1x128x1xi32>
    tpu.vector_store %arg3[%swap3A_76, %swap3A_77, %swap3A_78], %swap3A_81 {strides = array<i32>} : memref<1x128x32xi32, #tpu.memory_space<vmem>>, vector<1x128x1xi32>,
    %eq3A_82 = vector.broadcast %broadcast_in_dim3A_73 : vector<128x1xi32> to vector<128x2048xi32>
    %eq3A_83 = arith.cmpi eq, %iota3A, %eq3A_82 : vector<128x2048xi32>
    %jit3A_84 = arith.constant 1.000000e+30 : f32
    %broadcast_in_dim3A_85 = vector.broadcast %jit3A_84 : f32 to vector<128x2048xf32>
    %select_n3A_86 = arith.select %eq3A_83, %broadcast_in_dim3A_85, %get3A_62 : vector<128x2048xi1>, vector<128x2048xf32>
    %swap3A_87 = arith.constant 0 : index
    %swap3A_88 = arith.constant 0 : index
    %swap3A_89 = vector.load %arg4[%swap3A_87, %swap3A_88] : memref<128x2048xf32, #tpu.memory_space<vmem>>, vector<128x2048xf32>
    tpu.vector_store %arg4[%swap3A_87, %swap3A_88], %select_n3A_86 {strides = array<i32>} : memref<128x2048xf32, #tpu.memory_space<vmem>>, vector<128x2048xf32>,
    %get3A_90 = arith.constant 0 : index
    %get3A_91 = arith.constant 0 : index
    %get3A_92 = vector.load %arg4[%get3A_90, %get3A_91] : memref<128x2048xf32, #tpu.memory_space<vmem>>, vector<128x2048xf32>
    %reduce_min3A_93 = arith.constant dense<0x7F800000> : vector<128xf32>
    %reduce_min3A_94 = vector.multi_reduction <minimumf>, %get3A_92, %reduce_min3A_93 [1] : vector<128x2048xf32> to vector<128xf32>
    %broadcast_in_dim3A_95 = vector.shape_cast %reduce_min3A_94 : vector<128xf32> to vector<128x1xf32>
    %eq3A_96 = vector.broadcast %broadcast_in_dim3A_95 : vector<128x1xf32> to vector<128x2048xf32>
    %eq3A_97 = arith.cmpf oeq, %get3A_92, %eq3A_96 : vector<128x2048xf32>
    %jit3A_98 = arith.constant 2048 : i32
    %broadcast_in_dim3A_99 = vector.broadcast %jit3A_98 : i32 to vector<128x2048xi32>
    %select_n3A_100 = arith.select %eq3A_97, %iota3A, %broadcast_in_dim3A_99 : vector<128x2048xi1>, vector<128x2048xi32>
    %reduce_min3A_101 = arith.constant dense<2147483647> : vector<128xi32>
    %reduce_min3A_102 = vector.multi_reduction <minsi>, %select_n3A_100, %reduce_min3A_101 [1] : vector<128x2048xi32> to vector<128xi32>
    %broadcast_in_dim3A_103 = vector.shape_cast %reduce_min3A_102 : vector<128xi32> to vector<128x1xi32>
    %add3A_104 = vector.broadcast %mul3A_34 : i32 to vector<128x1xi32>
    %add3A_105 = arith.addi %broadcast_in_dim3A_103, %add3A_104 : vector<128x1xi32>
    %swap3A_106 = arith.constant 0 : index
    %swap3A_107 = arith.constant 0 : index
    %swap3A_108 = arith.constant 2 : index
    %swap3A_109 = vector.load %arg3[%swap3A_106, %swap3A_107, %swap3A_108] : memref<1x128x32xi32, #tpu.memory_space<vmem>>, vector<1x128x1xi32>
    %swap3A_110 = vector.shape_cast %swap3A_109 : vector<1x128x1xi32> to vector<128x1xi32>
    %swap3A_111 = vector.shape_cast %add3A_105 : vector<128x1xi32> to vector<1x128x1xi32>
    tpu.vector_store %arg3[%swap3A_106, %swap3A_107, %swap3A_108], %swap3A_111 {strides = array<i32>} : memref<1x128x32xi32, #tpu.memory_space<vmem>>, vector<1x128x1xi32>,
    %eq3A_112 = vector.broadcast %broadcast_in_dim3A_103 : vector<128x1xi32> to vector<128x2048xi32>
    %eq3A_113 = arith.cmpi eq, %iota3A, %eq3A_112 : vector<128x2048xi32>
    %jit3A_114 = arith.constant 1.000000e+30 : f32
    %broadcast_in_dim3A_115 = vector.broadcast %jit3A_114 : f32 to vector<128x2048xf32>
    %select_n3A_116 = arith.select %eq3A_113, %broadcast_in_dim3A_115, %get3A_92 : vector<128x2048xi1>, vector<128x2048xf32>
    %swap3A_117 = arith.constant 0 : index
    %swap3A_118 = arith.constant 0 : index
    %swap3A_119 = vector.load %arg4[%swap3A_117, %swap3A_118] : memref<128x2048xf32, #tpu.memory_space<vmem>>, vector<128x2048xf32>
    tpu.vector_store %arg4[%swap3A_117, %swap3A_118], %select_n3A_116 {strides = array<i32>} : memref<128x2048xf32, #tpu.memory_space<vmem>>, vector<128x2048xf32>,
    %get3A_120 = arith.constant 0 : index
    %get3A_121 = arith.constant 0 : index
    %get3A_122 = vector.load %arg4[%get3A_120, %get3A_121] : memref<128x2048xf32, #tpu.memory_space<vmem>>, vector<128x2048xf32>
    %reduce_min3A_123 = arith.constant dense<0x7F800000> : vector<128xf32>
    %reduce_min3A_124 = vector.multi_reduction <minimumf>, %get3A_122, %reduce_min3A_123 [1] : vector<128x2048xf32> to vector<128xf32>
    %broadcast_in_dim3A_125 = vector.shape_cast %reduce_min3A_124 : vector<128xf32> to vector<128x1xf32>
    %eq3A_126 = vector.broadcast %broadcast_in_dim3A_125 : vector<128x1xf32> to vector<128x2048xf32>
    %eq3A_127 = arith.cmpf oeq, %get3A_122, %eq3A_126 : vector<128x2048xf32>
    %jit3A_128 = arith.constant 2048 : i32
    %broadcast_in_dim3A_129 = vector.broadcast %jit3A_128 : i32 to vector<128x2048xi32>
    %select_n3A_130 = arith.select %eq3A_127, %iota3A, %broadcast_in_dim3A_129 : vector<128x2048xi1>, vector<128x2048xi32>
    %reduce_min3A_131 = arith.constant dense<2147483647> : vector<128xi32>
    %reduce_min3A_132 = vector.multi_reduction <minsi>, %select_n3A_130, %reduce_min3A_131 [1] : vector<128x2048xi32> to vector<128xi32>
    %broadcast_in_dim3A_133 = vector.shape_cast %reduce_min3A_132 : vector<128xi32> to vector<128x1xi32>
    %add3A_134 = vector.broadcast %mul3A_34 : i32 to vector<128x1xi32>
    %add3A_135 = arith.addi %broadcast_in_dim3A_133, %add3A_134 : vector<128x1xi32>
    %swap3A_136 = arith.constant 0 : index
    %swap3A_137 = arith.constant 0 : index
    %swap3A_138 = arith.constant 3 : index
    %swap3A_139 = vector.load %arg3[%swap3A_136, %swap3A_137, %swap3A_138] : memref<1x128x32xi32, #tpu.memory_space<vmem>>, vector<1x128x1xi32>
    %swap3A_140 = vector.shape_cast %swap3A_139 : vector<1x128x1xi32> to vector<128x1xi32>
    %swap3A_141 = vector.shape_cast %add3A_135 : vector<128x1xi32> to vector<1x128x1xi32>
    tpu.vector_store %arg3[%swap3A_136, %swap3A_137, %swap3A_138], %swap3A_141 {strides = array<i32>} : memref<1x128x32xi32, #tpu.memory_space<vmem>>, vector<1x128x1xi32>,
    %eq3A_142 = vector.broadcast %broadcast_in_dim3A_133 : vector<128x1xi32> to vector<128x2048xi32>
    %eq3A_143 = arith.cmpi eq, %iota3A, %eq3A_142 : vector<128x2048xi32>
    %jit3A_144 = arith.constant 1.000000e+30 : f32
    %broadcast_in_dim3A_145 = vector.broadcast %jit3A_144 : f32 to vector<128x2048xf32>
    %select_n3A_146 = arith.select %eq3A_143, %broadcast_in_dim3A_145, %get3A_122 : vector<128x2048xi1>, vector<128x2048xf32>
    %swap3A_147 = arith.constant 0 : index
    %swap3A_148 = arith.constant 0 : index
    %swap3A_149 = vector.load %arg4[%swap3A_147, %swap3A_148] : memref<128x2048xf32, #tpu.memory_space<vmem>>, vector<128x2048xf32>
    tpu.vector_store %arg4[%swap3A_147, %swap3A_148], %select_n3A_146 {strides = array<i32>} : memref<128x2048xf32, #tpu.memory_space<vmem>>, vector<128x2048xf32>,
    %get3A_150 = arith.constant 0 : index
    %get3A_151 = arith.constant 0 : index
    %get3A_152 = vector.load %arg4[%get3A_150, %get3A_151] : memref<128x2048xf32, #tpu.memory_space<vmem>>, vector<128x2048xf32>
    %reduce_min3A_153 = arith.constant dense<0x7F800000> : vector<128xf32>
    %reduce_min3A_154 = vector.multi_reduction <minimumf>, %get3A_152, %reduce_min3A_153 [1] : vector<128x2048xf32> to vector<128xf32>
    %broadcast_in_dim3A_155 = vector.shape_cast %reduce_min3A_154 : vector<128xf32> to vector<128x1xf32>
    %eq3A_156 = vector.broadcast %broadcast_in_dim3A_155 : vector<128x1xf32> to vector<128x2048xf32>
    %eq3A_157 = arith.cmpf oeq, %get3A_152, %eq3A_156 : vector<128x2048xf32>
    %jit3A_158 = arith.constant 2048 : i32
    %broadcast_in_dim3A_159 = vector.broadcast %jit3A_158 : i32 to vector<128x2048xi32>
    %select_n3A_160 = arith.select %eq3A_157, %iota3A, %broadcast_in_dim3A_159 : vector<128x2048xi1>, vector<128x2048xi32>
    %reduce_min3A_161 = arith.constant dense<2147483647> : vector<128xi32>
    %reduce_min3A_162 = vector.multi_reduction <minsi>, %select_n3A_160, %reduce_min3A_161 [1] : vector<128x2048xi32> to vector<128xi32>
    %broadcast_in_dim3A_163 = vector.shape_cast %reduce_min3A_162 : vector<128xi32> to vector<128x1xi32>
    %add3A_164 = vector.broadcast %mul3A_34 : i32 to vector<128x1xi32>
    %add3A_165 = arith.addi %broadcast_in_dim3A_163, %add3A_164 : vector<128x1xi32>
    %swap3A_166 = arith.constant 0 : index
    %swap3A_167 = arith.constant 0 : index
    %swap3A_168 = arith.constant 4 : index
    %swap3A_169 = vector.load %arg3[%swap3A_166, %swap3A_167, %swap3A_168] : memref<1x128x32xi32, #tpu.memory_space<vmem>>, vector<1x128x1xi32>
    %swap3A_170 = vector.shape_cast %swap3A_169 : vector<1x128x1xi32> to vector<128x1xi32>
    %swap3A_171 = vector.shape_cast %add3A_165 : vector<128x1xi32> to vector<1x128x1xi32>
    tpu.vector_store %arg3[%swap3A_166, %swap3A_167, %swap3A_168], %swap3A_171 {strides = array<i32>} : memref<1x128x32xi32, #tpu.memory_space<vmem>>, vector<1x128x1xi32>,
    %eq3A_172 = vector.broadcast %broadcast_in_dim3A_163 : vector<128x1xi32> to vector<128x2048xi32>
    %eq3A_173 = arith.cmpi eq, %iota3A, %eq3A_172 : vector<128x2048xi32>
    %jit3A_174 = arith.constant 1.000000e+30 : f32
    %broadcast_in_dim3A_175 = vector.broadcast %jit3A_174 : f32 to vector<128x2048xf32>
    %select_n3A_176 = arith.select %eq3A_173, %broadcast_in_dim3A_175, %get3A_152 : vector<128x2048xi1>, vector<128x2048xf32>
    %swap3A_177 = arith.constant 0 : index
    %swap3A_178 = arith.constant 0 : index
    %swap3A_179 = vector.load %arg4[%swap3A_177, %swap3A_178] : memref<128x2048xf32, #tpu.memory_space<vmem>>, vector<128x2048xf32>
    tpu.vector_store %arg4[%swap3A_177, %swap3A_178], %select_n3A_176 {strides = array<i32>} : memref<128x2048xf32, #tpu.memory_space<vmem>>, vector<128x2048xf32>,
    %get3A_180 = arith.constant 0 : index
    %get3A_181 = arith.constant 0 : index
    %get3A_182 = vector.load %arg4[%get3A_180, %get3A_181] : memref<128x2048xf32, #tpu.memory_space<vmem>>, vector<128x2048xf32>
    %reduce_min3A_183 = arith.constant dense<0x7F800000> : vector<128xf32>
    %reduce_min3A_184 = vector.multi_reduction <minimumf>, %get3A_182, %reduce_min3A_183 [1] : vector<128x2048xf32> to vector<128xf32>
    %broadcast_in_dim3A_185 = vector.shape_cast %reduce_min3A_184 : vector<128xf32> to vector<128x1xf32>
    %eq3A_186 = vector.broadcast %broadcast_in_dim3A_185 : vector<128x1xf32> to vector<128x2048xf32>
    %eq3A_187 = arith.cmpf oeq, %get3A_182, %eq3A_186 : vector<128x2048xf32>
    %jit3A_188 = arith.constant 2048 : i32
    %broadcast_in_dim3A_189 = vector.broadcast %jit3A_188 : i32 to vector<128x2048xi32>
    %select_n3A_190 = arith.select %eq3A_187, %iota3A, %broadcast_in_dim3A_189 : vector<128x2048xi1>, vector<128x2048xi32>
    %reduce_min3A_191 = arith.constant dense<2147483647> : vector<128xi32>
    %reduce_min3A_192 = vector.multi_reduction <minsi>, %select_n3A_190, %reduce_min3A_191 [1] : vector<128x2048xi32> to vector<128xi32>
    %broadcast_in_dim3A_193 = vector.shape_cast %reduce_min3A_192 : vector<128xi32> to vector<128x1xi32>
    %add3A_194 = vector.broadcast %mul3A_34 : i32 to vector<128x1xi32>
    %add3A_195 = arith.addi %broadcast_in_dim3A_193, %add3A_194 : vector<128x1xi32>
    %swap3A_196 = arith.constant 0 : index
    %swap3A_197 = arith.constant 0 : index
    %swap3A_198 = arith.constant 5 : index
    %swap3A_199 = vector.load %arg3[%swap3A_196, %swap3A_197, %swap3A_198] : memref<1x128x32xi32, #tpu.memory_space<vmem>>, vector<1x128x1xi32>
    %swap3A_200 = vector.shape_cast %swap3A_199 : vector<1x128x1xi32> to vector<128x1xi32>
    %swap3A_201 = vector.shape_cast %add3A_195 : vector<128x1xi32> to vector<1x128x1xi32>
    tpu.vector_store %arg3[%swap3A_196, %swap3A_197, %swap3A_198], %swap3A_201 {strides = array<i32>} : memref<1x128x32xi32, #tpu.memory_space<vmem>>, vector<1x128x1xi32>,
    %eq3A_202 = vector.broadcast %broadcast_in_dim3A_193 : vector<128x1xi32> to vector<128x2048xi32>
    %eq3A_203 = arith.cmpi eq, %iota3A, %eq3A_202 : vector<128x2048xi32>
    %jit3A_204 = arith.constant 1.000000e+30 : f32
    %broadcast_in_dim3A_205 = vector.broadcast %jit3A_204 : f32 to vector<128x2048xf32>
    %select_n3A_206 = arith.select %eq3A_203, %broadcast_in_dim3A_205, %get3A_182 : vector<128x2048xi1>, vector<128x2048xf32>
    %swap3A_207 = arith.constant 0 : index
    %swap3A_208 = arith.constant 0 : index
    %swap3A_209 = vector.load %arg4[%swap3A_207, %swap3A_208] : memref<128x2048xf32, #tpu.memory_space<vmem>>, vector<128x2048xf32>
    tpu.vector_store %arg4[%swap3A_207, %swap3A_208], %select_n3A_206 {strides = array<i32>} : memref<128x2048xf32, #tpu.memory_space<vmem>>, vector<128x2048xf32>,
    %get3A_210 = arith.constant 0 : index
    %get3A_211 = arith.constant 0 : index
    %get3A_212 = vector.load %arg4[%get3A_210, %get3A_211] : memref<128x2048xf32, #tpu.memory_space<vmem>>, vector<128x2048xf32>
    %reduce_min3A_213 = arith.constant dense<0x7F800000> : vector<128xf32>
    %reduce_min3A_214 = vector.multi_reduction <minimumf>, %get3A_212, %reduce_min3A_213 [1] : vector<128x2048xf32> to vector<128xf32>
    %broadcast_in_dim3A_215 = vector.shape_cast %reduce_min3A_214 : vector<128xf32> to vector<128x1xf32>
    %eq3A_216 = vector.broadcast %broadcast_in_dim3A_215 : vector<128x1xf32> to vector<128x2048xf32>
    %eq3A_217 = arith.cmpf oeq, %get3A_212, %eq3A_216 : vector<128x2048xf32>
    %jit3A_218 = arith.constant 2048 : i32
    %broadcast_in_dim3A_219 = vector.broadcast %jit3A_218 : i32 to vector<128x2048xi32>
    %select_n3A_220 = arith.select %eq3A_217, %iota3A, %broadcast_in_dim3A_219 : vector<128x2048xi1>, vector<128x2048xi32>
    %reduce_min3A_221 = arith.constant dense<2147483647> : vector<128xi32>
    %reduce_min3A_222 = vector.multi_reduction <minsi>, %select_n3A_220, %reduce_min3A_221 [1] : vector<128x2048xi32> to vector<128xi32>
    %broadcast_in_dim3A_223 = vector.shape_cast %reduce_min3A_222 : vector<128xi32> to vector<128x1xi32>
    %add3A_224 = vector.broadcast %mul3A_34 : i32 to vector<128x1xi32>
    %add3A_225 = arith.addi %broadcast_in_dim3A_223, %add3A_224 : vector<128x1xi32>
    %swap3A_226 = arith.constant 0 : index
    %swap3A_227 = arith.constant 0 : index
    %swap3A_228 = arith.constant 6 : index
    %swap3A_229 = vector.load %arg3[%swap3A_226, %swap3A_227, %swap3A_228] : memref<1x128x32xi32, #tpu.memory_space<vmem>>, vector<1x128x1xi32>
    %swap3A_230 = vector.shape_cast %swap3A_229 : vector<1x128x1xi32> to vector<128x1xi32>
    %swap3A_231 = vector.shape_cast %add3A_225 : vector<128x1xi32> to vector<1x128x1xi32>
    tpu.vector_store %arg3[%swap3A_226, %swap3A_227, %swap3A_228], %swap3A_231 {strides = array<i32>} : memref<1x128x32xi32, #tpu.memory_space<vmem>>, vector<1x128x1xi32>,
    %eq3A_232 = vector.broadcast %broadcast_in_dim3A_223 : vector<128x1xi32> to vector<128x2048xi32>
    %eq3A_233 = arith.cmpi eq, %iota3A, %eq3A_232 : vector<128x2048xi32>
    %jit3A_234 = arith.constant 1.000000e+30 : f32
    %broadcast_in_dim3A_235 = vector.broadcast %jit3A_234 : f32 to vector<128x2048xf32>
    %select_n3A_236 = arith.select %eq3A_233, %broadcast_in_dim3A_235, %get3A_212 : vector<128x2048xi1>, vector<128x2048xf32>
    %swap3A_237 = arith.constant 0 : index
    %swap3A_238 = arith.constant 0 : index
    %swap3A_239 = vector.load %arg4[%swap3A_237, %swap3A_238] : memref<128x2048xf32, #tpu.memory_space<vmem>>, vector<128x2048xf32>
    tpu.vector_store %arg4[%swap3A_237, %swap3A_238], %select_n3A_236 {strides = array<i32>} : memref<128x2048xf32, #tpu.memory_space<vmem>>, vector<128x2048xf32>,
    %get3A_240 = arith.constant 0 : index
    %get3A_241 = arith.constant 0 : index
    %get3A_242 = vector.load %arg4[%get3A_240, %get3A_241] : memref<128x2048xf32, #tpu.memory_space<vmem>>, vector<128x2048xf32>
    %reduce_min3A_243 = arith.constant dense<0x7F800000> : vector<128xf32>
    %reduce_min3A_244 = vector.multi_reduction <minimumf>, %get3A_242, %reduce_min3A_243 [1] : vector<128x2048xf32> to vector<128xf32>
    %broadcast_in_dim3A_245 = vector.shape_cast %reduce_min3A_244 : vector<128xf32> to vector<128x1xf32>
    %eq3A_246 = vector.broadcast %broadcast_in_dim3A_245 : vector<128x1xf32> to vector<128x2048xf32>
    %eq3A_247 = arith.cmpf oeq, %get3A_242, %eq3A_246 : vector<128x2048xf32>
    %jit3A_248 = arith.constant 2048 : i32
    %broadcast_in_dim3A_249 = vector.broadcast %jit3A_248 : i32 to vector<128x2048xi32>
    %select_n3A_250 = arith.select %eq3A_247, %iota3A, %broadcast_in_dim3A_249 : vector<128x2048xi1>, vector<128x2048xi32>
    %reduce_min3A_251 = arith.constant dense<2147483647> : vector<128xi32>
    %reduce_min3A_252 = vector.multi_reduction <minsi>, %select_n3A_250, %reduce_min3A_251 [1] : vector<128x2048xi32> to vector<128xi32>
    %broadcast_in_dim3A_253 = vector.shape_cast %reduce_min3A_252 : vector<128xi32> to vector<128x1xi32>
    %add3A_254 = vector.broadcast %mul3A_34 : i32 to vector<128x1xi32>
    %add3A_255 = arith.addi %broadcast_in_dim3A_253, %add3A_254 : vector<128x1xi32>
    %swap3A_256 = arith.constant 0 : index
    %swap3A_257 = arith.constant 0 : index
    %swap3A_258 = arith.constant 7 : index
    %swap3A_259 = vector.load %arg3[%swap3A_256, %swap3A_257, %swap3A_258] : memref<1x128x32xi32, #tpu.memory_space<vmem>>, vector<1x128x1xi32>
    %swap3A_260 = vector.shape_cast %swap3A_259 : vector<1x128x1xi32> to vector<128x1xi32>
    %swap3A_261 = vector.shape_cast %add3A_255 : vector<128x1xi32> to vector<1x128x1xi32>
    tpu.vector_store %arg3[%swap3A_256, %swap3A_257, %swap3A_258], %swap3A_261 {strides = array<i32>} : memref<1x128x32xi32, #tpu.memory_space<vmem>>, vector<1x128x1xi32>,
    %eq3A_262 = vector.broadcast %broadcast_in_dim3A_253 : vector<128x1xi32> to vector<128x2048xi32>
    %eq3A_263 = arith.cmpi eq, %iota3A, %eq3A_262 : vector<128x2048xi32>
    %jit3A_264 = arith.constant 1.000000e+30 : f32
    %broadcast_in_dim3A_265 = vector.broadcast %jit3A_264 : f32 to vector<128x2048xf32>
    %select_n3A_266 = arith.select %eq3A_263, %broadcast_in_dim3A_265, %get3A_242 : vector<128x2048xi1>, vector<128x2048xf32>
    %swap3A_267 = arith.constant 0 : index
    %swap3A_268 = arith.constant 0 : index
    %swap3A_269 = vector.load %arg4[%swap3A_267, %swap3A_268] : memref<128x2048xf32, #tpu.memory_space<vmem>>, vector<128x2048xf32>
    tpu.vector_store %arg4[%swap3A_267, %swap3A_268], %select_n3A_266 {strides = array<i32>} : memref<128x2048xf32, #tpu.memory_space<vmem>>, vector<128x2048xf32>,
    %get3A_270 = arith.constant 0 : index
    %get3A_271 = arith.constant 0 : index
    %get3A_272 = vector.load %arg4[%get3A_270, %get3A_271] : memref<128x2048xf32, #tpu.memory_space<vmem>>, vector<128x2048xf32>
    %reduce_min3A_273 = arith.constant dense<0x7F800000> : vector<128xf32>
    %reduce_min3A_274 = vector.multi_reduction <minimumf>, %get3A_272, %reduce_min3A_273 [1] : vector<128x2048xf32> to vector<128xf32>
    %broadcast_in_dim3A_275 = vector.shape_cast %reduce_min3A_274 : vector<128xf32> to vector<128x1xf32>
    %eq3A_276 = vector.broadcast %broadcast_in_dim3A_275 : vector<128x1xf32> to vector<128x2048xf32>
    %eq3A_277 = arith.cmpf oeq, %get3A_272, %eq3A_276 : vector<128x2048xf32>
    %jit3A_278 = arith.constant 2048 : i32
    %broadcast_in_dim3A_279 = vector.broadcast %jit3A_278 : i32 to vector<128x2048xi32>
    %select_n3A_280 = arith.select %eq3A_277, %iota3A, %broadcast_in_dim3A_279 : vector<128x2048xi1>, vector<128x2048xi32>
    %reduce_min3A_281 = arith.constant dense<2147483647> : vector<128xi32>
    %reduce_min3A_282 = vector.multi_reduction <minsi>, %select_n3A_280, %reduce_min3A_281 [1] : vector<128x2048xi32> to vector<128xi32>
    %broadcast_in_dim3A_283 = vector.shape_cast %reduce_min3A_282 : vector<128xi32> to vector<128x1xi32>
    %add3A_284 = vector.broadcast %mul3A_34 : i32 to vector<128x1xi32>
    %add3A_285 = arith.addi %broadcast_in_dim3A_283, %add3A_284 : vector<128x1xi32>
    %swap3A_286 = arith.constant 0 : index
    %swap3A_287 = arith.constant 0 : index
    %swap3A_288 = arith.constant 8 : index
    %swap3A_289 = vector.load %arg3[%swap3A_286, %swap3A_287, %swap3A_288] : memref<1x128x32xi32, #tpu.memory_space<vmem>>, vector<1x128x1xi32>
    %swap3A_290 = vector.shape_cast %swap3A_289 : vector<1x128x1xi32> to vector<128x1xi32>
    %swap3A_291 = vector.shape_cast %add3A_285 : vector<128x1xi32> to vector<1x128x1xi32>
    tpu.vector_store %arg3[%swap3A_286, %swap3A_287, %swap3A_288], %swap3A_291 {strides = array<i32>} : memref<1x128x32xi32, #tpu.memory_space<vmem>>, vector<1x128x1xi32>,
    %eq3A_292 = vector.broadcast %broadcast_in_dim3A_283 : vector<128x1xi32> to vector<128x2048xi32>
    %eq3A_293 = arith.cmpi eq, %iota3A, %eq3A_292 : vector<128x2048xi32>
    %jit3A_294 = arith.constant 1.000000e+30 : f32
    %broadcast_in_dim3A_295 = vector.broadcast %jit3A_294 : f32 to vector<128x2048xf32>
    %select_n3A_296 = arith.select %eq3A_293, %broadcast_in_dim3A_295, %get3A_272 : vector<128x2048xi1>, vector<128x2048xf32>
    %swap3A_297 = arith.constant 0 : index
    %swap3A_298 = arith.constant 0 : index
    %swap3A_299 = vector.load %arg4[%swap3A_297, %swap3A_298] : memref<128x2048xf32, #tpu.memory_space<vmem>>, vector<128x2048xf32>
    tpu.vector_store %arg4[%swap3A_297, %swap3A_298], %select_n3A_296 {strides = array<i32>} : memref<128x2048xf32, #tpu.memory_space<vmem>>, vector<128x2048xf32>,
    %get3A_300 = arith.constant 0 : index
    %get3A_301 = arith.constant 0 : index
    %get3A_302 = vector.load %arg4[%get3A_300, %get3A_301] : memref<128x2048xf32, #tpu.memory_space<vmem>>, vector<128x2048xf32>
    %reduce_min3A_303 = arith.constant dense<0x7F800000> : vector<128xf32>
    %reduce_min3A_304 = vector.multi_reduction <minimumf>, %get3A_302, %reduce_min3A_303 [1] : vector<128x2048xf32> to vector<128xf32>
    %broadcast_in_dim3A_305 = vector.shape_cast %reduce_min3A_304 : vector<128xf32> to vector<128x1xf32>
    %eq3A_306 = vector.broadcast %broadcast_in_dim3A_305 : vector<128x1xf32> to vector<128x2048xf32>
    %eq3A_307 = arith.cmpf oeq, %get3A_302, %eq3A_306 : vector<128x2048xf32>
    %jit3A_308 = arith.constant 2048 : i32
    %broadcast_in_dim3A_309 = vector.broadcast %jit3A_308 : i32 to vector<128x2048xi32>
    %select_n3A_310 = arith.select %eq3A_307, %iota3A, %broadcast_in_dim3A_309 : vector<128x2048xi1>, vector<128x2048xi32>
    %reduce_min3A_311 = arith.constant dense<2147483647> : vector<128xi32>
    %reduce_min3A_312 = vector.multi_reduction <minsi>, %select_n3A_310, %reduce_min3A_311 [1] : vector<128x2048xi32> to vector<128xi32>
    %broadcast_in_dim3A_313 = vector.shape_cast %reduce_min3A_312 : vector<128xi32> to vector<128x1xi32>
    %add3A_314 = vector.broadcast %mul3A_34 : i32 to vector<128x1xi32>
    %add3A_315 = arith.addi %broadcast_in_dim3A_313, %add3A_314 : vector<128x1xi32>
    %swap3A_316 = arith.constant 0 : index
    %swap3A_317 = arith.constant 0 : index
    %swap3A_318 = arith.constant 9 : index
    %swap3A_319 = vector.load %arg3[%swap3A_316, %swap3A_317, %swap3A_318] : memref<1x128x32xi32, #tpu.memory_space<vmem>>, vector<1x128x1xi32>
    %swap3A_320 = vector.shape_cast %swap3A_319 : vector<1x128x1xi32> to vector<128x1xi32>
    %swap3A_321 = vector.shape_cast %add3A_315 : vector<128x1xi32> to vector<1x128x1xi32>
    tpu.vector_store %arg3[%swap3A_316, %swap3A_317, %swap3A_318], %swap3A_321 {strides = array<i32>} : memref<1x128x32xi32, #tpu.memory_space<vmem>>, vector<1x128x1xi32>,
    %eq3A_322 = vector.broadcast %broadcast_in_dim3A_313 : vector<128x1xi32> to vector<128x2048xi32>
    %eq3A_323 = arith.cmpi eq, %iota3A, %eq3A_322 : vector<128x2048xi32>
    %jit3A_324 = arith.constant 1.000000e+30 : f32
    %broadcast_in_dim3A_325 = vector.broadcast %jit3A_324 : f32 to vector<128x2048xf32>
    %select_n3A_326 = arith.select %eq3A_323, %broadcast_in_dim3A_325, %get3A_302 : vector<128x2048xi1>, vector<128x2048xf32>
    %swap3A_327 = arith.constant 0 : index
    %swap3A_328 = arith.constant 0 : index
    %swap3A_329 = vector.load %arg4[%swap3A_327, %swap3A_328] : memref<128x2048xf32, #tpu.memory_space<vmem>>, vector<128x2048xf32>
    tpu.vector_store %arg4[%swap3A_327, %swap3A_328], %select_n3A_326 {strides = array<i32>} : memref<128x2048xf32, #tpu.memory_space<vmem>>, vector<128x2048xf32>,
    %get3A_330 = arith.constant 0 : index
    %get3A_331 = arith.constant 0 : index
    %get3A_332 = vector.load %arg4[%get3A_330, %get3A_331] : memref<128x2048xf32, #tpu.memory_space<vmem>>, vector<128x2048xf32>
    %reduce_min3A_333 = arith.constant dense<0x7F800000> : vector<128xf32>
    %reduce_min3A_334 = vector.multi_reduction <minimumf>, %get3A_332, %reduce_min3A_333 [1] : vector<128x2048xf32> to vector<128xf32>
    %broadcast_in_dim3A_335 = vector.shape_cast %reduce_min3A_334 : vector<128xf32> to vector<128x1xf32>
    %eq3A_336 = vector.broadcast %broadcast_in_dim3A_335 : vector<128x1xf32> to vector<128x2048xf32>
    %eq3A_337 = arith.cmpf oeq, %get3A_332, %eq3A_336 : vector<128x2048xf32>
    %jit3A_338 = arith.constant 2048 : i32
    %broadcast_in_dim3A_339 = vector.broadcast %jit3A_338 : i32 to vector<128x2048xi32>
    %select_n3A_340 = arith.select %eq3A_337, %iota3A, %broadcast_in_dim3A_339 : vector<128x2048xi1>, vector<128x2048xi32>
    %reduce_min3A_341 = arith.constant dense<2147483647> : vector<128xi32>
    %reduce_min3A_342 = vector.multi_reduction <minsi>, %select_n3A_340, %reduce_min3A_341 [1] : vector<128x2048xi32> to vector<128xi32>
    %broadcast_in_dim3A_343 = vector.shape_cast %reduce_min3A_342 : vector<128xi32> to vector<128x1xi32>
    %add3A_344 = vector.broadcast %mul3A_34 : i32 to vector<128x1xi32>
    %add3A_345 = arith.addi %broadcast_in_dim3A_343, %add3A_344 : vector<128x1xi32>
    %swap3A_346 = arith.constant 0 : index
    %swap3A_347 = arith.constant 0 : index
    %swap3A_348 = arith.constant 10 : index
    %swap3A_349 = vector.load %arg3[%swap3A_346, %swap3A_347, %swap3A_348] : memref<1x128x32xi32, #tpu.memory_space<vmem>>, vector<1x128x1xi32>
    %swap3A_350 = vector.shape_cast %swap3A_349 : vector<1x128x1xi32> to vector<128x1xi32>
    %swap3A_351 = vector.shape_cast %add3A_345 : vector<128x1xi32> to vector<1x128x1xi32>
    tpu.vector_store %arg3[%swap3A_346, %swap3A_347, %swap3A_348], %swap3A_351 {strides = array<i32>} : memref<1x128x32xi32, #tpu.memory_space<vmem>>, vector<1x128x1xi32>,
    %eq3A_352 = vector.broadcast %broadcast_in_dim3A_343 : vector<128x1xi32> to vector<128x2048xi32>
    %eq3A_353 = arith.cmpi eq, %iota3A, %eq3A_352 : vector<128x2048xi32>
    %jit3A_354 = arith.constant 1.000000e+30 : f32
    %broadcast_in_dim3A_355 = vector.broadcast %jit3A_354 : f32 to vector<128x2048xf32>
    %select_n3A_356 = arith.select %eq3A_353, %broadcast_in_dim3A_355, %get3A_332 : vector<128x2048xi1>, vector<128x2048xf32>
    %swap3A_357 = arith.constant 0 : index
    %swap3A_358 = arith.constant 0 : index
    %swap3A_359 = vector.load %arg4[%swap3A_357, %swap3A_358] : memref<128x2048xf32, #tpu.memory_space<vmem>>, vector<128x2048xf32>
    tpu.vector_store %arg4[%swap3A_357, %swap3A_358], %select_n3A_356 {strides = array<i32>} : memref<128x2048xf32, #tpu.memory_space<vmem>>, vector<128x2048xf32>,
    %get3A_360 = arith.constant 0 : index
    %get3A_361 = arith.constant 0 : index
    %get3A_362 = vector.load %arg4[%get3A_360, %get3A_361] : memref<128x2048xf32, #tpu.memory_space<vmem>>, vector<128x2048xf32>
    %reduce_min3A_363 = arith.constant dense<0x7F800000> : vector<128xf32>
    %reduce_min3A_364 = vector.multi_reduction <minimumf>, %get3A_362, %reduce_min3A_363 [1] : vector<128x2048xf32> to vector<128xf32>
    %broadcast_in_dim3A_365 = vector.shape_cast %reduce_min3A_364 : vector<128xf32> to vector<128x1xf32>
    %eq3A_366 = vector.broadcast %broadcast_in_dim3A_365 : vector<128x1xf32> to vector<128x2048xf32>
    %eq3A_367 = arith.cmpf oeq, %get3A_362, %eq3A_366 : vector<128x2048xf32>
    %jit3A_368 = arith.constant 2048 : i32
    %broadcast_in_dim3A_369 = vector.broadcast %jit3A_368 : i32 to vector<128x2048xi32>
    %select_n3A_370 = arith.select %eq3A_367, %iota3A, %broadcast_in_dim3A_369 : vector<128x2048xi1>, vector<128x2048xi32>
    %reduce_min3A_371 = arith.constant dense<2147483647> : vector<128xi32>
    %reduce_min3A_372 = vector.multi_reduction <minsi>, %select_n3A_370, %reduce_min3A_371 [1] : vector<128x2048xi32> to vector<128xi32>
    %broadcast_in_dim3A_373 = vector.shape_cast %reduce_min3A_372 : vector<128xi32> to vector<128x1xi32>
    %add3A_374 = vector.broadcast %mul3A_34 : i32 to vector<128x1xi32>
    %add3A_375 = arith.addi %broadcast_in_dim3A_373, %add3A_374 : vector<128x1xi32>
    %swap3A_376 = arith.constant 0 : index
    %swap3A_377 = arith.constant 0 : index
    %swap3A_378 = arith.constant 11 : index
    %swap3A_379 = vector.load %arg3[%swap3A_376, %swap3A_377, %swap3A_378] : memref<1x128x32xi32, #tpu.memory_space<vmem>>, vector<1x128x1xi32>
    %swap3A_380 = vector.shape_cast %swap3A_379 : vector<1x128x1xi32> to vector<128x1xi32>
    %swap3A_381 = vector.shape_cast %add3A_375 : vector<128x1xi32> to vector<1x128x1xi32>
    tpu.vector_store %arg3[%swap3A_376, %swap3A_377, %swap3A_378], %swap3A_381 {strides = array<i32>} : memref<1x128x32xi32, #tpu.memory_space<vmem>>, vector<1x128x1xi32>,
    %eq3A_382 = vector.broadcast %broadcast_in_dim3A_373 : vector<128x1xi32> to vector<128x2048xi32>
    %eq3A_383 = arith.cmpi eq, %iota3A, %eq3A_382 : vector<128x2048xi32>
    %jit3A_384 = arith.constant 1.000000e+30 : f32
    %broadcast_in_dim3A_385 = vector.broadcast %jit3A_384 : f32 to vector<128x2048xf32>
    %select_n3A_386 = arith.select %eq3A_383, %broadcast_in_dim3A_385, %get3A_362 : vector<128x2048xi1>, vector<128x2048xf32>
    %swap3A_387 = arith.constant 0 : index
    %swap3A_388 = arith.constant 0 : index
    %swap3A_389 = vector.load %arg4[%swap3A_387, %swap3A_388] : memref<128x2048xf32, #tpu.memory_space<vmem>>, vector<128x2048xf32>
    tpu.vector_store %arg4[%swap3A_387, %swap3A_388], %select_n3A_386 {strides = array<i32>} : memref<128x2048xf32, #tpu.memory_space<vmem>>, vector<128x2048xf32>,
    %get3A_390 = arith.constant 0 : index
    %get3A_391 = arith.constant 0 : index
    %get3A_392 = vector.load %arg4[%get3A_390, %get3A_391] : memref<128x2048xf32, #tpu.memory_space<vmem>>, vector<128x2048xf32>
    %reduce_min3A_393 = arith.constant dense<0x7F800000> : vector<128xf32>
    %reduce_min3A_394 = vector.multi_reduction <minimumf>, %get3A_392, %reduce_min3A_393 [1] : vector<128x2048xf32> to vector<128xf32>
    %broadcast_in_dim3A_395 = vector.shape_cast %reduce_min3A_394 : vector<128xf32> to vector<128x1xf32>
    %eq3A_396 = vector.broadcast %broadcast_in_dim3A_395 : vector<128x1xf32> to vector<128x2048xf32>
    %eq3A_397 = arith.cmpf oeq, %get3A_392, %eq3A_396 : vector<128x2048xf32>
    %jit3A_398 = arith.constant 2048 : i32
    %broadcast_in_dim3A_399 = vector.broadcast %jit3A_398 : i32 to vector<128x2048xi32>
    %select_n3A_400 = arith.select %eq3A_397, %iota3A, %broadcast_in_dim3A_399 : vector<128x2048xi1>, vector<128x2048xi32>
    %reduce_min3A_401 = arith.constant dense<2147483647> : vector<128xi32>
    %reduce_min3A_402 = vector.multi_reduction <minsi>, %select_n3A_400, %reduce_min3A_401 [1] : vector<128x2048xi32> to vector<128xi32>
    %broadcast_in_dim3A_403 = vector.shape_cast %reduce_min3A_402 : vector<128xi32> to vector<128x1xi32>
    %add3A_404 = vector.broadcast %mul3A_34 : i32 to vector<128x1xi32>
    %add3A_405 = arith.addi %broadcast_in_dim3A_403, %add3A_404 : vector<128x1xi32>
    %swap3A_406 = arith.constant 0 : index
    %swap3A_407 = arith.constant 0 : index
    %swap3A_408 = arith.constant 12 : index
    %swap3A_409 = vector.load %arg3[%swap3A_406, %swap3A_407, %swap3A_408] : memref<1x128x32xi32, #tpu.memory_space<vmem>>, vector<1x128x1xi32>
    %swap3A_410 = vector.shape_cast %swap3A_409 : vector<1x128x1xi32> to vector<128x1xi32>
    %swap3A_411 = vector.shape_cast %add3A_405 : vector<128x1xi32> to vector<1x128x1xi32>
    tpu.vector_store %arg3[%swap3A_406, %swap3A_407, %swap3A_408], %swap3A_411 {strides = array<i32>} : memref<1x128x32xi32, #tpu.memory_space<vmem>>, vector<1x128x1xi32>,
    %eq3A_412 = vector.broadcast %broadcast_in_dim3A_403 : vector<128x1xi32> to vector<128x2048xi32>
    %eq3A_413 = arith.cmpi eq, %iota3A, %eq3A_412 : vector<128x2048xi32>
    %jit3A_414 = arith.constant 1.000000e+30 : f32
    %broadcast_in_dim3A_415 = vector.broadcast %jit3A_414 : f32 to vector<128x2048xf32>
    %select_n3A_416 = arith.select %eq3A_413, %broadcast_in_dim3A_415, %get3A_392 : vector<128x2048xi1>, vector<128x2048xf32>
    %swap3A_417 = arith.constant 0 : index
    %swap3A_418 = arith.constant 0 : index
    %swap3A_419 = vector.load %arg4[%swap3A_417, %swap3A_418] : memref<128x2048xf32, #tpu.memory_space<vmem>>, vector<128x2048xf32>
    tpu.vector_store %arg4[%swap3A_417, %swap3A_418], %select_n3A_416 {strides = array<i32>} : memref<128x2048xf32, #tpu.memory_space<vmem>>, vector<128x2048xf32>,
    %get3A_420 = arith.constant 0 : index
    %get3A_421 = arith.constant 0 : index
    %get3A_422 = vector.load %arg4[%get3A_420, %get3A_421] : memref<128x2048xf32, #tpu.memory_space<vmem>>, vector<128x2048xf32>
    %reduce_min3A_423 = arith.constant dense<0x7F800000> : vector<128xf32>
    %reduce_min3A_424 = vector.multi_reduction <minimumf>, %get3A_422, %reduce_min3A_423 [1] : vector<128x2048xf32> to vector<128xf32>
    %broadcast_in_dim3A_425 = vector.shape_cast %reduce_min3A_424 : vector<128xf32> to vector<128x1xf32>
    %eq3A_426 = vector.broadcast %broadcast_in_dim3A_425 : vector<128x1xf32> to vector<128x2048xf32>
    %eq3A_427 = arith.cmpf oeq, %get3A_422, %eq3A_426 : vector<128x2048xf32>
    %jit3A_428 = arith.constant 2048 : i32
    %broadcast_in_dim3A_429 = vector.broadcast %jit3A_428 : i32 to vector<128x2048xi32>
    %select_n3A_430 = arith.select %eq3A_427, %iota3A, %broadcast_in_dim3A_429 : vector<128x2048xi1>, vector<128x2048xi32>
    %reduce_min3A_431 = arith.constant dense<2147483647> : vector<128xi32>
    %reduce_min3A_432 = vector.multi_reduction <minsi>, %select_n3A_430, %reduce_min3A_431 [1] : vector<128x2048xi32> to vector<128xi32>
    %broadcast_in_dim3A_433 = vector.shape_cast %reduce_min3A_432 : vector<128xi32> to vector<128x1xi32>
    %add3A_434 = vector.broadcast %mul3A_34 : i32 to vector<128x1xi32>
    %add3A_435 = arith.addi %broadcast_in_dim3A_433, %add3A_434 : vector<128x1xi32>
    %swap3A_436 = arith.constant 0 : index
    %swap3A_437 = arith.constant 0 : index
    %swap3A_438 = arith.constant 13 : index
    %swap3A_439 = vector.load %arg3[%swap3A_436, %swap3A_437, %swap3A_438] : memref<1x128x32xi32, #tpu.memory_space<vmem>>, vector<1x128x1xi32>
    %swap3A_440 = vector.shape_cast %swap3A_439 : vector<1x128x1xi32> to vector<128x1xi32>
    %swap3A_441 = vector.shape_cast %add3A_435 : vector<128x1xi32> to vector<1x128x1xi32>
    tpu.vector_store %arg3[%swap3A_436, %swap3A_437, %swap3A_438], %swap3A_441 {strides = array<i32>} : memref<1x128x32xi32, #tpu.memory_space<vmem>>, vector<1x128x1xi32>,
    %eq3A_442 = vector.broadcast %broadcast_in_dim3A_433 : vector<128x1xi32> to vector<128x2048xi32>
    %eq3A_443 = arith.cmpi eq, %iota3A, %eq3A_442 : vector<128x2048xi32>
    %jit3A_444 = arith.constant 1.000000e+30 : f32
    %broadcast_in_dim3A_445 = vector.broadcast %jit3A_444 : f32 to vector<128x2048xf32>
    %select_n3A_446 = arith.select %eq3A_443, %broadcast_in_dim3A_445, %get3A_422 : vector<128x2048xi1>, vector<128x2048xf32>
    %swap3A_447 = arith.constant 0 : index
    %swap3A_448 = arith.constant 0 : index
    %swap3A_449 = vector.load %arg4[%swap3A_447, %swap3A_448] : memref<128x2048xf32, #tpu.memory_space<vmem>>, vector<128x2048xf32>
    tpu.vector_store %arg4[%swap3A_447, %swap3A_448], %select_n3A_446 {strides = array<i32>} : memref<128x2048xf32, #tpu.memory_space<vmem>>, vector<128x2048xf32>,
    %get3A_450 = arith.constant 0 : index
    %get3A_451 = arith.constant 0 : index
    %get3A_452 = vector.load %arg4[%get3A_450, %get3A_451] : memref<128x2048xf32, #tpu.memory_space<vmem>>, vector<128x2048xf32>
    %reduce_min3A_453 = arith.constant dense<0x7F800000> : vector<128xf32>
    %reduce_min3A_454 = vector.multi_reduction <minimumf>, %get3A_452, %reduce_min3A_453 [1] : vector<128x2048xf32> to vector<128xf32>
    %broadcast_in_dim3A_455 = vector.shape_cast %reduce_min3A_454 : vector<128xf32> to vector<128x1xf32>
    %eq3A_456 = vector.broadcast %broadcast_in_dim3A_455 : vector<128x1xf32> to vector<128x2048xf32>
    %eq3A_457 = arith.cmpf oeq, %get3A_452, %eq3A_456 : vector<128x2048xf32>
    %jit3A_458 = arith.constant 2048 : i32
    %broadcast_in_dim3A_459 = vector.broadcast %jit3A_458 : i32 to vector<128x2048xi32>
    %select_n3A_460 = arith.select %eq3A_457, %iota3A, %broadcast_in_dim3A_459 : vector<128x2048xi1>, vector<128x2048xi32>
    %reduce_min3A_461 = arith.constant dense<2147483647> : vector<128xi32>
    %reduce_min3A_462 = vector.multi_reduction <minsi>, %select_n3A_460, %reduce_min3A_461 [1] : vector<128x2048xi32> to vector<128xi32>
    %broadcast_in_dim3A_463 = vector.shape_cast %reduce_min3A_462 : vector<128xi32> to vector<128x1xi32>
    %add3A_464 = vector.broadcast %mul3A_34 : i32 to vector<128x1xi32>
    %add3A_465 = arith.addi %broadcast_in_dim3A_463, %add3A_464 : vector<128x1xi32>
    %swap3A_466 = arith.constant 0 : index
    %swap3A_467 = arith.constant 0 : index
    %swap3A_468 = arith.constant 14 : index
    %swap3A_469 = vector.load %arg3[%swap3A_466, %swap3A_467, %swap3A_468] : memref<1x128x32xi32, #tpu.memory_space<vmem>>, vector<1x128x1xi32>
    %swap3A_470 = vector.shape_cast %swap3A_469 : vector<1x128x1xi32> to vector<128x1xi32>
    %swap3A_471 = vector.shape_cast %add3A_465 : vector<128x1xi32> to vector<1x128x1xi32>
    tpu.vector_store %arg3[%swap3A_466, %swap3A_467, %swap3A_468], %swap3A_471 {strides = array<i32>} : memref<1x128x32xi32, #tpu.memory_space<vmem>>, vector<1x128x1xi32>,
    %eq3A_472 = vector.broadcast %broadcast_in_dim3A_463 : vector<128x1xi32> to vector<128x2048xi32>
    %eq3A_473 = arith.cmpi eq, %iota3A, %eq3A_472 : vector<128x2048xi32>
    %jit3A_474 = arith.constant 1.000000e+30 : f32
    %broadcast_in_dim3A_475 = vector.broadcast %jit3A_474 : f32 to vector<128x2048xf32>
    %select_n3A_476 = arith.select %eq3A_473, %broadcast_in_dim3A_475, %get3A_452 : vector<128x2048xi1>, vector<128x2048xf32>
    %swap3A_477 = arith.constant 0 : index
    %swap3A_478 = arith.constant 0 : index
    %swap3A_479 = vector.load %arg4[%swap3A_477, %swap3A_478] : memref<128x2048xf32, #tpu.memory_space<vmem>>, vector<128x2048xf32>
    tpu.vector_store %arg4[%swap3A_477, %swap3A_478], %select_n3A_476 {strides = array<i32>} : memref<128x2048xf32, #tpu.memory_space<vmem>>, vector<128x2048xf32>,
    %get3A_480 = arith.constant 0 : index
    %get3A_481 = arith.constant 0 : index
    %get3A_482 = vector.load %arg4[%get3A_480, %get3A_481] : memref<128x2048xf32, #tpu.memory_space<vmem>>, vector<128x2048xf32>
    %reduce_min3A_483 = arith.constant dense<0x7F800000> : vector<128xf32>
    %reduce_min3A_484 = vector.multi_reduction <minimumf>, %get3A_482, %reduce_min3A_483 [1] : vector<128x2048xf32> to vector<128xf32>
    %broadcast_in_dim3A_485 = vector.shape_cast %reduce_min3A_484 : vector<128xf32> to vector<128x1xf32>
    %eq3A_486 = vector.broadcast %broadcast_in_dim3A_485 : vector<128x1xf32> to vector<128x2048xf32>
    %eq3A_487 = arith.cmpf oeq, %get3A_482, %eq3A_486 : vector<128x2048xf32>
    %jit3A_488 = arith.constant 2048 : i32
    %broadcast_in_dim3A_489 = vector.broadcast %jit3A_488 : i32 to vector<128x2048xi32>
    %select_n3A_490 = arith.select %eq3A_487, %iota3A, %broadcast_in_dim3A_489 : vector<128x2048xi1>, vector<128x2048xi32>
    %reduce_min3A_491 = arith.constant dense<2147483647> : vector<128xi32>
    %reduce_min3A_492 = vector.multi_reduction <minsi>, %select_n3A_490, %reduce_min3A_491 [1] : vector<128x2048xi32> to vector<128xi32>
    %broadcast_in_dim3A_493 = vector.shape_cast %reduce_min3A_492 : vector<128xi32> to vector<128x1xi32>
    %add3A_494 = vector.broadcast %mul3A_34 : i32 to vector<128x1xi32>
    %add3A_495 = arith.addi %broadcast_in_dim3A_493, %add3A_494 : vector<128x1xi32>
    %swap3A_496 = arith.constant 0 : index
    %swap3A_497 = arith.constant 0 : index
    %swap3A_498 = arith.constant 15 : index
    %swap3A_499 = vector.load %arg3[%swap3A_496, %swap3A_497, %swap3A_498] : memref<1x128x32xi32, #tpu.memory_space<vmem>>, vector<1x128x1xi32>
    %swap3A_500 = vector.shape_cast %swap3A_499 : vector<1x128x1xi32> to vector<128x1xi32>
    %swap3A_501 = vector.shape_cast %add3A_495 : vector<128x1xi32> to vector<1x128x1xi32>
    tpu.vector_store %arg3[%swap3A_496, %swap3A_497, %swap3A_498], %swap3A_501 {strides = array<i32>} : memref<1x128x32xi32, #tpu.memory_space<vmem>>, vector<1x128x1xi32>,
    %eq3A_502 = vector.broadcast %broadcast_in_dim3A_493 : vector<128x1xi32> to vector<128x2048xi32>
    %eq3A_503 = arith.cmpi eq, %iota3A, %eq3A_502 : vector<128x2048xi32>
    %jit3A_504 = arith.constant 1.000000e+30 : f32
    %broadcast_in_dim3A_505 = vector.broadcast %jit3A_504 : f32 to vector<128x2048xf32>
    %select_n3A_506 = arith.select %eq3A_503, %broadcast_in_dim3A_505, %get3A_482 : vector<128x2048xi1>, vector<128x2048xf32>
    %swap3A_507 = arith.constant 0 : index
    %swap3A_508 = arith.constant 0 : index
    %swap3A_509 = vector.load %arg4[%swap3A_507, %swap3A_508] : memref<128x2048xf32, #tpu.memory_space<vmem>>, vector<128x2048xf32>
    tpu.vector_store %arg4[%swap3A_507, %swap3A_508], %select_n3A_506 {strides = array<i32>} : memref<128x2048xf32, #tpu.memory_space<vmem>>, vector<128x2048xf32>,
    %get3A_510 = arith.constant 0 : index
    %get3A_511 = arith.constant 0 : index
    %get3A_512 = vector.load %arg4[%get3A_510, %get3A_511] : memref<128x2048xf32, #tpu.memory_space<vmem>>, vector<128x2048xf32>
    %reduce_min3A_513 = arith.constant dense<0x7F800000> : vector<128xf32>
    %reduce_min3A_514 = vector.multi_reduction <minimumf>, %get3A_512, %reduce_min3A_513 [1] : vector<128x2048xf32> to vector<128xf32>
    %broadcast_in_dim3A_515 = vector.shape_cast %reduce_min3A_514 : vector<128xf32> to vector<128x1xf32>
    %eq3A_516 = vector.broadcast %broadcast_in_dim3A_515 : vector<128x1xf32> to vector<128x2048xf32>
    %eq3A_517 = arith.cmpf oeq, %get3A_512, %eq3A_516 : vector<128x2048xf32>
    %jit3A_518 = arith.constant 2048 : i32
    %broadcast_in_dim3A_519 = vector.broadcast %jit3A_518 : i32 to vector<128x2048xi32>
    %select_n3A_520 = arith.select %eq3A_517, %iota3A, %broadcast_in_dim3A_519 : vector<128x2048xi1>, vector<128x2048xi32>
    %reduce_min3A_521 = arith.constant dense<2147483647> : vector<128xi32>
    %reduce_min3A_522 = vector.multi_reduction <minsi>, %select_n3A_520, %reduce_min3A_521 [1] : vector<128x2048xi32> to vector<128xi32>
    %broadcast_in_dim3A_523 = vector.shape_cast %reduce_min3A_522 : vector<128xi32> to vector<128x1xi32>
    %add3A_524 = vector.broadcast %mul3A_34 : i32 to vector<128x1xi32>
    %add3A_525 = arith.addi %broadcast_in_dim3A_523, %add3A_524 : vector<128x1xi32>
    %swap3A_526 = arith.constant 0 : index
    %swap3A_527 = arith.constant 0 : index
    %swap3A_528 = arith.constant 16 : index
    %swap3A_529 = vector.load %arg3[%swap3A_526, %swap3A_527, %swap3A_528] : memref<1x128x32xi32, #tpu.memory_space<vmem>>, vector<1x128x1xi32>
    %swap3A_530 = vector.shape_cast %swap3A_529 : vector<1x128x1xi32> to vector<128x1xi32>
    %swap3A_531 = vector.shape_cast %add3A_525 : vector<128x1xi32> to vector<1x128x1xi32>
    tpu.vector_store %arg3[%swap3A_526, %swap3A_527, %swap3A_528], %swap3A_531 {strides = array<i32>} : memref<1x128x32xi32, #tpu.memory_space<vmem>>, vector<1x128x1xi32>,
    %eq3A_532 = vector.broadcast %broadcast_in_dim3A_523 : vector<128x1xi32> to vector<128x2048xi32>
    %eq3A_533 = arith.cmpi eq, %iota3A, %eq3A_532 : vector<128x2048xi32>
    %jit3A_534 = arith.constant 1.000000e+30 : f32
    %broadcast_in_dim3A_535 = vector.broadcast %jit3A_534 : f32 to vector<128x2048xf32>
    %select_n3A_536 = arith.select %eq3A_533, %broadcast_in_dim3A_535, %get3A_512 : vector<128x2048xi1>, vector<128x2048xf32>
    %swap3A_537 = arith.constant 0 : index
    %swap3A_538 = arith.constant 0 : index
    %swap3A_539 = vector.load %arg4[%swap3A_537, %swap3A_538] : memref<128x2048xf32, #tpu.memory_space<vmem>>, vector<128x2048xf32>
    tpu.vector_store %arg4[%swap3A_537, %swap3A_538], %select_n3A_536 {strides = array<i32>} : memref<128x2048xf32, #tpu.memory_space<vmem>>, vector<128x2048xf32>,
    %get3A_540 = arith.constant 0 : index
    %get3A_541 = arith.constant 0 : index
    %get3A_542 = vector.load %arg4[%get3A_540, %get3A_541] : memref<128x2048xf32, #tpu.memory_space<vmem>>, vector<128x2048xf32>
    %reduce_min3A_543 = arith.constant dense<0x7F800000> : vector<128xf32>
    %reduce_min3A_544 = vector.multi_reduction <minimumf>, %get3A_542, %reduce_min3A_543 [1] : vector<128x2048xf32> to vector<128xf32>
    %broadcast_in_dim3A_545 = vector.shape_cast %reduce_min3A_544 : vector<128xf32> to vector<128x1xf32>
    %eq3A_546 = vector.broadcast %broadcast_in_dim3A_545 : vector<128x1xf32> to vector<128x2048xf32>
    %eq3A_547 = arith.cmpf oeq, %get3A_542, %eq3A_546 : vector<128x2048xf32>
    %jit3A_548 = arith.constant 2048 : i32
    %broadcast_in_dim3A_549 = vector.broadcast %jit3A_548 : i32 to vector<128x2048xi32>
    %select_n3A_550 = arith.select %eq3A_547, %iota3A, %broadcast_in_dim3A_549 : vector<128x2048xi1>, vector<128x2048xi32>
    %reduce_min3A_551 = arith.constant dense<2147483647> : vector<128xi32>
    %reduce_min3A_552 = vector.multi_reduction <minsi>, %select_n3A_550, %reduce_min3A_551 [1] : vector<128x2048xi32> to vector<128xi32>
    %broadcast_in_dim3A_553 = vector.shape_cast %reduce_min3A_552 : vector<128xi32> to vector<128x1xi32>
    %add3A_554 = vector.broadcast %mul3A_34 : i32 to vector<128x1xi32>
    %add3A_555 = arith.addi %broadcast_in_dim3A_553, %add3A_554 : vector<128x1xi32>
    %swap3A_556 = arith.constant 0 : index
    %swap3A_557 = arith.constant 0 : index
    %swap3A_558 = arith.constant 17 : index
    %swap3A_559 = vector.load %arg3[%swap3A_556, %swap3A_557, %swap3A_558] : memref<1x128x32xi32, #tpu.memory_space<vmem>>, vector<1x128x1xi32>
    %swap3A_560 = vector.shape_cast %swap3A_559 : vector<1x128x1xi32> to vector<128x1xi32>
    %swap3A_561 = vector.shape_cast %add3A_555 : vector<128x1xi32> to vector<1x128x1xi32>
    tpu.vector_store %arg3[%swap3A_556, %swap3A_557, %swap3A_558], %swap3A_561 {strides = array<i32>} : memref<1x128x32xi32, #tpu.memory_space<vmem>>, vector<1x128x1xi32>,
    %eq3A_562 = vector.broadcast %broadcast_in_dim3A_553 : vector<128x1xi32> to vector<128x2048xi32>
    %eq3A_563 = arith.cmpi eq, %iota3A, %eq3A_562 : vector<128x2048xi32>
    %jit3A_564 = arith.constant 1.000000e+30 : f32
    %broadcast_in_dim3A_565 = vector.broadcast %jit3A_564 : f32 to vector<128x2048xf32>
    %select_n3A_566 = arith.select %eq3A_563, %broadcast_in_dim3A_565, %get3A_542 : vector<128x2048xi1>, vector<128x2048xf32>
    %swap3A_567 = arith.constant 0 : index
    %swap3A_568 = arith.constant 0 : index
    %swap3A_569 = vector.load %arg4[%swap3A_567, %swap3A_568] : memref<128x2048xf32, #tpu.memory_space<vmem>>, vector<128x2048xf32>
    tpu.vector_store %arg4[%swap3A_567, %swap3A_568], %select_n3A_566 {strides = array<i32>} : memref<128x2048xf32, #tpu.memory_space<vmem>>, vector<128x2048xf32>,
    %get3A_570 = arith.constant 0 : index
    %get3A_571 = arith.constant 0 : index
    %get3A_572 = vector.load %arg4[%get3A_570, %get3A_571] : memref<128x2048xf32, #tpu.memory_space<vmem>>, vector<128x2048xf32>
    %reduce_min3A_573 = arith.constant dense<0x7F800000> : vector<128xf32>
    %reduce_min3A_574 = vector.multi_reduction <minimumf>, %get3A_572, %reduce_min3A_573 [1] : vector<128x2048xf32> to vector<128xf32>
    %broadcast_in_dim3A_575 = vector.shape_cast %reduce_min3A_574 : vector<128xf32> to vector<128x1xf32>
    %eq3A_576 = vector.broadcast %broadcast_in_dim3A_575 : vector<128x1xf32> to vector<128x2048xf32>
    %eq3A_577 = arith.cmpf oeq, %get3A_572, %eq3A_576 : vector<128x2048xf32>
    %jit3A_578 = arith.constant 2048 : i32
    %broadcast_in_dim3A_579 = vector.broadcast %jit3A_578 : i32 to vector<128x2048xi32>
    %select_n3A_580 = arith.select %eq3A_577, %iota3A, %broadcast_in_dim3A_579 : vector<128x2048xi1>, vector<128x2048xi32>
    %reduce_min3A_581 = arith.constant dense<2147483647> : vector<128xi32>
    %reduce_min3A_582 = vector.multi_reduction <minsi>, %select_n3A_580, %reduce_min3A_581 [1] : vector<128x2048xi32> to vector<128xi32>
    %broadcast_in_dim3A_583 = vector.shape_cast %reduce_min3A_582 : vector<128xi32> to vector<128x1xi32>
    %add3A_584 = vector.broadcast %mul3A_34 : i32 to vector<128x1xi32>
    %add3A_585 = arith.addi %broadcast_in_dim3A_583, %add3A_584 : vector<128x1xi32>
    %swap3A_586 = arith.constant 0 : index
    %swap3A_587 = arith.constant 0 : index
    %swap3A_588 = arith.constant 18 : index
    %swap3A_589 = vector.load %arg3[%swap3A_586, %swap3A_587, %swap3A_588] : memref<1x128x32xi32, #tpu.memory_space<vmem>>, vector<1x128x1xi32>
    %swap3A_590 = vector.shape_cast %swap3A_589 : vector<1x128x1xi32> to vector<128x1xi32>
    %swap3A_591 = vector.shape_cast %add3A_585 : vector<128x1xi32> to vector<1x128x1xi32>
    tpu.vector_store %arg3[%swap3A_586, %swap3A_587, %swap3A_588], %swap3A_591 {strides = array<i32>} : memref<1x128x32xi32, #tpu.memory_space<vmem>>, vector<1x128x1xi32>,
    %eq3A_592 = vector.broadcast %broadcast_in_dim3A_583 : vector<128x1xi32> to vector<128x2048xi32>
    %eq3A_593 = arith.cmpi eq, %iota3A, %eq3A_592 : vector<128x2048xi32>
    %jit3A_594 = arith.constant 1.000000e+30 : f32
    %broadcast_in_dim3A_595 = vector.broadcast %jit3A_594 : f32 to vector<128x2048xf32>
    %select_n3A_596 = arith.select %eq3A_593, %broadcast_in_dim3A_595, %get3A_572 : vector<128x2048xi1>, vector<128x2048xf32>
    %swap3A_597 = arith.constant 0 : index
    %swap3A_598 = arith.constant 0 : index
    %swap3A_599 = vector.load %arg4[%swap3A_597, %swap3A_598] : memref<128x2048xf32, #tpu.memory_space<vmem>>, vector<128x2048xf32>
    tpu.vector_store %arg4[%swap3A_597, %swap3A_598], %select_n3A_596 {strides = array<i32>} : memref<128x2048xf32, #tpu.memory_space<vmem>>, vector<128x2048xf32>,
    %get3A_600 = arith.constant 0 : index
    %get3A_601 = arith.constant 0 : index
    %get3A_602 = vector.load %arg4[%get3A_600, %get3A_601] : memref<128x2048xf32, #tpu.memory_space<vmem>>, vector<128x2048xf32>
    %reduce_min3A_603 = arith.constant dense<0x7F800000> : vector<128xf32>
    %reduce_min3A_604 = vector.multi_reduction <minimumf>, %get3A_602, %reduce_min3A_603 [1] : vector<128x2048xf32> to vector<128xf32>
    %broadcast_in_dim3A_605 = vector.shape_cast %reduce_min3A_604 : vector<128xf32> to vector<128x1xf32>
    %eq3A_606 = vector.broadcast %broadcast_in_dim3A_605 : vector<128x1xf32> to vector<128x2048xf32>
    %eq3A_607 = arith.cmpf oeq, %get3A_602, %eq3A_606 : vector<128x2048xf32>
    %jit3A_608 = arith.constant 2048 : i32
    %broadcast_in_dim3A_609 = vector.broadcast %jit3A_608 : i32 to vector<128x2048xi32>
    %select_n3A_610 = arith.select %eq3A_607, %iota3A, %broadcast_in_dim3A_609 : vector<128x2048xi1>, vector<128x2048xi32>
    %reduce_min3A_611 = arith.constant dense<2147483647> : vector<128xi32>
    %reduce_min3A_612 = vector.multi_reduction <minsi>, %select_n3A_610, %reduce_min3A_611 [1] : vector<128x2048xi32> to vector<128xi32>
    %broadcast_in_dim3A_613 = vector.shape_cast %reduce_min3A_612 : vector<128xi32> to vector<128x1xi32>
    %add3A_614 = vector.broadcast %mul3A_34 : i32 to vector<128x1xi32>
    %add3A_615 = arith.addi %broadcast_in_dim3A_613, %add3A_614 : vector<128x1xi32>
    %swap3A_616 = arith.constant 0 : index
    %swap3A_617 = arith.constant 0 : index
    %swap3A_618 = arith.constant 19 : index
    %swap3A_619 = vector.load %arg3[%swap3A_616, %swap3A_617, %swap3A_618] : memref<1x128x32xi32, #tpu.memory_space<vmem>>, vector<1x128x1xi32>
    %swap3A_620 = vector.shape_cast %swap3A_619 : vector<1x128x1xi32> to vector<128x1xi32>
    %swap3A_621 = vector.shape_cast %add3A_615 : vector<128x1xi32> to vector<1x128x1xi32>
    tpu.vector_store %arg3[%swap3A_616, %swap3A_617, %swap3A_618], %swap3A_621 {strides = array<i32>} : memref<1x128x32xi32, #tpu.memory_space<vmem>>, vector<1x128x1xi32>,
    %eq3A_622 = vector.broadcast %broadcast_in_dim3A_613 : vector<128x1xi32> to vector<128x2048xi32>
    %eq3A_623 = arith.cmpi eq, %iota3A, %eq3A_622 : vector<128x2048xi32>
    %jit3A_624 = arith.constant 1.000000e+30 : f32
    %broadcast_in_dim3A_625 = vector.broadcast %jit3A_624 : f32 to vector<128x2048xf32>
    %select_n3A_626 = arith.select %eq3A_623, %broadcast_in_dim3A_625, %get3A_602 : vector<128x2048xi1>, vector<128x2048xf32>
    %swap3A_627 = arith.constant 0 : index
    %swap3A_628 = arith.constant 0 : index
    %swap3A_629 = vector.load %arg4[%swap3A_627, %swap3A_628] : memref<128x2048xf32, #tpu.memory_space<vmem>>, vector<128x2048xf32>
    tpu.vector_store %arg4[%swap3A_627, %swap3A_628], %select_n3A_626 {strides = array<i32>} : memref<128x2048xf32, #tpu.memory_space<vmem>>, vector<128x2048xf32>,
    %get3A_630 = arith.constant 0 : index
    %get3A_631 = arith.constant 0 : index
    %get3A_632 = vector.load %arg4[%get3A_630, %get3A_631] : memref<128x2048xf32, #tpu.memory_space<vmem>>, vector<128x2048xf32>
    %reduce_min3A_633 = arith.constant dense<0x7F800000> : vector<128xf32>
    %reduce_min3A_634 = vector.multi_reduction <minimumf>, %get3A_632, %reduce_min3A_633 [1] : vector<128x2048xf32> to vector<128xf32>
    %broadcast_in_dim3A_635 = vector.shape_cast %reduce_min3A_634 : vector<128xf32> to vector<128x1xf32>
    %eq3A_636 = vector.broadcast %broadcast_in_dim3A_635 : vector<128x1xf32> to vector<128x2048xf32>
    %eq3A_637 = arith.cmpf oeq, %get3A_632, %eq3A_636 : vector<128x2048xf32>
    %jit3A_638 = arith.constant 2048 : i32
    %broadcast_in_dim3A_639 = vector.broadcast %jit3A_638 : i32 to vector<128x2048xi32>
    %select_n3A_640 = arith.select %eq3A_637, %iota3A, %broadcast_in_dim3A_639 : vector<128x2048xi1>, vector<128x2048xi32>
    %reduce_min3A_641 = arith.constant dense<2147483647> : vector<128xi32>
    %reduce_min3A_642 = vector.multi_reduction <minsi>, %select_n3A_640, %reduce_min3A_641 [1] : vector<128x2048xi32> to vector<128xi32>
    %broadcast_in_dim3A_643 = vector.shape_cast %reduce_min3A_642 : vector<128xi32> to vector<128x1xi32>
    %add3A_644 = vector.broadcast %mul3A_34 : i32 to vector<128x1xi32>
    %add3A_645 = arith.addi %broadcast_in_dim3A_643, %add3A_644 : vector<128x1xi32>
    %swap3A_646 = arith.constant 0 : index
    %swap3A_647 = arith.constant 0 : index
    %swap3A_648 = arith.constant 20 : index
    %swap3A_649 = vector.load %arg3[%swap3A_646, %swap3A_647, %swap3A_648] : memref<1x128x32xi32, #tpu.memory_space<vmem>>, vector<1x128x1xi32>
    %swap3A_650 = vector.shape_cast %swap3A_649 : vector<1x128x1xi32> to vector<128x1xi32>
    %swap3A_651 = vector.shape_cast %add3A_645 : vector<128x1xi32> to vector<1x128x1xi32>
    tpu.vector_store %arg3[%swap3A_646, %swap3A_647, %swap3A_648], %swap3A_651 {strides = array<i32>} : memref<1x128x32xi32, #tpu.memory_space<vmem>>, vector<1x128x1xi32>,
    %eq3A_652 = vector.broadcast %broadcast_in_dim3A_643 : vector<128x1xi32> to vector<128x2048xi32>
    %eq3A_653 = arith.cmpi eq, %iota3A, %eq3A_652 : vector<128x2048xi32>
    %jit3A_654 = arith.constant 1.000000e+30 : f32
    %broadcast_in_dim3A_655 = vector.broadcast %jit3A_654 : f32 to vector<128x2048xf32>
    %select_n3A_656 = arith.select %eq3A_653, %broadcast_in_dim3A_655, %get3A_632 : vector<128x2048xi1>, vector<128x2048xf32>
    %swap3A_657 = arith.constant 0 : index
    %swap3A_658 = arith.constant 0 : index
    %swap3A_659 = vector.load %arg4[%swap3A_657, %swap3A_658] : memref<128x2048xf32, #tpu.memory_space<vmem>>, vector<128x2048xf32>
    tpu.vector_store %arg4[%swap3A_657, %swap3A_658], %select_n3A_656 {strides = array<i32>} : memref<128x2048xf32, #tpu.memory_space<vmem>>, vector<128x2048xf32>,
    %get3A_660 = arith.constant 0 : index
    %get3A_661 = arith.constant 0 : index
    %get3A_662 = vector.load %arg4[%get3A_660, %get3A_661] : memref<128x2048xf32, #tpu.memory_space<vmem>>, vector<128x2048xf32>
    %reduce_min3A_663 = arith.constant dense<0x7F800000> : vector<128xf32>
    %reduce_min3A_664 = vector.multi_reduction <minimumf>, %get3A_662, %reduce_min3A_663 [1] : vector<128x2048xf32> to vector<128xf32>
    %broadcast_in_dim3A_665 = vector.shape_cast %reduce_min3A_664 : vector<128xf32> to vector<128x1xf32>
    %eq3A_666 = vector.broadcast %broadcast_in_dim3A_665 : vector<128x1xf32> to vector<128x2048xf32>
    %eq3A_667 = arith.cmpf oeq, %get3A_662, %eq3A_666 : vector<128x2048xf32>
    %jit3A_668 = arith.constant 2048 : i32
    %broadcast_in_dim3A_669 = vector.broadcast %jit3A_668 : i32 to vector<128x2048xi32>
    %select_n3A_670 = arith.select %eq3A_667, %iota3A, %broadcast_in_dim3A_669 : vector<128x2048xi1>, vector<128x2048xi32>
    %reduce_min3A_671 = arith.constant dense<2147483647> : vector<128xi32>
    %reduce_min3A_672 = vector.multi_reduction <minsi>, %select_n3A_670, %reduce_min3A_671 [1] : vector<128x2048xi32> to vector<128xi32>
    %broadcast_in_dim3A_673 = vector.shape_cast %reduce_min3A_672 : vector<128xi32> to vector<128x1xi32>
    %add3A_674 = vector.broadcast %mul3A_34 : i32 to vector<128x1xi32>
    %add3A_675 = arith.addi %broadcast_in_dim3A_673, %add3A_674 : vector<128x1xi32>
    %swap3A_676 = arith.constant 0 : index
    %swap3A_677 = arith.constant 0 : index
    %swap3A_678 = arith.constant 21 : index
    %swap3A_679 = vector.load %arg3[%swap3A_676, %swap3A_677, %swap3A_678] : memref<1x128x32xi32, #tpu.memory_space<vmem>>, vector<1x128x1xi32>
    %swap3A_680 = vector.shape_cast %swap3A_679 : vector<1x128x1xi32> to vector<128x1xi32>
    %swap3A_681 = vector.shape_cast %add3A_675 : vector<128x1xi32> to vector<1x128x1xi32>
    tpu.vector_store %arg3[%swap3A_676, %swap3A_677, %swap3A_678], %swap3A_681 {strides = array<i32>} : memref<1x128x32xi32, #tpu.memory_space<vmem>>, vector<1x128x1xi32>,
    %eq3A_682 = vector.broadcast %broadcast_in_dim3A_673 : vector<128x1xi32> to vector<128x2048xi32>
    %eq3A_683 = arith.cmpi eq, %iota3A, %eq3A_682 : vector<128x2048xi32>
    %jit3A_684 = arith.constant 1.000000e+30 : f32
    %broadcast_in_dim3A_685 = vector.broadcast %jit3A_684 : f32 to vector<128x2048xf32>
    %select_n3A_686 = arith.select %eq3A_683, %broadcast_in_dim3A_685, %get3A_662 : vector<128x2048xi1>, vector<128x2048xf32>
    %swap3A_687 = arith.constant 0 : index
    %swap3A_688 = arith.constant 0 : index
    %swap3A_689 = vector.load %arg4[%swap3A_687, %swap3A_688] : memref<128x2048xf32, #tpu.memory_space<vmem>>, vector<128x2048xf32>
    tpu.vector_store %arg4[%swap3A_687, %swap3A_688], %select_n3A_686 {strides = array<i32>} : memref<128x2048xf32, #tpu.memory_space<vmem>>, vector<128x2048xf32>,
    %get3A_690 = arith.constant 0 : index
    %get3A_691 = arith.constant 0 : index
    %get3A_692 = vector.load %arg4[%get3A_690, %get3A_691] : memref<128x2048xf32, #tpu.memory_space<vmem>>, vector<128x2048xf32>
    %reduce_min3A_693 = arith.constant dense<0x7F800000> : vector<128xf32>
    %reduce_min3A_694 = vector.multi_reduction <minimumf>, %get3A_692, %reduce_min3A_693 [1] : vector<128x2048xf32> to vector<128xf32>
    %broadcast_in_dim3A_695 = vector.shape_cast %reduce_min3A_694 : vector<128xf32> to vector<128x1xf32>
    %eq3A_696 = vector.broadcast %broadcast_in_dim3A_695 : vector<128x1xf32> to vector<128x2048xf32>
    %eq3A_697 = arith.cmpf oeq, %get3A_692, %eq3A_696 : vector<128x2048xf32>
    %jit3A_698 = arith.constant 2048 : i32
    %broadcast_in_dim3A_699 = vector.broadcast %jit3A_698 : i32 to vector<128x2048xi32>
    %select_n3A_700 = arith.select %eq3A_697, %iota3A, %broadcast_in_dim3A_699 : vector<128x2048xi1>, vector<128x2048xi32>
    %reduce_min3A_701 = arith.constant dense<2147483647> : vector<128xi32>
    %reduce_min3A_702 = vector.multi_reduction <minsi>, %select_n3A_700, %reduce_min3A_701 [1] : vector<128x2048xi32> to vector<128xi32>
    %broadcast_in_dim3A_703 = vector.shape_cast %reduce_min3A_702 : vector<128xi32> to vector<128x1xi32>
    %add3A_704 = vector.broadcast %mul3A_34 : i32 to vector<128x1xi32>
    %add3A_705 = arith.addi %broadcast_in_dim3A_703, %add3A_704 : vector<128x1xi32>
    %swap3A_706 = arith.constant 0 : index
    %swap3A_707 = arith.constant 0 : index
    %swap3A_708 = arith.constant 22 : index
    %swap3A_709 = vector.load %arg3[%swap3A_706, %swap3A_707, %swap3A_708] : memref<1x128x32xi32, #tpu.memory_space<vmem>>, vector<1x128x1xi32>
    %swap3A_710 = vector.shape_cast %swap3A_709 : vector<1x128x1xi32> to vector<128x1xi32>
    %swap3A_711 = vector.shape_cast %add3A_705 : vector<128x1xi32> to vector<1x128x1xi32>
    tpu.vector_store %arg3[%swap3A_706, %swap3A_707, %swap3A_708], %swap3A_711 {strides = array<i32>} : memref<1x128x32xi32, #tpu.memory_space<vmem>>, vector<1x128x1xi32>,
    %eq3A_712 = vector.broadcast %broadcast_in_dim3A_703 : vector<128x1xi32> to vector<128x2048xi32>
    %eq3A_713 = arith.cmpi eq, %iota3A, %eq3A_712 : vector<128x2048xi32>
    %jit3A_714 = arith.constant 1.000000e+30 : f32
    %broadcast_in_dim3A_715 = vector.broadcast %jit3A_714 : f32 to vector<128x2048xf32>
    %select_n3A_716 = arith.select %eq3A_713, %broadcast_in_dim3A_715, %get3A_692 : vector<128x2048xi1>, vector<128x2048xf32>
    %swap3A_717 = arith.constant 0 : index
    %swap3A_718 = arith.constant 0 : index
    %swap3A_719 = vector.load %arg4[%swap3A_717, %swap3A_718] : memref<128x2048xf32, #tpu.memory_space<vmem>>, vector<128x2048xf32>
    tpu.vector_store %arg4[%swap3A_717, %swap3A_718], %select_n3A_716 {strides = array<i32>} : memref<128x2048xf32, #tpu.memory_space<vmem>>, vector<128x2048xf32>,
    %get3A_720 = arith.constant 0 : index
    %get3A_721 = arith.constant 0 : index
    %get3A_722 = vector.load %arg4[%get3A_720, %get3A_721] : memref<128x2048xf32, #tpu.memory_space<vmem>>, vector<128x2048xf32>
    %reduce_min3A_723 = arith.constant dense<0x7F800000> : vector<128xf32>
    %reduce_min3A_724 = vector.multi_reduction <minimumf>, %get3A_722, %reduce_min3A_723 [1] : vector<128x2048xf32> to vector<128xf32>
    %broadcast_in_dim3A_725 = vector.shape_cast %reduce_min3A_724 : vector<128xf32> to vector<128x1xf32>
    %eq3A_726 = vector.broadcast %broadcast_in_dim3A_725 : vector<128x1xf32> to vector<128x2048xf32>
    %eq3A_727 = arith.cmpf oeq, %get3A_722, %eq3A_726 : vector<128x2048xf32>
    %jit3A_728 = arith.constant 2048 : i32
    %broadcast_in_dim3A_729 = vector.broadcast %jit3A_728 : i32 to vector<128x2048xi32>
    %select_n3A_730 = arith.select %eq3A_727, %iota3A, %broadcast_in_dim3A_729 : vector<128x2048xi1>, vector<128x2048xi32>
    %reduce_min3A_731 = arith.constant dense<2147483647> : vector<128xi32>
    %reduce_min3A_732 = vector.multi_reduction <minsi>, %select_n3A_730, %reduce_min3A_731 [1] : vector<128x2048xi32> to vector<128xi32>
    %broadcast_in_dim3A_733 = vector.shape_cast %reduce_min3A_732 : vector<128xi32> to vector<128x1xi32>
    %add3A_734 = vector.broadcast %mul3A_34 : i32 to vector<128x1xi32>
    %add3A_735 = arith.addi %broadcast_in_dim3A_733, %add3A_734 : vector<128x1xi32>
    %swap3A_736 = arith.constant 0 : index
    %swap3A_737 = arith.constant 0 : index
    %swap3A_738 = arith.constant 23 : index
    %swap3A_739 = vector.load %arg3[%swap3A_736, %swap3A_737, %swap3A_738] : memref<1x128x32xi32, #tpu.memory_space<vmem>>, vector<1x128x1xi32>
    %swap3A_740 = vector.shape_cast %swap3A_739 : vector<1x128x1xi32> to vector<128x1xi32>
    %swap3A_741 = vector.shape_cast %add3A_735 : vector<128x1xi32> to vector<1x128x1xi32>
    tpu.vector_store %arg3[%swap3A_736, %swap3A_737, %swap3A_738], %swap3A_741 {strides = array<i32>} : memref<1x128x32xi32, #tpu.memory_space<vmem>>, vector<1x128x1xi32>,
    %eq3A_742 = vector.broadcast %broadcast_in_dim3A_733 : vector<128x1xi32> to vector<128x2048xi32>
    %eq3A_743 = arith.cmpi eq, %iota3A, %eq3A_742 : vector<128x2048xi32>
    %jit3A_744 = arith.constant 1.000000e+30 : f32
    %broadcast_in_dim3A_745 = vector.broadcast %jit3A_744 : f32 to vector<128x2048xf32>
    %select_n3A_746 = arith.select %eq3A_743, %broadcast_in_dim3A_745, %get3A_722 : vector<128x2048xi1>, vector<128x2048xf32>
    %swap3A_747 = arith.constant 0 : index
    %swap3A_748 = arith.constant 0 : index
    %swap3A_749 = vector.load %arg4[%swap3A_747, %swap3A_748] : memref<128x2048xf32, #tpu.memory_space<vmem>>, vector<128x2048xf32>
    tpu.vector_store %arg4[%swap3A_747, %swap3A_748], %select_n3A_746 {strides = array<i32>} : memref<128x2048xf32, #tpu.memory_space<vmem>>, vector<128x2048xf32>,
    %get3A_750 = arith.constant 0 : index
    %get3A_751 = arith.constant 0 : index
    %get3A_752 = vector.load %arg4[%get3A_750, %get3A_751] : memref<128x2048xf32, #tpu.memory_space<vmem>>, vector<128x2048xf32>
    %reduce_min3A_753 = arith.constant dense<0x7F800000> : vector<128xf32>
    %reduce_min3A_754 = vector.multi_reduction <minimumf>, %get3A_752, %reduce_min3A_753 [1] : vector<128x2048xf32> to vector<128xf32>
    %broadcast_in_dim3A_755 = vector.shape_cast %reduce_min3A_754 : vector<128xf32> to vector<128x1xf32>
    %eq3A_756 = vector.broadcast %broadcast_in_dim3A_755 : vector<128x1xf32> to vector<128x2048xf32>
    %eq3A_757 = arith.cmpf oeq, %get3A_752, %eq3A_756 : vector<128x2048xf32>
    %jit3A_758 = arith.constant 2048 : i32
    %broadcast_in_dim3A_759 = vector.broadcast %jit3A_758 : i32 to vector<128x2048xi32>
    %select_n3A_760 = arith.select %eq3A_757, %iota3A, %broadcast_in_dim3A_759 : vector<128x2048xi1>, vector<128x2048xi32>
    %reduce_min3A_761 = arith.constant dense<2147483647> : vector<128xi32>
    %reduce_min3A_762 = vector.multi_reduction <minsi>, %select_n3A_760, %reduce_min3A_761 [1] : vector<128x2048xi32> to vector<128xi32>
    %broadcast_in_dim3A_763 = vector.shape_cast %reduce_min3A_762 : vector<128xi32> to vector<128x1xi32>
    %add3A_764 = vector.broadcast %mul3A_34 : i32 to vector<128x1xi32>
    %add3A_765 = arith.addi %broadcast_in_dim3A_763, %add3A_764 : vector<128x1xi32>
    %swap3A_766 = arith.constant 0 : index
    %swap3A_767 = arith.constant 0 : index
    %swap3A_768 = arith.constant 24 : index
    %swap3A_769 = vector.load %arg3[%swap3A_766, %swap3A_767, %swap3A_768] : memref<1x128x32xi32, #tpu.memory_space<vmem>>, vector<1x128x1xi32>
    %swap3A_770 = vector.shape_cast %swap3A_769 : vector<1x128x1xi32> to vector<128x1xi32>
    %swap3A_771 = vector.shape_cast %add3A_765 : vector<128x1xi32> to vector<1x128x1xi32>
    tpu.vector_store %arg3[%swap3A_766, %swap3A_767, %swap3A_768], %swap3A_771 {strides = array<i32>} : memref<1x128x32xi32, #tpu.memory_space<vmem>>, vector<1x128x1xi32>,
    %eq3A_772 = vector.broadcast %broadcast_in_dim3A_763 : vector<128x1xi32> to vector<128x2048xi32>
    %eq3A_773 = arith.cmpi eq, %iota3A, %eq3A_772 : vector<128x2048xi32>
    %jit3A_774 = arith.constant 1.000000e+30 : f32
    %broadcast_in_dim3A_775 = vector.broadcast %jit3A_774 : f32 to vector<128x2048xf32>
    %select_n3A_776 = arith.select %eq3A_773, %broadcast_in_dim3A_775, %get3A_752 : vector<128x2048xi1>, vector<128x2048xf32>
    %swap3A_777 = arith.constant 0 : index
    %swap3A_778 = arith.constant 0 : index
    %swap3A_779 = vector.load %arg4[%swap3A_777, %swap3A_778] : memref<128x2048xf32, #tpu.memory_space<vmem>>, vector<128x2048xf32>
    tpu.vector_store %arg4[%swap3A_777, %swap3A_778], %select_n3A_776 {strides = array<i32>} : memref<128x2048xf32, #tpu.memory_space<vmem>>, vector<128x2048xf32>,
    %get3A_780 = arith.constant 0 : index
    %get3A_781 = arith.constant 0 : index
    %get3A_782 = vector.load %arg4[%get3A_780, %get3A_781] : memref<128x2048xf32, #tpu.memory_space<vmem>>, vector<128x2048xf32>
    %reduce_min3A_783 = arith.constant dense<0x7F800000> : vector<128xf32>
    %reduce_min3A_784 = vector.multi_reduction <minimumf>, %get3A_782, %reduce_min3A_783 [1] : vector<128x2048xf32> to vector<128xf32>
    %broadcast_in_dim3A_785 = vector.shape_cast %reduce_min3A_784 : vector<128xf32> to vector<128x1xf32>
    %eq3A_786 = vector.broadcast %broadcast_in_dim3A_785 : vector<128x1xf32> to vector<128x2048xf32>
    %eq3A_787 = arith.cmpf oeq, %get3A_782, %eq3A_786 : vector<128x2048xf32>
    %jit3A_788 = arith.constant 2048 : i32
    %broadcast_in_dim3A_789 = vector.broadcast %jit3A_788 : i32 to vector<128x2048xi32>
    %select_n3A_790 = arith.select %eq3A_787, %iota3A, %broadcast_in_dim3A_789 : vector<128x2048xi1>, vector<128x2048xi32>
    %reduce_min3A_791 = arith.constant dense<2147483647> : vector<128xi32>
    %reduce_min3A_792 = vector.multi_reduction <minsi>, %select_n3A_790, %reduce_min3A_791 [1] : vector<128x2048xi32> to vector<128xi32>
    %broadcast_in_dim3A_793 = vector.shape_cast %reduce_min3A_792 : vector<128xi32> to vector<128x1xi32>
    %add3A_794 = vector.broadcast %mul3A_34 : i32 to vector<128x1xi32>
    %add3A_795 = arith.addi %broadcast_in_dim3A_793, %add3A_794 : vector<128x1xi32>
    %swap3A_796 = arith.constant 0 : index
    %swap3A_797 = arith.constant 0 : index
    %swap3A_798 = arith.constant 25 : index
    %swap3A_799 = vector.load %arg3[%swap3A_796, %swap3A_797, %swap3A_798] : memref<1x128x32xi32, #tpu.memory_space<vmem>>, vector<1x128x1xi32>
    %swap3A_800 = vector.shape_cast %swap3A_799 : vector<1x128x1xi32> to vector<128x1xi32>
    %swap3A_801 = vector.shape_cast %add3A_795 : vector<128x1xi32> to vector<1x128x1xi32>
    tpu.vector_store %arg3[%swap3A_796, %swap3A_797, %swap3A_798], %swap3A_801 {strides = array<i32>} : memref<1x128x32xi32, #tpu.memory_space<vmem>>, vector<1x128x1xi32>,
    %eq3A_802 = vector.broadcast %broadcast_in_dim3A_793 : vector<128x1xi32> to vector<128x2048xi32>
    %eq3A_803 = arith.cmpi eq, %iota3A, %eq3A_802 : vector<128x2048xi32>
    %jit3A_804 = arith.constant 1.000000e+30 : f32
    %broadcast_in_dim3A_805 = vector.broadcast %jit3A_804 : f32 to vector<128x2048xf32>
    %select_n3A_806 = arith.select %eq3A_803, %broadcast_in_dim3A_805, %get3A_782 : vector<128x2048xi1>, vector<128x2048xf32>
    %swap3A_807 = arith.constant 0 : index
    %swap3A_808 = arith.constant 0 : index
    %swap3A_809 = vector.load %arg4[%swap3A_807, %swap3A_808] : memref<128x2048xf32, #tpu.memory_space<vmem>>, vector<128x2048xf32>
    tpu.vector_store %arg4[%swap3A_807, %swap3A_808], %select_n3A_806 {strides = array<i32>} : memref<128x2048xf32, #tpu.memory_space<vmem>>, vector<128x2048xf32>,
    %get3A_810 = arith.constant 0 : index
    %get3A_811 = arith.constant 0 : index
    %get3A_812 = vector.load %arg4[%get3A_810, %get3A_811] : memref<128x2048xf32, #tpu.memory_space<vmem>>, vector<128x2048xf32>
    %reduce_min3A_813 = arith.constant dense<0x7F800000> : vector<128xf32>
    %reduce_min3A_814 = vector.multi_reduction <minimumf>, %get3A_812, %reduce_min3A_813 [1] : vector<128x2048xf32> to vector<128xf32>
    %broadcast_in_dim3A_815 = vector.shape_cast %reduce_min3A_814 : vector<128xf32> to vector<128x1xf32>
    %eq3A_816 = vector.broadcast %broadcast_in_dim3A_815 : vector<128x1xf32> to vector<128x2048xf32>
    %eq3A_817 = arith.cmpf oeq, %get3A_812, %eq3A_816 : vector<128x2048xf32>
    %jit3A_818 = arith.constant 2048 : i32
    %broadcast_in_dim3A_819 = vector.broadcast %jit3A_818 : i32 to vector<128x2048xi32>
    %select_n3A_820 = arith.select %eq3A_817, %iota3A, %broadcast_in_dim3A_819 : vector<128x2048xi1>, vector<128x2048xi32>
    %reduce_min3A_821 = arith.constant dense<2147483647> : vector<128xi32>
    %reduce_min3A_822 = vector.multi_reduction <minsi>, %select_n3A_820, %reduce_min3A_821 [1] : vector<128x2048xi32> to vector<128xi32>
    %broadcast_in_dim3A_823 = vector.shape_cast %reduce_min3A_822 : vector<128xi32> to vector<128x1xi32>
    %add3A_824 = vector.broadcast %mul3A_34 : i32 to vector<128x1xi32>
    %add3A_825 = arith.addi %broadcast_in_dim3A_823, %add3A_824 : vector<128x1xi32>
    %swap3A_826 = arith.constant 0 : index
    %swap3A_827 = arith.constant 0 : index
    %swap3A_828 = arith.constant 26 : index
    %swap3A_829 = vector.load %arg3[%swap3A_826, %swap3A_827, %swap3A_828] : memref<1x128x32xi32, #tpu.memory_space<vmem>>, vector<1x128x1xi32>
    %swap3A_830 = vector.shape_cast %swap3A_829 : vector<1x128x1xi32> to vector<128x1xi32>
    %swap3A_831 = vector.shape_cast %add3A_825 : vector<128x1xi32> to vector<1x128x1xi32>
    tpu.vector_store %arg3[%swap3A_826, %swap3A_827, %swap3A_828], %swap3A_831 {strides = array<i32>} : memref<1x128x32xi32, #tpu.memory_space<vmem>>, vector<1x128x1xi32>,
    %eq3A_832 = vector.broadcast %broadcast_in_dim3A_823 : vector<128x1xi32> to vector<128x2048xi32>
    %eq3A_833 = arith.cmpi eq, %iota3A, %eq3A_832 : vector<128x2048xi32>
    %jit3A_834 = arith.constant 1.000000e+30 : f32
    %broadcast_in_dim3A_835 = vector.broadcast %jit3A_834 : f32 to vector<128x2048xf32>
    %select_n3A_836 = arith.select %eq3A_833, %broadcast_in_dim3A_835, %get3A_812 : vector<128x2048xi1>, vector<128x2048xf32>
    %swap3A_837 = arith.constant 0 : index
    %swap3A_838 = arith.constant 0 : index
    %swap3A_839 = vector.load %arg4[%swap3A_837, %swap3A_838] : memref<128x2048xf32, #tpu.memory_space<vmem>>, vector<128x2048xf32>
    tpu.vector_store %arg4[%swap3A_837, %swap3A_838], %select_n3A_836 {strides = array<i32>} : memref<128x2048xf32, #tpu.memory_space<vmem>>, vector<128x2048xf32>,
    %get3A_840 = arith.constant 0 : index
    %get3A_841 = arith.constant 0 : index
    %get3A_842 = vector.load %arg4[%get3A_840, %get3A_841] : memref<128x2048xf32, #tpu.memory_space<vmem>>, vector<128x2048xf32>
    %reduce_min3A_843 = arith.constant dense<0x7F800000> : vector<128xf32>
    %reduce_min3A_844 = vector.multi_reduction <minimumf>, %get3A_842, %reduce_min3A_843 [1] : vector<128x2048xf32> to vector<128xf32>
    %broadcast_in_dim3A_845 = vector.shape_cast %reduce_min3A_844 : vector<128xf32> to vector<128x1xf32>
    %eq3A_846 = vector.broadcast %broadcast_in_dim3A_845 : vector<128x1xf32> to vector<128x2048xf32>
    %eq3A_847 = arith.cmpf oeq, %get3A_842, %eq3A_846 : vector<128x2048xf32>
    %jit3A_848 = arith.constant 2048 : i32
    %broadcast_in_dim3A_849 = vector.broadcast %jit3A_848 : i32 to vector<128x2048xi32>
    %select_n3A_850 = arith.select %eq3A_847, %iota3A, %broadcast_in_dim3A_849 : vector<128x2048xi1>, vector<128x2048xi32>
    %reduce_min3A_851 = arith.constant dense<2147483647> : vector<128xi32>
    %reduce_min3A_852 = vector.multi_reduction <minsi>, %select_n3A_850, %reduce_min3A_851 [1] : vector<128x2048xi32> to vector<128xi32>
    %broadcast_in_dim3A_853 = vector.shape_cast %reduce_min3A_852 : vector<128xi32> to vector<128x1xi32>
    %add3A_854 = vector.broadcast %mul3A_34 : i32 to vector<128x1xi32>
    %add3A_855 = arith.addi %broadcast_in_dim3A_853, %add3A_854 : vector<128x1xi32>
    %swap3A_856 = arith.constant 0 : index
    %swap3A_857 = arith.constant 0 : index
    %swap3A_858 = arith.constant 27 : index
    %swap3A_859 = vector.load %arg3[%swap3A_856, %swap3A_857, %swap3A_858] : memref<1x128x32xi32, #tpu.memory_space<vmem>>, vector<1x128x1xi32>
    %swap3A_860 = vector.shape_cast %swap3A_859 : vector<1x128x1xi32> to vector<128x1xi32>
    %swap3A_861 = vector.shape_cast %add3A_855 : vector<128x1xi32> to vector<1x128x1xi32>
    tpu.vector_store %arg3[%swap3A_856, %swap3A_857, %swap3A_858], %swap3A_861 {strides = array<i32>} : memref<1x128x32xi32, #tpu.memory_space<vmem>>, vector<1x128x1xi32>,
    %eq3A_862 = vector.broadcast %broadcast_in_dim3A_853 : vector<128x1xi32> to vector<128x2048xi32>
    %eq3A_863 = arith.cmpi eq, %iota3A, %eq3A_862 : vector<128x2048xi32>
    %jit3A_864 = arith.constant 1.000000e+30 : f32
    %broadcast_in_dim3A_865 = vector.broadcast %jit3A_864 : f32 to vector<128x2048xf32>
    %select_n3A_866 = arith.select %eq3A_863, %broadcast_in_dim3A_865, %get3A_842 : vector<128x2048xi1>, vector<128x2048xf32>
    %swap3A_867 = arith.constant 0 : index
    %swap3A_868 = arith.constant 0 : index
    %swap3A_869 = vector.load %arg4[%swap3A_867, %swap3A_868] : memref<128x2048xf32, #tpu.memory_space<vmem>>, vector<128x2048xf32>
    tpu.vector_store %arg4[%swap3A_867, %swap3A_868], %select_n3A_866 {strides = array<i32>} : memref<128x2048xf32, #tpu.memory_space<vmem>>, vector<128x2048xf32>,
    %get3A_870 = arith.constant 0 : index
    %get3A_871 = arith.constant 0 : index
    %get3A_872 = vector.load %arg4[%get3A_870, %get3A_871] : memref<128x2048xf32, #tpu.memory_space<vmem>>, vector<128x2048xf32>
    %reduce_min3A_873 = arith.constant dense<0x7F800000> : vector<128xf32>
    %reduce_min3A_874 = vector.multi_reduction <minimumf>, %get3A_872, %reduce_min3A_873 [1] : vector<128x2048xf32> to vector<128xf32>
    %broadcast_in_dim3A_875 = vector.shape_cast %reduce_min3A_874 : vector<128xf32> to vector<128x1xf32>
    %eq3A_876 = vector.broadcast %broadcast_in_dim3A_875 : vector<128x1xf32> to vector<128x2048xf32>
    %eq3A_877 = arith.cmpf oeq, %get3A_872, %eq3A_876 : vector<128x2048xf32>
    %jit3A_878 = arith.constant 2048 : i32
    %broadcast_in_dim3A_879 = vector.broadcast %jit3A_878 : i32 to vector<128x2048xi32>
    %select_n3A_880 = arith.select %eq3A_877, %iota3A, %broadcast_in_dim3A_879 : vector<128x2048xi1>, vector<128x2048xi32>
    %reduce_min3A_881 = arith.constant dense<2147483647> : vector<128xi32>
    %reduce_min3A_882 = vector.multi_reduction <minsi>, %select_n3A_880, %reduce_min3A_881 [1] : vector<128x2048xi32> to vector<128xi32>
    %broadcast_in_dim3A_883 = vector.shape_cast %reduce_min3A_882 : vector<128xi32> to vector<128x1xi32>
    %add3A_884 = vector.broadcast %mul3A_34 : i32 to vector<128x1xi32>
    %add3A_885 = arith.addi %broadcast_in_dim3A_883, %add3A_884 : vector<128x1xi32>
    %swap3A_886 = arith.constant 0 : index
    %swap3A_887 = arith.constant 0 : index
    %swap3A_888 = arith.constant 28 : index
    %swap3A_889 = vector.load %arg3[%swap3A_886, %swap3A_887, %swap3A_888] : memref<1x128x32xi32, #tpu.memory_space<vmem>>, vector<1x128x1xi32>
    %swap3A_890 = vector.shape_cast %swap3A_889 : vector<1x128x1xi32> to vector<128x1xi32>
    %swap3A_891 = vector.shape_cast %add3A_885 : vector<128x1xi32> to vector<1x128x1xi32>
    tpu.vector_store %arg3[%swap3A_886, %swap3A_887, %swap3A_888], %swap3A_891 {strides = array<i32>} : memref<1x128x32xi32, #tpu.memory_space<vmem>>, vector<1x128x1xi32>,
    %eq3A_892 = vector.broadcast %broadcast_in_dim3A_883 : vector<128x1xi32> to vector<128x2048xi32>
    %eq3A_893 = arith.cmpi eq, %iota3A, %eq3A_892 : vector<128x2048xi32>
    %jit3A_894 = arith.constant 1.000000e+30 : f32
    %broadcast_in_dim3A_895 = vector.broadcast %jit3A_894 : f32 to vector<128x2048xf32>
    %select_n3A_896 = arith.select %eq3A_893, %broadcast_in_dim3A_895, %get3A_872 : vector<128x2048xi1>, vector<128x2048xf32>
    %swap3A_897 = arith.constant 0 : index
    %swap3A_898 = arith.constant 0 : index
    %swap3A_899 = vector.load %arg4[%swap3A_897, %swap3A_898] : memref<128x2048xf32, #tpu.memory_space<vmem>>, vector<128x2048xf32>
    tpu.vector_store %arg4[%swap3A_897, %swap3A_898], %select_n3A_896 {strides = array<i32>} : memref<128x2048xf32, #tpu.memory_space<vmem>>, vector<128x2048xf32>,
    %get3A_900 = arith.constant 0 : index
    %get3A_901 = arith.constant 0 : index
    %get3A_902 = vector.load %arg4[%get3A_900, %get3A_901] : memref<128x2048xf32, #tpu.memory_space<vmem>>, vector<128x2048xf32>
    %reduce_min3A_903 = arith.constant dense<0x7F800000> : vector<128xf32>
    %reduce_min3A_904 = vector.multi_reduction <minimumf>, %get3A_902, %reduce_min3A_903 [1] : vector<128x2048xf32> to vector<128xf32>
    %broadcast_in_dim3A_905 = vector.shape_cast %reduce_min3A_904 : vector<128xf32> to vector<128x1xf32>
    %eq3A_906 = vector.broadcast %broadcast_in_dim3A_905 : vector<128x1xf32> to vector<128x2048xf32>
    %eq3A_907 = arith.cmpf oeq, %get3A_902, %eq3A_906 : vector<128x2048xf32>
    %jit3A_908 = arith.constant 2048 : i32
    %broadcast_in_dim3A_909 = vector.broadcast %jit3A_908 : i32 to vector<128x2048xi32>
    %select_n3A_910 = arith.select %eq3A_907, %iota3A, %broadcast_in_dim3A_909 : vector<128x2048xi1>, vector<128x2048xi32>
    %reduce_min3A_911 = arith.constant dense<2147483647> : vector<128xi32>
    %reduce_min3A_912 = vector.multi_reduction <minsi>, %select_n3A_910, %reduce_min3A_911 [1] : vector<128x2048xi32> to vector<128xi32>
    %broadcast_in_dim3A_913 = vector.shape_cast %reduce_min3A_912 : vector<128xi32> to vector<128x1xi32>
    %add3A_914 = vector.broadcast %mul3A_34 : i32 to vector<128x1xi32>
    %add3A_915 = arith.addi %broadcast_in_dim3A_913, %add3A_914 : vector<128x1xi32>
    %swap3A_916 = arith.constant 0 : index
    %swap3A_917 = arith.constant 0 : index
    %swap3A_918 = arith.constant 29 : index
    %swap3A_919 = vector.load %arg3[%swap3A_916, %swap3A_917, %swap3A_918] : memref<1x128x32xi32, #tpu.memory_space<vmem>>, vector<1x128x1xi32>
    %swap3A_920 = vector.shape_cast %swap3A_919 : vector<1x128x1xi32> to vector<128x1xi32>
    %swap3A_921 = vector.shape_cast %add3A_915 : vector<128x1xi32> to vector<1x128x1xi32>
    tpu.vector_store %arg3[%swap3A_916, %swap3A_917, %swap3A_918], %swap3A_921 {strides = array<i32>} : memref<1x128x32xi32, #tpu.memory_space<vmem>>, vector<1x128x1xi32>,
    %eq3A_922 = vector.broadcast %broadcast_in_dim3A_913 : vector<128x1xi32> to vector<128x2048xi32>
    %eq3A_923 = arith.cmpi eq, %iota3A, %eq3A_922 : vector<128x2048xi32>
    %jit3A_924 = arith.constant 1.000000e+30 : f32
    %broadcast_in_dim3A_925 = vector.broadcast %jit3A_924 : f32 to vector<128x2048xf32>
    %select_n3A_926 = arith.select %eq3A_923, %broadcast_in_dim3A_925, %get3A_902 : vector<128x2048xi1>, vector<128x2048xf32>
    %swap3A_927 = arith.constant 0 : index
    %swap3A_928 = arith.constant 0 : index
    %swap3A_929 = vector.load %arg4[%swap3A_927, %swap3A_928] : memref<128x2048xf32, #tpu.memory_space<vmem>>, vector<128x2048xf32>
    tpu.vector_store %arg4[%swap3A_927, %swap3A_928], %select_n3A_926 {strides = array<i32>} : memref<128x2048xf32, #tpu.memory_space<vmem>>, vector<128x2048xf32>,
    %get3A_930 = arith.constant 0 : index
    %get3A_931 = arith.constant 0 : index
    %get3A_932 = vector.load %arg4[%get3A_930, %get3A_931] : memref<128x2048xf32, #tpu.memory_space<vmem>>, vector<128x2048xf32>
    %reduce_min3A_933 = arith.constant dense<0x7F800000> : vector<128xf32>
    %reduce_min3A_934 = vector.multi_reduction <minimumf>, %get3A_932, %reduce_min3A_933 [1] : vector<128x2048xf32> to vector<128xf32>
    %broadcast_in_dim3A_935 = vector.shape_cast %reduce_min3A_934 : vector<128xf32> to vector<128x1xf32>
    %eq3A_936 = vector.broadcast %broadcast_in_dim3A_935 : vector<128x1xf32> to vector<128x2048xf32>
    %eq3A_937 = arith.cmpf oeq, %get3A_932, %eq3A_936 : vector<128x2048xf32>
    %jit3A_938 = arith.constant 2048 : i32
    %broadcast_in_dim3A_939 = vector.broadcast %jit3A_938 : i32 to vector<128x2048xi32>
    %select_n3A_940 = arith.select %eq3A_937, %iota3A, %broadcast_in_dim3A_939 : vector<128x2048xi1>, vector<128x2048xi32>
    %reduce_min3A_941 = arith.constant dense<2147483647> : vector<128xi32>
    %reduce_min3A_942 = vector.multi_reduction <minsi>, %select_n3A_940, %reduce_min3A_941 [1] : vector<128x2048xi32> to vector<128xi32>
    %broadcast_in_dim3A_943 = vector.shape_cast %reduce_min3A_942 : vector<128xi32> to vector<128x1xi32>
    %add3A_944 = vector.broadcast %mul3A_34 : i32 to vector<128x1xi32>
    %add3A_945 = arith.addi %broadcast_in_dim3A_943, %add3A_944 : vector<128x1xi32>
    %swap3A_946 = arith.constant 0 : index
    %swap3A_947 = arith.constant 0 : index
    %swap3A_948 = arith.constant 30 : index
    %swap3A_949 = vector.load %arg3[%swap3A_946, %swap3A_947, %swap3A_948] : memref<1x128x32xi32, #tpu.memory_space<vmem>>, vector<1x128x1xi32>
    %swap3A_950 = vector.shape_cast %swap3A_949 : vector<1x128x1xi32> to vector<128x1xi32>
    %swap3A_951 = vector.shape_cast %add3A_945 : vector<128x1xi32> to vector<1x128x1xi32>
    tpu.vector_store %arg3[%swap3A_946, %swap3A_947, %swap3A_948], %swap3A_951 {strides = array<i32>} : memref<1x128x32xi32, #tpu.memory_space<vmem>>, vector<1x128x1xi32>,
    %eq3A_952 = vector.broadcast %broadcast_in_dim3A_943 : vector<128x1xi32> to vector<128x2048xi32>
    %eq3A_953 = arith.cmpi eq, %iota3A, %eq3A_952 : vector<128x2048xi32>
    %jit3A_954 = arith.constant 1.000000e+30 : f32
    %broadcast_in_dim3A_955 = vector.broadcast %jit3A_954 : f32 to vector<128x2048xf32>
    %select_n3A_956 = arith.select %eq3A_953, %broadcast_in_dim3A_955, %get3A_932 : vector<128x2048xi1>, vector<128x2048xf32>
    %swap3A_957 = arith.constant 0 : index
    %swap3A_958 = arith.constant 0 : index
    %swap3A_959 = vector.load %arg4[%swap3A_957, %swap3A_958] : memref<128x2048xf32, #tpu.memory_space<vmem>>, vector<128x2048xf32>
    tpu.vector_store %arg4[%swap3A_957, %swap3A_958], %select_n3A_956 {strides = array<i32>} : memref<128x2048xf32, #tpu.memory_space<vmem>>, vector<128x2048xf32>,
    %get3A_960 = arith.constant 0 : index
    %get3A_961 = arith.constant 0 : index
    %get3A_962 = vector.load %arg4[%get3A_960, %get3A_961] : memref<128x2048xf32, #tpu.memory_space<vmem>>, vector<128x2048xf32>
    %reduce_min3A_963 = arith.constant dense<0x7F800000> : vector<128xf32>
    %reduce_min3A_964 = vector.multi_reduction <minimumf>, %get3A_962, %reduce_min3A_963 [1] : vector<128x2048xf32> to vector<128xf32>
    %broadcast_in_dim3A_965 = vector.shape_cast %reduce_min3A_964 : vector<128xf32> to vector<128x1xf32>
    %eq3A_966 = vector.broadcast %broadcast_in_dim3A_965 : vector<128x1xf32> to vector<128x2048xf32>
    %eq3A_967 = arith.cmpf oeq, %get3A_962, %eq3A_966 : vector<128x2048xf32>
    %jit3A_968 = arith.constant 2048 : i32
    %broadcast_in_dim3A_969 = vector.broadcast %jit3A_968 : i32 to vector<128x2048xi32>
    %select_n3A_970 = arith.select %eq3A_967, %iota3A, %broadcast_in_dim3A_969 : vector<128x2048xi1>, vector<128x2048xi32>
    %reduce_min3A_971 = arith.constant dense<2147483647> : vector<128xi32>
    %reduce_min3A_972 = vector.multi_reduction <minsi>, %select_n3A_970, %reduce_min3A_971 [1] : vector<128x2048xi32> to vector<128xi32>
    %broadcast_in_dim3A_973 = vector.shape_cast %reduce_min3A_972 : vector<128xi32> to vector<128x1xi32>
    %add3A_974 = vector.broadcast %mul3A_34 : i32 to vector<128x1xi32>
    %add3A_975 = arith.addi %broadcast_in_dim3A_973, %add3A_974 : vector<128x1xi32>
    %swap3A_976 = arith.constant 0 : index
    %swap3A_977 = arith.constant 0 : index
    %swap3A_978 = arith.constant 31 : index
    %swap3A_979 = vector.load %arg3[%swap3A_976, %swap3A_977, %swap3A_978] : memref<1x128x32xi32, #tpu.memory_space<vmem>>, vector<1x128x1xi32>
    %swap3A_980 = vector.shape_cast %swap3A_979 : vector<1x128x1xi32> to vector<128x1xi32>
    %swap3A_981 = vector.shape_cast %add3A_975 : vector<128x1xi32> to vector<1x128x1xi32>
    tpu.vector_store %arg3[%swap3A_976, %swap3A_977, %swap3A_978], %swap3A_981 {strides = array<i32>} : memref<1x128x32xi32, #tpu.memory_space<vmem>>, vector<1x128x1xi32>,
    %eq3A_982 = vector.broadcast %broadcast_in_dim3A_973 : vector<128x1xi32> to vector<128x2048xi32>
    %eq3A_983 = arith.cmpi eq, %iota3A, %eq3A_982 : vector<128x2048xi32>
    %jit3A_984 = arith.constant 1.000000e+30 : f32
    %broadcast_in_dim3A_985 = vector.broadcast %jit3A_984 : f32 to vector<128x2048xf32>
    %select_n3A_986 = arith.select %eq3A_983, %broadcast_in_dim3A_985, %get3A_962 : vector<128x2048xi1>, vector<128x2048xf32>
    %swap3A_987 = arith.constant 0 : index
    %swap3A_988 = arith.constant 0 : index
    %swap3A_989 = vector.load %arg4[%swap3A_987, %swap3A_988] : memref<128x2048xf32, #tpu.memory_space<vmem>>, vector<128x2048xf32>
    tpu.vector_store %arg4[%swap3A_987, %swap3A_988], %select_n3A_986 {strides = array<i32>} : memref<128x2048xf32, #tpu.memory_space<vmem>>, vector<128x2048xf32>,
    return
  }
  func.func @transform_0(%arg0: i32) -> (i32, i32, i32) {
    %c0_i32 = arith.constant 0 : i32
    %c0_i32_0 = arith.constant 0 : i32
    %c0_i32_1 = arith.constant 0 : i32
    return %arg0, %c0_i32, %c0_i32_0 : i32, i32, i32
  }
  func.func @transform_1(%arg0: i32) -> (i32, i32, i32) {
    %c0_i32 = arith.constant 0 : i32
    %c0_i32_0 = arith.constant 0 : i32
    %c0_i32_1 = arith.constant 0 : i32
    return %arg0, %c0_i32, %c0_i32_0 : i32, i32, i32
  }
  func.func @transform_2(%arg0: i32) -> (i32, i32, i32) {
    %c0_i32 = arith.constant 0 : i32
    %c0_i32_0 = arith.constant 0 : i32
    %c0_i32_1 = arith.constant 0 : i32
    return %arg0, %c0_i32, %c0_i32_0 : i32, i32, i32
  }
}

module attributes {stable_mosaic.version = 14 : i64} {
  func.func @_fps_body(%arg0: memref<3x32x2048xf32, #tpu.memory_space<vmem>>, %arg1: memref<32x128x8xf32, #tpu.memory_space<vmem>>, %arg2: memref<32x2048xf32, #tpu.memory_space<vmem>>) attributes {dimension_semantics = [], scalar_prefetch = 0 : i64, scratch_operands = 1 : i64, tpu.core_type = #tpu.core_type<tc>} {
    %get3A = arith.constant 0 : index
    %get3A_0 = arith.constant 0 : index
    %get3A_1 = arith.constant 0 : index
    %get3A_2 = vector.load %arg0[%get3A, %get3A_0, %get3A_1] : memref<3x32x2048xf32, #tpu.memory_space<vmem>>, vector<1x32x2048xf32>
    %get3A_3 = vector.shape_cast %get3A_2 : vector<1x32x2048xf32> to vector<32x2048xf32>
    %get3A_4 = arith.constant 1 : index
    %get3A_5 = arith.constant 0 : index
    %get3A_6 = arith.constant 0 : index
    %get3A_7 = vector.load %arg0[%get3A_4, %get3A_5, %get3A_6] : memref<3x32x2048xf32, #tpu.memory_space<vmem>>, vector<1x32x2048xf32>
    %get3A_8 = vector.shape_cast %get3A_7 : vector<1x32x2048xf32> to vector<32x2048xf32>
    %get3A_9 = arith.constant 2 : index
    %get3A_10 = arith.constant 0 : index
    %get3A_11 = arith.constant 0 : index
    %get3A_12 = vector.load %arg0[%get3A_9, %get3A_10, %get3A_11] : memref<3x32x2048xf32, #tpu.memory_space<vmem>>, vector<1x32x2048xf32>
    %get3A_13 = vector.shape_cast %get3A_12 : vector<1x32x2048xf32> to vector<32x2048xf32>
    %broadcast_in_dim3A = arith.constant 0.000000e+00 : f32
    %broadcast_in_dim3A_14 = vector.broadcast %broadcast_in_dim3A : f32 to vector<32x128x8xf32>
    %swap3A = arith.constant 0 : index
    %swap3A_15 = arith.constant 0 : index
    %swap3A_16 = arith.constant 0 : index
    %swap3A_17 = vector.load %arg1[%swap3A, %swap3A_15, %swap3A_16] : memref<32x128x8xf32, #tpu.memory_space<vmem>>, vector<32x128x8xf32>
    tpu.vector_store %arg1[%swap3A, %swap3A_15, %swap3A_16], %broadcast_in_dim3A_14 {strides = array<i32>} : memref<32x128x8xf32, #tpu.memory_space<vmem>>, vector<32x128x8xf32>,
    %broadcast_in_dim3A_18 = arith.constant 1.000000e+10 : f32
    %broadcast_in_dim3A_19 = vector.broadcast %broadcast_in_dim3A_18 : f32 to vector<32x2048xf32>
    %swap3A_20 = arith.constant 0 : index
    %swap3A_21 = arith.constant 0 : index
    %swap3A_22 = vector.load %arg2[%swap3A_20, %swap3A_21] : memref<32x2048xf32, #tpu.memory_space<vmem>>, vector<32x2048xf32>
    tpu.vector_store %arg2[%swap3A_20, %swap3A_21], %broadcast_in_dim3A_19 {strides = array<i32>} : memref<32x2048xf32, #tpu.memory_space<vmem>>, vector<32x2048xf32>,
    %iota3A = tpu.iota {dimensions = array<i32: 1>} : vector<32x2048xi32>
    %broadcast_in_dim3A_23 = arith.constant 0 : i32
    %broadcast_in_dim3A_24 = vector.broadcast %broadcast_in_dim3A_23 : i32 to vector<32x1xi32>
    %scan3A = arith.constant 0 : i32
    %scan3A_25 = arith.constant 128 : i32
    %scan3A_26 = arith.addi %scan3A, %scan3A_25 : i32
    %scan3A_27 = arith.constant 1 : i32
    %scan3A_28 = scf.for %scan3A_30 = %scan3A to %scan3A_26 step %scan3A_27 iter_args(%scan3A_31 = %broadcast_in_dim3A_24) -> (vector<32x1xi32>)  : i32 {
      %eq3A = vector.broadcast %scan3A_31 : vector<32x1xi32> to vector<32x2048xi32>
      %eq3A_32 = arith.cmpi eq, %iota3A, %eq3A : vector<32x2048xi32>
      %jit3A = arith.constant 0.000000e+00 : f32
      %broadcast_in_dim3A_33 = vector.broadcast %jit3A : f32 to vector<32x2048xf32>
      %select_n3A = arith.select %eq3A_32, %get3A_3, %broadcast_in_dim3A_33 : vector<32x2048xi1>, vector<32x2048xf32>
      %reduce_sum3A = arith.constant dense<0.000000e+00> : vector<32xf32>
      %reduce_sum3A_34 = vector.multi_reduction <add>, %select_n3A, %reduce_sum3A [1] : vector<32x2048xf32> to vector<32xf32>
      %broadcast_in_dim3A_35 = vector.shape_cast %reduce_sum3A_34 : vector<32xf32> to vector<32x1xf32>
      %jit3A_36 = arith.constant 0.000000e+00 : f32
      %broadcast_in_dim3A_37 = vector.broadcast %jit3A_36 : f32 to vector<32x2048xf32>
      %select_n3A_38 = arith.select %eq3A_32, %get3A_8, %broadcast_in_dim3A_37 : vector<32x2048xi1>, vector<32x2048xf32>
      %reduce_sum3A_39 = arith.constant dense<0.000000e+00> : vector<32xf32>
      %reduce_sum3A_40 = vector.multi_reduction <add>, %select_n3A_38, %reduce_sum3A_39 [1] : vector<32x2048xf32> to vector<32xf32>
      %broadcast_in_dim3A_41 = vector.shape_cast %reduce_sum3A_40 : vector<32xf32> to vector<32x1xf32>
      %jit3A_42 = arith.constant 0.000000e+00 : f32
      %broadcast_in_dim3A_43 = vector.broadcast %jit3A_42 : f32 to vector<32x2048xf32>
      %select_n3A_44 = arith.select %eq3A_32, %get3A_13, %broadcast_in_dim3A_43 : vector<32x2048xi1>, vector<32x2048xf32>
      %reduce_sum3A_45 = arith.constant dense<0.000000e+00> : vector<32xf32>
      %reduce_sum3A_46 = vector.multi_reduction <add>, %select_n3A_44, %reduce_sum3A_45 [1] : vector<32x2048xf32> to vector<32xf32>
      %broadcast_in_dim3A_47 = vector.shape_cast %reduce_sum3A_46 : vector<32xf32> to vector<32x1xf32>
      %broadcast_in_dim3A_48 = vector.shape_cast %broadcast_in_dim3A_35 : vector<32x1xf32> to vector<32x1x1xf32>
      %swap3A_49 = arith.constant 0 : index
      %swap3A_50 = arith.index_cast %scan3A_30 : i32 to index
      %swap3A_51 = arith.constant 0 : index
      %swap3A_52 = vector.load %arg1[%swap3A_49, %swap3A_50, %swap3A_51] : memref<32x128x8xf32, #tpu.memory_space<vmem>>, vector<32x1x1xf32>
      tpu.vector_store %arg1[%swap3A_49, %swap3A_50, %swap3A_51], %broadcast_in_dim3A_48 {strides = array<i32>} : memref<32x128x8xf32, #tpu.memory_space<vmem>>, vector<32x1x1xf32>,
      %broadcast_in_dim3A_53 = vector.shape_cast %broadcast_in_dim3A_41 : vector<32x1xf32> to vector<32x1x1xf32>
      %swap3A_54 = arith.constant 0 : index
      %swap3A_55 = arith.index_cast %scan3A_30 : i32 to index
      %swap3A_56 = arith.constant 1 : index
      %swap3A_57 = vector.load %arg1[%swap3A_54, %swap3A_55, %swap3A_56] : memref<32x128x8xf32, #tpu.memory_space<vmem>>, vector<32x1x1xf32>
      tpu.vector_store %arg1[%swap3A_54, %swap3A_55, %swap3A_56], %broadcast_in_dim3A_53 {strides = array<i32>} : memref<32x128x8xf32, #tpu.memory_space<vmem>>, vector<32x1x1xf32>,
      %broadcast_in_dim3A_58 = vector.shape_cast %broadcast_in_dim3A_47 : vector<32x1xf32> to vector<32x1x1xf32>
      %swap3A_59 = arith.constant 0 : index
      %swap3A_60 = arith.index_cast %scan3A_30 : i32 to index
      %swap3A_61 = arith.constant 2 : index
      %swap3A_62 = vector.load %arg1[%swap3A_59, %swap3A_60, %swap3A_61] : memref<32x128x8xf32, #tpu.memory_space<vmem>>, vector<32x1x1xf32>
      tpu.vector_store %arg1[%swap3A_59, %swap3A_60, %swap3A_61], %broadcast_in_dim3A_58 {strides = array<i32>} : memref<32x128x8xf32, #tpu.memory_space<vmem>>, vector<32x1x1xf32>,
      %sub3A = vector.broadcast %broadcast_in_dim3A_35 : vector<32x1xf32> to vector<32x2048xf32>
      %sub3A_63 = arith.subf %get3A_3, %sub3A : vector<32x2048xf32>
      %integer_pow3A = arith.mulf %sub3A_63, %sub3A_63 : vector<32x2048xf32>
      %sub3A_64 = vector.broadcast %broadcast_in_dim3A_41 : vector<32x1xf32> to vector<32x2048xf32>
      %sub3A_65 = arith.subf %get3A_8, %sub3A_64 : vector<32x2048xf32>
      %integer_pow3A_66 = arith.mulf %sub3A_65, %sub3A_65 : vector<32x2048xf32>
      %add3A = arith.addf %integer_pow3A, %integer_pow3A_66 : vector<32x2048xf32>
      %sub3A_67 = vector.broadcast %broadcast_in_dim3A_47 : vector<32x1xf32> to vector<32x2048xf32>
      %sub3A_68 = arith.subf %get3A_13, %sub3A_67 : vector<32x2048xf32>
      %integer_pow3A_69 = arith.mulf %sub3A_68, %sub3A_68 : vector<32x2048xf32>
      %add3A_70 = arith.addf %add3A, %integer_pow3A_69 : vector<32x2048xf32>
      %get3A_71 = arith.constant 0 : index
      %get3A_72 = arith.constant 0 : index
      %get3A_73 = vector.load %arg2[%get3A_71, %get3A_72] : memref<32x2048xf32, #tpu.memory_space<vmem>>, vector<32x2048xf32>
      %min3A = arith.minimumf %get3A_73, %add3A_70 : vector<32x2048xf32>
      %swap3A_74 = arith.constant 0 : index
      %swap3A_75 = arith.constant 0 : index
      %swap3A_76 = vector.load %arg2[%swap3A_74, %swap3A_75] : memref<32x2048xf32, #tpu.memory_space<vmem>>, vector<32x2048xf32>
      tpu.vector_store %arg2[%swap3A_74, %swap3A_75], %min3A {strides = array<i32>} : memref<32x2048xf32, #tpu.memory_space<vmem>>, vector<32x2048xf32>,
      %reduce_max3A = arith.constant dense<0xFF800000> : vector<32xf32>
      %reduce_max3A_77 = vector.multi_reduction <maximumf>, %min3A, %reduce_max3A [1] : vector<32x2048xf32> to vector<32xf32>
      %broadcast_in_dim3A_78 = vector.shape_cast %reduce_max3A_77 : vector<32xf32> to vector<32x1xf32>
      %eq3A_79 = vector.broadcast %broadcast_in_dim3A_78 : vector<32x1xf32> to vector<32x2048xf32>
      %eq3A_80 = arith.cmpf oeq, %min3A, %eq3A_79 : vector<32x2048xf32>
      %jit3A_81 = arith.constant 2048 : i32
      %broadcast_in_dim3A_82 = vector.broadcast %jit3A_81 : i32 to vector<32x2048xi32>
      %select_n3A_83 = arith.select %eq3A_80, %iota3A, %broadcast_in_dim3A_82 : vector<32x2048xi1>, vector<32x2048xi32>
      %reduce_min3A = arith.constant dense<2147483647> : vector<32xi32>
      %reduce_min3A_84 = vector.multi_reduction <minsi>, %select_n3A_83, %reduce_min3A [1] : vector<32x2048xi32> to vector<32xi32>
      %broadcast_in_dim3A_85 = vector.shape_cast %reduce_min3A_84 : vector<32xi32> to vector<32x1xi32>
      scf.yield %broadcast_in_dim3A_85 : vector<32x1xi32>
    }
    %scan3A_29 = arith.constant 128 : i32
    return
  }
}

module attributes {stable_mosaic.version = 14 : i64} {
  func.func @_morton_body(%arg0: i32, %arg1: memref<1x128x1xi32, #tpu.memory_space<vmem>>, %arg2: memref<1x1x128xi32, #tpu.memory_space<vmem>>, %arg3: memref<1x1x128xi32, #tpu.memory_space<vmem>>) attributes {dimension_semantics = [#tpu.dimension_semantics<arbitrary>], iteration_bounds = array<i64: 32>, scalar_prefetch = 0 : i64, scratch_operands = 0 : i64, tpu.core_type = #tpu.core_type<tc>, window_params = [{transform_indices = @transform_0, window_bounds = array<i64: 1, 128, 1>}, {transform_indices = @transform_1, window_bounds = array<i64: 1, 1, 128>}, {transform_indices = @transform_2, window_bounds = array<i64: 1, 1, 128>}]} {
    %get3A = arith.constant 0 : index
    %get3A_0 = arith.constant 0 : index
    %get3A_1 = arith.constant 0 : index
    %get3A_2 = vector.load %arg1[%get3A, %get3A_0, %get3A_1] : memref<1x128x1xi32, #tpu.memory_space<vmem>>, vector<1x128x1xi32>
    %get3A_3 = vector.shape_cast %get3A_2 : vector<1x128x1xi32> to vector<128x1xi32>
    %get3A_4 = arith.constant 0 : index
    %get3A_5 = arith.constant 0 : index
    %get3A_6 = arith.constant 0 : index
    %get3A_7 = vector.load %arg2[%get3A_4, %get3A_5, %get3A_6] : memref<1x1x128xi32, #tpu.memory_space<vmem>>, vector<1x1x128xi32>
    %get3A_8 = vector.shape_cast %get3A_7 : vector<1x1x128xi32> to vector<1x128xi32>
    %iota3A = tpu.iota {dimensions = array<i32: 0>} : vector<128x128xi32>
    %iota3A_9 = tpu.iota {dimensions = array<i32: 1>} : vector<128x128xi32>
    %lt3A = vector.broadcast %get3A_8 : vector<1x128xi32> to vector<128x128xi32>
    %lt3A_10 = vector.broadcast %get3A_3 : vector<128x1xi32> to vector<128x128xi32>
    %lt3A_11 = arith.cmpi slt, %lt3A, %lt3A_10 : vector<128x128xi32>
    %eq3A = vector.broadcast %get3A_8 : vector<1x128xi32> to vector<128x128xi32>
    %eq3A_12 = vector.broadcast %get3A_3 : vector<128x1xi32> to vector<128x128xi32>
    %eq3A_13 = arith.cmpi eq, %eq3A, %eq3A_12 : vector<128x128xi32>
    %lt3A_14 = arith.cmpi slt, %iota3A_9, %iota3A : vector<128x128xi32>
    %and3A = arith.andi %eq3A_13, %lt3A_14 : vector<128x128xi1>
    %or3A = arith.ori %lt3A_11, %and3A : vector<128x128xi1>
    %convert_element_type3A = arith.extui %or3A : vector<128x128xi1> to vector<128x128xi32>
    %reduce_sum3A = arith.constant dense<0> : vector<128xi32>
    %reduce_sum3A_15 = vector.multi_reduction <add>, %convert_element_type3A, %reduce_sum3A [1] : vector<128x128xi32> to vector<128xi32>
    %broadcast_in_dim3A = vector.shape_cast %reduce_sum3A_15 : vector<128xi32> to vector<128x1xi32>
    %eq3A_16 = vector.broadcast %broadcast_in_dim3A : vector<128x1xi32> to vector<128x128xi32>
    %eq3A_17 = arith.cmpi eq, %eq3A_16, %iota3A_9 : vector<128x128xi32>
    %convert_element_type3A_18 = arith.extui %eq3A_17 : vector<128x128xi1> to vector<128x128xi32>
    %mul3A = arith.muli %convert_element_type3A_18, %iota3A : vector<128x128xi32>
    %reduce_sum3A_19 = arith.constant dense<0> : vector<128xi32>
    %reduce_sum3A_20 = vector.multi_reduction <add>, %mul3A, %reduce_sum3A_19 [0] : vector<128x128xi32> to vector<128xi32>
    %broadcast_in_dim3A_21 = vector.shape_cast %reduce_sum3A_20 : vector<128xi32> to vector<1x128xi32>
    %mul3A_22 = arith.constant 128 : i32
    %mul3A_23 = arith.muli %arg0, %mul3A_22 : i32
    %add3A = vector.broadcast %mul3A_23 : i32 to vector<1x128xi32>
    %add3A_24 = arith.addi %broadcast_in_dim3A_21, %add3A : vector<1x128xi32>
    %swap3A = arith.constant 0 : index
    %swap3A_25 = arith.constant 0 : index
    %swap3A_26 = arith.constant 0 : index
    %swap3A_27 = vector.load %arg3[%swap3A, %swap3A_25, %swap3A_26] : memref<1x1x128xi32, #tpu.memory_space<vmem>>, vector<1x1x128xi32>
    %swap3A_28 = vector.shape_cast %swap3A_27 : vector<1x1x128xi32> to vector<1x128xi32>
    %swap3A_29 = vector.shape_cast %add3A_24 : vector<1x128xi32> to vector<1x1x128xi32>
    tpu.vector_store %arg3[%swap3A, %swap3A_25, %swap3A_26], %swap3A_29 {strides = array<i32>} : memref<1x1x128xi32, #tpu.memory_space<vmem>>, vector<1x1x128xi32>,
    return
  }
  func.func @transform_0(%arg0: i32) -> (i32, i32, i32) {
    %c0_i32 = arith.constant 0 : i32
    %c0_i32_0 = arith.constant 0 : i32
    %c0_i32_1 = arith.constant 0 : i32
    return %arg0, %c0_i32, %c0_i32_0 : i32, i32, i32
  }
  func.func @transform_1(%arg0: i32) -> (i32, i32, i32) {
    %c0_i32 = arith.constant 0 : i32
    %c0_i32_0 = arith.constant 0 : i32
    %c0_i32_1 = arith.constant 0 : i32
    return %arg0, %c0_i32, %c0_i32_0 : i32, i32, i32
  }
  func.func @transform_2(%arg0: i32) -> (i32, i32, i32) {
    %c0_i32 = arith.constant 0 : i32
    %c0_i32_0 = arith.constant 0 : i32
    %c0_i32_1 = arith.constant 0 : i32
    return %arg0, %c0_i32, %c0_i32_0 : i32, i32, i32
  }
}

module attributes {stable_mosaic.version = 14 : i64} {
  func.func @_l1a_body(%arg0: i32, %arg1: memref<2048x128xf32, #tpu.memory_space<vmem>>, %arg2: memref<64x128xf32, #tpu.memory_space<vmem>>, %arg3: memref<256x128xbf16, #tpu.memory_space<vmem>>, %arg4: memref<1x256xf32, #tpu.memory_space<vmem>>, %arg5: memref<1x256xf32, #tpu.memory_space<vmem>>, %arg6: memref<1x256xf32, #tpu.memory_space<vmem>>) attributes {dimension_semantics = [#tpu.dimension_semantics<arbitrary>], iteration_bounds = array<i64: 64>, scalar_prefetch = 0 : i64, scratch_operands = 0 : i64, tpu.core_type = #tpu.core_type<tc>, window_params = [{transform_indices = @transform_0, window_bounds = array<i64: 2048, 128>}, {transform_indices = @transform_1, window_bounds = array<i64: 64, 128>}, {pipeline_mode = #tpu.pipeline_mode<synchronous>, transform_indices = @transform_2, window_bounds = array<i64: 256, 128>}, {pipeline_mode = #tpu.pipeline_mode<synchronous>, transform_indices = @transform_3, window_bounds = array<i64: 1, 256>}, {pipeline_mode = #tpu.pipeline_mode<synchronous>, transform_indices = @transform_4, window_bounds = array<i64: 1, 256>}, {pipeline_mode = #tpu.pipeline_mode<synchronous>, transform_indices = @transform_5, window_bounds = array<i64: 1, 256>}]} {
    %eq3A = arith.constant 0 : i32
    %eq3A_0 = arith.cmpi eq, %arg0, %eq3A : i32
    %convert_element_type3A = arith.extui %eq3A_0 : i1 to i32
    %cond3A = arith.constant 0 : i32
    %cond3A_1 = arith.cmpi ne, %convert_element_type3A, %cond3A : i32
    scf.if %cond3A_1 {
      %broadcast_in_dim3A_37 = arith.constant 0.000000e+00 : f32
      %broadcast_in_dim3A_38 = vector.broadcast %broadcast_in_dim3A_37 : f32 to vector<1x256xf32>
      %swap3A_39 = arith.constant 0 : index
      %swap3A_40 = arith.constant 0 : index
      %swap3A_41 = vector.load %arg5[%swap3A_39, %swap3A_40] : memref<1x256xf32, #tpu.memory_space<vmem>>, vector<1x256xf32>
      tpu.vector_store %arg5[%swap3A_39, %swap3A_40], %broadcast_in_dim3A_38 {strides = array<i32>} : memref<1x256xf32, #tpu.memory_space<vmem>>, vector<1x256xf32>,
      %broadcast_in_dim3A_42 = arith.constant 0.000000e+00 : f32
      %broadcast_in_dim3A_43 = vector.broadcast %broadcast_in_dim3A_42 : f32 to vector<1x256xf32>
      %swap3A_44 = arith.constant 0 : index
      %swap3A_45 = arith.constant 0 : index
      %swap3A_46 = vector.load %arg6[%swap3A_44, %swap3A_45] : memref<1x256xf32, #tpu.memory_space<vmem>>, vector<1x256xf32>
      tpu.vector_store %arg6[%swap3A_44, %swap3A_45], %broadcast_in_dim3A_43 {strides = array<i32>} : memref<1x256xf32, #tpu.memory_space<vmem>>, vector<1x256xf32>,
    } else {
    }
    %get3A = arith.constant 0 : index
    %get3A_2 = arith.constant 0 : index
    %get3A_3 = vector.load %arg2[%get3A, %get3A_2] : memref<64x128xf32, #tpu.memory_space<vmem>>, vector<64x128xf32>
    %broadcast_in_dim3A = vector.shape_cast %get3A_3 : vector<64x128xf32> to vector<64x1x128xf32>
    %broadcast_in_dim3A_4 = vector.shape_cast %broadcast_in_dim3A : vector<64x1x128xf32> to vector<64x1x128xf32>
    %broadcast_in_dim3A_5 = vector.broadcast %broadcast_in_dim3A_4 : vector<64x1x128xf32> to vector<64x32x128xf32>
    %get3A_6 = arith.constant 0 : index
    %get3A_7 = arith.constant 0 : index
    %get3A_8 = vector.load %arg1[%get3A_6, %get3A_7] : memref<2048x128xf32, #tpu.memory_space<vmem>>, vector<2048x128xf32>
    %reshape3A = vector.shape_cast %broadcast_in_dim3A_5 : vector<64x32x128xf32> to vector<2048x128xf32>
    %add3A = arith.addf %get3A_8, %reshape3A : vector<2048x128xf32>
    %convert_element_type3A_9 = arith.truncf %add3A : vector<2048x128xf32> to vector<2048x128xbf16>
    %get3A_10 = arith.constant 0 : index
    %get3A_11 = arith.constant 0 : index
    %get3A_12 = vector.load %arg3[%get3A_10, %get3A_11] : memref<256x128xbf16, #tpu.memory_space<vmem>>, vector<256x128xbf16>
    %dot_general3A = arith.constant dense<0.000000e+00> : vector<2048x256xf32>
    %dot_general3A_13 = tpu.matmul %convert_element_type3A_9, %get3A_12, %dot_general3A {dimension_numbers = #tpu.dot_dimension_numbers<[1], [1], [0], [0], [0, 0, 1, 0], [], []>, transpose_lhs_hint = false} : vector<2048x128xbf16>, vector<256x128xbf16>, vector<2048x256xf32> -> vector<2048x256xf32>
    %get3A_14 = arith.constant 0 : index
    %get3A_15 = arith.constant 0 : index
    %get3A_16 = vector.load %arg4[%get3A_14, %get3A_15] : memref<1x256xf32, #tpu.memory_space<vmem>>, vector<1x256xf32>
    %add3A_17 = vector.broadcast %get3A_16 : vector<1x256xf32> to vector<2048x256xf32>
    %add3A_18 = arith.addf %dot_general3A_13, %add3A_17 : vector<2048x256xf32>
    %get3A_19 = arith.constant 0 : index
    %get3A_20 = arith.constant 0 : index
    %get3A_21 = vector.load %arg5[%get3A_19, %get3A_20] : memref<1x256xf32, #tpu.memory_space<vmem>>, vector<1x256xf32>
    %reduce_sum3A = arith.constant dense<0.000000e+00> : vector<256xf32>
    %reduce_sum3A_22 = vector.multi_reduction <add>, %add3A_18, %reduce_sum3A [0] : vector<2048x256xf32> to vector<256xf32>
    %broadcast_in_dim3A_23 = vector.shape_cast %reduce_sum3A_22 : vector<256xf32> to vector<1x256xf32>
    %add3A_24 = arith.addf %get3A_21, %broadcast_in_dim3A_23 : vector<1x256xf32>
    %swap3A = arith.constant 0 : index
    %swap3A_25 = arith.constant 0 : index
    %swap3A_26 = vector.load %arg5[%swap3A, %swap3A_25] : memref<1x256xf32, #tpu.memory_space<vmem>>, vector<1x256xf32>
    tpu.vector_store %arg5[%swap3A, %swap3A_25], %add3A_24 {strides = array<i32>} : memref<1x256xf32, #tpu.memory_space<vmem>>, vector<1x256xf32>,
    %get3A_27 = arith.constant 0 : index
    %get3A_28 = arith.constant 0 : index
    %get3A_29 = vector.load %arg6[%get3A_27, %get3A_28] : memref<1x256xf32, #tpu.memory_space<vmem>>, vector<1x256xf32>
    %mul3A = arith.mulf %add3A_18, %add3A_18 : vector<2048x256xf32>
    %reduce_sum3A_30 = arith.constant dense<0.000000e+00> : vector<256xf32>
    %reduce_sum3A_31 = vector.multi_reduction <add>, %mul3A, %reduce_sum3A_30 [0] : vector<2048x256xf32> to vector<256xf32>
    %broadcast_in_dim3A_32 = vector.shape_cast %reduce_sum3A_31 : vector<256xf32> to vector<1x256xf32>
    %add3A_33 = arith.addf %get3A_29, %broadcast_in_dim3A_32 : vector<1x256xf32>
    %swap3A_34 = arith.constant 0 : index
    %swap3A_35 = arith.constant 0 : index
    %swap3A_36 = vector.load %arg6[%swap3A_34, %swap3A_35] : memref<1x256xf32, #tpu.memory_space<vmem>>, vector<1x256xf32>
    tpu.vector_store %arg6[%swap3A_34, %swap3A_35], %add3A_33 {strides = array<i32>} : memref<1x256xf32, #tpu.memory_space<vmem>>, vector<1x256xf32>,
    return
  }
  func.func @transform_0(%arg0: i32) -> (i32, i32) {
    %c0_i32 = arith.constant 0 : i32
    %c0_i32_0 = arith.constant 0 : i32
    return %arg0, %c0_i32 : i32, i32
  }
  func.func @transform_1(%arg0: i32) -> (i32, i32) {
    %c0_i32 = arith.constant 0 : i32
    %c0_i32_0 = arith.constant 0 : i32
    return %arg0, %c0_i32 : i32, i32
  }
  func.func @transform_2(%arg0: i32) -> (i32, i32) {
    %c0_i32 = arith.constant 0 : i32
    %c0_i32_0 = arith.constant 0 : i32
    %c0_i32_1 = arith.constant 0 : i32
    return %c0_i32, %c0_i32_0 : i32, i32
  }
  func.func @transform_3(%arg0: i32) -> (i32, i32) {
    %c0_i32 = arith.constant 0 : i32
    %c0_i32_0 = arith.constant 0 : i32
    %c0_i32_1 = arith.constant 0 : i32
    return %c0_i32, %c0_i32_0 : i32, i32
  }
  func.func @transform_4(%arg0: i32) -> (i32, i32) {
    %c0_i32 = arith.constant 0 : i32
    %c0_i32_0 = arith.constant 0 : i32
    %c0_i32_1 = arith.constant 0 : i32
    return %c0_i32, %c0_i32_0 : i32, i32
  }
  func.func @transform_5(%arg0: i32) -> (i32, i32) {
    %c0_i32 = arith.constant 0 : i32
    %c0_i32_0 = arith.constant 0 : i32
    %c0_i32_1 = arith.constant 0 : i32
    return %c0_i32, %c0_i32_0 : i32, i32
  }
}

module attributes {stable_mosaic.version = 14 : i64} {
  func.func @_l1_body(%arg0: i32, %arg1: memref<2048x128xf32, #tpu.memory_space<vmem>>, %arg2: memref<64x128xf32, #tpu.memory_space<vmem>>, %arg3: memref<256x128xbf16, #tpu.memory_space<vmem>>, %arg4: memref<1x256xf32, #tpu.memory_space<vmem>>, %arg5: memref<1x256xf32, #tpu.memory_space<vmem>>, %arg6: memref<1x256xf32, #tpu.memory_space<vmem>>, %arg7: memref<2048x256xbf16, #tpu.memory_space<vmem>>) attributes {dimension_semantics = [#tpu.dimension_semantics<arbitrary>], iteration_bounds = array<i64: 64>, scalar_prefetch = 0 : i64, scratch_operands = 0 : i64, tpu.core_type = #tpu.core_type<tc>, window_params = [{transform_indices = @transform_0, window_bounds = array<i64: 2048, 128>}, {transform_indices = @transform_1, window_bounds = array<i64: 64, 128>}, {pipeline_mode = #tpu.pipeline_mode<synchronous>, transform_indices = @transform_2, window_bounds = array<i64: 256, 128>}, {pipeline_mode = #tpu.pipeline_mode<synchronous>, transform_indices = @transform_3, window_bounds = array<i64: 1, 256>}, {pipeline_mode = #tpu.pipeline_mode<synchronous>, transform_indices = @transform_4, window_bounds = array<i64: 1, 256>}, {pipeline_mode = #tpu.pipeline_mode<synchronous>, transform_indices = @transform_5, window_bounds = array<i64: 1, 256>}, {transform_indices = @transform_6, window_bounds = array<i64: 2048, 256>}]} {
    %get3A = arith.constant 0 : index
    %get3A_0 = arith.constant 0 : index
    %get3A_1 = vector.load %arg2[%get3A, %get3A_0] : memref<64x128xf32, #tpu.memory_space<vmem>>, vector<64x128xf32>
    %broadcast_in_dim3A = vector.shape_cast %get3A_1 : vector<64x128xf32> to vector<64x1x128xf32>
    %broadcast_in_dim3A_2 = vector.shape_cast %broadcast_in_dim3A : vector<64x1x128xf32> to vector<64x1x128xf32>
    %broadcast_in_dim3A_3 = vector.broadcast %broadcast_in_dim3A_2 : vector<64x1x128xf32> to vector<64x32x128xf32>
    %get3A_4 = arith.constant 0 : index
    %get3A_5 = arith.constant 0 : index
    %get3A_6 = vector.load %arg1[%get3A_4, %get3A_5] : memref<2048x128xf32, #tpu.memory_space<vmem>>, vector<2048x128xf32>
    %reshape3A = vector.shape_cast %broadcast_in_dim3A_3 : vector<64x32x128xf32> to vector<2048x128xf32>
    %add3A = arith.addf %get3A_6, %reshape3A : vector<2048x128xf32>
    %convert_element_type3A = arith.truncf %add3A : vector<2048x128xf32> to vector<2048x128xbf16>
    %get3A_7 = arith.constant 0 : index
    %get3A_8 = arith.constant 0 : index
    %get3A_9 = vector.load %arg3[%get3A_7, %get3A_8] : memref<256x128xbf16, #tpu.memory_space<vmem>>, vector<256x128xbf16>
    %dot_general3A = arith.constant dense<0.000000e+00> : vector<2048x256xf32>
    %dot_general3A_10 = tpu.matmul %convert_element_type3A, %get3A_9, %dot_general3A {dimension_numbers = #tpu.dot_dimension_numbers<[1], [1], [0], [0], [0, 0, 1, 0], [], []>, transpose_lhs_hint = false} : vector<2048x128xbf16>, vector<256x128xbf16>, vector<2048x256xf32> -> vector<2048x256xf32>
    %get3A_11 = arith.constant 0 : index
    %get3A_12 = arith.constant 0 : index
    %get3A_13 = vector.load %arg4[%get3A_11, %get3A_12] : memref<1x256xf32, #tpu.memory_space<vmem>>, vector<1x256xf32>
    %add3A_14 = vector.broadcast %get3A_13 : vector<1x256xf32> to vector<2048x256xf32>
    %add3A_15 = arith.addf %dot_general3A_10, %add3A_14 : vector<2048x256xf32>
    %get3A_16 = arith.constant 0 : index
    %get3A_17 = arith.constant 0 : index
    %get3A_18 = vector.load %arg5[%get3A_16, %get3A_17] : memref<1x256xf32, #tpu.memory_space<vmem>>, vector<1x256xf32>
    %mul3A = vector.broadcast %get3A_18 : vector<1x256xf32> to vector<2048x256xf32>
    %mul3A_19 = arith.mulf %add3A_15, %mul3A : vector<2048x256xf32>
    %get3A_20 = arith.constant 0 : index
    %get3A_21 = arith.constant 0 : index
    %get3A_22 = vector.load %arg6[%get3A_20, %get3A_21] : memref<1x256xf32, #tpu.memory_space<vmem>>, vector<1x256xf32>
    %add3A_23 = vector.broadcast %get3A_22 : vector<1x256xf32> to vector<2048x256xf32>
    %add3A_24 = arith.addf %mul3A_19, %add3A_23 : vector<2048x256xf32>
    %max3A = arith.constant 0.000000e+00 : f32
    %max3A_25 = vector.broadcast %max3A : f32 to vector<2048x256xf32>
    %max3A_26 = arith.maximumf %add3A_24, %max3A_25 : vector<2048x256xf32>
    %convert_element_type3A_27 = arith.truncf %max3A_26 : vector<2048x256xf32> to vector<2048x256xbf16>
    %swap3A = arith.constant 0 : index
    %swap3A_28 = arith.constant 0 : index
    %swap3A_29 = vector.load %arg7[%swap3A, %swap3A_28] : memref<2048x256xbf16, #tpu.memory_space<vmem>>, vector<2048x256xbf16>
    tpu.vector_store %arg7[%swap3A, %swap3A_28], %convert_element_type3A_27 {strides = array<i32>} : memref<2048x256xbf16, #tpu.memory_space<vmem>>, vector<2048x256xbf16>,
    return
  }
  func.func @transform_0(%arg0: i32) -> (i32, i32) {
    %c0_i32 = arith.constant 0 : i32
    %c0_i32_0 = arith.constant 0 : i32
    return %arg0, %c0_i32 : i32, i32
  }
  func.func @transform_1(%arg0: i32) -> (i32, i32) {
    %c0_i32 = arith.constant 0 : i32
    %c0_i32_0 = arith.constant 0 : i32
    return %arg0, %c0_i32 : i32, i32
  }
  func.func @transform_2(%arg0: i32) -> (i32, i32) {
    %c0_i32 = arith.constant 0 : i32
    %c0_i32_0 = arith.constant 0 : i32
    %c0_i32_1 = arith.constant 0 : i32
    return %c0_i32, %c0_i32_0 : i32, i32
  }
  func.func @transform_3(%arg0: i32) -> (i32, i32) {
    %c0_i32 = arith.constant 0 : i32
    %c0_i32_0 = arith.constant 0 : i32
    %c0_i32_1 = arith.constant 0 : i32
    return %c0_i32, %c0_i32_0 : i32, i32
  }
  func.func @transform_4(%arg0: i32) -> (i32, i32) {
    %c0_i32 = arith.constant 0 : i32
    %c0_i32_0 = arith.constant 0 : i32
    %c0_i32_1 = arith.constant 0 : i32
    return %c0_i32, %c0_i32_0 : i32, i32
  }
  func.func @transform_5(%arg0: i32) -> (i32, i32) {
    %c0_i32 = arith.constant 0 : i32
    %c0_i32_0 = arith.constant 0 : i32
    %c0_i32_1 = arith.constant 0 : i32
    return %c0_i32, %c0_i32_0 : i32, i32
  }
  func.func @transform_6(%arg0: i32) -> (i32, i32) {
    %c0_i32 = arith.constant 0 : i32
    %c0_i32_0 = arith.constant 0 : i32
    return %arg0, %c0_i32 : i32, i32
  }
}

module attributes {stable_mosaic.version = 14 : i64} {
  func.func @_sb_body(%arg0: i32, %arg1: memref<2048x256xbf16, #tpu.memory_space<vmem>>, %arg2: memref<512x256xbf16, #tpu.memory_space<vmem>>, %arg3: memref<1x512xf32, #tpu.memory_space<vmem>>, %arg4: memref<1x512xf32, #tpu.memory_space<vmem>>, %arg5: memref<1x512xf32, #tpu.memory_space<vmem>>) attributes {dimension_semantics = [#tpu.dimension_semantics<arbitrary>], iteration_bounds = array<i64: 64>, scalar_prefetch = 0 : i64, scratch_operands = 0 : i64, tpu.core_type = #tpu.core_type<tc>, window_params = [{transform_indices = @transform_0, window_bounds = array<i64: 2048, 256>}, {pipeline_mode = #tpu.pipeline_mode<synchronous>, transform_indices = @transform_1, window_bounds = array<i64: 512, 256>}, {pipeline_mode = #tpu.pipeline_mode<synchronous>, transform_indices = @transform_2, window_bounds = array<i64: 1, 512>}, {pipeline_mode = #tpu.pipeline_mode<synchronous>, transform_indices = @transform_3, window_bounds = array<i64: 1, 512>}, {pipeline_mode = #tpu.pipeline_mode<synchronous>, transform_indices = @transform_4, window_bounds = array<i64: 1, 512>}]} {
    %eq3A = arith.constant 0 : i32
    %eq3A_0 = arith.cmpi eq, %arg0, %eq3A : i32
    %convert_element_type3A = arith.extui %eq3A_0 : i1 to i32
    %cond3A = arith.constant 0 : i32
    %cond3A_1 = arith.cmpi ne, %convert_element_type3A, %cond3A : i32
    scf.if %cond3A_1 {
      %broadcast_in_dim3A_29 = arith.constant 0.000000e+00 : f32
      %broadcast_in_dim3A_30 = vector.broadcast %broadcast_in_dim3A_29 : f32 to vector<1x512xf32>
      %swap3A_31 = arith.constant 0 : index
      %swap3A_32 = arith.constant 0 : index
      %swap3A_33 = vector.load %arg4[%swap3A_31, %swap3A_32] : memref<1x512xf32, #tpu.memory_space<vmem>>, vector<1x512xf32>
      tpu.vector_store %arg4[%swap3A_31, %swap3A_32], %broadcast_in_dim3A_30 {strides = array<i32>} : memref<1x512xf32, #tpu.memory_space<vmem>>, vector<1x512xf32>,
      %broadcast_in_dim3A_34 = arith.constant 0.000000e+00 : f32
      %broadcast_in_dim3A_35 = vector.broadcast %broadcast_in_dim3A_34 : f32 to vector<1x512xf32>
      %swap3A_36 = arith.constant 0 : index
      %swap3A_37 = arith.constant 0 : index
      %swap3A_38 = vector.load %arg5[%swap3A_36, %swap3A_37] : memref<1x512xf32, #tpu.memory_space<vmem>>, vector<1x512xf32>
      tpu.vector_store %arg5[%swap3A_36, %swap3A_37], %broadcast_in_dim3A_35 {strides = array<i32>} : memref<1x512xf32, #tpu.memory_space<vmem>>, vector<1x512xf32>,
    } else {
    }
    %get3A = arith.constant 0 : index
    %get3A_2 = arith.constant 0 : index
    %get3A_3 = vector.load %arg1[%get3A, %get3A_2] : memref<2048x256xbf16, #tpu.memory_space<vmem>>, vector<2048x256xbf16>
    %get3A_4 = arith.constant 0 : index
    %get3A_5 = arith.constant 0 : index
    %get3A_6 = vector.load %arg2[%get3A_4, %get3A_5] : memref<512x256xbf16, #tpu.memory_space<vmem>>, vector<512x256xbf16>
    %dot_general3A = arith.constant dense<0.000000e+00> : vector<2048x512xf32>
    %dot_general3A_7 = tpu.matmul %get3A_3, %get3A_6, %dot_general3A {dimension_numbers = #tpu.dot_dimension_numbers<[1], [1], [0], [0], [0, 0, 1, 0], [], []>, transpose_lhs_hint = false} : vector<2048x256xbf16>, vector<512x256xbf16>, vector<2048x512xf32> -> vector<2048x512xf32>
    %get3A_8 = arith.constant 0 : index
    %get3A_9 = arith.constant 0 : index
    %get3A_10 = vector.load %arg3[%get3A_8, %get3A_9] : memref<1x512xf32, #tpu.memory_space<vmem>>, vector<1x512xf32>
    %add3A = vector.broadcast %get3A_10 : vector<1x512xf32> to vector<2048x512xf32>
    %add3A_11 = arith.addf %dot_general3A_7, %add3A : vector<2048x512xf32>
    %get3A_12 = arith.constant 0 : index
    %get3A_13 = arith.constant 0 : index
    %get3A_14 = vector.load %arg4[%get3A_12, %get3A_13] : memref<1x512xf32, #tpu.memory_space<vmem>>, vector<1x512xf32>
    %reduce_sum3A = arith.constant dense<0.000000e+00> : vector<512xf32>
    %reduce_sum3A_15 = vector.multi_reduction <add>, %add3A_11, %reduce_sum3A [0] : vector<2048x512xf32> to vector<512xf32>
    %broadcast_in_dim3A = vector.shape_cast %reduce_sum3A_15 : vector<512xf32> to vector<1x512xf32>
    %add3A_16 = arith.addf %get3A_14, %broadcast_in_dim3A : vector<1x512xf32>
    %swap3A = arith.constant 0 : index
    %swap3A_17 = arith.constant 0 : index
    %swap3A_18 = vector.load %arg4[%swap3A, %swap3A_17] : memref<1x512xf32, #tpu.memory_space<vmem>>, vector<1x512xf32>
    tpu.vector_store %arg4[%swap3A, %swap3A_17], %add3A_16 {strides = array<i32>} : memref<1x512xf32, #tpu.memory_space<vmem>>, vector<1x512xf32>,
    %get3A_19 = arith.constant 0 : index
    %get3A_20 = arith.constant 0 : index
    %get3A_21 = vector.load %arg5[%get3A_19, %get3A_20] : memref<1x512xf32, #tpu.memory_space<vmem>>, vector<1x512xf32>
    %mul3A = arith.mulf %add3A_11, %add3A_11 : vector<2048x512xf32>
    %reduce_sum3A_22 = arith.constant dense<0.000000e+00> : vector<512xf32>
    %reduce_sum3A_23 = vector.multi_reduction <add>, %mul3A, %reduce_sum3A_22 [0] : vector<2048x512xf32> to vector<512xf32>
    %broadcast_in_dim3A_24 = vector.shape_cast %reduce_sum3A_23 : vector<512xf32> to vector<1x512xf32>
    %add3A_25 = arith.addf %get3A_21, %broadcast_in_dim3A_24 : vector<1x512xf32>
    %swap3A_26 = arith.constant 0 : index
    %swap3A_27 = arith.constant 0 : index
    %swap3A_28 = vector.load %arg5[%swap3A_26, %swap3A_27] : memref<1x512xf32, #tpu.memory_space<vmem>>, vector<1x512xf32>
    tpu.vector_store %arg5[%swap3A_26, %swap3A_27], %add3A_25 {strides = array<i32>} : memref<1x512xf32, #tpu.memory_space<vmem>>, vector<1x512xf32>,
    return
  }
  func.func @transform_0(%arg0: i32) -> (i32, i32) {
    %c0_i32 = arith.constant 0 : i32
    %c0_i32_0 = arith.constant 0 : i32
    return %arg0, %c0_i32 : i32, i32
  }
  func.func @transform_1(%arg0: i32) -> (i32, i32) {
    %c0_i32 = arith.constant 0 : i32
    %c0_i32_0 = arith.constant 0 : i32
    %c0_i32_1 = arith.constant 0 : i32
    return %c0_i32, %c0_i32_0 : i32, i32
  }
  func.func @transform_2(%arg0: i32) -> (i32, i32) {
    %c0_i32 = arith.constant 0 : i32
    %c0_i32_0 = arith.constant 0 : i32
    %c0_i32_1 = arith.constant 0 : i32
    return %c0_i32, %c0_i32_0 : i32, i32
  }
  func.func @transform_3(%arg0: i32) -> (i32, i32) {
    %c0_i32 = arith.constant 0 : i32
    %c0_i32_0 = arith.constant 0 : i32
    %c0_i32_1 = arith.constant 0 : i32
    return %c0_i32, %c0_i32_0 : i32, i32
  }
  func.func @transform_4(%arg0: i32) -> (i32, i32) {
    %c0_i32 = arith.constant 0 : i32
    %c0_i32_0 = arith.constant 0 : i32
    %c0_i32_1 = arith.constant 0 : i32
    return %c0_i32, %c0_i32_0 : i32, i32
  }
}

module attributes {stable_mosaic.version = 14 : i64} {
  func.func @_mid_body(%arg0: i32, %arg1: memref<2048x256xbf16, #tpu.memory_space<vmem>>, %arg2: memref<512x256xbf16, #tpu.memory_space<vmem>>, %arg3: memref<1x512xf32, #tpu.memory_space<vmem>>, %arg4: memref<1x512xf32, #tpu.memory_space<vmem>>, %arg5: memref<1x512xf32, #tpu.memory_space<vmem>>, %arg6: memref<384x512xbf16, #tpu.memory_space<vmem>>, %arg7: memref<1x384xf32, #tpu.memory_space<vmem>>, %arg8: memref<768x384xbf16, #tpu.memory_space<vmem>>, %arg9: memref<768x384xbf16, #tpu.memory_space<vmem>>, %arg10: memref<1x768xf32, #tpu.memory_space<vmem>>, %arg11: memref<2048x384xbf16, #tpu.memory_space<vmem>>, %arg12: memref<64x384xbf16, #tpu.memory_space<vmem>>, %arg13: memref<1x768xf32, #tpu.memory_space<vmem>>, %arg14: memref<1x768xf32, #tpu.memory_space<vmem>>) attributes {dimension_semantics = [#tpu.dimension_semantics<arbitrary>], iteration_bounds = array<i64: 64>, scalar_prefetch = 0 : i64, scratch_operands = 0 : i64, tpu.core_type = #tpu.core_type<tc>, window_params = [{transform_indices = @transform_0, window_bounds = array<i64: 2048, 256>}, {pipeline_mode = #tpu.pipeline_mode<synchronous>, transform_indices = @transform_1, window_bounds = array<i64: 512, 256>}, {pipeline_mode = #tpu.pipeline_mode<synchronous>, transform_indices = @transform_2, window_bounds = array<i64: 1, 512>}, {pipeline_mode = #tpu.pipeline_mode<synchronous>, transform_indices = @transform_3, window_bounds = array<i64: 1, 512>}, {pipeline_mode = #tpu.pipeline_mode<synchronous>, transform_indices = @transform_4, window_bounds = array<i64: 1, 512>}, {pipeline_mode = #tpu.pipeline_mode<synchronous>, transform_indices = @transform_5, window_bounds = array<i64: 384, 512>}, {pipeline_mode = #tpu.pipeline_mode<synchronous>, transform_indices = @transform_6, window_bounds = array<i64: 1, 384>}, {pipeline_mode = #tpu.pipeline_mode<synchronous>, transform_indices = @transform_7, window_bounds = array<i64: 768, 384>}, {pipeline_mode = #tpu.pipeline_mode<synchronous>, transform_indices = @transform_8, window_bounds = array<i64: 768, 384>}, {pipeline_mode = #tpu.pipeline_mode<synchronous>, transform_indices = @transform_9, window_bounds = array<i64: 1, 768>}, {transform_indices = @transform_10, window_bounds = array<i64: 2048, 384>}, {transform_indices = @transform_11, window_bounds = array<i64: 64, 384>}, {pipeline_mode = #tpu.pipeline_mode<synchronous>, transform_indices = @transform_12, window_bounds = array<i64: 1, 768>}, {pipeline_mode = #tpu.pipeline_mode<synchronous>, transform_indices = @transform_13, window_bounds = array<i64: 1, 768>}]} {
    %eq3A = arith.constant 0 : i32
    %eq3A_0 = arith.cmpi eq, %arg0, %eq3A : i32
    %convert_element_type3A = arith.extui %eq3A_0 : i1 to i32
    %cond3A = arith.constant 0 : i32
    %cond3A_1 = arith.cmpi ne, %convert_element_type3A, %cond3A : i32
    scf.if %cond3A_1 {
      %broadcast_in_dim3A_80 = arith.constant 0.000000e+00 : f32
      %broadcast_in_dim3A_81 = vector.broadcast %broadcast_in_dim3A_80 : f32 to vector<1x768xf32>
      %swap3A_82 = arith.constant 0 : index
      %swap3A_83 = arith.constant 0 : index
      %swap3A_84 = vector.load %arg13[%swap3A_82, %swap3A_83] : memref<1x768xf32, #tpu.memory_space<vmem>>, vector<1x768xf32>
      tpu.vector_store %arg13[%swap3A_82, %swap3A_83], %broadcast_in_dim3A_81 {strides = array<i32>} : memref<1x768xf32, #tpu.memory_space<vmem>>, vector<1x768xf32>,
      %broadcast_in_dim3A_85 = arith.constant 0.000000e+00 : f32
      %broadcast_in_dim3A_86 = vector.broadcast %broadcast_in_dim3A_85 : f32 to vector<1x768xf32>
      %swap3A_87 = arith.constant 0 : index
      %swap3A_88 = arith.constant 0 : index
      %swap3A_89 = vector.load %arg14[%swap3A_87, %swap3A_88] : memref<1x768xf32, #tpu.memory_space<vmem>>, vector<1x768xf32>
      tpu.vector_store %arg14[%swap3A_87, %swap3A_88], %broadcast_in_dim3A_86 {strides = array<i32>} : memref<1x768xf32, #tpu.memory_space<vmem>>, vector<1x768xf32>,
    } else {
    }
    %get3A = arith.constant 0 : index
    %get3A_2 = arith.constant 0 : index
    %get3A_3 = vector.load %arg1[%get3A, %get3A_2] : memref<2048x256xbf16, #tpu.memory_space<vmem>>, vector<2048x256xbf16>
    %get3A_4 = arith.constant 0 : index
    %get3A_5 = arith.constant 0 : index
    %get3A_6 = vector.load %arg2[%get3A_4, %get3A_5] : memref<512x256xbf16, #tpu.memory_space<vmem>>, vector<512x256xbf16>
    %dot_general3A = arith.constant dense<0.000000e+00> : vector<2048x512xf32>
    %dot_general3A_7 = tpu.matmul %get3A_3, %get3A_6, %dot_general3A {dimension_numbers = #tpu.dot_dimension_numbers<[1], [1], [0], [0], [0, 0, 1, 0], [], []>, transpose_lhs_hint = false} : vector<2048x256xbf16>, vector<512x256xbf16>, vector<2048x512xf32> -> vector<2048x512xf32>
    %get3A_8 = arith.constant 0 : index
    %get3A_9 = arith.constant 0 : index
    %get3A_10 = vector.load %arg3[%get3A_8, %get3A_9] : memref<1x512xf32, #tpu.memory_space<vmem>>, vector<1x512xf32>
    %add3A = vector.broadcast %get3A_10 : vector<1x512xf32> to vector<2048x512xf32>
    %add3A_11 = arith.addf %dot_general3A_7, %add3A : vector<2048x512xf32>
    %get3A_12 = arith.constant 0 : index
    %get3A_13 = arith.constant 0 : index
    %get3A_14 = vector.load %arg4[%get3A_12, %get3A_13] : memref<1x512xf32, #tpu.memory_space<vmem>>, vector<1x512xf32>
    %mul3A = vector.broadcast %get3A_14 : vector<1x512xf32> to vector<2048x512xf32>
    %mul3A_15 = arith.mulf %add3A_11, %mul3A : vector<2048x512xf32>
    %get3A_16 = arith.constant 0 : index
    %get3A_17 = arith.constant 0 : index
    %get3A_18 = vector.load %arg5[%get3A_16, %get3A_17] : memref<1x512xf32, #tpu.memory_space<vmem>>, vector<1x512xf32>
    %add3A_19 = vector.broadcast %get3A_18 : vector<1x512xf32> to vector<2048x512xf32>
    %add3A_20 = arith.addf %mul3A_15, %add3A_19 : vector<2048x512xf32>
    %max3A = arith.constant 0.000000e+00 : f32
    %max3A_21 = vector.broadcast %max3A : f32 to vector<2048x512xf32>
    %max3A_22 = arith.maximumf %add3A_20, %max3A_21 : vector<2048x512xf32>
    %convert_element_type3A_23 = arith.truncf %max3A_22 : vector<2048x512xf32> to vector<2048x512xbf16>
    %get3A_24 = arith.constant 0 : index
    %get3A_25 = arith.constant 0 : index
    %get3A_26 = vector.load %arg6[%get3A_24, %get3A_25] : memref<384x512xbf16, #tpu.memory_space<vmem>>, vector<384x512xbf16>
    %dot_general3A_27 = arith.constant dense<0.000000e+00> : vector<2048x384xf32>
    %dot_general3A_28 = tpu.matmul %convert_element_type3A_23, %get3A_26, %dot_general3A_27 {dimension_numbers = #tpu.dot_dimension_numbers<[1], [1], [0], [0], [0, 0, 1, 0], [], []>, transpose_lhs_hint = false} : vector<2048x512xbf16>, vector<384x512xbf16>, vector<2048x384xf32> -> vector<2048x384xf32>
    %get3A_29 = arith.constant 0 : index
    %get3A_30 = arith.constant 0 : index
    %get3A_31 = vector.load %arg7[%get3A_29, %get3A_30] : memref<1x384xf32, #tpu.memory_space<vmem>>, vector<1x384xf32>
    %add3A_32 = vector.broadcast %get3A_31 : vector<1x384xf32> to vector<2048x384xf32>
    %add3A_33 = arith.addf %dot_general3A_28, %add3A_32 : vector<2048x384xf32>
    %convert_element_type3A_34 = arith.truncf %add3A_33 : vector<2048x384xf32> to vector<2048x384xbf16>
    %swap3A = arith.constant 0 : index
    %swap3A_35 = arith.constant 0 : index
    %swap3A_36 = vector.load %arg11[%swap3A, %swap3A_35] : memref<2048x384xbf16, #tpu.memory_space<vmem>>, vector<2048x384xbf16>
    tpu.vector_store %arg11[%swap3A, %swap3A_35], %convert_element_type3A_34 {strides = array<i32>} : memref<2048x384xbf16, #tpu.memory_space<vmem>>, vector<2048x384xbf16>,
    %reshape3A = vector.shape_cast %convert_element_type3A_34 : vector<2048x384xbf16> to vector<64x32x384xbf16>
    %reduce_max3A = arith.constant dense<0xFF80> : vector<64x384xbf16>
    %reduce_max3A_37 = vector.multi_reduction <maximumf>, %reshape3A, %reduce_max3A [1] : vector<64x32x384xbf16> to vector<64x384xbf16>
    %swap3A_38 = arith.constant 0 : index
    %swap3A_39 = arith.constant 0 : index
    %swap3A_40 = vector.load %arg12[%swap3A_38, %swap3A_39] : memref<64x384xbf16, #tpu.memory_space<vmem>>, vector<64x384xbf16>
    tpu.vector_store %arg12[%swap3A_38, %swap3A_39], %reduce_max3A_37 {strides = array<i32>} : memref<64x384xbf16, #tpu.memory_space<vmem>>, vector<64x384xbf16>,
    %get3A_41 = arith.constant 0 : index
    %get3A_42 = arith.constant 0 : index
    %get3A_43 = vector.load %arg8[%get3A_41, %get3A_42] : memref<768x384xbf16, #tpu.memory_space<vmem>>, vector<768x384xbf16>
    %dot_general3A_44 = arith.constant dense<0.000000e+00> : vector<64x768xf32>
    %dot_general3A_45 = tpu.matmul %reduce_max3A_37, %get3A_43, %dot_general3A_44 {dimension_numbers = #tpu.dot_dimension_numbers<[1], [1], [0], [0], [0, 0, 1, 0], [], []>, transpose_lhs_hint = false} : vector<64x384xbf16>, vector<768x384xbf16>, vector<64x768xf32> -> vector<64x768xf32>
    %broadcast_in_dim3A = vector.shape_cast %dot_general3A_45 : vector<64x768xf32> to vector<64x1x768xf32>
    %broadcast_in_dim3A_46 = vector.shape_cast %broadcast_in_dim3A : vector<64x1x768xf32> to vector<64x1x768xf32>
    %broadcast_in_dim3A_47 = vector.broadcast %broadcast_in_dim3A_46 : vector<64x1x768xf32> to vector<64x32x768xf32>
    %reshape3A_48 = vector.shape_cast %broadcast_in_dim3A_47 : vector<64x32x768xf32> to vector<2048x768xf32>
    %get3A_49 = arith.constant 0 : index
    %get3A_50 = arith.constant 0 : index
    %get3A_51 = vector.load %arg9[%get3A_49, %get3A_50] : memref<768x384xbf16, #tpu.memory_space<vmem>>, vector<768x384xbf16>
    %dot_general3A_52 = arith.constant dense<0.000000e+00> : vector<2048x768xf32>
    %dot_general3A_53 = tpu.matmul %convert_element_type3A_34, %get3A_51, %dot_general3A_52 {dimension_numbers = #tpu.dot_dimension_numbers<[1], [1], [0], [0], [0, 0, 1, 0], [], []>, transpose_lhs_hint = false} : vector<2048x384xbf16>, vector<768x384xbf16>, vector<2048x768xf32> -> vector<2048x768xf32>
    %add3A_54 = arith.addf %reshape3A_48, %dot_general3A_53 : vector<2048x768xf32>
    %get3A_55 = arith.constant 0 : index
    %get3A_56 = arith.constant 0 : index
    %get3A_57 = vector.load %arg10[%get3A_55, %get3A_56] : memref<1x768xf32, #tpu.memory_space<vmem>>, vector<1x768xf32>
    %add3A_58 = vector.broadcast %get3A_57 : vector<1x768xf32> to vector<2048x768xf32>
    %add3A_59 = arith.addf %add3A_54, %add3A_58 : vector<2048x768xf32>
    %get3A_60 = arith.constant 0 : index
    %get3A_61 = arith.constant 0 : index
    %get3A_62 = vector.load %arg13[%get3A_60, %get3A_61] : memref<1x768xf32, #tpu.memory_space<vmem>>, vector<1x768xf32>
    %reduce_sum3A = arith.constant dense<0.000000e+00> : vector<768xf32>
    %reduce_sum3A_63 = vector.multi_reduction <add>, %add3A_59, %reduce_sum3A [0] : vector<2048x768xf32> to vector<768xf32>
    %broadcast_in_dim3A_64 = vector.shape_cast %reduce_sum3A_63 : vector<768xf32> to vector<1x768xf32>
    %add3A_65 = arith.addf %get3A_62, %broadcast_in_dim3A_64 : vector<1x768xf32>
    %swap3A_66 = arith.constant 0 : index
    %swap3A_67 = arith.constant 0 : index
    %swap3A_68 = vector.load %arg13[%swap3A_66, %swap3A_67] : memref<1x768xf32, #tpu.memory_space<vmem>>, vector<1x768xf32>
    tpu.vector_store %arg13[%swap3A_66, %swap3A_67], %add3A_65 {strides = array<i32>} : memref<1x768xf32, #tpu.memory_space<vmem>>, vector<1x768xf32>,
    %get3A_69 = arith.constant 0 : index
    %get3A_70 = arith.constant 0 : index
    %get3A_71 = vector.load %arg14[%get3A_69, %get3A_70] : memref<1x768xf32, #tpu.memory_space<vmem>>, vector<1x768xf32>
    %mul3A_72 = arith.mulf %add3A_59, %add3A_59 : vector<2048x768xf32>
    %reduce_sum3A_73 = arith.constant dense<0.000000e+00> : vector<768xf32>
    %reduce_sum3A_74 = vector.multi_reduction <add>, %mul3A_72, %reduce_sum3A_73 [0] : vector<2048x768xf32> to vector<768xf32>
    %broadcast_in_dim3A_75 = vector.shape_cast %reduce_sum3A_74 : vector<768xf32> to vector<1x768xf32>
    %add3A_76 = arith.addf %get3A_71, %broadcast_in_dim3A_75 : vector<1x768xf32>
    %swap3A_77 = arith.constant 0 : index
    %swap3A_78 = arith.constant 0 : index
    %swap3A_79 = vector.load %arg14[%swap3A_77, %swap3A_78] : memref<1x768xf32, #tpu.memory_space<vmem>>, vector<1x768xf32>
    tpu.vector_store %arg14[%swap3A_77, %swap3A_78], %add3A_76 {strides = array<i32>} : memref<1x768xf32, #tpu.memory_space<vmem>>, vector<1x768xf32>,
    return
  }
  func.func @transform_0(%arg0: i32) -> (i32, i32) {
    %c0_i32 = arith.constant 0 : i32
    %c0_i32_0 = arith.constant 0 : i32
    return %arg0, %c0_i32 : i32, i32
  }
  func.func @transform_1(%arg0: i32) -> (i32, i32) {
    %c0_i32 = arith.constant 0 : i32
    %c0_i32_0 = arith.constant 0 : i32
    %c0_i32_1 = arith.constant 0 : i32
    return %c0_i32, %c0_i32_0 : i32, i32
  }
  func.func @transform_2(%arg0: i32) -> (i32, i32) {
    %c0_i32 = arith.constant 0 : i32
    %c0_i32_0 = arith.constant 0 : i32
    %c0_i32_1 = arith.constant 0 : i32
    return %c0_i32, %c0_i32_0 : i32, i32
  }
  func.func @transform_3(%arg0: i32) -> (i32, i32) {
    %c0_i32 = arith.constant 0 : i32
    %c0_i32_0 = arith.constant 0 : i32
    %c0_i32_1 = arith.constant 0 : i32
    return %c0_i32, %c0_i32_0 : i32, i32
  }
  func.func @transform_4(%arg0: i32) -> (i32, i32) {
    %c0_i32 = arith.constant 0 : i32
    %c0_i32_0 = arith.constant 0 : i32
    %c0_i32_1 = arith.constant 0 : i32
    return %c0_i32, %c0_i32_0 : i32, i32
  }
  func.func @transform_5(%arg0: i32) -> (i32, i32) {
    %c0_i32 = arith.constant 0 : i32
    %c0_i32_0 = arith.constant 0 : i32
    %c0_i32_1 = arith.constant 0 : i32
    return %c0_i32, %c0_i32_0 : i32, i32
  }
  func.func @transform_6(%arg0: i32) -> (i32, i32) {
    %c0_i32 = arith.constant 0 : i32
    %c0_i32_0 = arith.constant 0 : i32
    %c0_i32_1 = arith.constant 0 : i32
    return %c0_i32, %c0_i32_0 : i32, i32
  }
  func.func @transform_7(%arg0: i32) -> (i32, i32) {
    %c0_i32 = arith.constant 0 : i32
    %c0_i32_0 = arith.constant 0 : i32
    %c0_i32_1 = arith.constant 0 : i32
    return %c0_i32, %c0_i32_0 : i32, i32
  }
  func.func @transform_8(%arg0: i32) -> (i32, i32) {
    %c0_i32 = arith.constant 0 : i32
    %c0_i32_0 = arith.constant 0 : i32
    %c0_i32_1 = arith.constant 0 : i32
    return %c0_i32, %c0_i32_0 : i32, i32
  }
  func.func @transform_9(%arg0: i32) -> (i32, i32) {
    %c0_i32 = arith.constant 0 : i32
    %c0_i32_0 = arith.constant 0 : i32
    %c0_i32_1 = arith.constant 0 : i32
    return %c0_i32, %c0_i32_0 : i32, i32
  }
  func.func @transform_10(%arg0: i32) -> (i32, i32) {
    %c0_i32 = arith.constant 0 : i32
    %c0_i32_0 = arith.constant 0 : i32
    return %arg0, %c0_i32 : i32, i32
  }
  func.func @transform_11(%arg0: i32) -> (i32, i32) {
    %c0_i32 = arith.constant 0 : i32
    %c0_i32_0 = arith.constant 0 : i32
    return %arg0, %c0_i32 : i32, i32
  }
  func.func @transform_12(%arg0: i32) -> (i32, i32) {
    %c0_i32 = arith.constant 0 : i32
    %c0_i32_0 = arith.constant 0 : i32
    %c0_i32_1 = arith.constant 0 : i32
    return %c0_i32, %c0_i32_0 : i32, i32
  }
  func.func @transform_13(%arg0: i32) -> (i32, i32) {
    %c0_i32 = arith.constant 0 : i32
    %c0_i32_0 = arith.constant 0 : i32
    %c0_i32_1 = arith.constant 0 : i32
    return %c0_i32, %c0_i32_0 : i32, i32
  }
}

module attributes {stable_mosaic.version = 14 : i64} {
  func.func @_fin_body(%arg0: i32, %arg1: memref<2048x384xbf16, #tpu.memory_space<vmem>>, %arg2: memref<64x384xbf16, #tpu.memory_space<vmem>>, %arg3: memref<768x384xbf16, #tpu.memory_space<vmem>>, %arg4: memref<768x384xbf16, #tpu.memory_space<vmem>>, %arg5: memref<1x768xf32, #tpu.memory_space<vmem>>, %arg6: memref<1x768xf32, #tpu.memory_space<vmem>>, %arg7: memref<1x768xf32, #tpu.memory_space<vmem>>, %arg8: memref<384x768xbf16, #tpu.memory_space<vmem>>, %arg9: memref<1x384xf32, #tpu.memory_space<vmem>>, %arg10: memref<64x384xf32, #tpu.memory_space<vmem>>) attributes {dimension_semantics = [#tpu.dimension_semantics<arbitrary>], iteration_bounds = array<i64: 64>, scalar_prefetch = 0 : i64, scratch_operands = 0 : i64, tpu.core_type = #tpu.core_type<tc>, window_params = [{transform_indices = @transform_0, window_bounds = array<i64: 2048, 384>}, {transform_indices = @transform_1, window_bounds = array<i64: 64, 384>}, {pipeline_mode = #tpu.pipeline_mode<synchronous>, transform_indices = @transform_2, window_bounds = array<i64: 768, 384>}, {pipeline_mode = #tpu.pipeline_mode<synchronous>, transform_indices = @transform_3, window_bounds = array<i64: 768, 384>}, {pipeline_mode = #tpu.pipeline_mode<synchronous>, transform_indices = @transform_4, window_bounds = array<i64: 1, 768>}, {pipeline_mode = #tpu.pipeline_mode<synchronous>, transform_indices = @transform_5, window_bounds = array<i64: 1, 768>}, {pipeline_mode = #tpu.pipeline_mode<synchronous>, transform_indices = @transform_6, window_bounds = array<i64: 1, 768>}, {pipeline_mode = #tpu.pipeline_mode<synchronous>, transform_indices = @transform_7, window_bounds = array<i64: 384, 768>}, {pipeline_mode = #tpu.pipeline_mode<synchronous>, transform_indices = @transform_8, window_bounds = array<i64: 1, 384>}, {transform_indices = @transform_9, window_bounds = array<i64: 64, 384>}]} {
    %get3A = arith.constant 0 : index
    %get3A_0 = arith.constant 0 : index
    %get3A_1 = vector.load %arg2[%get3A, %get3A_0] : memref<64x384xbf16, #tpu.memory_space<vmem>>, vector<64x384xbf16>
    %get3A_2 = arith.constant 0 : index
    %get3A_3 = arith.constant 0 : index
    %get3A_4 = vector.load %arg3[%get3A_2, %get3A_3] : memref<768x384xbf16, #tpu.memory_space<vmem>>, vector<768x384xbf16>
    %dot_general3A = arith.constant dense<0.000000e+00> : vector<64x768xf32>
    %dot_general3A_5 = tpu.matmul %get3A_1, %get3A_4, %dot_general3A {dimension_numbers = #tpu.dot_dimension_numbers<[1], [1], [0], [0], [0, 0, 1, 0], [], []>, transpose_lhs_hint = false} : vector<64x384xbf16>, vector<768x384xbf16>, vector<64x768xf32> -> vector<64x768xf32>
    %broadcast_in_dim3A = vector.shape_cast %dot_general3A_5 : vector<64x768xf32> to vector<64x1x768xf32>
    %broadcast_in_dim3A_6 = vector.shape_cast %broadcast_in_dim3A : vector<64x1x768xf32> to vector<64x1x768xf32>
    %broadcast_in_dim3A_7 = vector.broadcast %broadcast_in_dim3A_6 : vector<64x1x768xf32> to vector<64x32x768xf32>
    %reshape3A = vector.shape_cast %broadcast_in_dim3A_7 : vector<64x32x768xf32> to vector<2048x768xf32>
    %get3A_8 = arith.constant 0 : index
    %get3A_9 = arith.constant 0 : index
    %get3A_10 = vector.load %arg1[%get3A_8, %get3A_9] : memref<2048x384xbf16, #tpu.memory_space<vmem>>, vector<2048x384xbf16>
    %get3A_11 = arith.constant 0 : index
    %get3A_12 = arith.constant 0 : index
    %get3A_13 = vector.load %arg4[%get3A_11, %get3A_12] : memref<768x384xbf16, #tpu.memory_space<vmem>>, vector<768x384xbf16>
    %dot_general3A_14 = arith.constant dense<0.000000e+00> : vector<2048x768xf32>
    %dot_general3A_15 = tpu.matmul %get3A_10, %get3A_13, %dot_general3A_14 {dimension_numbers = #tpu.dot_dimension_numbers<[1], [1], [0], [0], [0, 0, 1, 0], [], []>, transpose_lhs_hint = false} : vector<2048x384xbf16>, vector<768x384xbf16>, vector<2048x768xf32> -> vector<2048x768xf32>
    %add3A = arith.addf %reshape3A, %dot_general3A_15 : vector<2048x768xf32>
    %get3A_16 = arith.constant 0 : index
    %get3A_17 = arith.constant 0 : index
    %get3A_18 = vector.load %arg5[%get3A_16, %get3A_17] : memref<1x768xf32, #tpu.memory_space<vmem>>, vector<1x768xf32>
    %add3A_19 = vector.broadcast %get3A_18 : vector<1x768xf32> to vector<2048x768xf32>
    %add3A_20 = arith.addf %add3A, %add3A_19 : vector<2048x768xf32>
    %get3A_21 = arith.constant 0 : index
    %get3A_22 = arith.constant 0 : index
    %get3A_23 = vector.load %arg6[%get3A_21, %get3A_22] : memref<1x768xf32, #tpu.memory_space<vmem>>, vector<1x768xf32>
    %mul3A = vector.broadcast %get3A_23 : vector<1x768xf32> to vector<2048x768xf32>
    %mul3A_24 = arith.mulf %add3A_20, %mul3A : vector<2048x768xf32>
    %get3A_25 = arith.constant 0 : index
    %get3A_26 = arith.constant 0 : index
    %get3A_27 = vector.load %arg7[%get3A_25, %get3A_26] : memref<1x768xf32, #tpu.memory_space<vmem>>, vector<1x768xf32>
    %add3A_28 = vector.broadcast %get3A_27 : vector<1x768xf32> to vector<2048x768xf32>
    %add3A_29 = arith.addf %mul3A_24, %add3A_28 : vector<2048x768xf32>
    %max3A = arith.constant 0.000000e+00 : f32
    %max3A_30 = vector.broadcast %max3A : f32 to vector<2048x768xf32>
    %max3A_31 = arith.maximumf %add3A_29, %max3A_30 : vector<2048x768xf32>
    %convert_element_type3A = arith.truncf %max3A_31 : vector<2048x768xf32> to vector<2048x768xbf16>
    %get3A_32 = arith.constant 0 : index
    %get3A_33 = arith.constant 0 : index
    %get3A_34 = vector.load %arg8[%get3A_32, %get3A_33] : memref<384x768xbf16, #tpu.memory_space<vmem>>, vector<384x768xbf16>
    %dot_general3A_35 = arith.constant dense<0.000000e+00> : vector<2048x384xf32>
    %dot_general3A_36 = tpu.matmul %convert_element_type3A, %get3A_34, %dot_general3A_35 {dimension_numbers = #tpu.dot_dimension_numbers<[1], [1], [0], [0], [0, 0, 1, 0], [], []>, transpose_lhs_hint = false} : vector<2048x768xbf16>, vector<384x768xbf16>, vector<2048x384xf32> -> vector<2048x384xf32>
    %get3A_37 = arith.constant 0 : index
    %get3A_38 = arith.constant 0 : index
    %get3A_39 = vector.load %arg9[%get3A_37, %get3A_38] : memref<1x384xf32, #tpu.memory_space<vmem>>, vector<1x384xf32>
    %add3A_40 = vector.broadcast %get3A_39 : vector<1x384xf32> to vector<2048x384xf32>
    %add3A_41 = arith.addf %dot_general3A_36, %add3A_40 : vector<2048x384xf32>
    %reshape3A_42 = vector.shape_cast %add3A_41 : vector<2048x384xf32> to vector<64x32x384xf32>
    %reduce_max3A = arith.constant dense<0xFF800000> : vector<64x384xf32>
    %reduce_max3A_43 = vector.multi_reduction <maximumf>, %reshape3A_42, %reduce_max3A [1] : vector<64x32x384xf32> to vector<64x384xf32>
    %swap3A = arith.constant 0 : index
    %swap3A_44 = arith.constant 0 : index
    %swap3A_45 = vector.load %arg10[%swap3A, %swap3A_44] : memref<64x384xf32, #tpu.memory_space<vmem>>, vector<64x384xf32>
    tpu.vector_store %arg10[%swap3A, %swap3A_44], %reduce_max3A_43 {strides = array<i32>} : memref<64x384xf32, #tpu.memory_space<vmem>>, vector<64x384xf32>,
    return
  }
  func.func @transform_0(%arg0: i32) -> (i32, i32) {
    %c0_i32 = arith.constant 0 : i32
    %c0_i32_0 = arith.constant 0 : i32
    return %arg0, %c0_i32 : i32, i32
  }
  func.func @transform_1(%arg0: i32) -> (i32, i32) {
    %c0_i32 = arith.constant 0 : i32
    %c0_i32_0 = arith.constant 0 : i32
    return %arg0, %c0_i32 : i32, i32
  }
  func.func @transform_2(%arg0: i32) -> (i32, i32) {
    %c0_i32 = arith.constant 0 : i32
    %c0_i32_0 = arith.constant 0 : i32
    %c0_i32_1 = arith.constant 0 : i32
    return %c0_i32, %c0_i32_0 : i32, i32
  }
  func.func @transform_3(%arg0: i32) -> (i32, i32) {
    %c0_i32 = arith.constant 0 : i32
    %c0_i32_0 = arith.constant 0 : i32
    %c0_i32_1 = arith.constant 0 : i32
    return %c0_i32, %c0_i32_0 : i32, i32
  }
  func.func @transform_4(%arg0: i32) -> (i32, i32) {
    %c0_i32 = arith.constant 0 : i32
    %c0_i32_0 = arith.constant 0 : i32
    %c0_i32_1 = arith.constant 0 : i32
    return %c0_i32, %c0_i32_0 : i32, i32
  }
  func.func @transform_5(%arg0: i32) -> (i32, i32) {
    %c0_i32 = arith.constant 0 : i32
    %c0_i32_0 = arith.constant 0 : i32
    %c0_i32_1 = arith.constant 0 : i32
    return %c0_i32, %c0_i32_0 : i32, i32
  }
  func.func @transform_6(%arg0: i32) -> (i32, i32) {
    %c0_i32 = arith.constant 0 : i32
    %c0_i32_0 = arith.constant 0 : i32
    %c0_i32_1 = arith.constant 0 : i32
    return %c0_i32, %c0_i32_0 : i32, i32
  }
  func.func @transform_7(%arg0: i32) -> (i32, i32) {
    %c0_i32 = arith.constant 0 : i32
    %c0_i32_0 = arith.constant 0 : i32
    %c0_i32_1 = arith.constant 0 : i32
    return %c0_i32, %c0_i32_0 : i32, i32
  }
  func.func @transform_8(%arg0: i32) -> (i32, i32) {
    %c0_i32 = arith.constant 0 : i32
    %c0_i32_0 = arith.constant 0 : i32
    %c0_i32_1 = arith.constant 0 : i32
    return %c0_i32, %c0_i32_0 : i32, i32
  }
  func.func @transform_9(%arg0: i32) -> (i32, i32) {
    %c0_i32 = arith.constant 0 : i32
    %c0_i32_0 = arith.constant 0 : i32
    return %arg0, %c0_i32 : i32, i32
  }
}

</mosaic_0001>

<sc_bundles>
// kernel: kernel.12.cloned.1.call-start
scs
__scs_entry_jumppad:
0x0: {  	(pc) =	sbr.rel $0x88, $3  }
0x1: {  	(tag) =	ssettag $0x0;
	lr =	simm.s32 $0x1  }
0x2: {  	[smem:$0x3F90] =	sst lr;
	_ =	strace $0xD0000000  }
0x3: {  	_ = 	snop  }
0x4: {  	_ = 	snop  }
0x5: {  	_ = 	snop  }
0x6: {  	_ = 	snop  }
0x7: {  	_ = 	snop  }
__scs_overlays_trampoline_lowered:
0x8: {  	[smem:$0x3F9F] =	sst s0  }
0x9: {  	[smem:$0x3FA0] =	sst s1  }
0xa: {  	[smem:$0x3FA1] =	sst s2  }
0xb: {  	[smem:$0x3FA2] =	sst s3  }
0xc: {  	[smem:$0x3FA3] =	sst s4  }
0xd: {  	[smem:$0x3FA4] =	sst s5  }
0xe: {  	[smem:$0x3FA5] =	sst s6  }
0xf: {  	[smem:$0x3FA6] =	sst s7  }
0x10: {  	[smem:$0x3FA7] =	sst s8  }
0x11: {  	[smem:$0x3FA8] =	sst s9;
	s0 =	simm.s32 @!p0 $0x0  }
0x12: {  	s1 =	sld [smem:$0x3F8E];
	s0 =	simm.s32 @p0 $0x1  }
0x13: {  	[smem:$0x3FA9] =	sst s0;
	s0 =	simm.s32 @!p1 $0x0  }
0x14: {  	s2 =	sld [smem:$0x3F8D];
	s0 =	simm.s32 @p1 $0x1  }
0x15: {  	[smem:$0x3FAA] =	sst s0;
	s0 =	simm.s32 @!p2 $0x0  }
0x16: {  	s3 =	sld [smem:$0x3FDB];
	s0 =	simm.s32 @p2 $0x1  }
0x17: {  	s4 =	simm.s32 $0x1BF5;
	[smem:$0x3FAC] =	sst s0  }
0x18: {  	s0 =	sld [smem:$0x3F8F];
	_ =	swait.ge [sflag:s4], $0x0  }
0x19: {  	s7 =	sld [smem:$0x3F90]  }
0x1a: {  	s8 =	sadd.s32 $0xFFFFE003, lr  }
0x1b: {  	s9 =	sadd.s32 $0xFFFFFEF7, lr;
	s5 =	simm.s32 $0xFFFFFFFF;
	p2 =	slt.u32 s8, $0xFFFFF086  }
0x1c: {  	p1 =	slt.u32 s9, $0xF7A;
	s5 =	simm.s32 @!p2 $0x0  }
0x1d: {  	s5 =	simm.s32 @p1 $0x1;
	p0 =	seq.s32 s7, s2  }
0x1e: {  	s7 =	smul.u32 @!p0 $0xF7A, s2;
	p2 =	seq.s32 @!p0 s5, $0x0  }
0x1f: {  	s9 =	smul.u32 $0xF7A, s1;
	s8 =	simm.s32 @!p0 $0x1BF5;
	p2 =	por !p2, p0  }
0x20: {  	[sflag:s8] =	ssyncset.s32 @!p0 $0xFFFFF086;
	s6 =	sadd.s32 @!p0 s3, s7;
	s7 =	simm.s32 @!p0 $0x108  }
0x21: {  	s3 =	sadd.s32 s3, s9;
	s6 =	sadd.s32 @!p0 $0x88, s6;
	s7 =	simm.s32 @p2 $0x1082  }
0x22: {  	[simem:s7], [sflag:s8] =	dma.local @!p0 [hbm:s6], $0xF7A  }
0x23: {  	s9 =	sor.u32 $0xD0000000, s2;
	s6 =	simm.s32 $0x108;
	_ =	swait.ge @!p0 [sflag:s8], $0x0  }
0x24: {  	s3 =	sadd.s32 $0x88, s3;
	s6 =	simm.s32 @!p1 $0x1082;
	[sflag:s4] =	ssyncset.s32 $0xFFFFF086  }
0x25: {  	[simem:s6], [sflag:s4] =	dma.local [hbm:s3], $0xF7A  }
0x26: {  	[smem:$0x3F90] =	sst s1;
	(tag) =	ssettag s2;
	_ =	strace s9  }
0x27: {  	s1 =	sld [smem:$0x3FA0]  }
0x28: {  	s2 =	sld [smem:$0x3FA1]  }
0x29: {  	s4 =	sld [smem:$0x3FA3]  }
0x2a: {  	p0 =	seq.s32 s5, $0x0;
	s5 =	sld [smem:$0x3FA4]  }
0x2b: {  	s6 =	sld [smem:$0x3FA5]  }
0x2c: {  	s7 =	sld [smem:$0x3FA6]  }
0x2d: {  	s3 =	simm.s32 $0x108;
	s8 =	sld [smem:$0x3FA7]  }
0x2e: {  	s3 =	simm.s32 @!p0 $0x1082;
	s9 =	sld [smem:$0x3FA8]  }
0x2f: {  	lr =	sadd.s32 s0, s3;
	s0 =	sld [smem:$0x3F9F]  }
0x30: {  	s3 =	sld [smem:$0x3FA2]  }
0x31: {  	[smem:$0x3FAB] =	sst s10  }
0x32: {  	s10 =	sld [smem:$0x3FA9];
	_ =	sdelay $0x3  }
0x33: {  	p0 =	seq.s32 s10, $0x1;
	s10 =	sld [smem:$0x3FAB];
	_ =	sdelay $0x3  }
0x34: {  	[smem:$0x3FAB] =	sst s10  }
0x35: {  	s10 =	sld [smem:$0x3FAA];
	_ =	sdelay $0x3  }
0x36: {  	p1 =	seq.s32 s10, $0x1;
	s10 =	sld [smem:$0x3FAB];
	_ =	sdelay $0x3  }
0x37: {  	[smem:$0x3FAB] =	sst s10  }
0x38: {  	s10 =	sld [smem:$0x3FAC]  }
0x39: {  	_ = 	snop;
	(pc) =	sbr.ind lr, $3  }
0x3a: {  	_ = 	snop  }
0x3b: {  	_ = 	snop  }
0x3c: {  	p2 =	seq.s32 s10, $0x1;
	s10 =	sld [smem:$0x3FAB]  }
0x3d: {  	_ =	shalt  }
0x3e: {  	_ =	shalt  }
0x3f: {  	_ =	shalt  }
0x40: {  	_ =	shalt  }
0x41: {  	_ =	shalt  }
0x42: {  	_ =	shalt  }
0x43: {  	_ =	shalt  }
0x44: {  	_ =	shalt  }
0x45: {  	_ =	shalt  }
0x46: {  	_ =	shalt  }
0x47: {  	_ =	shalt  }
0x48: {  	_ =	shalt  }
0x49: {  	_ =	shalt  }
0x4a: {  	_ =	shalt  }
0x4b: {  	_ =	shalt  }
0x4c: {  	_ =	shalt  }
0x4d: {  	_ =	shalt  }
0x4e: {  	_ =	shalt  }
0x4f: {  	_ =	shalt  }
0x50: {  	_ =	shalt  }
0x51: {  	_ =	shalt  }
0x52: {  	_ =	shalt  }
0x53: {  	_ =	shalt  }
0x54: {  	_ =	shalt  }
0x55: {  	_ =	shalt  }
0x56: {  	_ =	shalt  }
0x57: {  	_ =	shalt  }
0x58: {  	_ =	shalt  }
0x59: {  	_ =	shalt  }
0x5a: {  	_ =	shalt  }
0x5b: {  	_ =	shalt  }
0x5c: {  	_ =	shalt  }
0x5d: {  	_ =	shalt  }
0x5e: {  	_ =	shalt  }
0x5f: {  	_ =	shalt  }
0x60: {  	_ =	shalt  }
0x61: {  	_ =	shalt  }
0x62: {  	_ =	shalt  }
0x63: {  	_ =	shalt  }
0x64: {  	_ =	shalt  }
0x65: {  	_ =	shalt  }
0x66: {  	_ =	shalt  }
0x67: {  	_ =	shalt  }
0x68: {  	_ =	shalt  }
0x69: {  	_ =	shalt  }
0x6a: {  	_ =	shalt  }
0x6b: {  	_ =	shalt  }
0x6c: {  	_ =	shalt  }
0x6d: {  	_ =	shalt  }
0x6e: {  	_ =	shalt  }
0x6f: {  	_ =	shalt  }
0x70: {  	_ =	shalt  }
0x71: {  	_ =	shalt  }
0x72: {  	_ =	shalt  }
0x73: {  	_ =	shalt  }
0x74: {  	_ =	shalt  }
0x75: {  	_ =	shalt  }
0x76: {  	_ =	shalt  }
0x77: {  	_ =	shalt  }
0x78: {  	_ =	shalt  }
0x79: {  	_ =	shalt  }
0x7a: {  	_ =	shalt  }
0x7b: {  	_ =	shalt  }
0x7c: {  	_ =	shalt  }
0x7d: {  	_ =	shalt  }
0x7e: {  	_ =	shalt  }
0x7f: {  	_ =	shalt  }
0x80: {  	_ =	shalt  }
0x81: {  	_ =	shalt  }
0x82: {  	_ =	shalt  }
0x83: {  	_ =	shalt  }
0x84: {  	_ =	shalt  }
0x85: {  	_ =	shalt  }
0x86: {  	_ =	shalt  }
0x87: {  	_ =	shalt  }
.Lfunc_end0:
.L_simem_size_0:
called_computation_lowered:
.L_overlay_start_0:
0x88: {  	s2 =	sld [smem:$0x3FD9]  }
0x89: {  	s3 =	sld [smem:$0x3FFE];
	_ =	sdelay $0x1  }
0x8a: {  	s1 =	srdreg.scid  }
0x8b: {  	s0 =	sand.u32 $0x1, s1  }
0x8c: {  	s17 =	sshll.u32 s0, $0xA;
	s2 =	sadd.s32 s3, s2  }
0x8d: {  	s2 =	sadd.s32 s2, s17  }
0x8e: {  	[smem:$0x3FB7] =	sst s2  }
0x8f: {  	_ = 	snop  }
0x90: {  	s2 =	sld [smem:$0x3FD0];
	(tm) =	ssettm $0x1  }
0x91: {  	s18 =	sld [smem:$0x3FFB];
	_ =	sdelay $0x3  }
0x92: {  	_ =	strace s18  }
0x93: {  	s3 =	sld [smem:$0x3FFC];
	_ =	sdelay $0x3  }
0x94: {  	_ =	strace s3  }
0x95: {  	s3 =	sld [smem:$0x3FFD];
	_ =	sdelay $0x3  }
0x96: {  	_ =	strace s3  }
0x97: {  	_ =	strace $0x8FFFFFFF  }
0x98: {  	s19 =	sld [smem:$0x3FDB];
	_ =	sdelay $0x1  }
0x99: {  	s4 =	simm.s32 $_scs_section_size  }
0x9a: {  	s5 =	simm.s32 $_size__tile_overlayer_lowered;
	s6 =	simm.s32 $_tile_overlayer_lowered  }
0x9b: {  	s22 =	simm.s32 $0x1BFF;
	s21 =	sshll.u32 s6, $0x1;
	s3 =	sadd.s32 s4, s19  }
0x9c: {  	s7 =	simm.s32 $0x0;
	s20 =	sshll.u32 s5, $0x1;
	s5 =	sadd.s32 s21, s3  }
0x9d: {  	[timem:s7], [sflag:s22] =	dma.local [hbm:s5], s20  }
0x9e: {  	_ =	swait.ge [sflag:s22], s20  }
0x9f: {  	s4 =	ssub.s32 $0x0, s20;
	[sflag:s22] =	ssyncset.done $0x0  }
0xa0: {  	[sflag:s22] =	ssyncadd.s32 s4;
	_ =	sdelay $0x1  }
0xa1: {  	s23 =	simm.s32 $0x1B8B  }
0xa2: {  	_ =	swait.ge [sflag:s23], $0x1  }
0xa3: {  	[sflag:s23] =	ssyncset.done $0x0  }
0xa4: {  	s25 =	simm.s32 $0x1B8E;
	s24 =	sld [smem:$0x3FFE];
	[sflag:s23] =	ssyncadd.s32 $0xFFFFFFFF  }
0xa5: {  	s26 =	simm.s32 $execute0_lowered;
	[smem:$0x3FD2] =	sst s25  }
0xa6: {  	s5 =	sshll.u32 s26, $0x1;
	_ =	strace $0x80000046;
	[dreg:$0x1] =	wrdreg $0xFFFFFFFF  }
0xa7: {  	s28 =	simm.s32 $_size_execute0_lowered;
	s3 =	sadd.s32 s3, s5;
	[dreg:$0x0] =	wrdreg $0x0  }
0xa8: {  	s5 =	sshll.u32 s28, $0x1;
	[dreg:$0x2] =	wrdreg s3  }
0xa9: {  	[dreg:$0x3] =	wrdreg s5  }
0xaa: {  	[dreg:$0x4] =	wrdreg $0xC0  }
0xab: {  	_ =	task [dreg:s7], $0x5FFFF  }
0xac: {  	[dreg:$0x1] =	wrdreg $0xFFFFFFFF  }
0xad: {  	[dreg:$0x0] =	wrdreg $0x60  }
0xae: {  	[dreg:$0x2] =	wrdreg s24  }
0xaf: {  	[dreg:$0x3] =	wrdreg s2  }
0xb0: {  	[dreg:$0x4] =	wrdreg $0x9  }
0xb1: {  	_ =	task.clear_ibuf [dreg:s7], $0x5FFFF;
	_ =	strace $0x90000046  }
0xb2: {  	s29 =	simm.s32 $0x9;
	_ =	strace $0x80000048  }
0xb3: {  	_ =	swait.ge [sflag:s29], $0x1  }
0xb4: {  	[sflag:s29] =	ssyncadd.s32 $0xFFFFFFFF  }
0xb5: {  	_ =	strace $0x90000048  }
0xb6: {  	_ =	sfence  }
0xb7: {  	s30 =	sld [smem:$0x0];
	_ =	sdelay $0x2  }
0xb8: {  	s31 =	sshll.u32 s1, $0xD;
	s1 =	sshrl.u32 s1, $0x2  }
0xb9: {  	s3 =	sand.u32 $0x4000, s31;
	s1 =	sadd.s32 s1, s30  }
0xba: {  	s0 =	sor.u32 s3, s0;
	s1 =	sshll.u32 s1, $0x11  }
0xbb: {  	s0 =	sor.u32 s1, s0  }
0xbc: {  	s0 =	sadd.s32 $0x8F2B, s0  }
0xbd: {  	[sflag:s0] =	ssyncadd.remote.s32 $0x1  }
0xbe: {  	_ =	sfence.sel $0xFFFF  }
0xbf: {  	[dreg:$0x0] =	wrdreg $0xFFFFFFFF;
	(pc) =	sbr.abs _section_cstart, $3  }
0xc0: {  	[dreg:$0x1] =	wrdreg $0xFFFFFFFF  }
0xc1: {  	_ =	task.clear_ibuf [dreg:s7], $0x2FFFF;
	_ =	strace $0x9FFFFFFF  }
0xc2: {  	(tm) =	ssettm $0x7FFFFFFF  }
0xc3: {  	_ =	shalt  }
tec
execute0_lowered:
.L_overlay_start_1:
0x0: {  	(tag) =	ssettag $0x1  }
0x1: {  	s0 =	rddreg [dreg:$0x0]  }
0x2: {  	s1 =	srdreg.scid;
	s11 =	stileid.u32  }
0x3: {  	s3 =	rddreg [dreg:$0x1];
	s2 =	simm.s32 $0x0;
	s16 =	simm.s32 $0x100  }
0x4: {  	s17 =	simm.s32 $0x180;
	s19 =	simm.s32 $0x200;
	[smem:$0x7FF] =	sst s2  }
0x5: {  	s20 =	simm.s32 $0x280;
	_ =	strace $0x80000047;
	[dreg:$0xc] =	wrdreg s16  }
0x6: {  	s21 =	simm.s32 $0x300;
	s22 =	simm.s32 $0x380;
	[dreg:$0xd] =	wrdreg s17  }
0x7: {  	s6 =	simm.s32 $0x80;
	s23 =	simm.s32 $0x400;
	[dreg:$0xe] =	wrdreg s19  }
0x8: {  	s24 =	simm.s32 $0x480;
	s25 =	simm.s32 $0x500;
	[dreg:$0xf] =	wrdreg s20  }
0x9: {  	s26 =	simm.s32 $0x580;
	s29 =	simm.s32 $0x600;
	[dreg:$0x10] =	wrdreg s21  }
0xa: {  	s30 =	simm.s32 $0x680;
	s31 =	simm.s32 $0x700;
	[dreg:$0x11] =	wrdreg s22  }
0xb: {  	s28 =	simm.s32 $0x980;
	p0 =	por $0x0, $0x0;
	[dreg:$0x12] =	wrdreg s23  }
0xc: {  	s1 =	sand.u32 $0x1, s1;
	s4 =	sshll.u32 s11, $0x1;
	[dreg:$0x13] =	wrdreg s24  }
0xd: {  	s4 =	sor.u32 s1, s4;
	s1 =	ssub.s32 $0x2, s1;
	[dreg:$0x14] =	wrdreg s25  }
0xe: {  	[dreg:$0x15] =	wrdreg s26;
	s16 =	simm.s32 $0x780;
	s24 =	simm.s32 $0x800  }
0xf: {  	s25 =	simm.s32 $0x880;
	s26 =	simm.s32 $0x900;
	s20 =	simm.s32 $0xA00  }
0x10: {  	s21 =	simm.s32 $0xA80;
	s22 =	simm.s32 $0xB00;
	s23 =	simm.s32 $0xB80  }
0x11: {  	s17 =	simm.s32 $0xC80;
	s5 =	sshll.u32 s4, $0x10;
	s4 =	sshll.u32 s4, $0x9  }
0x12: {  	s19 =	simm.s32 $0xD80;
	s5 =	sadd.s32 s5, s0;
	s3 =	sadd.s32 s3, s4  }
0x13: {  	s18 =	sshrl.u32 s1, $0x1;
	[dreg:$0x3] =	wrdreg s3;
	s7 =	sadd.s32 $0x203000, s5  }
0x14: {  	s4 =	sadd.s32 $0x103000, s0;
	s8 =	sadd.s32 $0x205000, s5;
	[dreg:$0x4] =	wrdreg s7  }
0x15: {  	s1 =	ssub.s32 s1, s18;
	s9 =	sadd.s32 $0x207000, s5;
	[dreg:$0x5] =	wrdreg s8  }
0x16: {  	s18 =	simm.s32 $0xD00;
	s10 =	sadd.s32 $0x209000, s5;
	[dreg:$0x6] =	wrdreg s9  }
0x17: {  	s12 =	sadd.s32 $0x20B000, s5;
	s13 =	sadd.s32 $0x20D000, s5;
	[dreg:$0x7] =	wrdreg s10  }
0x18: {  	s14 =	sadd.s32 $0x20F000, s5;
	s1 =	smax.u32 s1, $0x1;
	[dreg:$0x8] =	wrdreg s12  }
0x19: {  	s15 =	sadd.s32 $0x211000, s5;
	[dreg:$0x9] =	wrdreg s13;
	p1 =	sne.s32 s1, $0x1  }
.Ltmp0:
0x1a: {  	s3 =	simm.s32 $0x2;
	[dreg:$0xa] =	wrdreg s14;
	(pc) =	sbr.rel @!p1 .LBB2_1-.Ltmp0, $4  }
0x1b: {  	s5 =	simm.s32 $0x1000;
	[dreg:$0xb] =	wrdreg s15;
	s8 =	simm.s32 $0x5000  }
0x1c: {  	s9 =	simm.s32 $0x9000;
	s10 =	simm.s32 $0xD000;
	s7 =	simm.s32 $0x1  }
0x1d: {  	s1 =	sadd.s32 $0xFFFFFFFF, s1;
	s12 =	simm.s32 $0xE00;
	s13 =	simm.s32 $0xE80  }
0x1e: {  	s14 =	simm.s32 $0xF00;
	s15 =	simm.s32 $0xF80;
	s0 =	rddreg [dreg:$0x3]  }
0x1f: {  	[tilespmem:s2], [sflag:$0x2] =	stream.linear.gather [hbm4b:s0+s2], $0x1000, $0x38;
	[tilespmem:$0x11000] =	vst v63  }
0x20: {  	_ =	swait.ge [sflag:s3], $0x1000  }
0x21: {  	[sflag:s3] =	ssyncset.done $0x0  }
0x22: {  	[sflag:s3] =	ssyncadd.s32 $0xFFFFF000  }
0x23: {  	[tilespmem:s5], [sflag:$0x1] =	stream.indirect.gather [hbm4b:s4+s6], $0x80, s2, s6, $0xb8;
	[tilespmem:$0x11000] =	vst v63  }
0x24: {  	_ = 	snop  }
0x25: {  	[tilespmem:s8], [sflag:$0x1] =	stream.indirect.gather [hbm4b:s4+s6], $0x80, s6, s6, $0xb8;
	[tilespmem:$0x11000] =	vst v63  }
0x26: {  	s0 =	rddreg [dreg:$0xc]  }
0x27: {  	[tilespmem:s9], [sflag:$0x1] =	stream.indirect.gather [hbm4b:s4+s6], $0x80, s0, s6, $0xb8;
	[tilespmem:$0x11000] =	vst v63  }
0x28: {  	s11 =	smov.u32 s1;
	s1 =	rddreg [dreg:$0xd]  }
0x29: {  	[tilespmem:s10], [sflag:$0x1] =	stream.indirect.gather [hbm4b:s4+s6], $0x80, s1, s6, $0xb8;
	[tilespmem:$0x11000] =	vst v63  }
0x2a: {  	_ =	swait.ge [sflag:s7], $0x4000  }
0x2b: {  	[sflag:s7] =	ssyncset.done $0x0  }
0x2c: {  	[sflag:s7] =	ssyncadd.s32 $0xFFFFC000  }
0x2d: {  	_ =	swait.ge [sflag:s7], $0x4000  }
0x2e: {  	[sflag:s7] =	ssyncset.done $0x0  }
0x2f: {  	[sflag:s7] =	ssyncadd.s32 $0xFFFFC000  }
0x30: {  	_ =	swait.ge [sflag:s7], $0x4000  }
0x31: {  	[sflag:s7] =	ssyncset.done $0x0  }
0x32: {  	[sflag:s7] =	ssyncadd.s32 $0xFFFFC000  }
0x33: {  	_ =	swait.ge [sflag:s7], $0x4000  }
0x34: {  	[sflag:s7] =	ssyncset.done $0x0  }
0x35: {  	s1 =	rddreg [dreg:$0x4];
	[sflag:s7] =	ssyncadd.s32 $0xFFFFC000  }
0x36: {  	[hbm4b:s1+s2] =	stream.linear.scatter [tilespmem:s5], [sflag:$0x2], $0x10000, $0x38;
	[tilespmem:$0x11000] =	vst v63  }
0x37: {  	_ =	swait.ge [sflag:s3], $0x10000  }
0x38: {  	[sflag:s3] =	ssyncset.done $0x0  }
0x39: {  	s0 =	rddreg [dreg:$0xe];
	[sflag:s3] =	ssyncadd.s32 $0xFFFF0000  }
0x3a: {  	[tilespmem:s5], [sflag:$0x1] =	stream.indirect.gather [hbm4b:s4+s6], $0x80, s0, s6, $0xb8;
	[tilespmem:$0x11000] =	vst v63  }
0x3b: {  	s1 =	rddreg [dreg:$0xf]  }
0x3c: {  	[tilespmem:s8], [sflag:$0x1] =	stream.indirect.gather [hbm4b:s4+s6], $0x80, s1, s6, $0xb8;
	[tilespmem:$0x11000] =	vst v63  }
0x3d: {  	s0 =	rddreg [dreg:$0x10]  }
0x3e: {  	[tilespmem:s9], [sflag:$0x1] =	stream.indirect.gather [hbm4b:s4+s6], $0x80, s0, s6, $0xb8;
	[tilespmem:$0x11000] =	vst v63  }
0x3f: {  	s1 =	rddreg [dreg:$0x11]  }
0x40: {  	[tilespmem:s10], [sflag:$0x1] =	stream.indirect.gather [hbm4b:s4+s6], $0x80, s1, s6, $0xb8;
	[tilespmem:$0x11000] =	vst v63  }
0x41: {  	_ =	swait.ge [sflag:s7], $0x4000  }
0x42: {  	[sflag:s7] =	ssyncset.done $0x0  }
0x43: {  	[sflag:s7] =	ssyncadd.s32 $0xFFFFC000  }
0x44: {  	_ =	swait.ge [sflag:s7], $0x4000  }
0x45: {  	[sflag:s7] =	ssyncset.done $0x0  }
0x46: {  	[sflag:s7] =	ssyncadd.s32 $0xFFFFC000  }
0x47: {  	_ =	swait.ge [sflag:s7], $0x4000  }
0x48: {  	[sflag:s7] =	ssyncset.done $0x0  }
0x49: {  	[sflag:s7] =	ssyncadd.s32 $0xFFFFC000  }
0x4a: {  	_ =	swait.ge [sflag:s7], $0x4000  }
0x4b: {  	[sflag:s7] =	ssyncset.done $0x0  }
0x4c: {  	s1 =	rddreg [dreg:$0x5];
	[sflag:s7] =	ssyncadd.s32 $0xFFFFC000  }
0x4d: {  	[hbm4b:s1+s2] =	stream.linear.scatter [tilespmem:s5], [sflag:$0x2], $0x10000, $0x38;
	[tilespmem:$0x11000] =	vst v63  }
0x4e: {  	_ =	swait.ge [sflag:s3], $0x10000  }
0x4f: {  	[sflag:s3] =	ssyncset.done $0x0  }
0x50: {  	s0 =	rddreg [dreg:$0x12];
	[sflag:s3] =	ssyncadd.s32 $0xFFFF0000  }
0x51: {  	[tilespmem:s5], [sflag:$0x1] =	stream.indirect.gather [hbm4b:s4+s6], $0x80, s0, s6, $0xb8;
	[tilespmem:$0x11000] =	vst v63  }
0x52: {  	s1 =	rddreg [dreg:$0x13]  }
0x53: {  	[tilespmem:s8], [sflag:$0x1] =	stream.indirect.gather [hbm4b:s4+s6], $0x80, s1, s6, $0xb8;
	[tilespmem:$0x11000] =	vst v63  }
0x54: {  	s0 =	rddreg [dreg:$0x14]  }
0x55: {  	[tilespmem:s9], [sflag:$0x1] =	stream.indirect.gather [hbm4b:s4+s6], $0x80, s0, s6, $0xb8;
	[tilespmem:$0x11000] =	vst v63  }
0x56: {  	s1 =	rddreg [dreg:$0x15]  }
0x57: {  	[tilespmem:s10], [sflag:$0x1] =	stream.indirect.gather [hbm4b:s4+s6], $0x80, s1, s6, $0xb8;
	[tilespmem:$0x11000] =	vst v63  }
0x58: {  	_ =	swait.ge [sflag:s7], $0x4000  }
0x59: {  	[sflag:s7] =	ssyncset.done $0x0  }
0x5a: {  	[sflag:s7] =	ssyncadd.s32 $0xFFFFC000  }
0x5b: {  	_ =	swait.ge [sflag:s7], $0x4000  }
0x5c: {  	[sflag:s7] =	ssyncset.done $0x0  }
0x5d: {  	[sflag:s7] =	ssyncadd.s32 $0xFFFFC000  }
0x5e: {  	_ =	swait.ge [sflag:s7], $0x4000  }
0x5f: {  	[sflag:s7] =	ssyncset.done $0x0  }
0x60: {  	[sflag:s7] =	ssyncadd.s32 $0xFFFFC000  }
0x61: {  	_ =	swait.ge [sflag:s7], $0x4000  }
0x62: {  	[sflag:s7] =	ssyncset.done $0x0  }
0x63: {  	s1 =	rddreg [dreg:$0x6];
	[sflag:s7] =	ssyncadd.s32 $0xFFFFC000  }
0x64: {  	[hbm4b:s1+s2] =	stream.linear.scatter [tilespmem:s5], [sflag:$0x2], $0x10000, $0x38;
	[tilespmem:$0x11000] =	vst v63  }
0x65: {  	_ =	swait.ge [sflag:s3], $0x10000  }
0x66: {  	[sflag:s3] =	ssyncset.done $0x0  }
0x67: {  	[sflag:s3] =	ssyncadd.s32 $0xFFFF0000  }
0x68: {  	[tilespmem:s5], [sflag:$0x1] =	stream.indirect.gather [hbm4b:s4+s6], $0x80, s29, s6, $0xb8;
	[tilespmem:$0x11000] =	vst v63  }
0x69: {  	_ = 	snop  }
0x6a: {  	[tilespmem:s8], [sflag:$0x1] =	stream.indirect.gather [hbm4b:s4+s6], $0x80, s30, s6, $0xb8;
	[tilespmem:$0x11000] =	vst v63  }
0x6b: {  	_ = 	snop  }
0x6c: {  	[tilespmem:s9], [sflag:$0x1] =	stream.indirect.gather [hbm4b:s4+s6], $0x80, s31, s6, $0xb8;
	[tilespmem:$0x11000] =	vst v63  }
0x6d: {  	_ = 	snop  }
0x6e: {  	[tilespmem:s10], [sflag:$0x1] =	stream.indirect.gather [hbm4b:s4+s6], $0x80, s16, s6, $0xb8;
	[tilespmem:$0x11000] =	vst v63  }
0x6f: {  	_ =	swait.ge [sflag:s7], $0x4000  }
0x70: {  	[sflag:s7] =	ssyncset.done $0x0  }
0x71: {  	[sflag:s7] =	ssyncadd.s32 $0xFFFFC000  }
0x72: {  	_ =	swait.ge [sflag:s7], $0x4000  }
0x73: {  	[sflag:s7] =	ssyncset.done $0x0  }
0x74: {  	[sflag:s7] =	ssyncadd.s32 $0xFFFFC000  }
0x75: {  	_ =	swait.ge [sflag:s7], $0x4000  }
0x76: {  	[sflag:s7] =	ssyncset.done $0x0  }
0x77: {  	[sflag:s7] =	ssyncadd.s32 $0xFFFFC000  }
0x78: {  	_ =	swait.ge [sflag:s7], $0x4000  }
0x79: {  	[sflag:s7] =	ssyncset.done $0x0  }
0x7a: {  	s1 =	rddreg [dreg:$0x7];
	[sflag:s7] =	ssyncadd.s32 $0xFFFFC000  }
0x7b: {  	[hbm4b:s1+s2] =	stream.linear.scatter [tilespmem:s5], [sflag:$0x2], $0x10000, $0x38;
	[tilespmem:$0x11000] =	vst v63  }
0x7c: {  	_ =	swait.ge [sflag:s3], $0x10000  }
0x7d: {  	[sflag:s3] =	ssyncset.done $0x0  }
0x7e: {  	[sflag:s3] =	ssyncadd.s32 $0xFFFF0000  }
0x7f: {  	[tilespmem:s5], [sflag:$0x1] =	stream.indirect.gather [hbm4b:s4+s6], $0x80, s24, s6, $0xb8;
	[tilespmem:$0x11000] =	vst v63  }
0x80: {  	_ = 	snop  }
0x81: {  	[tilespmem:s8], [sflag:$0x1] =	stream.indirect.gather [hbm4b:s4+s6], $0x80, s25, s6, $0xb8;
	[tilespmem:$0x11000] =	vst v63  }
0x82: {  	_ = 	snop  }
0x83: {  	[tilespmem:s9], [sflag:$0x1] =	stream.indirect.gather [hbm4b:s4+s6], $0x80, s26, s6, $0xb8;
	[tilespmem:$0x11000] =	vst v63  }
0x84: {  	_ = 	snop  }
0x85: {  	[tilespmem:s10], [sflag:$0x1] =	stream.indirect.gather [hbm4b:s4+s6], $0x80, s28, s6, $0xb8;
	[tilespmem:$0x11000] =	vst v63  }
0x86: {  	_ =	swait.ge [sflag:s7], $0x4000  }
0x87: {  	[sflag:s7] =	ssyncset.done $0x0  }
0x88: {  	[sflag:s7] =	ssyncadd.s32 $0xFFFFC000  }
0x89: {  	_ =	swait.ge [sflag:s7], $0x4000  }
0x8a: {  	[sflag:s7] =	ssyncset.done $0x0  }
0x8b: {  	[sflag:s7] =	ssyncadd.s32 $0xFFFFC000  }
0x8c: {  	_ =	swait.ge [sflag:s7], $0x4000  }
0x8d: {  	[sflag:s7] =	ssyncset.done $0x0  }
0x8e: {  	[sflag:s7] =	ssyncadd.s32 $0xFFFFC000  }
0x8f: {  	_ =	swait.ge [sflag:s7], $0x4000  }
0x90: {  	[sflag:s7] =	ssyncset.done $0x0  }
0x91: {  	s1 =	rddreg [dreg:$0x8];
	[sflag:s7] =	ssyncadd.s32 $0xFFFFC000  }
0x92: {  	[hbm4b:s1+s2] =	stream.linear.scatter [tilespmem:s5], [sflag:$0x2], $0x10000, $0x38;
	[tilespmem:$0x11000] =	vst v63  }
0x93: {  	_ =	swait.ge [sflag:s3], $0x10000  }
0x94: {  	[sflag:s3] =	ssyncset.done $0x0  }
0x95: {  	[sflag:s3] =	ssyncadd.s32 $0xFFFF0000  }
0x96: {  	[tilespmem:s5], [sflag:$0x1] =	stream.indirect.gather [hbm4b:s4+s6], $0x80, s20, s6, $0xb8;
	[tilespmem:$0x11000] =	vst v63  }
0x97: {  	_ = 	snop  }
0x98: {  	[tilespmem:s8], [sflag:$0x1] =	stream.indirect.gather [hbm4b:s4+s6], $0x80, s21, s6, $0xb8;
	[tilespmem:$0x11000] =	vst v63  }
0x99: {  	_ = 	snop  }
0x9a: {  	[tilespmem:s9], [sflag:$0x1] =	stream.indirect.gather [hbm4b:s4+s6], $0x80, s22, s6, $0xb8;
	[tilespmem:$0x11000] =	vst v63  }
0x9b: {  	_ = 	snop  }
0x9c: {  	[tilespmem:s10], [sflag:$0x1] =	stream.indirect.gather [hbm4b:s4+s6], $0x80, s23, s6, $0xb8;
	[tilespmem:$0x11000] =	vst v63  }
0x9d: {  	_ =	swait.ge [sflag:s7], $0x4000  }
0x9e: {  	[sflag:s7] =	ssyncset.done $0x0  }
0x9f: {  	[sflag:s7] =	ssyncadd.s32 $0xFFFFC000  }
0xa0: {  	_ =	swait.ge [sflag:s7], $0x4000  }
0xa1: {  	[sflag:s7] =	ssyncset.done $0x0  }
0xa2: {  	[sflag:s7] =	ssyncadd.s32 $0xFFFFC000  }
0xa3: {  	_ =	swait.ge [sflag:s7], $0x4000  }
0xa4: {  	[sflag:s7] =	ssyncset.done $0x0  }
0xa5: {  	[sflag:s7] =	ssyncadd.s32 $0xFFFFC000  }
0xa6: {  	_ =	swait.ge [sflag:s7], $0x4000  }
0xa7: {  	[sflag:s7] =	ssyncset.done $0x0  }
0xa8: {  	s1 =	rddreg [dreg:$0x9];
	[sflag:s7] =	ssyncadd.s32 $0xFFFFC000  }
0xa9: {  	[hbm4b:s1+s2] =	stream.linear.scatter [tilespmem:s5], [sflag:$0x2], $0x10000, $0x38;
	[tilespmem:$0x11000] =	vst v63  }
0xaa: {  	_ =	swait.ge [sflag:s3], $0x10000  }
0xab: {  	[sflag:s3] =	ssyncset.done $0x0  }
0xac: {  	s1 =	simm.s32 $0xC00;
	[sflag:s3] =	ssyncadd.s32 $0xFFFF0000  }
0xad: {  	[tilespmem:s5], [sflag:$0x1] =	stream.indirect.gather [hbm4b:s4+s6], $0x80, s1, s6, $0xb8;
	[tilespmem:$0x11000] =	vst v63  }
0xae: {  	_ = 	snop  }
0xaf: {  	[tilespmem:s8], [sflag:$0x1] =	stream.indirect.gather [hbm4b:s4+s6], $0x80, s17, s6, $0xb8;
	[tilespmem:$0x11000] =	vst v63  }
0xb0: {  	_ = 	snop  }
0xb1: {  	[tilespmem:s9], [sflag:$0x1] =	stream.indirect.gather [hbm4b:s4+s6], $0x80, s18, s6, $0xb8;
	[tilespmem:$0x11000] =	vst v63  }
0xb2: {  	_ = 	snop  }
0xb3: {  	[tilespmem:s10], [sflag:$0x1] =	stream.indirect.gather [hbm4b:s4+s6], $0x80, s19, s6, $0xb8;
	[tilespmem:$0x11000] =	vst v63  }
0xb4: {  	_ =	swait.ge [sflag:s7], $0x4000  }
0xb5: {  	[sflag:s7] =	ssyncset.done $0x0  }
0xb6: {  	[sflag:s7] =	ssyncadd.s32 $0xFFFFC000  }
0xb7: {  	_ =	swait.ge [sflag:s7], $0x4000  }
0xb8: {  	[sflag:s7] =	ssyncset.done $0x0  }
0xb9: {  	[sflag:s7] =	ssyncadd.s32 $0xFFFFC000  }
0xba: {  	_ =	swait.ge [sflag:s7], $0x4000  }
0xbb: {  	[sflag:s7] =	ssyncset.done $0x0  }
0xbc: {  	[sflag:s7] =	ssyncadd.s32 $0xFFFFC000  }
0xbd: {  	_ =	swait.ge [sflag:s7], $0x4000  }
0xbe: {  	[sflag:s7] =	ssyncset.done $0x0  }
0xbf: {  	s1 =	rddreg [dreg:$0xa];
	[sflag:s7] =	ssyncadd.s32 $0xFFFFC000  }
0xc0: {  	[hbm4b:s1+s2] =	stream.linear.scatter [tilespmem:s5], [sflag:$0x2], $0x10000, $0x38;
	[tilespmem:$0x11000] =	vst v63  }
0xc1: {  	_ =	swait.ge [sflag:s3], $0x10000  }
0xc2: {  	[sflag:s3] =	ssyncset.done $0x0  }
0xc3: {  	[sflag:s3] =	ssyncadd.s32 $0xFFFF0000  }
0xc4: {  	[tilespmem:s5], [sflag:$0x1] =	stream.indirect.gather [hbm4b:s4+s6], $0x80, s12, s6, $0xb8;
	[tilespmem:$0x11000] =	vst v63  }
0xc5: {  	_ = 	snop  }
0xc6: {  	[tilespmem:s8], [sflag:$0x1] =	stream.indirect.gather [hbm4b:s4+s6], $0x80, s13, s6, $0xb8;
	[tilespmem:$0x11000] =	vst v63  }
0xc7: {  	_ = 	snop  }
0xc8: {  	[tilespmem:s9], [sflag:$0x1] =	stream.indirect.gather [hbm4b:s4+s6], $0x80, s14, s6, $0xb8;
	[tilespmem:$0x11000] =	vst v63  }
0xc9: {  	_ = 	snop  }
0xca: {  	[tilespmem:s10], [sflag:$0x1] =	stream.indirect.gather [hbm4b:s4+s6], $0x80, s15, s6, $0xb8;
	[tilespmem:$0x11000] =	vst v63  }
0xcb: {  	_ =	swait.ge [sflag:s7], $0x4000  }
0xcc: {  	[sflag:s7] =	ssyncset.done $0x0  }
0xcd: {  	[sflag:s7] =	ssyncadd.s32 $0xFFFFC000  }
0xce: {  	_ =	swait.ge [sflag:s7], $0x4000  }
0xcf: {  	[sflag:s7] =	ssyncset.done $0x0  }
0xd0: {  	[sflag:s7] =	ssyncadd.s32 $0xFFFFC000  }
0xd1: {  	_ =	swait.ge [sflag:s7], $0x4000  }
0xd2: {  	[sflag:s7] =	ssyncset.done $0x0  }
0xd3: {  	[sflag:s7] =	ssyncadd.s32 $0xFFFFC000  }
0xd4: {  	p1 =	sne.s32 s11, $0x1;
	_ =	swait.ge [sflag:s7], $0x4000  }
.Ltmp1:
0xd5: {  	[sflag:s7] =	ssyncset.done $0x0;
	(pc) =	sbr.rel @!p1 .LBB2_3-.Ltmp1, $4  }
0xd6: {  	s1 =	rddreg [dreg:$0xb];
	[sflag:s7] =	ssyncadd.s32 $0xFFFFC000  }
0xd7: {  	[hbm4b:s1+s2] =	stream.linear.scatter [tilespmem:s5], [sflag:$0x2], $0x10000, $0x38;
	[tilespmem:$0x11000] =	vst v63  }
0xd8: {  	p0 =	por $0x1, $0x1;
	_ =	swait.ge [sflag:s3], $0x10000  }
0xd9: {  	s1 =	sadd.s32 $0xFFFFFFFF, s11;
	s0 =	rddreg [dreg:$0x3];
	[sflag:s3] =	ssyncset.done $0x0  }
.LBB2_4:
0xda: {  	[sflag:s3] =	ssyncadd.s32 $0xFFFF0000  }
0xdb: {  	[tilespmem:s2], [sflag:$0x2] =	stream.linear.gather [hbm4b:s0+s2], $0x1000, $0x38;
	[tilespmem:$0x11000] =	vst v63  }
0xdc: {  	_ =	swait.ge [sflag:s3], $0x1000  }
0xdd: {  	[sflag:s3] =	ssyncset.done $0x0  }
0xde: {  	[sflag:s3] =	ssyncadd.s32 $0xFFFFF000  }
0xdf: {  	[tilespmem:s5], [sflag:$0x1] =	stream.indirect.gather [hbm4b:s4+s6], $0x80, s2, s6, $0xb8;
	[tilespmem:$0x11000] =	vst v63  }
0xe0: {  	_ = 	snop  }
0xe1: {  	[tilespmem:s8], [sflag:$0x1] =	stream.indirect.gather [hbm4b:s4+s6], $0x80, s6, s6, $0xb8;
	[tilespmem:$0x11000] =	vst v63  }
0xe2: {  	s0 =	rddreg [dreg:$0xc]  }
0xe3: {  	[tilespmem:s9], [sflag:$0x1] =	stream.indirect.gather [hbm4b:s4+s6], $0x80, s0, s6, $0xb8;
	[tilespmem:$0x11000] =	vst v63  }
0xe4: {  	s11 =	rddreg [dreg:$0xd]  }
0xe5: {  	[tilespmem:s10], [sflag:$0x1] =	stream.indirect.gather [hbm4b:s4+s6], $0x80, s11, s6, $0xb8;
	[tilespmem:$0x11000] =	vst v63  }
0xe6: {  	_ =	swait.ge [sflag:s7], $0x4000  }
0xe7: {  	[sflag:s7] =	ssyncset.done $0x0  }
0xe8: {  	[sflag:s7] =	ssyncadd.s32 $0xFFFFC000  }
0xe9: {  	_ =	swait.ge [sflag:s7], $0x4000  }
0xea: {  	[sflag:s7] =	ssyncset.done $0x0  }
0xeb: {  	[sflag:s7] =	ssyncadd.s32 $0xFFFFC000  }
0xec: {  	_ =	swait.ge [sflag:s7], $0x4000  }
0xed: {  	[sflag:s7] =	ssyncset.done $0x0  }
0xee: {  	[sflag:s7] =	ssyncadd.s32 $0xFFFFC000  }
0xef: {  	_ =	swait.ge [sflag:s7], $0x4000  }
0xf0: {  	[sflag:s7] =	ssyncset.done $0x0  }
0xf1: {  	s11 =	rddreg [dreg:$0x4];
	[sflag:s7] =	ssyncadd.s32 $0xFFFFC000  }
0xf2: {  	[hbm4b:s11+s2] =	stream.linear.scatter [tilespmem:s5], [sflag:$0x2], $0x10000, $0x38;
	[tilespmem:$0x11000] =	vst v63  }
0xf3: {  	_ =	swait.ge [sflag:s3], $0x10000  }
0xf4: {  	[sflag:s3] =	ssyncset.done $0x0  }
0xf5: {  	s0 =	rddreg [dreg:$0xe];
	[sflag:s3] =	ssyncadd.s32 $0xFFFF0000  }
0xf6: {  	[tilespmem:s5], [sflag:$0x1] =	stream.indirect.gather [hbm4b:s4+s6], $0x80, s0, s6, $0xb8;
	[tilespmem:$0x11000] =	vst v63  }
0xf7: {  	s11 =	rddreg [dreg:$0xf]  }
0xf8: {  	[tilespmem:s8], [sflag:$0x1] =	stream.indirect.gather [hbm4b:s4+s6], $0x80, s11, s6, $0xb8;
	[tilespmem:$0x11000] =	vst v63  }
0xf9: {  	s0 =	rddreg [dreg:$0x10]  }
0xfa: {  	[tilespmem:s9], [sflag:$0x1] =	stream.indirect.gather [hbm4b:s4+s6], $0x80, s0, s6, $0xb8;
	[tilespmem:$0x11000] =	vst v63  }
0xfb: {  	s11 =	rddreg [dreg:$0x11]  }
0xfc: {  	[tilespmem:s10], [sflag:$0x1] =	stream.indirect.gather [hbm4b:s4+s6], $0x80, s11, s6, $0xb8;
	[tilespmem:$0x11000] =	vst v63  }
0xfd: {  	_ =	swait.ge [sflag:s7], $0x4000  }
0xfe: {  	[sflag:s7] =	ssyncset.done $0x0  }
0xff: {  	[sflag:s7] =	ssyncadd.s32 $0xFFFFC000  }
0x100: {  	_ =	swait.ge [sflag:s7], $0x4000  }
0x101: {  	[sflag:s7] =	ssyncset.done $0x0  }
0x102: {  	[sflag:s7] =	ssyncadd.s32 $0xFFFFC000  }
0x103: {  	_ =	swait.ge [sflag:s7], $0x4000  }
0x104: {  	[sflag:s7] =	ssyncset.done $0x0  }
0x105: {  	[sflag:s7] =	ssyncadd.s32 $0xFFFFC000  }
0x106: {  	_ =	swait.ge [sflag:s7], $0x4000  }
0x107: {  	[sflag:s7] =	ssyncset.done $0x0  }
0x108: {  	s11 =	rddreg [dreg:$0x5];
	[sflag:s7] =	ssyncadd.s32 $0xFFFFC000  }
0x109: {  	[hbm4b:s11+s2] =	stream.linear.scatter [tilespmem:s5], [sflag:$0x2], $0x10000, $0x38;
	[tilespmem:$0x11000] =	vst v63  }
0x10a: {  	_ =	swait.ge [sflag:s3], $0x10000  }
0x10b: {  	[sflag:s3] =	ssyncset.done $0x0  }
0x10c: {  	s0 =	rddreg [dreg:$0x12];
	[sflag:s3] =	ssyncadd.s32 $0xFFFF0000  }
0x10d: {  	[tilespmem:s5], [sflag:$0x1] =	stream.indirect.gather [hbm4b:s4+s6], $0x80, s0, s6, $0xb8;
	[tilespmem:$0x11000] =	vst v63  }
0x10e: {  	s11 =	rddreg [dreg:$0x13]  }
0x10f: {  	[tilespmem:s8], [sflag:$0x1] =	stream.indirect.gather [hbm4b:s4+s6], $0x80, s11, s6, $0xb8;
	[tilespmem:$0x11000] =	vst v63  }
0x110: {  	s0 =	rddreg [dreg:$0x14]  }
0x111: {  	[tilespmem:s9], [sflag:$0x1] =	stream.indirect.gather [hbm4b:s4+s6], $0x80, s0, s6, $0xb8;
	[tilespmem:$0x11000] =	vst v63  }
0x112: {  	s11 =	rddreg [dreg:$0x15]  }
0x113: {  	[tilespmem:s10], [sflag:$0x1] =	stream.indirect.gather [hbm4b:s4+s6], $0x80, s11, s6, $0xb8;
	[tilespmem:$0x11000] =	vst v63  }
0x114: {  	_ =	swait.ge [sflag:s7], $0x4000  }
0x115: {  	[sflag:s7] =	ssyncset.done $0x0  }
0x116: {  	[sflag:s7] =	ssyncadd.s32 $0xFFFFC000  }
0x117: {  	_ =	swait.ge [sflag:s7], $0x4000  }
0x118: {  	[sflag:s7] =	ssyncset.done $0x0  }
0x119: {  	[sflag:s7] =	ssyncadd.s32 $0xFFFFC000  }
0x11a: {  	_ =	swait.ge [sflag:s7], $0x4000  }
0x11b: {  	[sflag:s7] =	ssyncset.done $0x0  }
0x11c: {  	[sflag:s7] =	ssyncadd.s32 $0xFFFFC000  }
0x11d: {  	_ =	swait.ge [sflag:s7], $0x4000  }
0x11e: {  	[sflag:s7] =	ssyncset.done $0x0  }
0x11f: {  	s11 =	rddreg [dreg:$0x6];
	[sflag:s7] =	ssyncadd.s32 $0xFFFFC000  }
0x120: {  	[hbm4b:s11+s2] =	stream.linear.scatter [tilespmem:s5], [sflag:$0x2], $0x10000, $0x38;
	[tilespmem:$0x11000] =	vst v63  }
0x121: {  	_ =	swait.ge [sflag:s3], $0x10000  }
0x122: {  	[sflag:s3] =	ssyncset.done $0x0  }
0x123: {  	[sflag:s3] =	ssyncadd.s32 $0xFFFF0000  }
0x124: {  	[tilespmem:s5], [sflag:$0x1] =	stream.indirect.gather [hbm4b:s4+s6], $0x80, s29, s6, $0xb8;
	[tilespmem:$0x11000] =	vst v63  }
0x125: {  	_ = 	snop  }
0x126: {  	[tilespmem:s8], [sflag:$0x1] =	stream.indirect.gather [hbm4b:s4+s6], $0x80, s30, s6, $0xb8;
	[tilespmem:$0x11000] =	vst v63  }
0x127: {  	_ = 	snop  }
0x128: {  	[tilespmem:s9], [sflag:$0x1] =	stream.indirect.gather [hbm4b:s4+s6], $0x80, s31, s6, $0xb8;
	[tilespmem:$0x11000] =	vst v63  }
0x129: {  	_ = 	snop  }
0x12a: {  	[tilespmem:s10], [sflag:$0x1] =	stream.indirect.gather [hbm4b:s4+s6], $0x80, s16, s6, $0xb8;
	[tilespmem:$0x11000] =	vst v63  }
0x12b: {  	_ =	swait.ge [sflag:s7], $0x4000  }
0x12c: {  	[sflag:s7] =	ssyncset.done $0x0  }
0x12d: {  	[sflag:s7] =	ssyncadd.s32 $0xFFFFC000  }
0x12e: {  	_ =	swait.ge [sflag:s7], $0x4000  }
0x12f: {  	[sflag:s7] =	ssyncset.done $0x0  }
0x130: {  	[sflag:s7] =	ssyncadd.s32 $0xFFFFC000  }
0x131: {  	_ =	swait.ge [sflag:s7], $0x4000  }
0x132: {  	[sflag:s7] =	ssyncset.done $0x0  }
0x133: {  	[sflag:s7] =	ssyncadd.s32 $0xFFFFC000  }
0x134: {  	_ =	swait.ge [sflag:s7], $0x4000  }
0x135: {  	[sflag:s7] =	ssyncset.done $0x0  }
0x136: {  	s11 =	rddreg [dreg:$0x7];
	[sflag:s7] =	ssyncadd.s32 $0xFFFFC000  }
0x137: {  	[hbm4b:s11+s2] =	stream.linear.scatter [tilespmem:s5], [sflag:$0x2], $0x10000, $0x38;
	[tilespmem:$0x11000] =	vst v63  }
0x138: {  	_ =	swait.ge [sflag:s3], $0x10000  }
0x139: {  	[sflag:s3] =	ssyncset.done $0x0  }
0x13a: {  	[sflag:s3] =	ssyncadd.s32 $0xFFFF0000  }
0x13b: {  	[tilespmem:s5], [sflag:$0x1] =	stream.indirect.gather [hbm4b:s4+s6], $0x80, s24, s6, $0xb8;
	[tilespmem:$0x11000] =	vst v63  }
0x13c: {  	_ = 	snop  }
0x13d: {  	[tilespmem:s8], [sflag:$0x1] =	stream.indirect.gather [hbm4b:s4+s6], $0x80, s25, s6, $0xb8;
	[tilespmem:$0x11000] =	vst v63  }
0x13e: {  	_ = 	snop  }
0x13f: {  	[tilespmem:s9], [sflag:$0x1] =	stream.indirect.gather [hbm4b:s4+s6], $0x80, s26, s6, $0xb8;
	[tilespmem:$0x11000] =	vst v63  }
0x140: {  	_ = 	snop  }
0x141: {  	[tilespmem:s10], [sflag:$0x1] =	stream.indirect.gather [hbm4b:s4+s6], $0x80, s28, s6, $0xb8;
	[tilespmem:$0x11000] =	vst v63  }
0x142: {  	_ =	swait.ge [sflag:s7], $0x4000  }
0x143: {  	[sflag:s7] =	ssyncset.done $0x0  }
0x144: {  	[sflag:s7] =	ssyncadd.s32 $0xFFFFC000  }
0x145: {  	_ =	swait.ge [sflag:s7], $0x4000  }
0x146: {  	[sflag:s7] =	ssyncset.done $0x0  }
0x147: {  	[sflag:s7] =	ssyncadd.s32 $0xFFFFC000  }
0x148: {  	_ =	swait.ge [sflag:s7], $0x4000  }
0x149: {  	[sflag:s7] =	ssyncset.done $0x0  }
0x14a: {  	[sflag:s7] =	ssyncadd.s32 $0xFFFFC000  }
0x14b: {  	_ =	swait.ge [sflag:s7], $0x4000  }
0x14c: {  	[sflag:s7] =	ssyncset.done $0x0  }
0x14d: {  	s11 =	rddreg [dreg:$0x8];
	[sflag:s7] =	ssyncadd.s32 $0xFFFFC000  }
0x14e: {  	[hbm4b:s11+s2] =	stream.linear.scatter [tilespmem:s5], [sflag:$0x2], $0x10000, $0x38;
	[tilespmem:$0x11000] =	vst v63  }
0x14f: {  	_ =	swait.ge [sflag:s3], $0x10000  }
0x150: {  	[sflag:s3] =	ssyncset.done $0x0  }
0x151: {  	[sflag:s3] =	ssyncadd.s32 $0xFFFF0000  }
0x152: {  	[tilespmem:s5], [sflag:$0x1] =	stream.indirect.gather [hbm4b:s4+s6], $0x80, s20, s6, $0xb8;
	[tilespmem:$0x11000] =	vst v63  }
0x153: {  	_ = 	snop  }
0x154: {  	[tilespmem:s8], [sflag:$0x1] =	stream.indirect.gather [hbm4b:s4+s6], $0x80, s21, s6, $0xb8;
	[tilespmem:$0x11000] =	vst v63  }
0x155: {  	_ = 	snop  }
0x156: {  	[tilespmem:s9], [sflag:$0x1] =	stream.indirect.gather [hbm4b:s4+s6], $0x80, s22, s6, $0xb8;
	[tilespmem:$0x11000] =	vst v63  }
0x157: {  	_ = 	snop  }
0x158: {  	[tilespmem:s10], [sflag:$0x1] =	stream.indirect.gather [hbm4b:s4+s6], $0x80, s23, s6, $0xb8;
	[tilespmem:$0x11000] =	vst v63  }
0x159: {  	_ =	swait.ge [sflag:s7], $0x4000  }
0x15a: {  	[sflag:s7] =	ssyncset.done $0x0  }
0x15b: {  	[sflag:s7] =	ssyncadd.s32 $0xFFFFC000  }
0x15c: {  	_ =	swait.ge [sflag:s7], $0x4000  }
0x15d: {  	[sflag:s7] =	ssyncset.done $0x0  }
0x15e: {  	[sflag:s7] =	ssyncadd.s32 $0xFFFFC000  }
0x15f: {  	_ =	swait.ge [sflag:s7], $0x4000  }
0x160: {  	[sflag:s7] =	ssyncset.done $0x0  }
0x161: {  	[sflag:s7] =	ssyncadd.s32 $0xFFFFC000  }
0x162: {  	_ =	swait.ge [sflag:s7], $0x4000  }
0x163: {  	[sflag:s7] =	ssyncset.done $0x0  }
0x164: {  	s11 =	rddreg [dreg:$0x9];
	[sflag:s7] =	ssyncadd.s32 $0xFFFFC000  }
0x165: {  	[hbm4b:s11+s2] =	stream.linear.scatter [tilespmem:s5], [sflag:$0x2], $0x10000, $0x38;
	[tilespmem:$0x11000] =	vst v63  }
0x166: {  	_ =	swait.ge [sflag:s3], $0x10000  }
0x167: {  	[sflag:s3] =	ssyncset.done $0x0  }
0x168: {  	s11 =	simm.s32 $0xC00;
	[sflag:s3] =	ssyncadd.s32 $0xFFFF0000  }
0x169: {  	[tilespmem:s5], [sflag:$0x1] =	stream.indirect.gather [hbm4b:s4+s6], $0x80, s11, s6, $0xb8;
	[tilespmem:$0x11000] =	vst v63  }
0x16a: {  	_ = 	snop  }
0x16b: {  	[tilespmem:s8], [sflag:$0x1] =	stream.indirect.gather [hbm4b:s4+s6], $0x80, s17, s6, $0xb8;
	[tilespmem:$0x11000] =	vst v63  }
0x16c: {  	_ = 	snop  }
0x16d: {  	[tilespmem:s9], [sflag:$0x1] =	stream.indirect.gather [hbm4b:s4+s6], $0x80, s18, s6, $0xb8;
	[tilespmem:$0x11000] =	vst v63  }
0x16e: {  	_ = 	snop  }
0x16f: {  	[tilespmem:s10], [sflag:$0x1] =	stream.indirect.gather [hbm4b:s4+s6], $0x80, s19, s6, $0xb8;
	[tilespmem:$0x11000] =	vst v63  }
0x170: {  	_ =	swait.ge [sflag:s7], $0x4000  }
0x171: {  	[sflag:s7] =	ssyncset.done $0x0  }
0x172: {  	[sflag:s7] =	ssyncadd.s32 $0xFFFFC000  }
0x173: {  	_ =	swait.ge [sflag:s7], $0x4000  }
0x174: {  	[sflag:s7] =	ssyncset.done $0x0  }
0x175: {  	[sflag:s7] =	ssyncadd.s32 $0xFFFFC000  }
0x176: {  	_ =	swait.ge [sflag:s7], $0x4000  }
0x177: {  	[sflag:s7] =	ssyncset.done $0x0  }
0x178: {  	[sflag:s7] =	ssyncadd.s32 $0xFFFFC000  }
0x179: {  	_ =	swait.ge [sflag:s7], $0x4000  }
0x17a: {  	[sflag:s7] =	ssyncset.done $0x0  }
0x17b: {  	s11 =	rddreg [dreg:$0xa];
	[sflag:s7] =	ssyncadd.s32 $0xFFFFC000  }
0x17c: {  	[hbm4b:s11+s2] =	stream.linear.scatter [tilespmem:s5], [sflag:$0x2], $0x10000, $0x38;
	[tilespmem:$0x11000] =	vst v63  }
0x17d: {  	_ =	swait.ge [sflag:s3], $0x10000  }
0x17e: {  	[sflag:s3] =	ssyncset.done $0x0  }
0x17f: {  	[sflag:s3] =	ssyncadd.s32 $0xFFFF0000  }
0x180: {  	[tilespmem:s5], [sflag:$0x1] =	stream.indirect.gather [hbm4b:s4+s6], $0x80, s12, s6, $0xb8;
	[tilespmem:$0x11000] =	vst v63  }
0x181: {  	_ = 	snop  }
0x182: {  	[tilespmem:s8], [sflag:$0x1] =	stream.indirect.gather [hbm4b:s4+s6], $0x80, s13, s6, $0xb8;
	[tilespmem:$0x11000] =	vst v63  }
0x183: {  	_ = 	snop  }
0x184: {  	[tilespmem:s9], [sflag:$0x1] =	stream.indirect.gather [hbm4b:s4+s6], $0x80, s14, s6, $0xb8;
	[tilespmem:$0x11000] =	vst v63  }
0x185: {  	_ = 	snop  }
0x186: {  	[tilespmem:s10], [sflag:$0x1] =	stream.indirect.gather [hbm4b:s4+s6], $0x80, s15, s6, $0xb8;
	[tilespmem:$0x11000] =	vst v63  }
0x187: {  	_ =	swait.ge [sflag:s7], $0x4000  }
0x188: {  	[sflag:s7] =	ssyncset.done $0x0  }
0x189: {  	[sflag:s7] =	ssyncadd.s32 $0xFFFFC000  }
0x18a: {  	_ =	swait.ge [sflag:s7], $0x4000  }
0x18b: {  	[sflag:s7] =	ssyncset.done $0x0  }
0x18c: {  	[sflag:s7] =	ssyncadd.s32 $0xFFFFC000  }
0x18d: {  	_ =	swait.ge [sflag:s7], $0x4000  }
0x18e: {  	[sflag:s7] =	ssyncset.done $0x0  }
0x18f: {  	[sflag:s7] =	ssyncadd.s32 $0xFFFFC000  }
0x190: {  	p1 =	sne.s32 s1, $0x1;
	_ =	swait.ge [sflag:s7], $0x4000  }
.Ltmp2:
0x191: {  	[sflag:s7] =	ssyncset.done $0x0;
	(pc) =	sbr.rel @p1 .LBB2_4-.Ltmp2, $4  }
0x192: {  	s11 =	rddreg [dreg:$0xb];
	[sflag:s7] =	ssyncadd.s32 $0xFFFFC000  }
0x193: {  	[hbm4b:s11+s2] =	stream.linear.scatter [tilespmem:s5], [sflag:$0x2], $0x10000, $0x38;
	[tilespmem:$0x11000] =	vst v63  }
0x194: {  	_ =	swait.ge [sflag:s3], $0x10000  }
0x195: {  	s1 =	sadd.s32 $0xFFFFFFFF, s1;
	s0 =	rddreg [dreg:$0x3];
	[sflag:s3] =	ssyncset.done $0x0  }
0x196: {  	s15 =	simm.s32 $0x780;
	s31 =	simm.s32 $0x700  }
0x197: {  	s30 =	simm.s32 $0x680;
	s29 =	simm.s32 $0x600;
	s28 =	simm.s32 $0x980  }
0x198: {  	s26 =	simm.s32 $0x900;
	s25 =	simm.s32 $0x880;
	s24 =	simm.s32 $0x800  }
0x199: {  	s23 =	simm.s32 $0xB80;
	s22 =	simm.s32 $0xB00;
	s21 =	simm.s32 $0xA80  }
0x19a: {  	s20 =	simm.s32 $0xA00;
	s19 =	simm.s32 $0xD80;
	s18 =	simm.s32 $0xD00  }
0x19b: {  	s17 =	simm.s32 $0xC80;
	s16 =	simm.s32 $0xC00;
	s14 =	simm.s32 $0xF00  }
0x19c: {  	s13 =	simm.s32 $0xE80;
	s12 =	simm.s32 $0xE00;
	s11 =	stileid.u32  }
.LBB2_6:
0x19d: {  	[sflag:s3] =	ssyncadd.s32 @p0 $0xFFFF0000  }
0x19e: {  	[tilespmem:s2], [sflag:$0x2] =	stream.linear.gather [hbm4b:s0+s2], $0x1000, $0x38;
	[tilespmem:$0x11000] =	vst v63  }
0x19f: {  	_ =	swait.ge [sflag:s3], $0x1000  }
0x1a0: {  	[sflag:s3] =	ssyncset.done $0x0  }
0x1a1: {  	[sflag:s3] =	ssyncadd.s32 $0xFFFFF000  }
0x1a2: {  	[tilespmem:s5], [sflag:$0x1] =	stream.indirect.gather [hbm4b:s4+s6], $0x80, s2, s6, $0xb8;
	[tilespmem:$0x11000] =	vst v63  }
0x1a3: {  	_ = 	snop  }
0x1a4: {  	[tilespmem:s8], [sflag:$0x1] =	stream.indirect.gather [hbm4b:s4+s6], $0x80, s6, s6, $0xb8;
	[tilespmem:$0x11000] =	vst v63  }
0x1a5: {  	s0 =	rddreg [dreg:$0xc]  }
0x1a6: {  	[tilespmem:s9], [sflag:$0x1] =	stream.indirect.gather [hbm4b:s4+s6], $0x80, s0, s6, $0xb8;
	[tilespmem:$0x11000] =	vst v63  }
0x1a7: {  	s1 =	rddreg [dreg:$0xd]  }
0x1a8: {  	[tilespmem:s10], [sflag:$0x1] =	stream.indirect.gather [hbm4b:s4+s6], $0x80, s1, s6, $0xb8;
	[tilespmem:$0x11000] =	vst v63  }
0x1a9: {  	_ =	swait.ge [sflag:s7], $0x4000  }
0x1aa: {  	[sflag:s7] =	ssyncset.done $0x0  }
0x1ab: {  	[sflag:s7] =	ssyncadd.s32 $0xFFFFC000  }
0x1ac: {  	_ =	swait.ge [sflag:s7], $0x4000  }
0x1ad: {  	[sflag:s7] =	ssyncset.done $0x0  }
0x1ae: {  	[sflag:s7] =	ssyncadd.s32 $0xFFFFC000  }
0x1af: {  	_ =	swait.ge [sflag:s7], $0x4000  }
0x1b0: {  	[sflag:s7] =	ssyncset.done $0x0  }
0x1b1: {  	[sflag:s7] =	ssyncadd.s32 $0xFFFFC000  }
0x1b2: {  	_ =	swait.ge [sflag:s7], $0x4000  }
0x1b3: {  	[sflag:s7] =	ssyncset.done $0x0  }
0x1b4: {  	s1 =	rddreg [dreg:$0x4];
	[sflag:s7] =	ssyncadd.s32 $0xFFFFC000  }
0x1b5: {  	[hbm4b:s1+s2] =	stream.linear.scatter [tilespmem:s5], [sflag:$0x2], $0x10000, $0x38;
	[tilespmem:$0x11000] =	vst v63  }
0x1b6: {  	_ =	swait.ge [sflag:s3], $0x10000  }
0x1b7: {  	[sflag:s3] =	ssyncset.done $0x0  }
0x1b8: {  	s0 =	rddreg [dreg:$0xe];
	[sflag:s3] =	ssyncadd.s32 $0xFFFF0000  }
0x1b9: {  	[tilespmem:s5], [sflag:$0x1] =	stream.indirect.gather [hbm4b:s4+s6], $0x80, s0, s6, $0xb8;
	[tilespmem:$0x11000] =	vst v63  }
0x1ba: {  	s1 =	rddreg [dreg:$0xf]  }
0x1bb: {  	[tilespmem:s8], [sflag:$0x1] =	stream.indirect.gather [hbm4b:s4+s6], $0x80, s1, s6, $0xb8;
	[tilespmem:$0x11000] =	vst v63  }
0x1bc: {  	s0 =	rddreg [dreg:$0x10]  }
0x1bd: {  	[tilespmem:s9], [sflag:$0x1] =	stream.indirect.gather [hbm4b:s4+s6], $0x80, s0, s6, $0xb8;
	[tilespmem:$0x11000] =	vst v63  }
0x1be: {  	s1 =	rddreg [dreg:$0x11]  }
0x1bf: {  	[tilespmem:s10], [sflag:$0x1] =	stream.indirect.gather [hbm4b:s4+s6], $0x80, s1, s6, $0xb8;
	[tilespmem:$0x11000] =	vst v63  }
0x1c0: {  	_ =	swait.ge [sflag:s7], $0x4000  }
0x1c1: {  	[sflag:s7] =	ssyncset.done $0x0  }
0x1c2: {  	[sflag:s7] =	ssyncadd.s32 $0xFFFFC000  }
0x1c3: {  	_ =	swait.ge [sflag:s7], $0x4000  }
0x1c4: {  	[sflag:s7] =	ssyncset.done $0x0  }
0x1c5: {  	[sflag:s7] =	ssyncadd.s32 $0xFFFFC000  }
0x1c6: {  	_ =	swait.ge [sflag:s7], $0x4000  }
0x1c7: {  	[sflag:s7] =	ssyncset.done $0x0  }
0x1c8: {  	[sflag:s7] =	ssyncadd.s32 $0xFFFFC000  }
0x1c9: {  	_ =	swait.ge [sflag:s7], $0x4000  }
0x1ca: {  	[sflag:s7] =	ssyncset.done $0x0  }
0x1cb: {  	s1 =	rddreg [dreg:$0x5];
	[sflag:s7] =	ssyncadd.s32 $0xFFFFC000  }
0x1cc: {  	[hbm4b:s1+s2] =	stream.linear.scatter [tilespmem:s5], [sflag:$0x2], $0x10000, $0x38;
	[tilespmem:$0x11000] =	vst v63  }
0x1cd: {  	_ =	swait.ge [sflag:s3], $0x10000  }
0x1ce: {  	[sflag:s3] =	ssyncset.done $0x0  }
0x1cf: {  	s0 =	rddreg [dreg:$0x12];
	[sflag:s3] =	ssyncadd.s32 $0xFFFF0000  }
0x1d0: {  	[tilespmem:s5], [sflag:$0x1] =	stream.indirect.gather [hbm4b:s4+s6], $0x80, s0, s6, $0xb8;
	[tilespmem:$0x11000] =	vst v63  }
0x1d1: {  	s1 =	rddreg [dreg:$0x13]  }
0x1d2: {  	[tilespmem:s8], [sflag:$0x1] =	stream.indirect.gather [hbm4b:s4+s6], $0x80, s1, s6, $0xb8;
	[tilespmem:$0x11000] =	vst v63  }
0x1d3: {  	s0 =	rddreg [dreg:$0x14]  }
0x1d4: {  	[tilespmem:s9], [sflag:$0x1] =	stream.indirect.gather [hbm4b:s4+s6], $0x80, s0, s6, $0xb8;
	[tilespmem:$0x11000] =	vst v63  }
0x1d5: {  	s1 =	rddreg [dreg:$0x15]  }
0x1d6: {  	[tilespmem:s10], [sflag:$0x1] =	stream.indirect.gather [hbm4b:s4+s6], $0x80, s1, s6, $0xb8;
	[tilespmem:$0x11000] =	vst v63  }
0x1d7: {  	_ =	swait.ge [sflag:s7], $0x4000  }
0x1d8: {  	[sflag:s7] =	ssyncset.done $0x0  }
0x1d9: {  	[sflag:s7] =	ssyncadd.s32 $0xFFFFC000  }
0x1da: {  	_ =	swait.ge [sflag:s7], $0x4000  }
0x1db: {  	[sflag:s7] =	ssyncset.done $0x0  }
0x1dc: {  	[sflag:s7] =	ssyncadd.s32 $0xFFFFC000  }
0x1dd: {  	_ =	swait.ge [sflag:s7], $0x4000  }
0x1de: {  	[sflag:s7] =	ssyncset.done $0x0  }
0x1df: {  	[sflag:s7] =	ssyncadd.s32 $0xFFFFC000  }
0x1e0: {  	_ =	swait.ge [sflag:s7], $0x4000  }
0x1e1: {  	[sflag:s7] =	ssyncset.done $0x0  }
0x1e2: {  	s1 =	rddreg [dreg:$0x6];
	[sflag:s7] =	ssyncadd.s32 $0xFFFFC000  }
0x1e3: {  	[hbm4b:s1+s2] =	stream.linear.scatter [tilespmem:s5], [sflag:$0x2], $0x10000, $0x38;
	[tilespmem:$0x11000] =	vst v63  }
0x1e4: {  	_ =	swait.ge [sflag:s3], $0x10000  }
0x1e5: {  	[sflag:s3] =	ssyncset.done $0x0  }
0x1e6: {  	[sflag:s3] =	ssyncadd.s32 $0xFFFF0000  }
0x1e7: {  	[tilespmem:s5], [sflag:$0x1] =	stream.indirect.gather [hbm4b:s4+s6], $0x80, s29, s6, $0xb8;
	[tilespmem:$0x11000] =	vst v63  }
0x1e8: {  	_ = 	snop  }
0x1e9: {  	[tilespmem:s8], [sflag:$0x1] =	stream.indirect.gather [hbm4b:s4+s6], $0x80, s30, s6, $0xb8;
	[tilespmem:$0x11000] =	vst v63  }
0x1ea: {  	_ = 	snop  }
0x1eb: {  	[tilespmem:s9], [sflag:$0x1] =	stream.indirect.gather [hbm4b:s4+s6], $0x80, s31, s6, $0xb8;
	[tilespmem:$0x11000] =	vst v63  }
0x1ec: {  	_ = 	snop  }
0x1ed: {  	[tilespmem:s10], [sflag:$0x1] =	stream.indirect.gather [hbm4b:s4+s6], $0x80, s15, s6, $0xb8;
	[tilespmem:$0x11000] =	vst v63  }
0x1ee: {  	_ =	swait.ge [sflag:s7], $0x4000  }
0x1ef: {  	[sflag:s7] =	ssyncset.done $0x0  }
0x1f0: {  	[sflag:s7] =	ssyncadd.s32 $0xFFFFC000  }
0x1f1: {  	_ =	swait.ge [sflag:s7], $0x4000  }
0x1f2: {  	[sflag:s7] =	ssyncset.done $0x0  }
0x1f3: {  	[sflag:s7] =	ssyncadd.s32 $0xFFFFC000  }
0x1f4: {  	_ =	swait.ge [sflag:s7], $0x4000  }
0x1f5: {  	[sflag:s7] =	ssyncset.done $0x0  }
0x1f6: {  	[sflag:s7] =	ssyncadd.s32 $0xFFFFC000  }
0x1f7: {  	_ =	swait.ge [sflag:s7], $0x4000  }
0x1f8: {  	[sflag:s7] =	ssyncset.done $0x0  }
0x1f9: {  	s15 =	rddreg [dreg:$0x7];
	[sflag:s7] =	ssyncadd.s32 $0xFFFFC000  }
0x1fa: {  	[hbm4b:s15+s2] =	stream.linear.scatter [tilespmem:s5], [sflag:$0x2], $0x10000, $0x38;
	[tilespmem:$0x11000] =	vst v63  }
0x1fb: {  	_ =	swait.ge [sflag:s3], $0x10000  }
0x1fc: {  	[sflag:s3] =	ssyncset.done $0x0  }
0x1fd: {  	[sflag:s3] =	ssyncadd.s32 $0xFFFF0000  }
0x1fe: {  	[tilespmem:s5], [sflag:$0x1] =	stream.indirect.gather [hbm4b:s4+s6], $0x80, s24, s6, $0xb8;
	[tilespmem:$0x11000] =	vst v63  }
0x1ff: {  	_ = 	snop  }
0x200: {  	[tilespmem:s8], [sflag:$0x1] =	stream.indirect.gather [hbm4b:s4+s6], $0x80, s25, s6, $0xb8;
	[tilespmem:$0x11000] =	vst v63  }
0x201: {  	_ = 	snop  }
0x202: {  	[tilespmem:s9], [sflag:$0x1] =	stream.indirect.gather [hbm4b:s4+s6], $0x80, s26, s6, $0xb8;
	[tilespmem:$0x11000] =	vst v63  }
0x203: {  	_ = 	snop  }
0x204: {  	[tilespmem:s10], [sflag:$0x1] =	stream.indirect.gather [hbm4b:s4+s6], $0x80, s28, s6, $0xb8;
	[tilespmem:$0x11000] =	vst v63  }
0x205: {  	_ =	swait.ge [sflag:s7], $0x4000  }
0x206: {  	[sflag:s7] =	ssyncset.done $0x0  }
0x207: {  	[sflag:s7] =	ssyncadd.s32 $0xFFFFC000  }
0x208: {  	_ =	swait.ge [sflag:s7], $0x4000  }
0x209: {  	[sflag:s7] =	ssyncset.done $0x0  }
0x20a: {  	[sflag:s7] =	ssyncadd.s32 $0xFFFFC000  }
0x20b: {  	_ =	swait.ge [sflag:s7], $0x4000  }
0x20c: {  	[sflag:s7] =	ssyncset.done $0x0  }
0x20d: {  	[sflag:s7] =	ssyncadd.s32 $0xFFFFC000  }
0x20e: {  	_ =	swait.ge [sflag:s7], $0x4000  }
0x20f: {  	[sflag:s7] =	ssyncset.done $0x0  }
0x210: {  	s26 =	rddreg [dreg:$0x8];
	[sflag:s7] =	ssyncadd.s32 $0xFFFFC000  }
0x211: {  	[hbm4b:s26+s2] =	stream.linear.scatter [tilespmem:s5], [sflag:$0x2], $0x10000, $0x38;
	[tilespmem:$0x11000] =	vst v63  }
0x212: {  	_ =	swait.ge [sflag:s3], $0x10000  }
0x213: {  	[sflag:s3] =	ssyncset.done $0x0  }
0x214: {  	[sflag:s3] =	ssyncadd.s32 $0xFFFF0000  }
0x215: {  	[tilespmem:s5], [sflag:$0x1] =	stream.indirect.gather [hbm4b:s4+s6], $0x80, s20, s6, $0xb8;
	[tilespmem:$0x11000] =	vst v63  }
0x216: {  	_ = 	snop  }
0x217: {  	[tilespmem:s8], [sflag:$0x1] =	stream.indirect.gather [hbm4b:s4+s6], $0x80, s21, s6, $0xb8;
	[tilespmem:$0x11000] =	vst v63  }
0x218: {  	_ = 	snop  }
0x219: {  	[tilespmem:s9], [sflag:$0x1] =	stream.indirect.gather [hbm4b:s4+s6], $0x80, s22, s6, $0xb8;
	[tilespmem:$0x11000] =	vst v63  }
0x21a: {  	_ = 	snop  }
0x21b: {  	[tilespmem:s10], [sflag:$0x1] =	stream.indirect.gather [hbm4b:s4+s6], $0x80, s23, s6, $0xb8;
	[tilespmem:$0x11000] =	vst v63  }
0x21c: {  	_ =	swait.ge [sflag:s7], $0x4000  }
0x21d: {  	[sflag:s7] =	ssyncset.done $0x0  }
0x21e: {  	[sflag:s7] =	ssyncadd.s32 $0xFFFFC000  }
0x21f: {  	_ =	swait.ge [sflag:s7], $0x4000  }
0x220: {  	[sflag:s7] =	ssyncset.done $0x0  }
0x221: {  	[sflag:s7] =	ssyncadd.s32 $0xFFFFC000  }
0x222: {  	_ =	swait.ge [sflag:s7], $0x4000  }
0x223: {  	[sflag:s7] =	ssyncset.done $0x0  }
0x224: {  	[sflag:s7] =	ssyncadd.s32 $0xFFFFC000  }
0x225: {  	_ =	swait.ge [sflag:s7], $0x4000  }
0x226: {  	[sflag:s7] =	ssyncset.done $0x0  }
0x227: {  	s28 =	rddreg [dreg:$0x9];
	[sflag:s7] =	ssyncadd.s32 $0xFFFFC000  }
0x228: {  	[hbm4b:s28+s2] =	stream.linear.scatter [tilespmem:s5], [sflag:$0x2], $0x10000, $0x38;
	[tilespmem:$0x11000] =	vst v63  }
0x229: {  	_ =	swait.ge [sflag:s3], $0x10000  }
0x22a: {  	[sflag:s3] =	ssyncset.done $0x0  }
0x22b: {  	[sflag:s3] =	ssyncadd.s32 $0xFFFF0000  }
0x22c: {  	[tilespmem:s5], [sflag:$0x1] =	stream.indirect.gather [hbm4b:s4+s6], $0x80, s16, s6, $0xb8;
	[tilespmem:$0x11000] =	vst v63  }
0x22d: {  	_ = 	snop  }
0x22e: {  	[tilespmem:s8], [sflag:$0x1] =	stream.indirect.gather [hbm4b:s4+s6], $0x80, s17, s6, $0xb8;
	[tilespmem:$0x11000] =	vst v63  }
0x22f: {  	_ = 	snop  }
0x230: {  	[tilespmem:s9], [sflag:$0x1] =	stream.indirect.gather [hbm4b:s4+s6], $0x80, s18, s6, $0xb8;
	[tilespmem:$0x11000] =	vst v63  }
0x231: {  	_ = 	snop  }
0x232: {  	[tilespmem:s10], [sflag:$0x1] =	stream.indirect.gather [hbm4b:s4+s6], $0x80, s19, s6, $0xb8;
	[tilespmem:$0x11000] =	vst v63  }
0x233: {  	_ =	swait.ge [sflag:s7], $0x4000  }
0x234: {  	[sflag:s7] =	ssyncset.done $0x0  }
0x235: {  	[sflag:s7] =	ssyncadd.s32 $0xFFFFC000  }
0x236: {  	_ =	swait.ge [sflag:s7], $0x4000  }
0x237: {  	[sflag:s7] =	ssyncset.done $0x0  }
0x238: {  	[sflag:s7] =	ssyncadd.s32 $0xFFFFC000  }
0x239: {  	_ =	swait.ge [sflag:s7], $0x4000  }
0x23a: {  	[sflag:s7] =	ssyncset.done $0x0  }
0x23b: {  	[sflag:s7] =	ssyncadd.s32 $0xFFFFC000  }
0x23c: {  	_ =	swait.ge [sflag:s7], $0x4000  }
0x23d: {  	[sflag:s7] =	ssyncset.done $0x0  }
0x23e: {  	s29 =	rddreg [dreg:$0xa];
	[sflag:s7] =	ssyncadd.s32 $0xFFFFC000  }
0x23f: {  	[hbm4b:s29+s2] =	stream.linear.scatter [tilespmem:s5], [sflag:$0x2], $0x10000, $0x38;
	[tilespmem:$0x11000] =	vst v63  }
0x240: {  	_ =	swait.ge [sflag:s3], $0x10000  }
0x241: {  	[sflag:s3] =	ssyncset.done $0x0  }
0x242: {  	[sflag:s3] =	ssyncadd.s32 $0xFFFF0000  }
0x243: {  	[tilespmem:s5], [sflag:$0x1] =	stream.indirect.gather [hbm4b:s4+s6], $0x80, s12, s6, $0xb8;
	[tilespmem:$0x11000] =	vst v63  }
0x244: {  	_ = 	snop  }
0x245: {  	[tilespmem:s8], [sflag:$0x1] =	stream.indirect.gather [hbm4b:s4+s6], $0x80, s13, s6, $0xb8;
	[tilespmem:$0x11000] =	vst v63  }
0x246: {  	_ = 	snop  }
0x247: {  	[tilespmem:s9], [sflag:$0x1] =	stream.indirect.gather [hbm4b:s4+s6], $0x80, s14, s6, $0xb8;
	[tilespmem:$0x11000] =	vst v63  }
0x248: {  	s30 =	simm.s32 $0xF80  }
0x249: {  	[tilespmem:s10], [sflag:$0x1] =	stream.indirect.gather [hbm4b:s4+s6], $0x80, s30, s6, $0xb8;
	[tilespmem:$0x11000] =	vst v63  }
0x24a: {  	_ =	swait.ge [sflag:s7], $0x4000  }
0x24b: {  	[sflag:s7] =	ssyncset.done $0x0  }
0x24c: {  	[sflag:s7] =	ssyncadd.s32 $0xFFFFC000  }
0x24d: {  	_ =	swait.ge [sflag:s7], $0x4000  }
0x24e: {  	[sflag:s7] =	ssyncset.done $0x0  }
0x24f: {  	[sflag:s7] =	ssyncadd.s32 $0xFFFFC000  }
0x250: {  	_ =	swait.ge [sflag:s7], $0x4000  }
0x251: {  	[sflag:s7] =	ssyncset.done $0x0  }
0x252: {  	[sflag:s7] =	ssyncadd.s32 $0xFFFFC000  }
0x253: {  	_ =	swait.ge [sflag:s7], $0x4000  }
0x254: {  	[sflag:s7] =	ssyncset.done $0x0  }
0x255: {  	s31 =	rddreg [dreg:$0xb];
	[sflag:s7] =	ssyncadd.s32 $0xFFFFC000  }
0x256: {  	[hbm4b:s31+s2] =	stream.linear.scatter [tilespmem:s5], [sflag:$0x2], $0x10000, $0x38;
	[tilespmem:$0x11000] =	vst v63  }
0x257: {  	_ =	swait.ge [sflag:s3], $0x10000  }
0x258: {  	[sflag:s3] =	ssyncset.done $0x0  }
0x259: {  	[sflag:s3] =	ssyncadd.s32 $0xFFFF0000  }
0x25a: {  	_ =	sfence.sel $0x180000  }
0x25b: {  	[bflag:$0x0] =	sbarrier.arrive $0xFFFF  }
0x25c: {  	_ =	strace $0x90000047  }
0x25d: {  	[bflag:$0x2] =	sbarrier.arrive $0xFFFF  }
0x25e: {  	p0 =	sne.s32 s11, $0x0;
	s0 =	rddreg [dreg:$0x2]  }
0x25f: {  	s0 =	sadd.s32 @!p0 $0x100000, s0  }
0x260: {  	[sflag:s0] =	ssyncadd.tile.s32 @!p0 $0x1;
	_ =	shalt  }
.LBB2_1:
0x261: {  	s15 =	simm.s32 $0x780;
	s31 =	simm.s32 $0x700  }
0x262: {  	s30 =	simm.s32 $0x680;
	s29 =	simm.s32 $0x600;
	s28 =	simm.s32 $0x980  }
.Ltmp3:
0x263: {  	s26 =	simm.s32 $0x900;
	s25 =	simm.s32 $0x880;
	(pc) =	sbr.rel .LBB2_6-.Ltmp3, $4  }
0x264: {  	s24 =	simm.s32 $0x800;
	s23 =	simm.s32 $0xB80;
	s22 =	simm.s32 $0xB00  }
0x265: {  	s21 =	simm.s32 $0xA80;
	s20 =	simm.s32 $0xA00;
	s19 =	simm.s32 $0xD80  }
0x266: {  	s18 =	simm.s32 $0xD00;
	s17 =	simm.s32 $0xC80;
	s16 =	simm.s32 $0xC00  }
0x267: {  	s14 =	simm.s32 $0xF00;
	s13 =	simm.s32 $0xE80;
	s12 =	simm.s32 $0xE00  }
.LBB2_3:
0x268: {  	s15 =	simm.s32 $0x780;
	s31 =	simm.s32 $0x700;
	s30 =	simm.s32 $0x680  }
0x269: {  	s29 =	simm.s32 $0x600;
	s28 =	simm.s32 $0x980;
	s26 =	simm.s32 $0x900  }
.Ltmp4:
0x26a: {  	s25 =	simm.s32 $0x880;
	s24 =	simm.s32 $0x800;
	(pc) =	sbr.rel .LBB2_6-.Ltmp4, $4  }
0x26b: {  	s23 =	simm.s32 $0xB80;
	s22 =	simm.s32 $0xB00;
	s21 =	simm.s32 $0xA80  }
0x26c: {  	s20 =	simm.s32 $0xA00;
	s19 =	simm.s32 $0xD80;
	s18 =	simm.s32 $0xD00  }
0x26d: {  	s17 =	simm.s32 $0xC80;
	s16 =	simm.s32 $0xC00;
	s14 =	simm.s32 $0xF00  }
0x26e: {  	s13 =	simm.s32 $0xE80;
	s12 =	simm.s32 $0xE00;
	s11 =	stileid.u32  }
.Lfunc_end2:
_tile_overlayer_lowered:
.L_overlay_start_2:
0x26f: {  	(tag) =	ssettag $0x2  }
0x270: {  	s0 =	rddreg [dreg:$0x0];
	s2 =	stileid.u32  }
0x271: {  	s1 =	rddreg [dreg:$0x1];
	p0 =	sne.s32 s2, $0x0  }
0x272: {  	s3 =	rddreg [dreg:$0x2];
	[bflag:$0x3] =	sbarrier.arrive $0xFFFF;
	s2 =	simm.s32 @!p0 $0x1C02  }
0x273: {  	[timem:s3], [sflag:s2] =	dma.local @!p0 [hbm:s0], s1  }
0x274: {  	s0 =	simm.s32 @!p0 $0x2  }
0x275: {  	_ =	swait.ge @!p0 [sflag:s0], s1  }
0x276: {  	s1 =	ssub.s32 @!p0 $0x0, s1;
	[sflag:s0] =	ssyncset.done @!p0 $0x0  }
0x277: {  	[sflag:s0] =	ssyncadd.s32 @!p0 s1  }
0x278: {  	[bflag:$0x3] =	sbarrier.arrive $0xFFFF  }
0x279: {  	_ =	shalt  }

// kernel: kernel.15.cloned.1.call-start
scs
__scs_entry_jumppad:
0x0: {  	(pc) =	sbr.rel $0x88, $3  }
0x1: {  	(tag) =	ssettag $0x0;
	lr =	simm.s32 $0x1  }
0x2: {  	[smem:$0x3F90] =	sst lr;
	_ =	strace $0xD0000000  }
0x3: {  	_ = 	snop  }
0x4: {  	_ = 	snop  }
0x5: {  	_ = 	snop  }
0x6: {  	_ = 	snop  }
0x7: {  	_ = 	snop  }
__scs_overlays_trampoline_lowered:
0x8: {  	[smem:$0x3F9F] =	sst s0  }
0x9: {  	[smem:$0x3FA0] =	sst s1  }
0xa: {  	[smem:$0x3FA1] =	sst s2  }
0xb: {  	[smem:$0x3FA2] =	sst s3  }
0xc: {  	[smem:$0x3FA3] =	sst s4  }
0xd: {  	[smem:$0x3FA4] =	sst s5  }
0xe: {  	[smem:$0x3FA5] =	sst s6  }
0xf: {  	[smem:$0x3FA6] =	sst s7  }
0x10: {  	[smem:$0x3FA7] =	sst s8  }
0x11: {  	[smem:$0x3FA8] =	sst s9;
	s0 =	simm.s32 @!p0 $0x0  }
0x12: {  	s1 =	sld [smem:$0x3F8E];
	s0 =	simm.s32 @p0 $0x1  }
0x13: {  	[smem:$0x3FA9] =	sst s0;
	s0 =	simm.s32 @!p1 $0x0  }
0x14: {  	s2 =	sld [smem:$0x3F8D];
	s0 =	simm.s32 @p1 $0x1  }
0x15: {  	[smem:$0x3FAA] =	sst s0;
	s0 =	simm.s32 @!p2 $0x0  }
0x16: {  	s3 =	sld [smem:$0x3FDB];
	s0 =	simm.s32 @p2 $0x1  }
0x17: {  	s4 =	simm.s32 $0x1BF5;
	[smem:$0x3FAC] =	sst s0  }
0x18: {  	s0 =	sld [smem:$0x3F8F];
	_ =	swait.ge [sflag:s4], $0x0  }
0x19: {  	s7 =	sld [smem:$0x3F90]  }
0x1a: {  	s8 =	sadd.s32 $0xFFFFE003, lr  }
0x1b: {  	s9 =	sadd.s32 $0xFFFFFEF7, lr;
	s5 =	simm.s32 $0xFFFFFFFF;
	p2 =	slt.u32 s8, $0xFFFFF086  }
0x1c: {  	p1 =	slt.u32 s9, $0xF7A;
	s5 =	simm.s32 @!p2 $0x0  }
0x1d: {  	s5 =	simm.s32 @p1 $0x1;
	p0 =	seq.s32 s7, s2  }
0x1e: {  	s7 =	smul.u32 @!p0 $0xF7A, s2;
	p2 =	seq.s32 @!p0 s5, $0x0  }
0x1f: {  	s9 =	smul.u32 $0xF7A, s1;
	s8 =	simm.s32 @!p0 $0x1BF5;
	p2 =	por !p2, p0  }
0x20: {  	[sflag:s8] =	ssyncset.s32 @!p0 $0xFFFFF086;
	s6 =	sadd.s32 @!p0 s3, s7;
	s7 =	simm.s32 @!p0 $0x108  }
0x21: {  	s3 =	sadd.s32 s3, s9;
	s6 =	sadd.s32 @!p0 $0x88, s6;
	s7 =	simm.s32 @p2 $0x1082  }
0x22: {  	[simem:s7], [sflag:s8] =	dma.local @!p0 [hbm:s6], $0xF7A  }
0x23: {  	s9 =	sor.u32 $0xD0000000, s2;
	s6 =	simm.s32 $0x108;
	_ =	swait.ge @!p0 [sflag:s8], $0x0  }
0x24: {  	s3 =	sadd.s32 $0x88, s3;
	s6 =	simm.s32 @!p1 $0x1082;
	[sflag:s4] =	ssyncset.s32 $0xFFFFF086  }
0x25: {  	[simem:s6], [sflag:s4] =	dma.local [hbm:s3], $0xF7A  }
0x26: {  	[smem:$0x3F90] =	sst s1;
	(tag) =	ssettag s2;
	_ =	strace s9  }
0x27: {  	s1 =	sld [smem:$0x3FA0]  }
0x28: {  	s2 =	sld [smem:$0x3FA1]  }
0x29: {  	s4 =	sld [smem:$0x3FA3]  }
0x2a: {  	p0 =	seq.s32 s5, $0x0;
	s5 =	sld [smem:$0x3FA4]  }
0x2b: {  	s6 =	sld [smem:$0x3FA5]  }
0x2c: {  	s7 =	sld [smem:$0x3FA6]  }
0x2d: {  	s3 =	simm.s32 $0x108;
	s8 =	sld [smem:$0x3FA7]  }
0x2e: {  	s3 =	simm.s32 @!p0 $0x1082;
	s9 =	sld [smem:$0x3FA8]  }
0x2f: {  	lr =	sadd.s32 s0, s3;
	s0 =	sld [smem:$0x3F9F]  }
0x30: {  	s3 =	sld [smem:$0x3FA2]  }
0x31: {  	[smem:$0x3FAB] =	sst s10  }
0x32: {  	s10 =	sld [smem:$0x3FA9];
	_ =	sdelay $0x3  }
0x33: {  	p0 =	seq.s32 s10, $0x1;
	s10 =	sld [smem:$0x3FAB];
	_ =	sdelay $0x3  }
0x34: {  	[smem:$0x3FAB] =	sst s10  }
0x35: {  	s10 =	sld [smem:$0x3FAA];
	_ =	sdelay $0x3  }
0x36: {  	p1 =	seq.s32 s10, $0x1;
	s10 =	sld [smem:$0x3FAB];
	_ =	sdelay $0x3  }
0x37: {  	[smem:$0x3FAB] =	sst s10  }
0x38: {  	s10 =	sld [smem:$0x3FAC]  }
0x39: {  	_ = 	snop;
	(pc) =	sbr.ind lr, $3  }
0x3a: {  	_ = 	snop  }
0x3b: {  	_ = 	snop  }
0x3c: {  	p2 =	seq.s32 s10, $0x1;
	s10 =	sld [smem:$0x3FAB]  }
0x3d: {  	_ =	shalt  }
0x3e: {  	_ =	shalt  }
0x3f: {  	_ =	shalt  }
0x40: {  	_ =	shalt  }
0x41: {  	_ =	shalt  }
0x42: {  	_ =	shalt  }
0x43: {  	_ =	shalt  }
0x44: {  	_ =	shalt  }
0x45: {  	_ =	shalt  }
0x46: {  	_ =	shalt  }
0x47: {  	_ =	shalt  }
0x48: {  	_ =	shalt  }
0x49: {  	_ =	shalt  }
0x4a: {  	_ =	shalt  }
0x4b: {  	_ =	shalt  }
0x4c: {  	_ =	shalt  }
0x4d: {  	_ =	shalt  }
0x4e: {  	_ =	shalt  }
0x4f: {  	_ =	shalt  }
0x50: {  	_ =	shalt  }
0x51: {  	_ =	shalt  }
0x52: {  	_ =	shalt  }
0x53: {  	_ =	shalt  }
0x54: {  	_ =	shalt  }
0x55: {  	_ =	shalt  }
0x56: {  	_ =	shalt  }
0x57: {  	_ =	shalt  }
0x58: {  	_ =	shalt  }
0x59: {  	_ =	shalt  }
0x5a: {  	_ =	shalt  }
0x5b: {  	_ =	shalt  }
0x5c: {  	_ =	shalt  }
0x5d: {  	_ =	shalt  }
0x5e: {  	_ =	shalt  }
0x5f: {  	_ =	shalt  }
0x60: {  	_ =	shalt  }
0x61: {  	_ =	shalt  }
0x62: {  	_ =	shalt  }
0x63: {  	_ =	shalt  }
0x64: {  	_ =	shalt  }
0x65: {  	_ =	shalt  }
0x66: {  	_ =	shalt  }
0x67: {  	_ =	shalt  }
0x68: {  	_ =	shalt  }
0x69: {  	_ =	shalt  }
0x6a: {  	_ =	shalt  }
0x6b: {  	_ =	shalt  }
0x6c: {  	_ =	shalt  }
0x6d: {  	_ =	shalt  }
0x6e: {  	_ =	shalt  }
0x6f: {  	_ =	shalt  }
0x70: {  	_ =	shalt  }
0x71: {  	_ =	shalt  }
0x72: {  	_ =	shalt  }
0x73: {  	_ =	shalt  }
0x74: {  	_ =	shalt  }
0x75: {  	_ =	shalt  }
0x76: {  	_ =	shalt  }
0x77: {  	_ =	shalt  }
0x78: {  	_ =	shalt  }
0x79: {  	_ =	shalt  }
0x7a: {  	_ =	shalt  }
0x7b: {  	_ =	shalt  }
0x7c: {  	_ =	shalt  }
0x7d: {  	_ =	shalt  }
0x7e: {  	_ =	shalt  }
0x7f: {  	_ =	shalt  }
0x80: {  	_ =	shalt  }
0x81: {  	_ =	shalt  }
0x82: {  	_ =	shalt  }
0x83: {  	_ =	shalt  }
0x84: {  	_ =	shalt  }
0x85: {  	_ =	shalt  }
0x86: {  	_ =	shalt  }
0x87: {  	_ =	shalt  }
.Lfunc_end0:
.L_simem_size_0:
called_computation.1_lowered:
.L_overlay_start_0:
0x88: {  	s2 =	sld [smem:$0x3FD9]  }
0x89: {  	s3 =	sld [smem:$0x3FFE];
	_ =	sdelay $0x1  }
0x8a: {  	s1 =	srdreg.scid  }
0x8b: {  	s0 =	sand.u32 $0x1, s1  }
0x8c: {  	s17 =	sshll.u32 s0, $0xA;
	s2 =	sadd.s32 s3, s2  }
0x8d: {  	s2 =	sadd.s32 s2, s17  }
0x8e: {  	[smem:$0x3FB7] =	sst s2  }
0x8f: {  	_ = 	snop  }
0x90: {  	s2 =	sld [smem:$0x3FD0];
	(tm) =	ssettm $0x1  }
0x91: {  	s18 =	sld [smem:$0x3FFB];
	_ =	sdelay $0x3  }
0x92: {  	_ =	strace s18  }
0x93: {  	s3 =	sld [smem:$0x3FFC];
	_ =	sdelay $0x3  }
0x94: {  	_ =	strace s3  }
0x95: {  	s3 =	sld [smem:$0x3FFD];
	_ =	sdelay $0x3  }
0x96: {  	_ =	strace s3  }
0x97: {  	_ =	strace $0x8FFFFFFF  }
0x98: {  	s19 =	sld [smem:$0x3FDB];
	_ =	sdelay $0x1  }
0x99: {  	s4 =	simm.s32 $_scs_section_size  }
0x9a: {  	s5 =	simm.s32 $_size__tile_overlayer_lowered;
	s6 =	simm.s32 $_tile_overlayer_lowered  }
0x9b: {  	s22 =	simm.s32 $0x1BFF;
	s21 =	sshll.u32 s6, $0x1;
	s3 =	sadd.s32 s4, s19  }
0x9c: {  	s7 =	simm.s32 $0x0;
	s20 =	sshll.u32 s5, $0x1;
	s5 =	sadd.s32 s21, s3  }
0x9d: {  	[timem:s7], [sflag:s22] =	dma.local [hbm:s5], s20  }
0x9e: {  	_ =	swait.ge [sflag:s22], s20  }
0x9f: {  	s4 =	ssub.s32 $0x0, s20;
	[sflag:s22] =	ssyncset.done $0x0  }
0xa0: {  	[sflag:s22] =	ssyncadd.s32 s4;
	_ =	sdelay $0x1  }
0xa1: {  	s23 =	simm.s32 $0x1B8B  }
0xa2: {  	_ =	swait.ge [sflag:s23], $0x1  }
0xa3: {  	[sflag:s23] =	ssyncset.done $0x0  }
0xa4: {  	s25 =	simm.s32 $0x1B8E;
	s24 =	sld [smem:$0x3FFE];
	[sflag:s23] =	ssyncadd.s32 $0xFFFFFFFF  }
0xa5: {  	s26 =	simm.s32 $execute0_lowered;
	[smem:$0x3FD2] =	sst s25  }
0xa6: {  	s5 =	sshll.u32 s26, $0x1;
	_ =	strace $0x80000049;
	[dreg:$0x1] =	wrdreg $0xFFFFFFFF  }
0xa7: {  	s28 =	simm.s32 $_size_execute0_lowered;
	s3 =	sadd.s32 s3, s5;
	[dreg:$0x0] =	wrdreg $0x0  }
0xa8: {  	s5 =	sshll.u32 s28, $0x1;
	[dreg:$0x2] =	wrdreg s3  }
0xa9: {  	[dreg:$0x3] =	wrdreg s5  }
0xaa: {  	[dreg:$0x4] =	wrdreg $0xC0  }
0xab: {  	_ =	task [dreg:s7], $0x5FFFF  }
0xac: {  	[dreg:$0x1] =	wrdreg $0xFFFFFFFF  }
0xad: {  	[dreg:$0x0] =	wrdreg $0x60  }
0xae: {  	[dreg:$0x2] =	wrdreg s24  }
0xaf: {  	[dreg:$0x3] =	wrdreg s2  }
0xb0: {  	[dreg:$0x4] =	wrdreg $0x9  }
0xb1: {  	_ =	task.clear_ibuf [dreg:s7], $0x5FFFF;
	_ =	strace $0x90000049  }
0xb2: {  	s29 =	simm.s32 $0x9;
	_ =	strace $0x8000004B  }
0xb3: {  	_ =	swait.ge [sflag:s29], $0x1  }
0xb4: {  	[sflag:s29] =	ssyncadd.s32 $0xFFFFFFFF  }
0xb5: {  	_ =	strace $0x9000004B  }
0xb6: {  	_ =	sfence  }
0xb7: {  	s30 =	sld [smem:$0x0];
	_ =	sdelay $0x2  }
0xb8: {  	s31 =	sshll.u32 s1, $0xD;
	s1 =	sshrl.u32 s1, $0x2  }
0xb9: {  	s3 =	sand.u32 $0x4000, s31;
	s1 =	sadd.s32 s1, s30  }
0xba: {  	s0 =	sor.u32 s3, s0;
	s1 =	sshll.u32 s1, $0x11  }
0xbb: {  	s0 =	sor.u32 s1, s0  }
0xbc: {  	s0 =	sadd.s32 $0x8F2B, s0  }
0xbd: {  	[sflag:s0] =	ssyncadd.remote.s32 $0x1  }
0xbe: {  	_ =	sfence.sel $0xFFFF  }
0xbf: {  	[dreg:$0x0] =	wrdreg $0xFFFFFFFF;
	(pc) =	sbr.abs _section_cstart, $3  }
0xc0: {  	[dreg:$0x1] =	wrdreg $0xFFFFFFFF  }
0xc1: {  	_ =	task.clear_ibuf [dreg:s7], $0x2FFFF;
	_ =	strace $0x9FFFFFFF  }
0xc2: {  	(tm) =	ssettm $0x7FFFFFFF  }
0xc3: {  	_ =	shalt  }
tec
execute0_lowered:
.L_overlay_start_1:
0x0: {  	(tag) =	ssettag $0x1  }
0x1: {  	s1 =	srdreg.scid;
	s4 =	rddreg [dreg:$0x0]  }
0x2: {  	s0 =	stileid.u32;
	s3 =	rddreg [dreg:$0x1]  }
0x3: {  	s18 =	simm.s32 $0x880;
	s19 =	simm.s32 $0xC80;
	s20 =	simm.s32 $0x1480  }
0x4: {  	s21 =	simm.s32 $0x1880;
	s23 =	simm.s32 $0x2080;
	s24 =	simm.s32 $0x2480  }
0x5: {  	s25 =	simm.s32 $0x2C80;
	s26 =	simm.s32 $0x3080;
	s7 =	simm.s32 $0x80  }
0x6: {  	s9 =	simm.s32 $0x3C80;
	s1 =	sand.u32 $0x1, s1;
	s2 =	sshll.u32 s0, $0x1  }
0x7: {  	s10 =	simm.s32 $0x4480;
	s5 =	sor.u32 s1, s2;
	s2 =	simm.s32 $0x0  }
0x8: {  	s11 =	simm.s32 $0x4880;
	s12 =	simm.s32 $0x5080;
	[smem:$0x7FF] =	sst s2  }
0x9: {  	s13 =	simm.s32 $0x5480;
	_ =	strace $0x8000004A;
	[dreg:$0x5] =	wrdreg s18  }
0xa: {  	s14 =	simm.s32 $0x5C80;
	s15 =	simm.s32 $0x6080;
	[dreg:$0x6] =	wrdreg s19  }
0xb: {  	s16 =	simm.s32 $0x6880;
	s17 =	simm.s32 $0x6C80;
	[dreg:$0x7] =	wrdreg s20  }
0xc: {  	s28 =	simm.s32 $0xA880;
	s29 =	simm.s32 $0xB080;
	[dreg:$0x8] =	wrdreg s21  }
0xd: {  	s30 =	simm.s32 $0xB480;
	s31 =	simm.s32 $0xBC80;
	[dreg:$0x9] =	wrdreg s23  }
0xe: {  	s1 =	ssub.s32 $0x2, s1;
	s6 =	sshll.u32 s5, $0x4;
	[dreg:$0xa] =	wrdreg s24  }
0xf: {  	s5 =	smul.u32 $0x1800, s5;
	s22 =	sshrl.u32 s1, $0x1;
	[dreg:$0xb] =	wrdreg s25  }
0x10: {  	s6 =	sadd.s32 s6, s4;
	s1 =	ssub.s32 s1, s22;
	[dreg:$0xc] =	wrdreg s26  }
0x11: {  	s18 =	simm.s32 $0x7480;
	s19 =	simm.s32 $0x7880;
	s20 =	simm.s32 $0x8080  }
0x12: {  	s21 =	simm.s32 $0x8480;
	s22 =	simm.s32 $0x8C80;
	s23 =	simm.s32 $0x9080  }
0x13: {  	s24 =	simm.s32 $0x9880;
	s25 =	simm.s32 $0x9C80;
	s6 =	sadd.s32 $0x3000, s6  }
0x14: {  	v2 =	vlaneseq.u32;
	s26 =	simm.s32 $0xA480;
	s3 =	sadd.s32 s3, s5;
	[dreg:$0x3] =	wrdreg s6  }
0x15: {  	vm0 =	vmmov $0xffff;
	vm1 =	vmmov $0xff;
	v1 =	vshrl.u32 v2, $0x3;
	s5 =	smax.u32 s1, $0x1;
	s1 =	simm.s32 $0x1;
	[dreg:$0x4] =	wrdreg s3  }
0x16: {  	v0 =	vand.u32 $0x7, v2;
	v2 =	vor.u32 $0x8, v2;
	v1 =	vmul.u32 $0x8, v1;
	s3 =	sadd.s32 $0x3200, s4;
	s4 =	sadd.s32 $0x3300, s4;
	s6 =	simm.s32 $0x2  }
.LBB2_1:
0x17: {  	s0 =	rddreg [dreg:$0x3]  }
0x18: {  	[tilespmem:s2], [sflag:$0x2] =	stream.linear.gather [hbm4b:s0+s2], $0x80, $0x38;
	[tilespmem:$0xC080] =	vst v63  }
0x19: {  	_ =	swait.ge [sflag:s6], $0x80  }
0x1a: {  	[sflag:s6] =	ssyncset.done $0x0  }
0x1b: {  	[sflag:s6] =	ssyncadd.s32 $0xFFFFFF80  }
0x1c: {  	v3 =	vld [tilespmem:$0x0];
	_ =	sdelay $0x4  }
0x1d: {  	v4 =	vshrl.u32 v3, $0x3  }
0x1e: {  	v4 =	vmul.u32 $0x18, v4  }
0x1f: {  	v3 =	vand.u32 $0x7, v3  }
0x20: {  	v3 =	vor.u32 v3, v4  }
0x21: {  	v4 =	vperm.xlane v3, v0;
	_ =	sdelay $0x1  }
0x22: {  	v4 =	vadd.s32 v1, v4;
	_ =	sdelay $0x1  }
0x23: {  	v3 =	vperm.xlane v3, v2;
	_ =	sdelay $0x1  }
0x24: {  	v3 =	vadd.s32 v1, v3  }
0x25: {  	[tilespmem:s7], [sflag:$0x1] =	stream.indirect_vreg.gather [hbm4b:s3+s2], $0x80, v4, vm0, $0xb8;
	[tilespmem:$0xC080] =	vst v63  }
0x26: {  	s0 =	rddreg [dreg:$0x5]  }
0x27: {  	[tilespmem:s0], [sflag:$0x1] =	stream.indirect_vreg.gather [hbm4b:s4+s2], $0x80, v4, vm1, $0xb8;
	[tilespmem:$0xC080] =	vst v63  }
0x28: {  	s8 =	rddreg [dreg:$0x6]  }
0x29: {  	[tilespmem:s8], [sflag:$0x1] =	stream.indirect_vreg.gather [hbm4b:s3+s2], $0x80, v3, vm0, $0xb8;
	[tilespmem:$0xC080] =	vst v63  }
0x2a: {  	s0 =	rddreg [dreg:$0x7]  }
0x2b: {  	[tilespmem:s0], [sflag:$0x1] =	stream.indirect_vreg.gather [hbm4b:s4+s2], $0x80, v3, vm1, $0xb8;
	[tilespmem:$0xC080] =	vst v63  }
0x2c: {  	v3 =	vld [tilespmem:$0x10];
	_ =	sdelay $0x4  }
0x2d: {  	v57 =	vshrl.u32 v3, $0x3  }
0x2e: {  	v4 =	vmul.u32 $0x18, v57  }
0x2f: {  	v3 =	vand.u32 $0x7, v3  }
0x30: {  	v3 =	vor.u32 v3, v4  }
0x31: {  	v4 =	vperm.xlane v3, v0;
	_ =	sdelay $0x1  }
0x32: {  	v4 =	vadd.s32 v1, v4;
	_ =	sdelay $0x1  }
0x33: {  	v3 =	vperm.xlane v3, v2;
	_ =	sdelay $0x1  }
0x34: {  	s0 =	rddreg [dreg:$0x8];
	v3 =	vadd.s32 v1, v3  }
0x35: {  	[tilespmem:s0], [sflag:$0x1] =	stream.indirect_vreg.gather [hbm4b:s3+s2], $0x80, v4, vm0, $0xb8;
	[tilespmem:$0xC080] =	vst v63  }
0x36: {  	s8 =	rddreg [dreg:$0x9]  }
0x37: {  	[tilespmem:s8], [sflag:$0x1] =	stream.indirect_vreg.gather [hbm4b:s4+s2], $0x80, v4, vm1, $0xb8;
	[tilespmem:$0xC080] =	vst v63  }
0x38: {  	s0 =	rddreg [dreg:$0xa]  }
0x39: {  	[tilespmem:s0], [sflag:$0x1] =	stream.indirect_vreg.gather [hbm4b:s3+s2], $0x80, v3, vm0, $0xb8;
	[tilespmem:$0xC080] =	vst v63  }
0x3a: {  	s8 =	rddreg [dreg:$0xb]  }
0x3b: {  	[tilespmem:s8], [sflag:$0x1] =	stream.indirect_vreg.gather [hbm4b:s4+s2], $0x80, v3, vm1, $0xb8;
	[tilespmem:$0xC080] =	vst v63  }
0x3c: {  	v3 =	vld [tilespmem:$0x20];
	_ =	sdelay $0x4  }
0x3d: {  	v58 =	vshrl.u32 v3, $0x3  }
0x3e: {  	v4 =	vmul.u32 $0x18, v58  }
0x3f: {  	v3 =	vand.u32 $0x7, v3  }
0x40: {  	v3 =	vor.u32 v3, v4  }
0x41: {  	v4 =	vperm.xlane v3, v0;
	_ =	sdelay $0x1  }
0x42: {  	v4 =	vadd.s32 v1, v4;
	_ =	sdelay $0x1  }
0x43: {  	v3 =	vperm.xlane v3, v2;
	_ =	sdelay $0x1  }
0x44: {  	s8 =	rddreg [dreg:$0xc];
	v3 =	vadd.s32 v1, v3  }
0x45: {  	[tilespmem:s8], [sflag:$0x1] =	stream.indirect_vreg.gather [hbm4b:s3+s2], $0x80, v4, vm0, $0xb8;
	[tilespmem:$0xC080] =	vst v63  }
0x46: {  	s8 =	simm.s32 $0x3880  }
0x47: {  	[tilespmem:s8], [sflag:$0x1] =	stream.indirect_vreg.gather [hbm4b:s4+s2], $0x80, v4, vm1, $0xb8;
	[tilespmem:$0xC080] =	vst v63  }
0x48: {  	_ = 	snop  }
0x49: {  	[tilespmem:s9], [sflag:$0x1] =	stream.indirect_vreg.gather [hbm4b:s3+s2], $0x80, v3, vm0, $0xb8;
	[tilespmem:$0xC080] =	vst v63  }
0x4a: {  	_ = 	snop  }
0x4b: {  	[tilespmem:s10], [sflag:$0x1] =	stream.indirect_vreg.gather [hbm4b:s4+s2], $0x80, v3, vm1, $0xb8;
	[tilespmem:$0xC080] =	vst v63  }
0x4c: {  	v3 =	vld [tilespmem:$0x30];
	_ =	sdelay $0x4  }
0x4d: {  	v59 =	vshrl.u32 v3, $0x3  }
0x4e: {  	v4 =	vmul.u32 $0x18, v59  }
0x4f: {  	v3 =	vand.u32 $0x7, v3  }
0x50: {  	v3 =	vor.u32 v3, v4  }
0x51: {  	v4 =	vperm.xlane v3, v0;
	_ =	sdelay $0x1  }
0x52: {  	v4 =	vadd.s32 v1, v4;
	_ =	sdelay $0x1  }
0x53: {  	v3 =	vperm.xlane v3, v2;
	_ =	sdelay $0x1  }
0x54: {  	v3 =	vadd.s32 v1, v3  }
0x55: {  	[tilespmem:s11], [sflag:$0x1] =	stream.indirect_vreg.gather [hbm4b:s3+s2], $0x80, v4, vm0, $0xb8;
	[tilespmem:$0xC080] =	vst v63  }
0x56: {  	_ = 	snop  }
0x57: {  	[tilespmem:s12], [sflag:$0x1] =	stream.indirect_vreg.gather [hbm4b:s4+s2], $0x80, v4, vm1, $0xb8;
	[tilespmem:$0xC080] =	vst v63  }
0x58: {  	_ = 	snop  }
0x59: {  	[tilespmem:s13], [sflag:$0x1] =	stream.indirect_vreg.gather [hbm4b:s3+s2], $0x80, v3, vm0, $0xb8;
	[tilespmem:$0xC080] =	vst v63  }
0x5a: {  	_ = 	snop  }
0x5b: {  	[tilespmem:s14], [sflag:$0x1] =	stream.indirect_vreg.gather [hbm4b:s4+s2], $0x80, v3, vm1, $0xb8;
	[tilespmem:$0xC080] =	vst v63  }
0x5c: {  	v3 =	vld [tilespmem:$0x40];
	_ =	sdelay $0x4  }
0x5d: {  	v60 =	vshrl.u32 v3, $0x3  }
0x5e: {  	v4 =	vmul.u32 $0x18, v60  }
0x5f: {  	v3 =	vand.u32 $0x7, v3  }
0x60: {  	v3 =	vor.u32 v3, v4  }
0x61: {  	v4 =	vperm.xlane v3, v0;
	_ =	sdelay $0x1  }
0x62: {  	v4 =	vadd.s32 v1, v4;
	_ =	sdelay $0x1  }
0x63: {  	v3 =	vperm.xlane v3, v2;
	_ =	sdelay $0x1  }
0x64: {  	v3 =	vadd.s32 v1, v3  }
0x65: {  	[tilespmem:s15], [sflag:$0x1] =	stream.indirect_vreg.gather [hbm4b:s3+s2], $0x80, v4, vm0, $0xb8;
	[tilespmem:$0xC080] =	vst v63  }
0x66: {  	_ = 	snop  }
0x67: {  	[tilespmem:s16], [sflag:$0x1] =	stream.indirect_vreg.gather [hbm4b:s4+s2], $0x80, v4, vm1, $0xb8;
	[tilespmem:$0xC080] =	vst v63  }
0x68: {  	_ = 	snop  }
0x69: {  	[tilespmem:s17], [sflag:$0x1] =	stream.indirect_vreg.gather [hbm4b:s3+s2], $0x80, v3, vm0, $0xb8;
	[tilespmem:$0xC080] =	vst v63  }
0x6a: {  	_ = 	snop  }
0x6b: {  	[tilespmem:s18], [sflag:$0x1] =	stream.indirect_vreg.gather [hbm4b:s4+s2], $0x80, v3, vm1, $0xb8;
	[tilespmem:$0xC080] =	vst v63  }
0x6c: {  	v3 =	vld [tilespmem:$0x50];
	_ =	sdelay $0x4  }
0x6d: {  	v61 =	vshrl.u32 v3, $0x3  }
0x6e: {  	v4 =	vmul.u32 $0x18, v61  }
0x6f: {  	v3 =	vand.u32 $0x7, v3  }
0x70: {  	v3 =	vor.u32 v3, v4  }
0x71: {  	v4 =	vperm.xlane v3, v0;
	_ =	sdelay $0x1  }
0x72: {  	v4 =	vadd.s32 v1, v4;
	_ =	sdelay $0x1  }
0x73: {  	v3 =	vperm.xlane v3, v2;
	_ =	sdelay $0x1  }
0x74: {  	v3 =	vadd.s32 v1, v3  }
0x75: {  	[tilespmem:s19], [sflag:$0x1] =	stream.indirect_vreg.gather [hbm4b:s3+s2], $0x80, v4, vm0, $0xb8;
	[tilespmem:$0xC080] =	vst v63  }
0x76: {  	_ = 	snop  }
0x77: {  	[tilespmem:s20], [sflag:$0x1] =	stream.indirect_vreg.gather [hbm4b:s4+s2], $0x80, v4, vm1, $0xb8;
	[tilespmem:$0xC080] =	vst v63  }
0x78: {  	_ = 	snop  }
0x79: {  	[tilespmem:s21], [sflag:$0x1] =	stream.indirect_vreg.gather [hbm4b:s3+s2], $0x80, v3, vm0, $0xb8;
	[tilespmem:$0xC080] =	vst v63  }
0x7a: {  	_ = 	snop  }
0x7b: {  	[tilespmem:s22], [sflag:$0x1] =	stream.indirect_vreg.gather [hbm4b:s4+s2], $0x80, v3, vm1, $0xb8;
	[tilespmem:$0xC080] =	vst v63  }
0x7c: {  	v3 =	vld [tilespmem:$0x60];
	_ =	sdelay $0x4  }
0x7d: {  	v62 =	vshrl.u32 v3, $0x3  }
0x7e: {  	v4 =	vmul.u32 $0x18, v62  }
0x7f: {  	v3 =	vand.u32 $0x7, v3  }
0x80: {  	v3 =	vor.u32 v3, v4  }
0x81: {  	v4 =	vperm.xlane v3, v0;
	_ =	sdelay $0x1  }
0x82: {  	v4 =	vadd.s32 v1, v4;
	_ =	sdelay $0x1  }
0x83: {  	v3 =	vperm.xlane v3, v2;
	_ =	sdelay $0x1  }
0x84: {  	v3 =	vadd.s32 v1, v3  }
0x85: {  	[tilespmem:s23], [sflag:$0x1] =	stream.indirect_vreg.gather [hbm4b:s3+s2], $0x80, v4, vm0, $0xb8;
	[tilespmem:$0xC080] =	vst v63  }
0x86: {  	_ = 	snop  }
0x87: {  	[tilespmem:s24], [sflag:$0x1] =	stream.indirect_vreg.gather [hbm4b:s4+s2], $0x80, v4, vm1, $0xb8;
	[tilespmem:$0xC080] =	vst v63  }
0x88: {  	_ = 	snop  }
0x89: {  	[tilespmem:s25], [sflag:$0x1] =	stream.indirect_vreg.gather [hbm4b:s3+s2], $0x80, v3, vm0, $0xb8;
	[tilespmem:$0xC080] =	vst v63  }
0x8a: {  	_ = 	snop  }
0x8b: {  	[tilespmem:s26], [sflag:$0x1] =	stream.indirect_vreg.gather [hbm4b:s4+s2], $0x80, v3, vm1, $0xb8;
	[tilespmem:$0xC080] =	vst v63  }
0x8c: {  	v3 =	vld [tilespmem:$0x70];
	_ =	sdelay $0x4  }
0x8d: {  	v63 =	vshrl.u32 v3, $0x3  }
0x8e: {  	v4 =	vmul.u32 $0x18, v63  }
0x8f: {  	v3 =	vand.u32 $0x7, v3  }
0x90: {  	v3 =	vor.u32 v3, v4  }
0x91: {  	v4 =	vperm.xlane v3, v0;
	_ =	sdelay $0x1  }
0x92: {  	v4 =	vadd.s32 v1, v4;
	_ =	sdelay $0x1  }
0x93: {  	v3 =	vperm.xlane v3, v2;
	_ =	sdelay $0x1  }
0x94: {  	v3 =	vadd.s32 v1, v3  }
0x95: {  	[tilespmem:s28], [sflag:$0x1] =	stream.indirect_vreg.gather [hbm4b:s3+s2], $0x80, v4, vm0, $0xb8;
	[tilespmem:$0xC080] =	vst v63  }
0x96: {  	_ = 	snop  }
0x97: {  	[tilespmem:s29], [sflag:$0x1] =	stream.indirect_vreg.gather [hbm4b:s4+s2], $0x80, v4, vm1, $0xb8;
	[tilespmem:$0xC080] =	vst v63  }
0x98: {  	_ = 	snop  }
0x99: {  	[tilespmem:s30], [sflag:$0x1] =	stream.indirect_vreg.gather [hbm4b:s3+s2], $0x80, v3, vm0, $0xb8;
	[tilespmem:$0xC080] =	vst v63  }
0x9a: {  	_ = 	snop  }
0x9b: {  	[tilespmem:s31], [sflag:$0x1] =	stream.indirect_vreg.gather [hbm4b:s4+s2], $0x80, v3, vm1, $0xb8;
	[tilespmem:$0xC080] =	vst v63  }
0x9c: {  	_ =	swait.ge [sflag:s1], $0xC000  }
0x9d: {  	p0 =	sne.s32 s5, $0x1;
	[sflag:s1] =	ssyncset.done $0x0  }
.Ltmp0:
0x9e: {  	s8 =	rddreg [dreg:$0x4];
	[sflag:s1] =	ssyncadd.s32 $0xFFFF4000;
	(pc) =	sbr.rel @p0 .LBB2_1-.Ltmp0, $4  }
0x9f: {  	[hbm4b:s8+s2] =	stream.linear.scatter [tilespmem:s7], [sflag:$0x2], $0xC000, $0x38;
	[tilespmem:$0xC080] =	vst v63  }
0xa0: {  	_ =	swait.ge [sflag:s6], $0xC000  }
0xa1: {  	[sflag:s6] =	ssyncset.done $0x0  }
0xa2: {  	s5 =	sadd.s32 $0xFFFFFFFF, s5;
	[sflag:s6] =	ssyncadd.s32 $0xFFFF4000  }
0xa3: {  	_ =	sfence.sel $0x180000  }
0xa4: {  	[bflag:$0x0] =	sbarrier.arrive $0xFFFF  }
0xa5: {  	_ =	strace $0x9000004A  }
0xa6: {  	s0 =	stileid.u32;
	[bflag:$0x2] =	sbarrier.arrive $0xFFFF  }
0xa7: {  	p0 =	sne.s32 s0, $0x0;
	s0 =	rddreg [dreg:$0x2]  }
0xa8: {  	s0 =	sadd.s32 @!p0 $0x100000, s0  }
0xa9: {  	[sflag:s0] =	ssyncadd.tile.s32 @!p0 $0x1;
	_ =	shalt  }
.Lfunc_end2:
_tile_overlayer_lowered:
.L_overlay_start_2:
0xaa: {  	(tag) =	ssettag $0x2  }
0xab: {  	s0 =	rddreg [dreg:$0x0];
	s2 =	stileid.u32  }
0xac: {  	s1 =	rddreg [dreg:$0x1];
	p0 =	sne.s32 s2, $0x0  }
0xad: {  	s3 =	rddreg [dreg:$0x2];
	[bflag:$0x3] =	sbarrier.arrive $0xFFFF;
	s2 =	simm.s32 @!p0 $0x1C02  }
0xae: {  	[timem:s3], [sflag:s2] =	dma.local @!p0 [hbm:s0], s1  }
0xaf: {  	s0 =	simm.s32 @!p0 $0x2  }
0xb0: {  	_ =	swait.ge @!p0 [sflag:s0], s1  }
0xb1: {  	s1 =	ssub.s32 @!p0 $0x0, s1;
	[sflag:s0] =	ssyncset.done @!p0 $0x0  }
0xb2: {  	[sflag:s0] =	ssyncadd.s32 @!p0 s1  }
0xb3: {  	[bflag:$0x3] =	sbarrier.arrive $0xFFFF  }
0xb4: {  	_ =	shalt  }

</sc_bundles>
